<compile_context>
chip_gen: v7x
topology: tpu7x:2x2x1
jax: 0.10.2.dev20260603
libtpu: 0.0.44.dev20260713+nightly
codegen_flags: <defaults>
</compile_context>

<pallas_src>
import functools

import jax
import jax.numpy as jnp
from jax import lax
from jax.experimental import pallas as pl
from jax.experimental.pallas import tpu as pltpu
from jax.experimental.pallas import tpu_sc as plsc

N = 10000
E = 320000
H = 128
NC = 2
NS = 16
NW = NC * NS
EPT = E // NW

SCH = 128
SNCH = -(-EPT // SCH)
NIDX = SNCH + 1
EPAD = SNCH * SCH
NP = 10008
SRSTRIDE = 624
SRWIN = 648

_mesh = functools.partial(
    plsc.VectorSubcoreMesh,
    core_axis_name="c", subcore_axis_name="s", num_cores=NC, num_subcores=NS,
)



def _spmm_body(vn_hbm, sd_hbm, z_hbm, out_hbm,
               ib0, ib1, rows0, rows1, acc_sh, isem0, isem1, gsem0, gsem1):
    c = lax.axis_index("c")
    s = lax.axis_index("s")
    w = c * NS + s
    r0 = pl.multiple_of(s * SRSTRIDE, 8)
    pltpu.async_copy(sd_hbm.at[w, 0], ib0, isem0)
    pltpu.async_copy(sd_hbm.at[w, 1], ib1, isem1)
    pltpu.sync_copy(z_hbm.at[pl.ds(r0, SRWIN)],
                    acc_sh.at[pl.ds(r0, SRWIN)])
    plsc.subcore_barrier()

    ib = (ib0, ib1)
    rows = (rows0, rows1)
    isem = (isem0, isem1)
    gsem = (gsem0, gsem1)

    def wait_i(k, p):
        pltpu.make_async_copy(sd_hbm.at[w, k], ib[p], isem[p]).wait()

    def wait_g(p):
        pltpu.make_async_copy(vn_hbm.at[ib[p].at[0]], rows[p],
                              gsem[p]).wait()

    wait_i(0, 0)
    pltpu.async_copy(vn_hbm.at[ib0.at[0]], rows0, gsem0)

    def body(j, _):
        for b in range(2):
            k = j * 2 + b
            p, q = b, 1 - b
            wait_g(p)
            wait_i(k + 1, q)
            pltpu.async_copy(vn_hbm.at[ib[q].at[0]], rows[q], gsem[q])
            pltpu.sync_copy(rows[p], acc_sh.at[ib[p].at[1]], add=True)
            pltpu.async_copy(sd_hbm.at[w, k + 2], ib[p], isem[p])
        return 0
    lax.fori_loop(0, (SNCH - 1) // 2, body, 0)
    kl = SNCH - 1
    wait_g(0)
    pltpu.sync_copy(rows0, acc_sh.at[ib0.at[1]], add=True)
    wait_i(kl + 1, 1)

    plsc.subcore_barrier()
    pltpu.sync_copy(acc_sh.at[pl.ds(r0, SRWIN)],
                    out_hbm.at[c, pl.ds(r0, SRWIN)])


def _spmm_partials(vn, srcdst, z128p):
    k = pl.kernel(
        _spmm_body,
        out_type=jax.ShapeDtypeStruct((NC, NP, H), jnp.float32),
        mesh=_mesh(),
        scratch_types=[
            pltpu.VMEM((2, SCH), jnp.int32),
            pltpu.VMEM((2, SCH), jnp.int32),
            pltpu.VMEM((SCH, H), jnp.float32),
            pltpu.VMEM((SCH, H), jnp.float32),
            pltpu.VMEM_SHARED((NP, H), jnp.float32),
            pltpu.SemaphoreType.DMA,
            pltpu.SemaphoreType.DMA,
            pltpu.SemaphoreType.DMA,
            pltpu.SemaphoreType.DMA,
        ],
    )
    return k(vn, srcdst, z128p)



_RB = 1000
_GRID = N // _RB


def _embed_body(h_ref, degp_ref, emb_ref, x_ref, vn_ref, dis_ref):
    hcol = h_ref[...]
    cols = lax.broadcasted_iota(jnp.int32, (1, 128), 1)
    onehot = (hcol == cols).astype(jnp.float32)
    x = jnp.dot(onehot, emb_ref[...], preferred_element_type=jnp.float32)
    deg = degp_ref[0, :, 0:1] + degp_ref[1, :, 0:1]
    dis = jnp.power(jnp.maximum(deg, 1.0), -0.5)
    x_ref[...] = x
    vn_ref[...] = x * dis
    dis_ref[...] = dis


def _embed(h2, degp, emb_pad):
    return pl.pallas_call(
        _embed_body,
        grid=(_GRID,),
        in_specs=[
            pl.BlockSpec((_RB, 1), lambda i: (i, 0)),
            pl.BlockSpec((NC, _RB, H), lambda i: (0, i, 0)),
            pl.BlockSpec((128, 128), lambda i: (0, 0)),
        ],
        out_specs=[
            pl.BlockSpec((_RB, H), lambda i: (i, 0)),
            pl.BlockSpec((_RB, H), lambda i: (i, 0)),
            pl.BlockSpec((_RB, 1), lambda i: (i, 0)),
        ],
        out_shape=[
            jax.ShapeDtypeStruct((N, H), jnp.float32),
            jax.ShapeDtypeStruct((N, H), jnp.float32),
            jax.ShapeDtypeStruct((N, 1), jnp.float32),
        ],
    )(h2, degp, emb_pad)


def _mid_body(agg_ref, dis_ref, x1_ref, vn1_ref):
    ssum = agg_ref[0] + agg_ref[1]
    dis = dis_ref[...]
    x1 = -(ssum * dis)
    x1_ref[...] = x1
    vn1_ref[...] = x1 * dis


def _mid(agg, dis):
    return pl.pallas_call(
        _mid_body,
        grid=(_GRID,),
        in_specs=[
            pl.BlockSpec((NC, _RB, H), lambda i: (0, i, 0)),
            pl.BlockSpec((_RB, 1), lambda i: (i, 0)),
        ],
        out_specs=[
            pl.BlockSpec((_RB, H), lambda i: (i, 0)),
            pl.BlockSpec((_RB, H), lambda i: (i, 0)),
        ],
        out_shape=[
            jax.ShapeDtypeStruct((N, H), jnp.float32),
            jax.ShapeDtypeStruct((N, H), jnp.float32),
        ],
    )(agg, dis)


def _layer_body(agg_ref, x_ref, x1_ref, dis_ref, w_ref, b_ref,
                xn_ref, vnn_ref):
    dis = dis_ref[...]
    x = x_ref[...]
    ssum = agg_ref[0] + agg_ref[1]
    x2 = -2.0 * (ssum * dis) - x
    out = jnp.dot(x, w_ref[0], preferred_element_type=jnp.float32)
    out = out + jnp.dot(x1_ref[...], w_ref[1],
                        preferred_element_type=jnp.float32)
    out = out + jnp.dot(x2, w_ref[2], preferred_element_type=jnp.float32)
    out = out + b_ref[...]
    out = jnp.maximum(out, 0.0)
    xn = x + out
    xn_ref[...] = xn
    vnn_ref[...] = xn * dis


def _layer(agg, x, x1, dis, wf, bf):
    return pl.pallas_call(
        _layer_body,
        grid=(_GRID,),
        in_specs=[
            pl.BlockSpec((NC, _RB, H), lambda i: (0, i, 0)),
            pl.BlockSpec((_RB, H), lambda i: (i, 0)),
            pl.BlockSpec((_RB, H), lambda i: (i, 0)),
            pl.BlockSpec((_RB, 1), lambda i: (i, 0)),
            pl.BlockSpec((3, H, H), lambda i: (0, 0, 0)),
            pl.BlockSpec((1, H), lambda i: (0, 0)),
        ],
        out_specs=[
            pl.BlockSpec((_RB, H), lambda i: (i, 0)),
            pl.BlockSpec((_RB, H), lambda i: (i, 0)),
        ],
        out_shape=[
            jax.ShapeDtypeStruct((N, H), jnp.float32),
            jax.ShapeDtypeStruct((N, H), jnp.float32),
        ],
    )(agg, x, x1, dis, wf, bf)


def _readout_body(x_ref, w1_ref, b1_ref, w2_ref, b2_ref, w3_ref, b3_ref,
                  o_ref):
    m = jnp.sum(x_ref[...], axis=0, keepdims=True) * (1.0 / N)
    hg = jnp.dot(m, w1_ref[...], preferred_element_type=jnp.float32)
    hg = jnp.maximum(hg + b1_ref[...], 0.0)
    hg = jnp.dot(hg, w2_ref[...], preferred_element_type=jnp.float32)
    hg = jnp.maximum(hg + b2_ref[...], 0.0)
    hg = jnp.dot(hg, w3_ref[...], preferred_element_type=jnp.float32)
    o_ref[...] = hg + b3_ref[...]


def _readout(x, w1, b1, w2, b2, w3, b3):
    full = lambda shp: pl.BlockSpec(shp, lambda: tuple(0 for _ in shp))
    return pl.pallas_call(
        _readout_body,
        in_specs=[
            full((N, H)),
            full((H, H)), full((1, H)),
            full((H, H)), full((1, H)),
            full((H, H)), full((1, H)),
        ],
        out_specs=full((1, H)),
        out_shape=jax.ShapeDtypeStruct((1, H), jnp.float32),
    )(x, w1, b1, w2, b2, w3, b3)



def kernel(params, h, edge_index, e):
    src = edge_index[0]
    dst = edge_index[1]
    srcp = jnp.pad(src.reshape(NW, EPT), ((0, 0), (0, EPAD - EPT)),
                   constant_values=0).reshape(NW, SNCH, SCH)
    dstp = jnp.pad(dst.reshape(NW, EPT), ((0, 0), (0, EPAD - EPT)),
                   constant_values=N).reshape(NW, SNCH, SCH)
    srcdst = jnp.pad(jnp.stack([srcp, dstp], axis=2),
                     ((0, 0), (0, NIDX - SNCH), (0, 0), (0, 0)))
    h2 = h.reshape(N, 1)
    emb_pad = jnp.pad(params["emb"], ((0, 128 - params["emb"].shape[0]),
                                      (0, 0)))
    z128p = jnp.zeros((NP, H), jnp.float32)

    degp = _spmm_partials(jnp.ones((N, H), jnp.float32), srcdst, z128p)
    x, vn, dis = _embed(h2, degp, emb_pad)

    for lp in params["layers"]:
        wf = lp["W"] * lp["gamma"][None, None, :]
        bf = (lp["b"] * lp["gamma"] + lp["beta"]).reshape(1, H)
        agg0 = _spmm_partials(vn, srcdst, z128p)
        x1, vn1 = _mid(agg0, dis)
        agg1 = _spmm_partials(vn1, srcdst, z128p)
        x, vn = _layer(agg1, x, x1, dis, wf, bf)

    mlp = params["mlp"]
    w1 = jnp.pad(mlp[0]["W"], ((0, 0), (0, H - 64)))
    b1 = jnp.pad(mlp[0]["b"], (0, H - 64)).reshape(1, H)
    w2 = jnp.pad(mlp[1]["W"], ((0, H - 64), (0, H - 32)))
    b2 = jnp.pad(mlp[1]["b"], (0, H - 32)).reshape(1, H)
    w3 = jnp.pad(mlp[2]["W"], ((0, H - 32), (0, H - 1)))
    b3 = jnp.pad(mlp[2]["b"], (0, H - 1)).reshape(1, H)
    out = _readout(x, w1, b1, w2, b2, w3, b3)
    return out[:, :1]

# --- scband reference (transcript-rebuilt; emitter-appended) ---
"""Pipeline reference for scband-cheb-net-47794396070603 (READ-ONLY COPY).

The authoritative reference and input builder live on the scoring server;
editing this copy changes nothing except your own understanding.
"""

import jax, jax.numpy as jnp
import numpy as np

N_NODES = 10000
N_EDGES = 320000
HIDDEN = 128
OUT_DIM = 128
K = 3
N_LAYERS = 4
NUM_ATOM_TYPE = 100
NUM_BOND_TYPE = 10


def _init_params(key):
    keys = jax.random.split(key, 32)
    it = iter(range(32))
    def nk():
        return keys[next(it)]
    params = {}
    params["emb"] = jax.random.normal(nk(), (NUM_ATOM_TYPE, HIDDEN), jnp.float32) * 0.1
    dims = [HIDDEN] * N_LAYERS + [OUT_DIM]
    layers = []
    for l in range(N_LAYERS):
        din, dout = dims[l], dims[l + 1]
        s = 1.0 / float(np.sqrt(K * din))
        layers.append({
            "W": jax.random.uniform(nk(), (K, din, dout), jnp.float32, -s, s),
            "b": jax.random.uniform(nk(), (dout,), jnp.float32, -s, s),
            "gamma": jnp.ones((dout,), jnp.float32),
            "beta": jnp.zeros((dout,), jnp.float32),
        })
    params["layers"] = layers
    mlp = []
    d = OUT_DIM
    for dout in (OUT_DIM // 2, OUT_DIM // 4, 1):
        s = 1.0 / float(np.sqrt(d))
        mlp.append({
            "W": jax.random.uniform(nk(), (d, dout), jnp.float32, -s, s),
            "b": jax.random.uniform(nk(), (dout,), jnp.float32, -s, s),
        })
        d = dout
    params["mlp"] = mlp
    return params


def setup_inputs(seed: int = 0):
    key = jax.random.key(seed)
    k1, k2, k3, kp = jax.random.split(key, 4)
    h = jax.random.randint(k1, (N_NODES,), 0, NUM_ATOM_TYPE, dtype=jnp.int32)
    edge_index = jax.random.randint(k2, (2, N_EDGES), 0, N_NODES, dtype=jnp.int32)
    e = jax.random.randint(k3, (N_EDGES,), 0, NUM_BOND_TYPE, dtype=jnp.int32)
    params = _init_params(kp)
    return {"params": params, "h": h, "edge_index": edge_index, "e": e}


def _forward(params, h, edge_index):
    src = edge_index[0]
    dst = edge_index[1]
    deg = jnp.bincount(dst, length=N_NODES).astype(jnp.float32)
    dis = jnp.power(jnp.maximum(deg, 1.0), -0.5)

    def lap_hat(v):
        # rescaled Laplacian with lambda_max = 2:
        # L_hat = 2*L/lambda_max - I = (I - D^-1/2 A D^-1/2) - I = -D^-1/2 A D^-1/2
        vn = v * dis[:, None]
        agg = jax.ops.segment_sum(vn[src], dst, num_segments=N_NODES)
        return -(agg * dis[:, None])

    x = params["emb"][h]  # embedding_h; in_feat_dropout is identity in eval
    for lp in params["layers"]:
        W = lp["W"]
        h_in = x
        # Chebyshev recurrence: T0 = X, T1 = L_hat X, Tk = 2 L_hat T_{k-1} - T_{k-2}
        X0 = x
        out = X0 @ W[0]
        X1 = lap_hat(X0)
        out = out + X1 @ W[1]
        Xpp, Xp = X0, X1
        for i in range(2, W.shape[0]):
            Xn = 2.0 * lap_hat(Xp) - Xpp
            out = out + Xn @ W[i]
            Xpp, Xp = Xp, Xn
        out = out + lp["b"]
        # BatchNorm1d (inference: running_mean=0, running_var=1)
        out = out * lp["gamma"] + lp["beta"]
        out = jax.nn.relu(out)
        x = h_in + out  # residual
        # dropout = 0.0 -> identity
    # mean readout over the (single) graph
    hg = jnp.mean(x, axis=0, keepdims=True)
    # MLPReadout: 128 -> 64 -> 32 -> 1 with ReLU between
    n_mlp = len(params["mlp"])
    for i, lp in enumerate(params["mlp"]):
        hg = hg @ lp["W"] + lp["b"]
        if i < n_mlp - 1:
            hg = jax.nn.relu(hg)
    return hg


def reference(params, h, edge_index, e):
    # e (bond types) is unused by this model's forward path
    return _forward(params, h, edge_index)

if __name__ == "__main__":
    import jax
    _d = setup_inputs()
    print(jax.jit(kernel)(*tuple(_d.values())))

</pallas_src>

<mosaic_0001>
#map = affine_map<(d0, d1) -> (0, 0)>
#map1 = affine_map<(d0, d1) -> (0, 0, 0, 0)>
#map2 = affine_map<(d0, d1) -> (0, 0, 0)>
module attributes {stable_mosaic.version = 14 : i64} {
  func.func @_spmm_body(%arg0: i32, %arg1: i32, %arg2: memref<10000x128xf32, #tpu.memory_space<hbm>>, %arg3: memref<32x80x2x128xi32, #tpu.memory_space<hbm>>, %arg4: memref<10008x128xf32, #tpu.memory_space<hbm>>, %arg5: memref<2x10008x128xf32, #tpu.memory_space<hbm>>, %arg6: memref<2x128xi32, #tpu.memory_space<vmem>>, %arg7: memref<2x128xi32, #tpu.memory_space<vmem>>, %arg8: memref<128x128xf32, #tpu.memory_space<vmem>>, %arg9: memref<128x128xf32, #tpu.memory_space<vmem>>, %arg10: memref<10008x128xf32, #tpu.memory_space<vmem_shared>>, %arg11: memref<!tpu.dma_semaphore, #tpu.memory_space<semaphore_mem>>, %arg12: memref<!tpu.dma_semaphore, #tpu.memory_space<semaphore_mem>>, %arg13: memref<!tpu.dma_semaphore, #tpu.memory_space<semaphore_mem>>, %arg14: memref<!tpu.dma_semaphore, #tpu.memory_space<semaphore_mem>>) attributes {dimension_semantics = [#tpu.dimension_semantics<core_parallel>, #tpu.dimension_semantics<subcore_parallel>], iteration_bounds = array<i64: 2, 16>, scalar_prefetch = 0 : i64, scratch_operands = 9 : i64, tpu.core_type = #tpu.core_type<sc_vector_subcore>, window_params = [{transform_indices = #map}, {transform_indices = #map1}, {transform_indices = #map}, {transform_indices = #map2}]} {
    %mul3A = arith.constant 16 : i32
    %mul3A_0 = arith.muli %arg0, %mul3A : i32
    %add3A = arith.addi %mul3A_0, %arg1 : i32
    %mul3A_1 = arith.constant 624 : i32
    %mul3A_2 = arith.muli %arg1, %mul3A_1 : i32
    %multiple_of3A = tpu.assume_multiple %mul3A_2, 8 : i32
    %dma_start3A = arith.constant 0 : i32
    %dma_start3A_3 = arith.constant 0 : i32
    %dma_start3A_4 = arith.constant 0 : i32
    %dma_start3A_5 = tpu.memref_slice %arg3[%add3A, %dma_start3A, %dma_start3A_3, %dma_start3A_4] : memref<32x80x2x128xi32, #tpu.memory_space<hbm>> -> memref<1x1x2x128xi32, #tpu.memory_space<hbm>>
    %dma_start3A_6 = tpu.memref_squeeze %dma_start3A_5 : memref<1x1x2x128xi32, #tpu.memory_space<hbm>> -> memref<2x128xi32, #tpu.memory_space<hbm>>
    %dma_start3A_7 = arith.constant 0 : i32
    %dma_start3A_8 = arith.constant 0 : i32
    %dma_start3A_9 = tpu.memref_slice %arg3[%add3A, %dma_start3A, %dma_start3A_7, %dma_start3A_8] : memref<32x80x2x128xi32, #tpu.memory_space<hbm>> -> memref<1x1x2x128xi32, #tpu.memory_space<hbm>>
    %dma_start3A_10 = tpu.memref_squeeze %dma_start3A_9 : memref<1x1x2x128xi32, #tpu.memory_space<hbm>> -> memref<2x128xi32, #tpu.memory_space<hbm>>
    tpu.enqueue_dma source(%dma_start3A_10 : memref<2x128xi32, #tpu.memory_space<hbm>>) target(%arg6 : memref<2x128xi32, #tpu.memory_space<vmem>>) target_semaphore(%arg11 : memref<!tpu.dma_semaphore, #tpu.memory_space<semaphore_mem>>)
    %dma_start3A_11 = arith.constant 1 : i32
    %dma_start3A_12 = arith.constant 0 : i32
    %dma_start3A_13 = arith.constant 0 : i32
    %dma_start3A_14 = tpu.memref_slice %arg3[%add3A, %dma_start3A_11, %dma_start3A_12, %dma_start3A_13] : memref<32x80x2x128xi32, #tpu.memory_space<hbm>> -> memref<1x1x2x128xi32, #tpu.memory_space<hbm>>
    %dma_start3A_15 = tpu.memref_squeeze %dma_start3A_14 : memref<1x1x2x128xi32, #tpu.memory_space<hbm>> -> memref<2x128xi32, #tpu.memory_space<hbm>>
    %dma_start3A_16 = arith.constant 0 : i32
    %dma_start3A_17 = arith.constant 0 : i32
    %dma_start3A_18 = tpu.memref_slice %arg3[%add3A, %dma_start3A_11, %dma_start3A_16, %dma_start3A_17] : memref<32x80x2x128xi32, #tpu.memory_space<hbm>> -> memref<1x1x2x128xi32, #tpu.memory_space<hbm>>
    %dma_start3A_19 = tpu.memref_squeeze %dma_start3A_18 : memref<1x1x2x128xi32, #tpu.memory_space<hbm>> -> memref<2x128xi32, #tpu.memory_space<hbm>>
    tpu.enqueue_dma source(%dma_start3A_19 : memref<2x128xi32, #tpu.memory_space<hbm>>) target(%arg7 : memref<2x128xi32, #tpu.memory_space<vmem>>) target_semaphore(%arg12 : memref<!tpu.dma_semaphore, #tpu.memory_space<semaphore_mem>>)
    "tpu.region"() ({
      %run_scoped3A_58 = tpu.sem_alloc : memref<!tpu.dma_semaphore, #tpu.memory_space<semaphore_mem>>
      %dma_start3A_59 = arith.constant 0 : i32
      %dma_start3A_60 = tpu.memref_slice %arg10[%multiple_of3A, %dma_start3A_59] : memref<10008x128xf32, #tpu.memory_space<vmem_shared>> -> memref<648x128xf32, #tpu.memory_space<vmem_shared>>
      %dma_start3A_61 = arith.constant 0 : i32
      %dma_start3A_62 = tpu.memref_slice %arg4[%multiple_of3A, %dma_start3A_61] : memref<10008x128xf32, #tpu.memory_space<hbm>> -> memref<648x128xf32, #tpu.memory_space<hbm>>
      tpu.enqueue_dma source(%dma_start3A_62 : memref<648x128xf32, #tpu.memory_space<hbm>>) target(%dma_start3A_60 : memref<648x128xf32, #tpu.memory_space<vmem_shared>>) target_semaphore(%run_scoped3A_58 : memref<!tpu.dma_semaphore, #tpu.memory_space<semaphore_mem>>)
      %dma_wait3A_63 = arith.constant 0 : i32
      %dma_wait3A_64 = tpu.memref_slice %arg10[%multiple_of3A, %dma_wait3A_63] : memref<10008x128xf32, #tpu.memory_space<vmem_shared>> -> memref<648x128xf32, #tpu.memory_space<vmem_shared>>
      %dma_wait3A_65 = arith.constant 0 : i32
      %dma_wait3A_66 = tpu.memref_slice %arg4[%multiple_of3A, %dma_wait3A_65] : memref<10008x128xf32, #tpu.memory_space<hbm>> -> memref<648x128xf32, #tpu.memory_space<hbm>>
      tpu.wait_dma2 semaphore(%run_scoped3A_58 : memref<!tpu.dma_semaphore, #tpu.memory_space<semaphore_mem>>) src(%dma_wait3A_66 : memref<648x128xf32, #tpu.memory_space<hbm>>) dst(%dma_wait3A_64 : memref<648x128xf32, #tpu.memory_space<vmem_shared>>)
      tpu.yield
    }) : () -> ()
    %barrier3A = arith.constant 0 : index
    tpu.barrier barrier_id(%barrier3A)
    %dma_wait3A = arith.constant 0 : i32
    %dma_wait3A_20 = arith.constant 0 : i32
    %dma_wait3A_21 = arith.constant 0 : i32
    %dma_wait3A_22 = tpu.memref_slice %arg3[%add3A, %dma_wait3A, %dma_wait3A_20, %dma_wait3A_21] : memref<32x80x2x128xi32, #tpu.memory_space<hbm>> -> memref<1x1x2x128xi32, #tpu.memory_space<hbm>>
    %dma_wait3A_23 = tpu.memref_squeeze %dma_wait3A_22 : memref<1x1x2x128xi32, #tpu.memory_space<hbm>> -> memref<2x128xi32, #tpu.memory_space<hbm>>
    %dma_wait3A_24 = arith.constant 0 : i32
    %dma_wait3A_25 = arith.constant 0 : i32
    %dma_wait3A_26 = tpu.memref_slice %arg3[%add3A, %dma_wait3A, %dma_wait3A_24, %dma_wait3A_25] : memref<32x80x2x128xi32, #tpu.memory_space<hbm>> -> memref<1x1x2x128xi32, #tpu.memory_space<hbm>>
    %dma_wait3A_27 = tpu.memref_squeeze %dma_wait3A_26 : memref<1x1x2x128xi32, #tpu.memory_space<hbm>> -> memref<2x128xi32, #tpu.memory_space<hbm>>
    tpu.wait_dma2 semaphore(%arg11 : memref<!tpu.dma_semaphore, #tpu.memory_space<semaphore_mem>>) src(%dma_wait3A_27 : memref<2x128xi32, #tpu.memory_space<hbm>>) dst(%arg6 : memref<2x128xi32, #tpu.memory_space<vmem>>)
    %dma_start3A_28 = arith.constant 0 : i32
    %dma_start3A_29 = arith.constant 0 : i32
    %dma_start3A_30 = tpu.memref_slice %arg6[%dma_start3A_28, %dma_start3A_29] : memref<2x128xi32, #tpu.memory_space<vmem>> -> memref<1x128xi32, #tpu.memory_space<vmem>>
    %dma_start3A_31 = tpu.memref_squeeze %dma_start3A_30 : memref<1x128xi32, #tpu.memory_space<vmem>> -> memref<128xi32, #tpu.memory_space<vmem>>
    %dma_start3A_32 = arith.constant 0 : i32
    %dma_start3A_33 = arith.constant 0 : i32
    %dma_start3A_34 = tpu.memref_slice %arg2[%dma_start3A_32, %dma_start3A_33] : memref<10000x128xf32, #tpu.memory_space<hbm>> -> memref<10000x128xf32, #tpu.memory_space<hbm>>
    tpu.enqueue_indirect_dma source(%dma_start3A_34 : memref<10000x128xf32, #tpu.memory_space<hbm>>) target(%arg8 : memref<128x128xf32, #tpu.memory_space<vmem>>) offsets(%dma_start3A_31 : memref<128xi32, #tpu.memory_space<vmem>>) semaphore(%arg13 : memref<!tpu.dma_semaphore, #tpu.memory_space<semaphore_mem>>)
    %scan3A = arith.constant 0 : i32
    %scan3A_35 = arith.constant 0 : i32
    %scan3A_36 = arith.constant 39 : i32
    %scan3A_37 = arith.addi %scan3A_35, %scan3A_36 : i32
    %scan3A_38 = arith.constant 1 : i32
    %scan3A_39 = scf.for %scan3A_58 = %scan3A_35 to %scan3A_37 step %scan3A_38 iter_args(%scan3A_59 = %scan3A) -> (i32)  : i32 {
      %mul3A_60 = arith.constant 2 : i32
      %mul3A_61 = arith.muli %scan3A_58, %mul3A_60 : i32
      %add3A_62 = arith.constant 0 : i32
      %add3A_63 = arith.addi %mul3A_61, %add3A_62 : i32
      %dma_wait3A_64 = arith.constant 0 : i32
      %dma_wait3A_65 = arith.constant 0 : i32
      %dma_wait3A_66 = tpu.memref_slice %arg6[%dma_wait3A_64, %dma_wait3A_65] : memref<2x128xi32, #tpu.memory_space<vmem>> -> memref<1x128xi32, #tpu.memory_space<vmem>>
      %dma_wait3A_67 = tpu.memref_squeeze %dma_wait3A_66 : memref<1x128xi32, #tpu.memory_space<vmem>> -> memref<128xi32, #tpu.memory_space<vmem>>
      %dma_wait3A_68 = arith.constant 0 : i32
      %dma_wait3A_69 = arith.constant 0 : i32
      %dma_wait3A_70 = tpu.memref_slice %arg2[%dma_wait3A_68, %dma_wait3A_69] : memref<10000x128xf32, #tpu.memory_space<hbm>> -> memref<10000x128xf32, #tpu.memory_space<hbm>>
      tpu.wait_indirect_dma semaphore(%arg13 : memref<!tpu.dma_semaphore, #tpu.memory_space<semaphore_mem>>) src(%dma_wait3A_70 : memref<10000x128xf32, #tpu.memory_space<hbm>>) dst(%arg8 : memref<128x128xf32, #tpu.memory_space<vmem>>)
      %add3A_71 = arith.constant 1 : i32
      %add3A_72 = arith.addi %add3A_63, %add3A_71 : i32
      %dma_wait3A_73 = arith.constant 0 : i32
      %dma_wait3A_74 = arith.constant 0 : i32
      %dma_wait3A_75 = tpu.memref_slice %arg3[%add3A, %add3A_72, %dma_wait3A_73, %dma_wait3A_74] : memref<32x80x2x128xi32, #tpu.memory_space<hbm>> -> memref<1x1x2x128xi32, #tpu.memory_space<hbm>>
      %dma_wait3A_76 = tpu.memref_squeeze %dma_wait3A_75 : memref<1x1x2x128xi32, #tpu.memory_space<hbm>> -> memref<2x128xi32, #tpu.memory_space<hbm>>
      %dma_wait3A_77 = arith.constant 0 : i32
      %dma_wait3A_78 = arith.constant 0 : i32
      %dma_wait3A_79 = tpu.memref_slice %arg3[%add3A, %add3A_72, %dma_wait3A_77, %dma_wait3A_78] : memref<32x80x2x128xi32, #tpu.memory_space<hbm>> -> memref<1x1x2x128xi32, #tpu.memory_space<hbm>>
      %dma_wait3A_80 = tpu.memref_squeeze %dma_wait3A_79 : memref<1x1x2x128xi32, #tpu.memory_space<hbm>> -> memref<2x128xi32, #tpu.memory_space<hbm>>
      tpu.wait_dma2 semaphore(%arg12 : memref<!tpu.dma_semaphore, #tpu.memory_space<semaphore_mem>>) src(%dma_wait3A_80 : memref<2x128xi32, #tpu.memory_space<hbm>>) dst(%arg7 : memref<2x128xi32, #tpu.memory_space<vmem>>)
      %dma_start3A_81 = arith.constant 0 : i32
      %dma_start3A_82 = arith.constant 0 : i32
      %dma_start3A_83 = tpu.memref_slice %arg7[%dma_start3A_81, %dma_start3A_82] : memref<2x128xi32, #tpu.memory_space<vmem>> -> memref<1x128xi32, #tpu.memory_space<vmem>>
      %dma_start3A_84 = tpu.memref_squeeze %dma_start3A_83 : memref<1x128xi32, #tpu.memory_space<vmem>> -> memref<128xi32, #tpu.memory_space<vmem>>
      %dma_start3A_85 = arith.constant 0 : i32
      %dma_start3A_86 = arith.constant 0 : i32
      %dma_start3A_87 = tpu.memref_slice %arg2[%dma_start3A_85, %dma_start3A_86] : memref<10000x128xf32, #tpu.memory_space<hbm>> -> memref<10000x128xf32, #tpu.memory_space<hbm>>
      tpu.enqueue_indirect_dma source(%dma_start3A_87 : memref<10000x128xf32, #tpu.memory_space<hbm>>) target(%arg9 : memref<128x128xf32, #tpu.memory_space<vmem>>) offsets(%dma_start3A_84 : memref<128xi32, #tpu.memory_space<vmem>>) semaphore(%arg14 : memref<!tpu.dma_semaphore, #tpu.memory_space<semaphore_mem>>)
      %run_scoped3A_88 = arith.constant 1 : i32
      "tpu.region"() ({
        %run_scoped3A_139 = tpu.sem_alloc : memref<!tpu.dma_semaphore, #tpu.memory_space<semaphore_mem>>
        %dma_start3A_140 = arith.constant 0 : i32
        %dma_start3A_141 = tpu.memref_slice %arg6[%run_scoped3A_88, %dma_start3A_140] : memref<2x128xi32, #tpu.memory_space<vmem>> -> memref<1x128xi32, #tpu.memory_space<vmem>>
        %dma_start3A_142 = tpu.memref_squeeze %dma_start3A_141 : memref<1x128xi32, #tpu.memory_space<vmem>> -> memref<128xi32, #tpu.memory_space<vmem>>
        %dma_start3A_143 = arith.constant 0 : i32
        %dma_start3A_144 = arith.constant 0 : i32
        %dma_start3A_145 = tpu.memref_slice %arg10[%dma_start3A_143, %dma_start3A_144] : memref<10008x128xf32, #tpu.memory_space<vmem_shared>> -> memref<10008x128xf32, #tpu.memory_space<vmem_shared>>
        tpu.enqueue_indirect_dma source(%arg8 : memref<128x128xf32, #tpu.memory_space<vmem>>) target(%dma_start3A_145 : memref<10008x128xf32, #tpu.memory_space<vmem_shared>>) offsets(%dma_start3A_142 : memref<128xi32, #tpu.memory_space<vmem>>) semaphore(%run_scoped3A_139 : memref<!tpu.dma_semaphore, #tpu.memory_space<semaphore_mem>>) {add = true}
        %dma_wait3A_146 = arith.constant 0 : i32
        %dma_wait3A_147 = tpu.memref_slice %arg6[%run_scoped3A_88, %dma_wait3A_146] : memref<2x128xi32, #tpu.memory_space<vmem>> -> memref<1x128xi32, #tpu.memory_space<vmem>>
        %dma_wait3A_148 = tpu.memref_squeeze %dma_wait3A_147 : memref<1x128xi32, #tpu.memory_space<vmem>> -> memref<128xi32, #tpu.memory_space<vmem>>
        %dma_wait3A_149 = arith.constant 0 : i32
        %dma_wait3A_150 = arith.constant 0 : i32
        %dma_wait3A_151 = tpu.memref_slice %arg10[%dma_wait3A_149, %dma_wait3A_150] : memref<10008x128xf32, #tpu.memory_space<vmem_shared>> -> memref<10008x128xf32, #tpu.memory_space<vmem_shared>>
        tpu.wait_indirect_dma semaphore(%run_scoped3A_139 : memref<!tpu.dma_semaphore, #tpu.memory_space<semaphore_mem>>) src(%arg8 : memref<128x128xf32, #tpu.memory_space<vmem>>) dst(%dma_wait3A_151 : memref<10008x128xf32, #tpu.memory_space<vmem_shared>>)
        tpu.yield
      }) : () -> ()
      %add3A_89 = arith.constant 2 : i32
      %add3A_90 = arith.addi %add3A_63, %add3A_89 : i32
      %dma_start3A_91 = arith.constant 0 : i32
      %dma_start3A_92 = arith.constant 0 : i32
      %dma_start3A_93 = tpu.memref_slice %arg3[%add3A, %add3A_90, %dma_start3A_91, %dma_start3A_92] : memref<32x80x2x128xi32, #tpu.memory_space<hbm>> -> memref<1x1x2x128xi32, #tpu.memory_space<hbm>>
      %dma_start3A_94 = tpu.memref_squeeze %dma_start3A_93 : memref<1x1x2x128xi32, #tpu.memory_space<hbm>> -> memref<2x128xi32, #tpu.memory_space<hbm>>
      %dma_start3A_95 = arith.constant 0 : i32
      %dma_start3A_96 = arith.constant 0 : i32
      %dma_start3A_97 = tpu.memref_slice %arg3[%add3A, %add3A_90, %dma_start3A_95, %dma_start3A_96] : memref<32x80x2x128xi32, #tpu.memory_space<hbm>> -> memref<1x1x2x128xi32, #tpu.memory_space<hbm>>
      %dma_start3A_98 = tpu.memref_squeeze %dma_start3A_97 : memref<1x1x2x128xi32, #tpu.memory_space<hbm>> -> memref<2x128xi32, #tpu.memory_space<hbm>>
      tpu.enqueue_dma source(%dma_start3A_98 : memref<2x128xi32, #tpu.memory_space<hbm>>) target(%arg6 : memref<2x128xi32, #tpu.memory_space<vmem>>) target_semaphore(%arg11 : memref<!tpu.dma_semaphore, #tpu.memory_space<semaphore_mem>>)
      %mul3A_99 = arith.constant 2 : i32
      %mul3A_100 = arith.muli %scan3A_58, %mul3A_99 : i32
      %add3A_101 = arith.constant 1 : i32
      %add3A_102 = arith.addi %mul3A_100, %add3A_101 : i32
      %dma_wait3A_103 = arith.constant 0 : i32
      %dma_wait3A_104 = arith.constant 0 : i32
      %dma_wait3A_105 = tpu.memref_slice %arg7[%dma_wait3A_103, %dma_wait3A_104] : memref<2x128xi32, #tpu.memory_space<vmem>> -> memref<1x128xi32, #tpu.memory_space<vmem>>
      %dma_wait3A_106 = tpu.memref_squeeze %dma_wait3A_105 : memref<1x128xi32, #tpu.memory_space<vmem>> -> memref<128xi32, #tpu.memory_space<vmem>>
      %dma_wait3A_107 = arith.constant 0 : i32
      %dma_wait3A_108 = arith.constant 0 : i32
      %dma_wait3A_109 = tpu.memref_slice %arg2[%dma_wait3A_107, %dma_wait3A_108] : memref<10000x128xf32, #tpu.memory_space<hbm>> -> memref<10000x128xf32, #tpu.memory_space<hbm>>
      tpu.wait_indirect_dma semaphore(%arg14 : memref<!tpu.dma_semaphore, #tpu.memory_space<semaphore_mem>>) src(%dma_wait3A_109 : memref<10000x128xf32, #tpu.memory_space<hbm>>) dst(%arg9 : memref<128x128xf32, #tpu.memory_space<vmem>>)
      %add3A_110 = arith.constant 1 : i32
      %add3A_111 = arith.addi %add3A_102, %add3A_110 : i32
      %dma_wait3A_112 = arith.constant 0 : i32
      %dma_wait3A_113 = arith.constant 0 : i32
      %dma_wait3A_114 = tpu.memref_slice %arg3[%add3A, %add3A_111, %dma_wait3A_112, %dma_wait3A_113] : memref<32x80x2x128xi32, #tpu.memory_space<hbm>> -> memref<1x1x2x128xi32, #tpu.memory_space<hbm>>
      %dma_wait3A_115 = tpu.memref_squeeze %dma_wait3A_114 : memref<1x1x2x128xi32, #tpu.memory_space<hbm>> -> memref<2x128xi32, #tpu.memory_space<hbm>>
      %dma_wait3A_116 = arith.constant 0 : i32
      %dma_wait3A_117 = arith.constant 0 : i32
      %dma_wait3A_118 = tpu.memref_slice %arg3[%add3A, %add3A_111, %dma_wait3A_116, %dma_wait3A_117] : memref<32x80x2x128xi32, #tpu.memory_space<hbm>> -> memref<1x1x2x128xi32, #tpu.memory_space<hbm>>
      %dma_wait3A_119 = tpu.memref_squeeze %dma_wait3A_118 : memref<1x1x2x128xi32, #tpu.memory_space<hbm>> -> memref<2x128xi32, #tpu.memory_space<hbm>>
      tpu.wait_dma2 semaphore(%arg11 : memref<!tpu.dma_semaphore, #tpu.memory_space<semaphore_mem>>) src(%dma_wait3A_119 : memref<2x128xi32, #tpu.memory_space<hbm>>) dst(%arg6 : memref<2x128xi32, #tpu.memory_space<vmem>>)
      %dma_start3A_120 = arith.constant 0 : i32
      %dma_start3A_121 = arith.constant 0 : i32
      %dma_start3A_122 = tpu.memref_slice %arg6[%dma_start3A_120, %dma_start3A_121] : memref<2x128xi32, #tpu.memory_space<vmem>> -> memref<1x128xi32, #tpu.memory_space<vmem>>
      %dma_start3A_123 = tpu.memref_squeeze %dma_start3A_122 : memref<1x128xi32, #tpu.memory_space<vmem>> -> memref<128xi32, #tpu.memory_space<vmem>>
      %dma_start3A_124 = arith.constant 0 : i32
      %dma_start3A_125 = arith.constant 0 : i32
      %dma_start3A_126 = tpu.memref_slice %arg2[%dma_start3A_124, %dma_start3A_125] : memref<10000x128xf32, #tpu.memory_space<hbm>> -> memref<10000x128xf32, #tpu.memory_space<hbm>>
      tpu.enqueue_indirect_dma source(%dma_start3A_126 : memref<10000x128xf32, #tpu.memory_space<hbm>>) target(%arg8 : memref<128x128xf32, #tpu.memory_space<vmem>>) offsets(%dma_start3A_123 : memref<128xi32, #tpu.memory_space<vmem>>) semaphore(%arg13 : memref<!tpu.dma_semaphore, #tpu.memory_space<semaphore_mem>>)
      %run_scoped3A_127 = arith.constant 1 : i32
      "tpu.region"() ({
        %run_scoped3A_139 = tpu.sem_alloc : memref<!tpu.dma_semaphore, #tpu.memory_space<semaphore_mem>>
        %dma_start3A_140 = arith.constant 0 : i32
        %dma_start3A_141 = tpu.memref_slice %arg7[%run_scoped3A_127, %dma_start3A_140] : memref<2x128xi32, #tpu.memory_space<vmem>> -> memref<1x128xi32, #tpu.memory_space<vmem>>
        %dma_start3A_142 = tpu.memref_squeeze %dma_start3A_141 : memref<1x128xi32, #tpu.memory_space<vmem>> -> memref<128xi32, #tpu.memory_space<vmem>>
        %dma_start3A_143 = arith.constant 0 : i32
        %dma_start3A_144 = arith.constant 0 : i32
        %dma_start3A_145 = tpu.memref_slice %arg10[%dma_start3A_143, %dma_start3A_144] : memref<10008x128xf32, #tpu.memory_space<vmem_shared>> -> memref<10008x128xf32, #tpu.memory_space<vmem_shared>>
        tpu.enqueue_indirect_dma source(%arg9 : memref<128x128xf32, #tpu.memory_space<vmem>>) target(%dma_start3A_145 : memref<10008x128xf32, #tpu.memory_space<vmem_shared>>) offsets(%dma_start3A_142 : memref<128xi32, #tpu.memory_space<vmem>>) semaphore(%run_scoped3A_139 : memref<!tpu.dma_semaphore, #tpu.memory_space<semaphore_mem>>) {add = true}
        %dma_wait3A_146 = arith.constant 0 : i32
        %dma_wait3A_147 = tpu.memref_slice %arg7[%run_scoped3A_127, %dma_wait3A_146] : memref<2x128xi32, #tpu.memory_space<vmem>> -> memref<1x128xi32, #tpu.memory_space<vmem>>
        %dma_wait3A_148 = tpu.memref_squeeze %dma_wait3A_147 : memref<1x128xi32, #tpu.memory_space<vmem>> -> memref<128xi32, #tpu.memory_space<vmem>>
        %dma_wait3A_149 = arith.constant 0 : i32
        %dma_wait3A_150 = arith.constant 0 : i32
        %dma_wait3A_151 = tpu.memref_slice %arg10[%dma_wait3A_149, %dma_wait3A_150] : memref<10008x128xf32, #tpu.memory_space<vmem_shared>> -> memref<10008x128xf32, #tpu.memory_space<vmem_shared>>
        tpu.wait_indirect_dma semaphore(%run_scoped3A_139 : memref<!tpu.dma_semaphore, #tpu.memory_space<semaphore_mem>>) src(%arg9 : memref<128x128xf32, #tpu.memory_space<vmem>>) dst(%dma_wait3A_151 : memref<10008x128xf32, #tpu.memory_space<vmem_shared>>)
        tpu.yield
      }) : () -> ()
      %add3A_128 = arith.constant 2 : i32
      %add3A_129 = arith.addi %add3A_102, %add3A_128 : i32
      %dma_start3A_130 = arith.constant 0 : i32
      %dma_start3A_131 = arith.constant 0 : i32
      %dma_start3A_132 = tpu.memref_slice %arg3[%add3A, %add3A_129, %dma_start3A_130, %dma_start3A_131] : memref<32x80x2x128xi32, #tpu.memory_space<hbm>> -> memref<1x1x2x128xi32, #tpu.memory_space<hbm>>
      %dma_start3A_133 = tpu.memref_squeeze %dma_start3A_132 : memref<1x1x2x128xi32, #tpu.memory_space<hbm>> -> memref<2x128xi32, #tpu.memory_space<hbm>>
      %dma_start3A_134 = arith.constant 0 : i32
      %dma_start3A_135 = arith.constant 0 : i32
      %dma_start3A_136 = tpu.memref_slice %arg3[%add3A, %add3A_129, %dma_start3A_134, %dma_start3A_135] : memref<32x80x2x128xi32, #tpu.memory_space<hbm>> -> memref<1x1x2x128xi32, #tpu.memory_space<hbm>>
      %dma_start3A_137 = tpu.memref_squeeze %dma_start3A_136 : memref<1x1x2x128xi32, #tpu.memory_space<hbm>> -> memref<2x128xi32, #tpu.memory_space<hbm>>
      tpu.enqueue_dma source(%dma_start3A_137 : memref<2x128xi32, #tpu.memory_space<hbm>>) target(%arg7 : memref<2x128xi32, #tpu.memory_space<vmem>>) target_semaphore(%arg12 : memref<!tpu.dma_semaphore, #tpu.memory_space<semaphore_mem>>)
      %scan3A_138 = arith.constant 0 : i32
      scf.yield %scan3A_138 : i32
    }
    %scan3A_40 = arith.constant 39 : i32
    %dma_wait3A_41 = arith.constant 0 : i32
    %dma_wait3A_42 = arith.constant 0 : i32
    %dma_wait3A_43 = tpu.memref_slice %arg6[%dma_wait3A_41, %dma_wait3A_42] : memref<2x128xi32, #tpu.memory_space<vmem>> -> memref<1x128xi32, #tpu.memory_space<vmem>>
    %dma_wait3A_44 = tpu.memref_squeeze %dma_wait3A_43 : memref<1x128xi32, #tpu.memory_space<vmem>> -> memref<128xi32, #tpu.memory_space<vmem>>
    %dma_wait3A_45 = arith.constant 0 : i32
    %dma_wait3A_46 = arith.constant 0 : i32
    %dma_wait3A_47 = tpu.memref_slice %arg2[%dma_wait3A_45, %dma_wait3A_46] : memref<10000x128xf32, #tpu.memory_space<hbm>> -> memref<10000x128xf32, #tpu.memory_space<hbm>>
    tpu.wait_indirect_dma semaphore(%arg13 : memref<!tpu.dma_semaphore, #tpu.memory_space<semaphore_mem>>) src(%dma_wait3A_47 : memref<10000x128xf32, #tpu.memory_space<hbm>>) dst(%arg8 : memref<128x128xf32, #tpu.memory_space<vmem>>)
    %run_scoped3A = arith.constant 1 : i32
    "tpu.region"() ({
      %run_scoped3A_58 = tpu.sem_alloc : memref<!tpu.dma_semaphore, #tpu.memory_space<semaphore_mem>>
      %dma_start3A_59 = arith.constant 0 : i32
      %dma_start3A_60 = tpu.memref_slice %arg6[%run_scoped3A, %dma_start3A_59] : memref<2x128xi32, #tpu.memory_space<vmem>> -> memref<1x128xi32, #tpu.memory_space<vmem>>
      %dma_start3A_61 = tpu.memref_squeeze %dma_start3A_60 : memref<1x128xi32, #tpu.memory_space<vmem>> -> memref<128xi32, #tpu.memory_space<vmem>>
      %dma_start3A_62 = arith.constant 0 : i32
      %dma_start3A_63 = arith.constant 0 : i32
      %dma_start3A_64 = tpu.memref_slice %arg10[%dma_start3A_62, %dma_start3A_63] : memref<10008x128xf32, #tpu.memory_space<vmem_shared>> -> memref<10008x128xf32, #tpu.memory_space<vmem_shared>>
      tpu.enqueue_indirect_dma source(%arg8 : memref<128x128xf32, #tpu.memory_space<vmem>>) target(%dma_start3A_64 : memref<10008x128xf32, #tpu.memory_space<vmem_shared>>) offsets(%dma_start3A_61 : memref<128xi32, #tpu.memory_space<vmem>>) semaphore(%run_scoped3A_58 : memref<!tpu.dma_semaphore, #tpu.memory_space<semaphore_mem>>) {add = true}
      %dma_wait3A_65 = arith.constant 0 : i32
      %dma_wait3A_66 = tpu.memref_slice %arg6[%run_scoped3A, %dma_wait3A_65] : memref<2x128xi32, #tpu.memory_space<vmem>> -> memref<1x128xi32, #tpu.memory_space<vmem>>
      %dma_wait3A_67 = tpu.memref_squeeze %dma_wait3A_66 : memref<1x128xi32, #tpu.memory_space<vmem>> -> memref<128xi32, #tpu.memory_space<vmem>>
      %dma_wait3A_68 = arith.constant 0 : i32
      %dma_wait3A_69 = arith.constant 0 : i32
      %dma_wait3A_70 = tpu.memref_slice %arg10[%dma_wait3A_68, %dma_wait3A_69] : memref<10008x128xf32, #tpu.memory_space<vmem_shared>> -> memref<10008x128xf32, #tpu.memory_space<vmem_shared>>
      tpu.wait_indirect_dma semaphore(%run_scoped3A_58 : memref<!tpu.dma_semaphore, #tpu.memory_space<semaphore_mem>>) src(%arg8 : memref<128x128xf32, #tpu.memory_space<vmem>>) dst(%dma_wait3A_70 : memref<10008x128xf32, #tpu.memory_space<vmem_shared>>)
      tpu.yield
    }) : () -> ()
    %dma_wait3A_48 = arith.constant 79 : i32
    %dma_wait3A_49 = arith.constant 0 : i32
    %dma_wait3A_50 = arith.constant 0 : i32
    %dma_wait3A_51 = tpu.memref_slice %arg3[%add3A, %dma_wait3A_48, %dma_wait3A_49, %dma_wait3A_50] : memref<32x80x2x128xi32, #tpu.memory_space<hbm>> -> memref<1x1x2x128xi32, #tpu.memory_space<hbm>>
    %dma_wait3A_52 = tpu.memref_squeeze %dma_wait3A_51 : memref<1x1x2x128xi32, #tpu.memory_space<hbm>> -> memref<2x128xi32, #tpu.memory_space<hbm>>
    %dma_wait3A_53 = arith.constant 0 : i32
    %dma_wait3A_54 = arith.constant 0 : i32
    %dma_wait3A_55 = tpu.memref_slice %arg3[%add3A, %dma_wait3A_48, %dma_wait3A_53, %dma_wait3A_54] : memref<32x80x2x128xi32, #tpu.memory_space<hbm>> -> memref<1x1x2x128xi32, #tpu.memory_space<hbm>>
    %dma_wait3A_56 = tpu.memref_squeeze %dma_wait3A_55 : memref<1x1x2x128xi32, #tpu.memory_space<hbm>> -> memref<2x128xi32, #tpu.memory_space<hbm>>
    tpu.wait_dma2 semaphore(%arg12 : memref<!tpu.dma_semaphore, #tpu.memory_space<semaphore_mem>>) src(%dma_wait3A_56 : memref<2x128xi32, #tpu.memory_space<hbm>>) dst(%arg7 : memref<2x128xi32, #tpu.memory_space<vmem>>)
    %barrier3A_57 = arith.constant 0 : index
    tpu.barrier barrier_id(%barrier3A_57)
    "tpu.region"() ({
      %run_scoped3A_58 = tpu.sem_alloc : memref<!tpu.dma_semaphore, #tpu.memory_space<semaphore_mem>>
      %dma_start3A_59 = arith.constant 0 : i32
      %dma_start3A_60 = tpu.memref_slice %arg5[%arg0, %multiple_of3A, %dma_start3A_59] : memref<2x10008x128xf32, #tpu.memory_space<hbm>> -> memref<1x648x128xf32, #tpu.memory_space<hbm>>
      %dma_start3A_61 = tpu.memref_squeeze %dma_start3A_60 : memref<1x648x128xf32, #tpu.memory_space<hbm>> -> memref<648x128xf32, #tpu.memory_space<hbm>>
      %dma_start3A_62 = arith.constant 0 : i32
      %dma_start3A_63 = tpu.memref_slice %arg10[%multiple_of3A, %dma_start3A_62] : memref<10008x128xf32, #tpu.memory_space<vmem_shared>> -> memref<648x128xf32, #tpu.memory_space<vmem_shared>>
      tpu.enqueue_dma source(%dma_start3A_63 : memref<648x128xf32, #tpu.memory_space<vmem_shared>>) target(%dma_start3A_61 : memref<648x128xf32, #tpu.memory_space<hbm>>) target_semaphore(%run_scoped3A_58 : memref<!tpu.dma_semaphore, #tpu.memory_space<semaphore_mem>>)
      %dma_wait3A_64 = arith.constant 0 : i32
      %dma_wait3A_65 = tpu.memref_slice %arg5[%arg0, %multiple_of3A, %dma_wait3A_64] : memref<2x10008x128xf32, #tpu.memory_space<hbm>> -> memref<1x648x128xf32, #tpu.memory_space<hbm>>
      %dma_wait3A_66 = tpu.memref_squeeze %dma_wait3A_65 : memref<1x648x128xf32, #tpu.memory_space<hbm>> -> memref<648x128xf32, #tpu.memory_space<hbm>>
      %dma_wait3A_67 = arith.constant 0 : i32
      %dma_wait3A_68 = tpu.memref_slice %arg10[%multiple_of3A, %dma_wait3A_67] : memref<10008x128xf32, #tpu.memory_space<vmem_shared>> -> memref<648x128xf32, #tpu.memory_space<vmem_shared>>
      tpu.wait_dma2 semaphore(%run_scoped3A_58 : memref<!tpu.dma_semaphore, #tpu.memory_space<semaphore_mem>>) src(%dma_wait3A_68 : memref<648x128xf32, #tpu.memory_space<vmem_shared>>) dst(%dma_wait3A_66 : memref<648x128xf32, #tpu.memory_space<hbm>>)
      tpu.yield
    }) : () -> ()
    return
  }
}

#map = affine_map<(d0, d1) -> (0, 0)>
#map1 = affine_map<(d0, d1) -> (0, 0, 0, 0)>
#map2 = affine_map<(d0, d1) -> (0, 0, 0)>
module attributes {stable_mosaic.version = 14 : i64} {
  func.func @_spmm_body(%arg0: i32, %arg1: i32, %arg2: memref<10000x128xf32, #tpu.memory_space<hbm>>, %arg3: memref<32x80x2x128xi32, #tpu.memory_space<hbm>>, %arg4: memref<10008x128xf32, #tpu.memory_space<hbm>>, %arg5: memref<2x10008x128xf32, #tpu.memory_space<hbm>>, %arg6: memref<2x128xi32, #tpu.memory_space<vmem>>, %arg7: memref<2x128xi32, #tpu.memory_space<vmem>>, %arg8: memref<128x128xf32, #tpu.memory_space<vmem>>, %arg9: memref<128x128xf32, #tpu.memory_space<vmem>>, %arg10: memref<10008x128xf32, #tpu.memory_space<vmem_shared>>, %arg11: memref<!tpu.dma_semaphore, #tpu.memory_space<semaphore_mem>>, %arg12: memref<!tpu.dma_semaphore, #tpu.memory_space<semaphore_mem>>, %arg13: memref<!tpu.dma_semaphore, #tpu.memory_space<semaphore_mem>>, %arg14: memref<!tpu.dma_semaphore, #tpu.memory_space<semaphore_mem>>) attributes {dimension_semantics = [#tpu.dimension_semantics<core_parallel>, #tpu.dimension_semantics<subcore_parallel>], iteration_bounds = array<i64: 2, 16>, scalar_prefetch = 0 : i64, scratch_operands = 9 : i64, tpu.core_type = #tpu.core_type<sc_vector_subcore>, window_params = [{transform_indices = #map}, {transform_indices = #map1}, {transform_indices = #map}, {transform_indices = #map2}]} {
    %mul3A = arith.constant 16 : i32
    %mul3A_0 = arith.muli %arg0, %mul3A : i32
    %add3A = arith.addi %mul3A_0, %arg1 : i32
    %mul3A_1 = arith.constant 624 : i32
    %mul3A_2 = arith.muli %arg1, %mul3A_1 : i32
    %multiple_of3A = tpu.assume_multiple %mul3A_2, 8 : i32
    %dma_start3A = arith.constant 0 : i32
    %dma_start3A_3 = arith.constant 0 : i32
    %dma_start3A_4 = arith.constant 0 : i32
    %dma_start3A_5 = tpu.memref_slice %arg3[%add3A, %dma_start3A, %dma_start3A_3, %dma_start3A_4] : memref<32x80x2x128xi32, #tpu.memory_space<hbm>> -> memref<1x1x2x128xi32, #tpu.memory_space<hbm>>
    %dma_start3A_6 = tpu.memref_squeeze %dma_start3A_5 : memref<1x1x2x128xi32, #tpu.memory_space<hbm>> -> memref<2x128xi32, #tpu.memory_space<hbm>>
    %dma_start3A_7 = arith.constant 0 : i32
    %dma_start3A_8 = arith.constant 0 : i32
    %dma_start3A_9 = tpu.memref_slice %arg3[%add3A, %dma_start3A, %dma_start3A_7, %dma_start3A_8] : memref<32x80x2x128xi32, #tpu.memory_space<hbm>> -> memref<1x1x2x128xi32, #tpu.memory_space<hbm>>
    %dma_start3A_10 = tpu.memref_squeeze %dma_start3A_9 : memref<1x1x2x128xi32, #tpu.memory_space<hbm>> -> memref<2x128xi32, #tpu.memory_space<hbm>>
    tpu.enqueue_dma source(%dma_start3A_10 : memref<2x128xi32, #tpu.memory_space<hbm>>) target(%arg6 : memref<2x128xi32, #tpu.memory_space<vmem>>) target_semaphore(%arg11 : memref<!tpu.dma_semaphore, #tpu.memory_space<semaphore_mem>>)
    %dma_start3A_11 = arith.constant 1 : i32
    %dma_start3A_12 = arith.constant 0 : i32
    %dma_start3A_13 = arith.constant 0 : i32
    %dma_start3A_14 = tpu.memref_slice %arg3[%add3A, %dma_start3A_11, %dma_start3A_12, %dma_start3A_13] : memref<32x80x2x128xi32, #tpu.memory_space<hbm>> -> memref<1x1x2x128xi32, #tpu.memory_space<hbm>>
    %dma_start3A_15 = tpu.memref_squeeze %dma_start3A_14 : memref<1x1x2x128xi32, #tpu.memory_space<hbm>> -> memref<2x128xi32, #tpu.memory_space<hbm>>
    %dma_start3A_16 = arith.constant 0 : i32
    %dma_start3A_17 = arith.constant 0 : i32
    %dma_start3A_18 = tpu.memref_slice %arg3[%add3A, %dma_start3A_11, %dma_start3A_16, %dma_start3A_17] : memref<32x80x2x128xi32, #tpu.memory_space<hbm>> -> memref<1x1x2x128xi32, #tpu.memory_space<hbm>>
    %dma_start3A_19 = tpu.memref_squeeze %dma_start3A_18 : memref<1x1x2x128xi32, #tpu.memory_space<hbm>> -> memref<2x128xi32, #tpu.memory_space<hbm>>
    tpu.enqueue_dma source(%dma_start3A_19 : memref<2x128xi32, #tpu.memory_space<hbm>>) target(%arg7 : memref<2x128xi32, #tpu.memory_space<vmem>>) target_semaphore(%arg12 : memref<!tpu.dma_semaphore, #tpu.memory_space<semaphore_mem>>)
    "tpu.region"() ({
      %run_scoped3A_58 = tpu.sem_alloc : memref<!tpu.dma_semaphore, #tpu.memory_space<semaphore_mem>>
      %dma_start3A_59 = arith.constant 0 : i32
      %dma_start3A_60 = tpu.memref_slice %arg10[%multiple_of3A, %dma_start3A_59] : memref<10008x128xf32, #tpu.memory_space<vmem_shared>> -> memref<648x128xf32, #tpu.memory_space<vmem_shared>>
      %dma_start3A_61 = arith.constant 0 : i32
      %dma_start3A_62 = tpu.memref_slice %arg4[%multiple_of3A, %dma_start3A_61] : memref<10008x128xf32, #tpu.memory_space<hbm>> -> memref<648x128xf32, #tpu.memory_space<hbm>>
      tpu.enqueue_dma source(%dma_start3A_62 : memref<648x128xf32, #tpu.memory_space<hbm>>) target(%dma_start3A_60 : memref<648x128xf32, #tpu.memory_space<vmem_shared>>) target_semaphore(%run_scoped3A_58 : memref<!tpu.dma_semaphore, #tpu.memory_space<semaphore_mem>>)
      %dma_wait3A_63 = arith.constant 0 : i32
      %dma_wait3A_64 = tpu.memref_slice %arg10[%multiple_of3A, %dma_wait3A_63] : memref<10008x128xf32, #tpu.memory_space<vmem_shared>> -> memref<648x128xf32, #tpu.memory_space<vmem_shared>>
      %dma_wait3A_65 = arith.constant 0 : i32
      %dma_wait3A_66 = tpu.memref_slice %arg4[%multiple_of3A, %dma_wait3A_65] : memref<10008x128xf32, #tpu.memory_space<hbm>> -> memref<648x128xf32, #tpu.memory_space<hbm>>
      tpu.wait_dma2 semaphore(%run_scoped3A_58 : memref<!tpu.dma_semaphore, #tpu.memory_space<semaphore_mem>>) src(%dma_wait3A_66 : memref<648x128xf32, #tpu.memory_space<hbm>>) dst(%dma_wait3A_64 : memref<648x128xf32, #tpu.memory_space<vmem_shared>>)
      tpu.yield
    }) : () -> ()
    %barrier3A = arith.constant 0 : index
    tpu.barrier barrier_id(%barrier3A)
    %dma_wait3A = arith.constant 0 : i32
    %dma_wait3A_20 = arith.constant 0 : i32
    %dma_wait3A_21 = arith.constant 0 : i32
    %dma_wait3A_22 = tpu.memref_slice %arg3[%add3A, %dma_wait3A, %dma_wait3A_20, %dma_wait3A_21] : memref<32x80x2x128xi32, #tpu.memory_space<hbm>> -> memref<1x1x2x128xi32, #tpu.memory_space<hbm>>
    %dma_wait3A_23 = tpu.memref_squeeze %dma_wait3A_22 : memref<1x1x2x128xi32, #tpu.memory_space<hbm>> -> memref<2x128xi32, #tpu.memory_space<hbm>>
    %dma_wait3A_24 = arith.constant 0 : i32
    %dma_wait3A_25 = arith.constant 0 : i32
    %dma_wait3A_26 = tpu.memref_slice %arg3[%add3A, %dma_wait3A, %dma_wait3A_24, %dma_wait3A_25] : memref<32x80x2x128xi32, #tpu.memory_space<hbm>> -> memref<1x1x2x128xi32, #tpu.memory_space<hbm>>
    %dma_wait3A_27 = tpu.memref_squeeze %dma_wait3A_26 : memref<1x1x2x128xi32, #tpu.memory_space<hbm>> -> memref<2x128xi32, #tpu.memory_space<hbm>>
    tpu.wait_dma2 semaphore(%arg11 : memref<!tpu.dma_semaphore, #tpu.memory_space<semaphore_mem>>) src(%dma_wait3A_27 : memref<2x128xi32, #tpu.memory_space<hbm>>) dst(%arg6 : memref<2x128xi32, #tpu.memory_space<vmem>>)
    %dma_start3A_28 = arith.constant 0 : i32
    %dma_start3A_29 = arith.constant 0 : i32
    %dma_start3A_30 = tpu.memref_slice %arg6[%dma_start3A_28, %dma_start3A_29] : memref<2x128xi32, #tpu.memory_space<vmem>> -> memref<1x128xi32, #tpu.memory_space<vmem>>
    %dma_start3A_31 = tpu.memref_squeeze %dma_start3A_30 : memref<1x128xi32, #tpu.memory_space<vmem>> -> memref<128xi32, #tpu.memory_space<vmem>>
    %dma_start3A_32 = arith.constant 0 : i32
    %dma_start3A_33 = arith.constant 0 : i32
    %dma_start3A_34 = tpu.memref_slice %arg2[%dma_start3A_32, %dma_start3A_33] : memref<10000x128xf32, #tpu.memory_space<hbm>> -> memref<10000x128xf32, #tpu.memory_space<hbm>>
    tpu.enqueue_indirect_dma source(%dma_start3A_34 : memref<10000x128xf32, #tpu.memory_space<hbm>>) target(%arg8 : memref<128x128xf32, #tpu.memory_space<vmem>>) offsets(%dma_start3A_31 : memref<128xi32, #tpu.memory_space<vmem>>) semaphore(%arg13 : memref<!tpu.dma_semaphore, #tpu.memory_space<semaphore_mem>>)
    %scan3A = arith.constant 0 : i32
    %scan3A_35 = arith.constant 0 : i32
    %scan3A_36 = arith.constant 39 : i32
    %scan3A_37 = arith.addi %scan3A_35, %scan3A_36 : i32
    %scan3A_38 = arith.constant 1 : i32
    %scan3A_39 = scf.for %scan3A_58 = %scan3A_35 to %scan3A_37 step %scan3A_38 iter_args(%scan3A_59 = %scan3A) -> (i32)  : i32 {
      %mul3A_60 = arith.constant 2 : i32
      %mul3A_61 = arith.muli %scan3A_58, %mul3A_60 : i32
      %add3A_62 = arith.constant 0 : i32
      %add3A_63 = arith.addi %mul3A_61, %add3A_62 : i32
      %dma_wait3A_64 = arith.constant 0 : i32
      %dma_wait3A_65 = arith.constant 0 : i32
      %dma_wait3A_66 = tpu.memref_slice %arg6[%dma_wait3A_64, %dma_wait3A_65] : memref<2x128xi32, #tpu.memory_space<vmem>> -> memref<1x128xi32, #tpu.memory_space<vmem>>
      %dma_wait3A_67 = tpu.memref_squeeze %dma_wait3A_66 : memref<1x128xi32, #tpu.memory_space<vmem>> -> memref<128xi32, #tpu.memory_space<vmem>>
      %dma_wait3A_68 = arith.constant 0 : i32
      %dma_wait3A_69 = arith.constant 0 : i32
      %dma_wait3A_70 = tpu.memref_slice %arg2[%dma_wait3A_68, %dma_wait3A_69] : memref<10000x128xf32, #tpu.memory_space<hbm>> -> memref<10000x128xf32, #tpu.memory_space<hbm>>
      tpu.wait_indirect_dma semaphore(%arg13 : memref<!tpu.dma_semaphore, #tpu.memory_space<semaphore_mem>>) src(%dma_wait3A_70 : memref<10000x128xf32, #tpu.memory_space<hbm>>) dst(%arg8 : memref<128x128xf32, #tpu.memory_space<vmem>>)
      %add3A_71 = arith.constant 1 : i32
      %add3A_72 = arith.addi %add3A_63, %add3A_71 : i32
      %dma_wait3A_73 = arith.constant 0 : i32
      %dma_wait3A_74 = arith.constant 0 : i32
      %dma_wait3A_75 = tpu.memref_slice %arg3[%add3A, %add3A_72, %dma_wait3A_73, %dma_wait3A_74] : memref<32x80x2x128xi32, #tpu.memory_space<hbm>> -> memref<1x1x2x128xi32, #tpu.memory_space<hbm>>
      %dma_wait3A_76 = tpu.memref_squeeze %dma_wait3A_75 : memref<1x1x2x128xi32, #tpu.memory_space<hbm>> -> memref<2x128xi32, #tpu.memory_space<hbm>>
      %dma_wait3A_77 = arith.constant 0 : i32
      %dma_wait3A_78 = arith.constant 0 : i32
      %dma_wait3A_79 = tpu.memref_slice %arg3[%add3A, %add3A_72, %dma_wait3A_77, %dma_wait3A_78] : memref<32x80x2x128xi32, #tpu.memory_space<hbm>> -> memref<1x1x2x128xi32, #tpu.memory_space<hbm>>
      %dma_wait3A_80 = tpu.memref_squeeze %dma_wait3A_79 : memref<1x1x2x128xi32, #tpu.memory_space<hbm>> -> memref<2x128xi32, #tpu.memory_space<hbm>>
      tpu.wait_dma2 semaphore(%arg12 : memref<!tpu.dma_semaphore, #tpu.memory_space<semaphore_mem>>) src(%dma_wait3A_80 : memref<2x128xi32, #tpu.memory_space<hbm>>) dst(%arg7 : memref<2x128xi32, #tpu.memory_space<vmem>>)
      %dma_start3A_81 = arith.constant 0 : i32
      %dma_start3A_82 = arith.constant 0 : i32
      %dma_start3A_83 = tpu.memref_slice %arg7[%dma_start3A_81, %dma_start3A_82] : memref<2x128xi32, #tpu.memory_space<vmem>> -> memref<1x128xi32, #tpu.memory_space<vmem>>
      %dma_start3A_84 = tpu.memref_squeeze %dma_start3A_83 : memref<1x128xi32, #tpu.memory_space<vmem>> -> memref<128xi32, #tpu.memory_space<vmem>>
      %dma_start3A_85 = arith.constant 0 : i32
      %dma_start3A_86 = arith.constant 0 : i32
      %dma_start3A_87 = tpu.memref_slice %arg2[%dma_start3A_85, %dma_start3A_86] : memref<10000x128xf32, #tpu.memory_space<hbm>> -> memref<10000x128xf32, #tpu.memory_space<hbm>>
      tpu.enqueue_indirect_dma source(%dma_start3A_87 : memref<10000x128xf32, #tpu.memory_space<hbm>>) target(%arg9 : memref<128x128xf32, #tpu.memory_space<vmem>>) offsets(%dma_start3A_84 : memref<128xi32, #tpu.memory_space<vmem>>) semaphore(%arg14 : memref<!tpu.dma_semaphore, #tpu.memory_space<semaphore_mem>>)
      %run_scoped3A_88 = arith.constant 1 : i32
      "tpu.region"() ({
        %run_scoped3A_139 = tpu.sem_alloc : memref<!tpu.dma_semaphore, #tpu.memory_space<semaphore_mem>>
        %dma_start3A_140 = arith.constant 0 : i32
        %dma_start3A_141 = tpu.memref_slice %arg6[%run_scoped3A_88, %dma_start3A_140] : memref<2x128xi32, #tpu.memory_space<vmem>> -> memref<1x128xi32, #tpu.memory_space<vmem>>
        %dma_start3A_142 = tpu.memref_squeeze %dma_start3A_141 : memref<1x128xi32, #tpu.memory_space<vmem>> -> memref<128xi32, #tpu.memory_space<vmem>>
        %dma_start3A_143 = arith.constant 0 : i32
        %dma_start3A_144 = arith.constant 0 : i32
        %dma_start3A_145 = tpu.memref_slice %arg10[%dma_start3A_143, %dma_start3A_144] : memref<10008x128xf32, #tpu.memory_space<vmem_shared>> -> memref<10008x128xf32, #tpu.memory_space<vmem_shared>>
        tpu.enqueue_indirect_dma source(%arg8 : memref<128x128xf32, #tpu.memory_space<vmem>>) target(%dma_start3A_145 : memref<10008x128xf32, #tpu.memory_space<vmem_shared>>) offsets(%dma_start3A_142 : memref<128xi32, #tpu.memory_space<vmem>>) semaphore(%run_scoped3A_139 : memref<!tpu.dma_semaphore, #tpu.memory_space<semaphore_mem>>) {add = true}
        %dma_wait3A_146 = arith.constant 0 : i32
        %dma_wait3A_147 = tpu.memref_slice %arg6[%run_scoped3A_88, %dma_wait3A_146] : memref<2x128xi32, #tpu.memory_space<vmem>> -> memref<1x128xi32, #tpu.memory_space<vmem>>
        %dma_wait3A_148 = tpu.memref_squeeze %dma_wait3A_147 : memref<1x128xi32, #tpu.memory_space<vmem>> -> memref<128xi32, #tpu.memory_space<vmem>>
        %dma_wait3A_149 = arith.constant 0 : i32
        %dma_wait3A_150 = arith.constant 0 : i32
        %dma_wait3A_151 = tpu.memref_slice %arg10[%dma_wait3A_149, %dma_wait3A_150] : memref<10008x128xf32, #tpu.memory_space<vmem_shared>> -> memref<10008x128xf32, #tpu.memory_space<vmem_shared>>
        tpu.wait_indirect_dma semaphore(%run_scoped3A_139 : memref<!tpu.dma_semaphore, #tpu.memory_space<semaphore_mem>>) src(%arg8 : memref<128x128xf32, #tpu.memory_space<vmem>>) dst(%dma_wait3A_151 : memref<10008x128xf32, #tpu.memory_space<vmem_shared>>)
        tpu.yield
      }) : () -> ()
      %add3A_89 = arith.constant 2 : i32
      %add3A_90 = arith.addi %add3A_63, %add3A_89 : i32
      %dma_start3A_91 = arith.constant 0 : i32
      %dma_start3A_92 = arith.constant 0 : i32
      %dma_start3A_93 = tpu.memref_slice %arg3[%add3A, %add3A_90, %dma_start3A_91, %dma_start3A_92] : memref<32x80x2x128xi32, #tpu.memory_space<hbm>> -> memref<1x1x2x128xi32, #tpu.memory_space<hbm>>
      %dma_start3A_94 = tpu.memref_squeeze %dma_start3A_93 : memref<1x1x2x128xi32, #tpu.memory_space<hbm>> -> memref<2x128xi32, #tpu.memory_space<hbm>>
      %dma_start3A_95 = arith.constant 0 : i32
      %dma_start3A_96 = arith.constant 0 : i32
      %dma_start3A_97 = tpu.memref_slice %arg3[%add3A, %add3A_90, %dma_start3A_95, %dma_start3A_96] : memref<32x80x2x128xi32, #tpu.memory_space<hbm>> -> memref<1x1x2x128xi32, #tpu.memory_space<hbm>>
      %dma_start3A_98 = tpu.memref_squeeze %dma_start3A_97 : memref<1x1x2x128xi32, #tpu.memory_space<hbm>> -> memref<2x128xi32, #tpu.memory_space<hbm>>
      tpu.enqueue_dma source(%dma_start3A_98 : memref<2x128xi32, #tpu.memory_space<hbm>>) target(%arg6 : memref<2x128xi32, #tpu.memory_space<vmem>>) target_semaphore(%arg11 : memref<!tpu.dma_semaphore, #tpu.memory_space<semaphore_mem>>)
      %mul3A_99 = arith.constant 2 : i32
      %mul3A_100 = arith.muli %scan3A_58, %mul3A_99 : i32
      %add3A_101 = arith.constant 1 : i32
      %add3A_102 = arith.addi %mul3A_100, %add3A_101 : i32
      %dma_wait3A_103 = arith.constant 0 : i32
      %dma_wait3A_104 = arith.constant 0 : i32
      %dma_wait3A_105 = tpu.memref_slice %arg7[%dma_wait3A_103, %dma_wait3A_104] : memref<2x128xi32, #tpu.memory_space<vmem>> -> memref<1x128xi32, #tpu.memory_space<vmem>>
      %dma_wait3A_106 = tpu.memref_squeeze %dma_wait3A_105 : memref<1x128xi32, #tpu.memory_space<vmem>> -> memref<128xi32, #tpu.memory_space<vmem>>
      %dma_wait3A_107 = arith.constant 0 : i32
      %dma_wait3A_108 = arith.constant 0 : i32
      %dma_wait3A_109 = tpu.memref_slice %arg2[%dma_wait3A_107, %dma_wait3A_108] : memref<10000x128xf32, #tpu.memory_space<hbm>> -> memref<10000x128xf32, #tpu.memory_space<hbm>>
      tpu.wait_indirect_dma semaphore(%arg14 : memref<!tpu.dma_semaphore, #tpu.memory_space<semaphore_mem>>) src(%dma_wait3A_109 : memref<10000x128xf32, #tpu.memory_space<hbm>>) dst(%arg9 : memref<128x128xf32, #tpu.memory_space<vmem>>)
      %add3A_110 = arith.constant 1 : i32
      %add3A_111 = arith.addi %add3A_102, %add3A_110 : i32
      %dma_wait3A_112 = arith.constant 0 : i32
      %dma_wait3A_113 = arith.constant 0 : i32
      %dma_wait3A_114 = tpu.memref_slice %arg3[%add3A, %add3A_111, %dma_wait3A_112, %dma_wait3A_113] : memref<32x80x2x128xi32, #tpu.memory_space<hbm>> -> memref<1x1x2x128xi32, #tpu.memory_space<hbm>>
      %dma_wait3A_115 = tpu.memref_squeeze %dma_wait3A_114 : memref<1x1x2x128xi32, #tpu.memory_space<hbm>> -> memref<2x128xi32, #tpu.memory_space<hbm>>
      %dma_wait3A_116 = arith.constant 0 : i32
      %dma_wait3A_117 = arith.constant 0 : i32
      %dma_wait3A_118 = tpu.memref_slice %arg3[%add3A, %add3A_111, %dma_wait3A_116, %dma_wait3A_117] : memref<32x80x2x128xi32, #tpu.memory_space<hbm>> -> memref<1x1x2x128xi32, #tpu.memory_space<hbm>>
      %dma_wait3A_119 = tpu.memref_squeeze %dma_wait3A_118 : memref<1x1x2x128xi32, #tpu.memory_space<hbm>> -> memref<2x128xi32, #tpu.memory_space<hbm>>
      tpu.wait_dma2 semaphore(%arg11 : memref<!tpu.dma_semaphore, #tpu.memory_space<semaphore_mem>>) src(%dma_wait3A_119 : memref<2x128xi32, #tpu.memory_space<hbm>>) dst(%arg6 : memref<2x128xi32, #tpu.memory_space<vmem>>)
      %dma_start3A_120 = arith.constant 0 : i32
      %dma_start3A_121 = arith.constant 0 : i32
      %dma_start3A_122 = tpu.memref_slice %arg6[%dma_start3A_120, %dma_start3A_121] : memref<2x128xi32, #tpu.memory_space<vmem>> -> memref<1x128xi32, #tpu.memory_space<vmem>>
      %dma_start3A_123 = tpu.memref_squeeze %dma_start3A_122 : memref<1x128xi32, #tpu.memory_space<vmem>> -> memref<128xi32, #tpu.memory_space<vmem>>
      %dma_start3A_124 = arith.constant 0 : i32
      %dma_start3A_125 = arith.constant 0 : i32
      %dma_start3A_126 = tpu.memref_slice %arg2[%dma_start3A_124, %dma_start3A_125] : memref<10000x128xf32, #tpu.memory_space<hbm>> -> memref<10000x128xf32, #tpu.memory_space<hbm>>
      tpu.enqueue_indirect_dma source(%dma_start3A_126 : memref<10000x128xf32, #tpu.memory_space<hbm>>) target(%arg8 : memref<128x128xf32, #tpu.memory_space<vmem>>) offsets(%dma_start3A_123 : memref<128xi32, #tpu.memory_space<vmem>>) semaphore(%arg13 : memref<!tpu.dma_semaphore, #tpu.memory_space<semaphore_mem>>)
      %run_scoped3A_127 = arith.constant 1 : i32
      "tpu.region"() ({
        %run_scoped3A_139 = tpu.sem_alloc : memref<!tpu.dma_semaphore, #tpu.memory_space<semaphore_mem>>
        %dma_start3A_140 = arith.constant 0 : i32
        %dma_start3A_141 = tpu.memref_slice %arg7[%run_scoped3A_127, %dma_start3A_140] : memref<2x128xi32, #tpu.memory_space<vmem>> -> memref<1x128xi32, #tpu.memory_space<vmem>>
        %dma_start3A_142 = tpu.memref_squeeze %dma_start3A_141 : memref<1x128xi32, #tpu.memory_space<vmem>> -> memref<128xi32, #tpu.memory_space<vmem>>
        %dma_start3A_143 = arith.constant 0 : i32
        %dma_start3A_144 = arith.constant 0 : i32
        %dma_start3A_145 = tpu.memref_slice %arg10[%dma_start3A_143, %dma_start3A_144] : memref<10008x128xf32, #tpu.memory_space<vmem_shared>> -> memref<10008x128xf32, #tpu.memory_space<vmem_shared>>
        tpu.enqueue_indirect_dma source(%arg9 : memref<128x128xf32, #tpu.memory_space<vmem>>) target(%dma_start3A_145 : memref<10008x128xf32, #tpu.memory_space<vmem_shared>>) offsets(%dma_start3A_142 : memref<128xi32, #tpu.memory_space<vmem>>) semaphore(%run_scoped3A_139 : memref<!tpu.dma_semaphore, #tpu.memory_space<semaphore_mem>>) {add = true}
        %dma_wait3A_146 = arith.constant 0 : i32
        %dma_wait3A_147 = tpu.memref_slice %arg7[%run_scoped3A_127, %dma_wait3A_146] : memref<2x128xi32, #tpu.memory_space<vmem>> -> memref<1x128xi32, #tpu.memory_space<vmem>>
        %dma_wait3A_148 = tpu.memref_squeeze %dma_wait3A_147 : memref<1x128xi32, #tpu.memory_space<vmem>> -> memref<128xi32, #tpu.memory_space<vmem>>
        %dma_wait3A_149 = arith.constant 0 : i32
        %dma_wait3A_150 = arith.constant 0 : i32
        %dma_wait3A_151 = tpu.memref_slice %arg10[%dma_wait3A_149, %dma_wait3A_150] : memref<10008x128xf32, #tpu.memory_space<vmem_shared>> -> memref<10008x128xf32, #tpu.memory_space<vmem_shared>>
        tpu.wait_indirect_dma semaphore(%run_scoped3A_139 : memref<!tpu.dma_semaphore, #tpu.memory_space<semaphore_mem>>) src(%arg9 : memref<128x128xf32, #tpu.memory_space<vmem>>) dst(%dma_wait3A_151 : memref<10008x128xf32, #tpu.memory_space<vmem_shared>>)
        tpu.yield
      }) : () -> ()
      %add3A_128 = arith.constant 2 : i32
      %add3A_129 = arith.addi %add3A_102, %add3A_128 : i32
      %dma_start3A_130 = arith.constant 0 : i32
      %dma_start3A_131 = arith.constant 0 : i32
      %dma_start3A_132 = tpu.memref_slice %arg3[%add3A, %add3A_129, %dma_start3A_130, %dma_start3A_131] : memref<32x80x2x128xi32, #tpu.memory_space<hbm>> -> memref<1x1x2x128xi32, #tpu.memory_space<hbm>>
      %dma_start3A_133 = tpu.memref_squeeze %dma_start3A_132 : memref<1x1x2x128xi32, #tpu.memory_space<hbm>> -> memref<2x128xi32, #tpu.memory_space<hbm>>
      %dma_start3A_134 = arith.constant 0 : i32
      %dma_start3A_135 = arith.constant 0 : i32
      %dma_start3A_136 = tpu.memref_slice %arg3[%add3A, %add3A_129, %dma_start3A_134, %dma_start3A_135] : memref<32x80x2x128xi32, #tpu.memory_space<hbm>> -> memref<1x1x2x128xi32, #tpu.memory_space<hbm>>
      %dma_start3A_137 = tpu.memref_squeeze %dma_start3A_136 : memref<1x1x2x128xi32, #tpu.memory_space<hbm>> -> memref<2x128xi32, #tpu.memory_space<hbm>>
      tpu.enqueue_dma source(%dma_start3A_137 : memref<2x128xi32, #tpu.memory_space<hbm>>) target(%arg7 : memref<2x128xi32, #tpu.memory_space<vmem>>) target_semaphore(%arg12 : memref<!tpu.dma_semaphore, #tpu.memory_space<semaphore_mem>>)
      %scan3A_138 = arith.constant 0 : i32
      scf.yield %scan3A_138 : i32
    }
    %scan3A_40 = arith.constant 39 : i32
    %dma_wait3A_41 = arith.constant 0 : i32
    %dma_wait3A_42 = arith.constant 0 : i32
    %dma_wait3A_43 = tpu.memref_slice %arg6[%dma_wait3A_41, %dma_wait3A_42] : memref<2x128xi32, #tpu.memory_space<vmem>> -> memref<1x128xi32, #tpu.memory_space<vmem>>
    %dma_wait3A_44 = tpu.memref_squeeze %dma_wait3A_43 : memref<1x128xi32, #tpu.memory_space<vmem>> -> memref<128xi32, #tpu.memory_space<vmem>>
    %dma_wait3A_45 = arith.constant 0 : i32
    %dma_wait3A_46 = arith.constant 0 : i32
    %dma_wait3A_47 = tpu.memref_slice %arg2[%dma_wait3A_45, %dma_wait3A_46] : memref<10000x128xf32, #tpu.memory_space<hbm>> -> memref<10000x128xf32, #tpu.memory_space<hbm>>
    tpu.wait_indirect_dma semaphore(%arg13 : memref<!tpu.dma_semaphore, #tpu.memory_space<semaphore_mem>>) src(%dma_wait3A_47 : memref<10000x128xf32, #tpu.memory_space<hbm>>) dst(%arg8 : memref<128x128xf32, #tpu.memory_space<vmem>>)
    %run_scoped3A = arith.constant 1 : i32
    "tpu.region"() ({
      %run_scoped3A_58 = tpu.sem_alloc : memref<!tpu.dma_semaphore, #tpu.memory_space<semaphore_mem>>
      %dma_start3A_59 = arith.constant 0 : i32
      %dma_start3A_60 = tpu.memref_slice %arg6[%run_scoped3A, %dma_start3A_59] : memref<2x128xi32, #tpu.memory_space<vmem>> -> memref<1x128xi32, #tpu.memory_space<vmem>>
      %dma_start3A_61 = tpu.memref_squeeze %dma_start3A_60 : memref<1x128xi32, #tpu.memory_space<vmem>> -> memref<128xi32, #tpu.memory_space<vmem>>
      %dma_start3A_62 = arith.constant 0 : i32
      %dma_start3A_63 = arith.constant 0 : i32
      %dma_start3A_64 = tpu.memref_slice %arg10[%dma_start3A_62, %dma_start3A_63] : memref<10008x128xf32, #tpu.memory_space<vmem_shared>> -> memref<10008x128xf32, #tpu.memory_space<vmem_shared>>
      tpu.enqueue_indirect_dma source(%arg8 : memref<128x128xf32, #tpu.memory_space<vmem>>) target(%dma_start3A_64 : memref<10008x128xf32, #tpu.memory_space<vmem_shared>>) offsets(%dma_start3A_61 : memref<128xi32, #tpu.memory_space<vmem>>) semaphore(%run_scoped3A_58 : memref<!tpu.dma_semaphore, #tpu.memory_space<semaphore_mem>>) {add = true}
      %dma_wait3A_65 = arith.constant 0 : i32
      %dma_wait3A_66 = tpu.memref_slice %arg6[%run_scoped3A, %dma_wait3A_65] : memref<2x128xi32, #tpu.memory_space<vmem>> -> memref<1x128xi32, #tpu.memory_space<vmem>>
      %dma_wait3A_67 = tpu.memref_squeeze %dma_wait3A_66 : memref<1x128xi32, #tpu.memory_space<vmem>> -> memref<128xi32, #tpu.memory_space<vmem>>
      %dma_wait3A_68 = arith.constant 0 : i32
      %dma_wait3A_69 = arith.constant 0 : i32
      %dma_wait3A_70 = tpu.memref_slice %arg10[%dma_wait3A_68, %dma_wait3A_69] : memref<10008x128xf32, #tpu.memory_space<vmem_shared>> -> memref<10008x128xf32, #tpu.memory_space<vmem_shared>>
      tpu.wait_indirect_dma semaphore(%run_scoped3A_58 : memref<!tpu.dma_semaphore, #tpu.memory_space<semaphore_mem>>) src(%arg8 : memref<128x128xf32, #tpu.memory_space<vmem>>) dst(%dma_wait3A_70 : memref<10008x128xf32, #tpu.memory_space<vmem_shared>>)
      tpu.yield
    }) : () -> ()
    %dma_wait3A_48 = arith.constant 79 : i32
    %dma_wait3A_49 = arith.constant 0 : i32
    %dma_wait3A_50 = arith.constant 0 : i32
    %dma_wait3A_51 = tpu.memref_slice %arg3[%add3A, %dma_wait3A_48, %dma_wait3A_49, %dma_wait3A_50] : memref<32x80x2x128xi32, #tpu.memory_space<hbm>> -> memref<1x1x2x128xi32, #tpu.memory_space<hbm>>
    %dma_wait3A_52 = tpu.memref_squeeze %dma_wait3A_51 : memref<1x1x2x128xi32, #tpu.memory_space<hbm>> -> memref<2x128xi32, #tpu.memory_space<hbm>>
    %dma_wait3A_53 = arith.constant 0 : i32
    %dma_wait3A_54 = arith.constant 0 : i32
    %dma_wait3A_55 = tpu.memref_slice %arg3[%add3A, %dma_wait3A_48, %dma_wait3A_53, %dma_wait3A_54] : memref<32x80x2x128xi32, #tpu.memory_space<hbm>> -> memref<1x1x2x128xi32, #tpu.memory_space<hbm>>
    %dma_wait3A_56 = tpu.memref_squeeze %dma_wait3A_55 : memref<1x1x2x128xi32, #tpu.memory_space<hbm>> -> memref<2x128xi32, #tpu.memory_space<hbm>>
    tpu.wait_dma2 semaphore(%arg12 : memref<!tpu.dma_semaphore, #tpu.memory_space<semaphore_mem>>) src(%dma_wait3A_56 : memref<2x128xi32, #tpu.memory_space<hbm>>) dst(%arg7 : memref<2x128xi32, #tpu.memory_space<vmem>>)
    %barrier3A_57 = arith.constant 0 : index
    tpu.barrier barrier_id(%barrier3A_57)
    "tpu.region"() ({
      %run_scoped3A_58 = tpu.sem_alloc : memref<!tpu.dma_semaphore, #tpu.memory_space<semaphore_mem>>
      %dma_start3A_59 = arith.constant 0 : i32
      %dma_start3A_60 = tpu.memref_slice %arg5[%arg0, %multiple_of3A, %dma_start3A_59] : memref<2x10008x128xf32, #tpu.memory_space<hbm>> -> memref<1x648x128xf32, #tpu.memory_space<hbm>>
      %dma_start3A_61 = tpu.memref_squeeze %dma_start3A_60 : memref<1x648x128xf32, #tpu.memory_space<hbm>> -> memref<648x128xf32, #tpu.memory_space<hbm>>
      %dma_start3A_62 = arith.constant 0 : i32
      %dma_start3A_63 = tpu.memref_slice %arg10[%multiple_of3A, %dma_start3A_62] : memref<10008x128xf32, #tpu.memory_space<vmem_shared>> -> memref<648x128xf32, #tpu.memory_space<vmem_shared>>
      tpu.enqueue_dma source(%dma_start3A_63 : memref<648x128xf32, #tpu.memory_space<vmem_shared>>) target(%dma_start3A_61 : memref<648x128xf32, #tpu.memory_space<hbm>>) target_semaphore(%run_scoped3A_58 : memref<!tpu.dma_semaphore, #tpu.memory_space<semaphore_mem>>)
      %dma_wait3A_64 = arith.constant 0 : i32
      %dma_wait3A_65 = tpu.memref_slice %arg5[%arg0, %multiple_of3A, %dma_wait3A_64] : memref<2x10008x128xf32, #tpu.memory_space<hbm>> -> memref<1x648x128xf32, #tpu.memory_space<hbm>>
      %dma_wait3A_66 = tpu.memref_squeeze %dma_wait3A_65 : memref<1x648x128xf32, #tpu.memory_space<hbm>> -> memref<648x128xf32, #tpu.memory_space<hbm>>
      %dma_wait3A_67 = arith.constant 0 : i32
      %dma_wait3A_68 = tpu.memref_slice %arg10[%multiple_of3A, %dma_wait3A_67] : memref<10008x128xf32, #tpu.memory_space<vmem_shared>> -> memref<648x128xf32, #tpu.memory_space<vmem_shared>>
      tpu.wait_dma2 semaphore(%run_scoped3A_58 : memref<!tpu.dma_semaphore, #tpu.memory_space<semaphore_mem>>) src(%dma_wait3A_68 : memref<648x128xf32, #tpu.memory_space<vmem_shared>>) dst(%dma_wait3A_66 : memref<648x128xf32, #tpu.memory_space<hbm>>)
      tpu.yield
    }) : () -> ()
    return
  }
}

#map = affine_map<(d0, d1) -> (0, 0)>
#map1 = affine_map<(d0, d1) -> (0, 0, 0, 0)>
#map2 = affine_map<(d0, d1) -> (0, 0, 0)>
module attributes {stable_mosaic.version = 14 : i64} {
  func.func @_spmm_body(%arg0: i32, %arg1: i32, %arg2: memref<10000x128xf32, #tpu.memory_space<hbm>>, %arg3: memref<32x80x2x128xi32, #tpu.memory_space<hbm>>, %arg4: memref<10008x128xf32, #tpu.memory_space<hbm>>, %arg5: memref<2x10008x128xf32, #tpu.memory_space<hbm>>, %arg6: memref<2x128xi32, #tpu.memory_space<vmem>>, %arg7: memref<2x128xi32, #tpu.memory_space<vmem>>, %arg8: memref<128x128xf32, #tpu.memory_space<vmem>>, %arg9: memref<128x128xf32, #tpu.memory_space<vmem>>, %arg10: memref<10008x128xf32, #tpu.memory_space<vmem_shared>>, %arg11: memref<!tpu.dma_semaphore, #tpu.memory_space<semaphore_mem>>, %arg12: memref<!tpu.dma_semaphore, #tpu.memory_space<semaphore_mem>>, %arg13: memref<!tpu.dma_semaphore, #tpu.memory_space<semaphore_mem>>, %arg14: memref<!tpu.dma_semaphore, #tpu.memory_space<semaphore_mem>>) attributes {dimension_semantics = [#tpu.dimension_semantics<core_parallel>, #tpu.dimension_semantics<subcore_parallel>], iteration_bounds = array<i64: 2, 16>, scalar_prefetch = 0 : i64, scratch_operands = 9 : i64, tpu.core_type = #tpu.core_type<sc_vector_subcore>, window_params = [{transform_indices = #map}, {transform_indices = #map1}, {transform_indices = #map}, {transform_indices = #map2}]} {
    %mul3A = arith.constant 16 : i32
    %mul3A_0 = arith.muli %arg0, %mul3A : i32
    %add3A = arith.addi %mul3A_0, %arg1 : i32
    %mul3A_1 = arith.constant 624 : i32
    %mul3A_2 = arith.muli %arg1, %mul3A_1 : i32
    %multiple_of3A = tpu.assume_multiple %mul3A_2, 8 : i32
    %dma_start3A = arith.constant 0 : i32
    %dma_start3A_3 = arith.constant 0 : i32
    %dma_start3A_4 = arith.constant 0 : i32
    %dma_start3A_5 = tpu.memref_slice %arg3[%add3A, %dma_start3A, %dma_start3A_3, %dma_start3A_4] : memref<32x80x2x128xi32, #tpu.memory_space<hbm>> -> memref<1x1x2x128xi32, #tpu.memory_space<hbm>>
    %dma_start3A_6 = tpu.memref_squeeze %dma_start3A_5 : memref<1x1x2x128xi32, #tpu.memory_space<hbm>> -> memref<2x128xi32, #tpu.memory_space<hbm>>
    %dma_start3A_7 = arith.constant 0 : i32
    %dma_start3A_8 = arith.constant 0 : i32
    %dma_start3A_9 = tpu.memref_slice %arg3[%add3A, %dma_start3A, %dma_start3A_7, %dma_start3A_8] : memref<32x80x2x128xi32, #tpu.memory_space<hbm>> -> memref<1x1x2x128xi32, #tpu.memory_space<hbm>>
    %dma_start3A_10 = tpu.memref_squeeze %dma_start3A_9 : memref<1x1x2x128xi32, #tpu.memory_space<hbm>> -> memref<2x128xi32, #tpu.memory_space<hbm>>
    tpu.enqueue_dma source(%dma_start3A_10 : memref<2x128xi32, #tpu.memory_space<hbm>>) target(%arg6 : memref<2x128xi32, #tpu.memory_space<vmem>>) target_semaphore(%arg11 : memref<!tpu.dma_semaphore, #tpu.memory_space<semaphore_mem>>)
    %dma_start3A_11 = arith.constant 1 : i32
    %dma_start3A_12 = arith.constant 0 : i32
    %dma_start3A_13 = arith.constant 0 : i32
    %dma_start3A_14 = tpu.memref_slice %arg3[%add3A, %dma_start3A_11, %dma_start3A_12, %dma_start3A_13] : memref<32x80x2x128xi32, #tpu.memory_space<hbm>> -> memref<1x1x2x128xi32, #tpu.memory_space<hbm>>
    %dma_start3A_15 = tpu.memref_squeeze %dma_start3A_14 : memref<1x1x2x128xi32, #tpu.memory_space<hbm>> -> memref<2x128xi32, #tpu.memory_space<hbm>>
    %dma_start3A_16 = arith.constant 0 : i32
    %dma_start3A_17 = arith.constant 0 : i32
    %dma_start3A_18 = tpu.memref_slice %arg3[%add3A, %dma_start3A_11, %dma_start3A_16, %dma_start3A_17] : memref<32x80x2x128xi32, #tpu.memory_space<hbm>> -> memref<1x1x2x128xi32, #tpu.memory_space<hbm>>
    %dma_start3A_19 = tpu.memref_squeeze %dma_start3A_18 : memref<1x1x2x128xi32, #tpu.memory_space<hbm>> -> memref<2x128xi32, #tpu.memory_space<hbm>>
    tpu.enqueue_dma source(%dma_start3A_19 : memref<2x128xi32, #tpu.memory_space<hbm>>) target(%arg7 : memref<2x128xi32, #tpu.memory_space<vmem>>) target_semaphore(%arg12 : memref<!tpu.dma_semaphore, #tpu.memory_space<semaphore_mem>>)
    "tpu.region"() ({
      %run_scoped3A_58 = tpu.sem_alloc : memref<!tpu.dma_semaphore, #tpu.memory_space<semaphore_mem>>
      %dma_start3A_59 = arith.constant 0 : i32
      %dma_start3A_60 = tpu.memref_slice %arg10[%multiple_of3A, %dma_start3A_59] : memref<10008x128xf32, #tpu.memory_space<vmem_shared>> -> memref<648x128xf32, #tpu.memory_space<vmem_shared>>
      %dma_start3A_61 = arith.constant 0 : i32
      %dma_start3A_62 = tpu.memref_slice %arg4[%multiple_of3A, %dma_start3A_61] : memref<10008x128xf32, #tpu.memory_space<hbm>> -> memref<648x128xf32, #tpu.memory_space<hbm>>
      tpu.enqueue_dma source(%dma_start3A_62 : memref<648x128xf32, #tpu.memory_space<hbm>>) target(%dma_start3A_60 : memref<648x128xf32, #tpu.memory_space<vmem_shared>>) target_semaphore(%run_scoped3A_58 : memref<!tpu.dma_semaphore, #tpu.memory_space<semaphore_mem>>)
      %dma_wait3A_63 = arith.constant 0 : i32
      %dma_wait3A_64 = tpu.memref_slice %arg10[%multiple_of3A, %dma_wait3A_63] : memref<10008x128xf32, #tpu.memory_space<vmem_shared>> -> memref<648x128xf32, #tpu.memory_space<vmem_shared>>
      %dma_wait3A_65 = arith.constant 0 : i32
      %dma_wait3A_66 = tpu.memref_slice %arg4[%multiple_of3A, %dma_wait3A_65] : memref<10008x128xf32, #tpu.memory_space<hbm>> -> memref<648x128xf32, #tpu.memory_space<hbm>>
      tpu.wait_dma2 semaphore(%run_scoped3A_58 : memref<!tpu.dma_semaphore, #tpu.memory_space<semaphore_mem>>) src(%dma_wait3A_66 : memref<648x128xf32, #tpu.memory_space<hbm>>) dst(%dma_wait3A_64 : memref<648x128xf32, #tpu.memory_space<vmem_shared>>)
      tpu.yield
    }) : () -> ()
    %barrier3A = arith.constant 0 : index
    tpu.barrier barrier_id(%barrier3A)
    %dma_wait3A = arith.constant 0 : i32
    %dma_wait3A_20 = arith.constant 0 : i32
    %dma_wait3A_21 = arith.constant 0 : i32
    %dma_wait3A_22 = tpu.memref_slice %arg3[%add3A, %dma_wait3A, %dma_wait3A_20, %dma_wait3A_21] : memref<32x80x2x128xi32, #tpu.memory_space<hbm>> -> memref<1x1x2x128xi32, #tpu.memory_space<hbm>>
    %dma_wait3A_23 = tpu.memref_squeeze %dma_wait3A_22 : memref<1x1x2x128xi32, #tpu.memory_space<hbm>> -> memref<2x128xi32, #tpu.memory_space<hbm>>
    %dma_wait3A_24 = arith.constant 0 : i32
    %dma_wait3A_25 = arith.constant 0 : i32
    %dma_wait3A_26 = tpu.memref_slice %arg3[%add3A, %dma_wait3A, %dma_wait3A_24, %dma_wait3A_25] : memref<32x80x2x128xi32, #tpu.memory_space<hbm>> -> memref<1x1x2x128xi32, #tpu.memory_space<hbm>>
    %dma_wait3A_27 = tpu.memref_squeeze %dma_wait3A_26 : memref<1x1x2x128xi32, #tpu.memory_space<hbm>> -> memref<2x128xi32, #tpu.memory_space<hbm>>
    tpu.wait_dma2 semaphore(%arg11 : memref<!tpu.dma_semaphore, #tpu.memory_space<semaphore_mem>>) src(%dma_wait3A_27 : memref<2x128xi32, #tpu.memory_space<hbm>>) dst(%arg6 : memref<2x128xi32, #tpu.memory_space<vmem>>)
    %dma_start3A_28 = arith.constant 0 : i32
    %dma_start3A_29 = arith.constant 0 : i32
    %dma_start3A_30 = tpu.memref_slice %arg6[%dma_start3A_28, %dma_start3A_29] : memref<2x128xi32, #tpu.memory_space<vmem>> -> memref<1x128xi32, #tpu.memory_space<vmem>>
    %dma_start3A_31 = tpu.memref_squeeze %dma_start3A_30 : memref<1x128xi32, #tpu.memory_space<vmem>> -> memref<128xi32, #tpu.memory_space<vmem>>
    %dma_start3A_32 = arith.constant 0 : i32
    %dma_start3A_33 = arith.constant 0 : i32
    %dma_start3A_34 = tpu.memref_slice %arg2[%dma_start3A_32, %dma_start3A_33] : memref<10000x128xf32, #tpu.memory_space<hbm>> -> memref<10000x128xf32, #tpu.memory_space<hbm>>
    tpu.enqueue_indirect_dma source(%dma_start3A_34 : memref<10000x128xf32, #tpu.memory_space<hbm>>) target(%arg8 : memref<128x128xf32, #tpu.memory_space<vmem>>) offsets(%dma_start3A_31 : memref<128xi32, #tpu.memory_space<vmem>>) semaphore(%arg13 : memref<!tpu.dma_semaphore, #tpu.memory_space<semaphore_mem>>)
    %scan3A = arith.constant 0 : i32
    %scan3A_35 = arith.constant 0 : i32
    %scan3A_36 = arith.constant 39 : i32
    %scan3A_37 = arith.addi %scan3A_35, %scan3A_36 : i32
    %scan3A_38 = arith.constant 1 : i32
    %scan3A_39 = scf.for %scan3A_58 = %scan3A_35 to %scan3A_37 step %scan3A_38 iter_args(%scan3A_59 = %scan3A) -> (i32)  : i32 {
      %mul3A_60 = arith.constant 2 : i32
      %mul3A_61 = arith.muli %scan3A_58, %mul3A_60 : i32
      %add3A_62 = arith.constant 0 : i32
      %add3A_63 = arith.addi %mul3A_61, %add3A_62 : i32
      %dma_wait3A_64 = arith.constant 0 : i32
      %dma_wait3A_65 = arith.constant 0 : i32
      %dma_wait3A_66 = tpu.memref_slice %arg6[%dma_wait3A_64, %dma_wait3A_65] : memref<2x128xi32, #tpu.memory_space<vmem>> -> memref<1x128xi32, #tpu.memory_space<vmem>>
      %dma_wait3A_67 = tpu.memref_squeeze %dma_wait3A_66 : memref<1x128xi32, #tpu.memory_space<vmem>> -> memref<128xi32, #tpu.memory_space<vmem>>
      %dma_wait3A_68 = arith.constant 0 : i32
      %dma_wait3A_69 = arith.constant 0 : i32
      %dma_wait3A_70 = tpu.memref_slice %arg2[%dma_wait3A_68, %dma_wait3A_69] : memref<10000x128xf32, #tpu.memory_space<hbm>> -> memref<10000x128xf32, #tpu.memory_space<hbm>>
      tpu.wait_indirect_dma semaphore(%arg13 : memref<!tpu.dma_semaphore, #tpu.memory_space<semaphore_mem>>) src(%dma_wait3A_70 : memref<10000x128xf32, #tpu.memory_space<hbm>>) dst(%arg8 : memref<128x128xf32, #tpu.memory_space<vmem>>)
      %add3A_71 = arith.constant 1 : i32
      %add3A_72 = arith.addi %add3A_63, %add3A_71 : i32
      %dma_wait3A_73 = arith.constant 0 : i32
      %dma_wait3A_74 = arith.constant 0 : i32
      %dma_wait3A_75 = tpu.memref_slice %arg3[%add3A, %add3A_72, %dma_wait3A_73, %dma_wait3A_74] : memref<32x80x2x128xi32, #tpu.memory_space<hbm>> -> memref<1x1x2x128xi32, #tpu.memory_space<hbm>>
      %dma_wait3A_76 = tpu.memref_squeeze %dma_wait3A_75 : memref<1x1x2x128xi32, #tpu.memory_space<hbm>> -> memref<2x128xi32, #tpu.memory_space<hbm>>
      %dma_wait3A_77 = arith.constant 0 : i32
      %dma_wait3A_78 = arith.constant 0 : i32
      %dma_wait3A_79 = tpu.memref_slice %arg3[%add3A, %add3A_72, %dma_wait3A_77, %dma_wait3A_78] : memref<32x80x2x128xi32, #tpu.memory_space<hbm>> -> memref<1x1x2x128xi32, #tpu.memory_space<hbm>>
      %dma_wait3A_80 = tpu.memref_squeeze %dma_wait3A_79 : memref<1x1x2x128xi32, #tpu.memory_space<hbm>> -> memref<2x128xi32, #tpu.memory_space<hbm>>
      tpu.wait_dma2 semaphore(%arg12 : memref<!tpu.dma_semaphore, #tpu.memory_space<semaphore_mem>>) src(%dma_wait3A_80 : memref<2x128xi32, #tpu.memory_space<hbm>>) dst(%arg7 : memref<2x128xi32, #tpu.memory_space<vmem>>)
      %dma_start3A_81 = arith.constant 0 : i32
      %dma_start3A_82 = arith.constant 0 : i32
      %dma_start3A_83 = tpu.memref_slice %arg7[%dma_start3A_81, %dma_start3A_82] : memref<2x128xi32, #tpu.memory_space<vmem>> -> memref<1x128xi32, #tpu.memory_space<vmem>>
      %dma_start3A_84 = tpu.memref_squeeze %dma_start3A_83 : memref<1x128xi32, #tpu.memory_space<vmem>> -> memref<128xi32, #tpu.memory_space<vmem>>
      %dma_start3A_85 = arith.constant 0 : i32
      %dma_start3A_86 = arith.constant 0 : i32
      %dma_start3A_87 = tpu.memref_slice %arg2[%dma_start3A_85, %dma_start3A_86] : memref<10000x128xf32, #tpu.memory_space<hbm>> -> memref<10000x128xf32, #tpu.memory_space<hbm>>
      tpu.enqueue_indirect_dma source(%dma_start3A_87 : memref<10000x128xf32, #tpu.memory_space<hbm>>) target(%arg9 : memref<128x128xf32, #tpu.memory_space<vmem>>) offsets(%dma_start3A_84 : memref<128xi32, #tpu.memory_space<vmem>>) semaphore(%arg14 : memref<!tpu.dma_semaphore, #tpu.memory_space<semaphore_mem>>)
      %run_scoped3A_88 = arith.constant 1 : i32
      "tpu.region"() ({
        %run_scoped3A_139 = tpu.sem_alloc : memref<!tpu.dma_semaphore, #tpu.memory_space<semaphore_mem>>
        %dma_start3A_140 = arith.constant 0 : i32
        %dma_start3A_141 = tpu.memref_slice %arg6[%run_scoped3A_88, %dma_start3A_140] : memref<2x128xi32, #tpu.memory_space<vmem>> -> memref<1x128xi32, #tpu.memory_space<vmem>>
        %dma_start3A_142 = tpu.memref_squeeze %dma_start3A_141 : memref<1x128xi32, #tpu.memory_space<vmem>> -> memref<128xi32, #tpu.memory_space<vmem>>
        %dma_start3A_143 = arith.constant 0 : i32
        %dma_start3A_144 = arith.constant 0 : i32
        %dma_start3A_145 = tpu.memref_slice %arg10[%dma_start3A_143, %dma_start3A_144] : memref<10008x128xf32, #tpu.memory_space<vmem_shared>> -> memref<10008x128xf32, #tpu.memory_space<vmem_shared>>
        tpu.enqueue_indirect_dma source(%arg8 : memref<128x128xf32, #tpu.memory_space<vmem>>) target(%dma_start3A_145 : memref<10008x128xf32, #tpu.memory_space<vmem_shared>>) offsets(%dma_start3A_142 : memref<128xi32, #tpu.memory_space<vmem>>) semaphore(%run_scoped3A_139 : memref<!tpu.dma_semaphore, #tpu.memory_space<semaphore_mem>>) {add = true}
        %dma_wait3A_146 = arith.constant 0 : i32
        %dma_wait3A_147 = tpu.memref_slice %arg6[%run_scoped3A_88, %dma_wait3A_146] : memref<2x128xi32, #tpu.memory_space<vmem>> -> memref<1x128xi32, #tpu.memory_space<vmem>>
        %dma_wait3A_148 = tpu.memref_squeeze %dma_wait3A_147 : memref<1x128xi32, #tpu.memory_space<vmem>> -> memref<128xi32, #tpu.memory_space<vmem>>
        %dma_wait3A_149 = arith.constant 0 : i32
        %dma_wait3A_150 = arith.constant 0 : i32
        %dma_wait3A_151 = tpu.memref_slice %arg10[%dma_wait3A_149, %dma_wait3A_150] : memref<10008x128xf32, #tpu.memory_space<vmem_shared>> -> memref<10008x128xf32, #tpu.memory_space<vmem_shared>>
        tpu.wait_indirect_dma semaphore(%run_scoped3A_139 : memref<!tpu.dma_semaphore, #tpu.memory_space<semaphore_mem>>) src(%arg8 : memref<128x128xf32, #tpu.memory_space<vmem>>) dst(%dma_wait3A_151 : memref<10008x128xf32, #tpu.memory_space<vmem_shared>>)
        tpu.yield
      }) : () -> ()
      %add3A_89 = arith.constant 2 : i32
      %add3A_90 = arith.addi %add3A_63, %add3A_89 : i32
      %dma_start3A_91 = arith.constant 0 : i32
      %dma_start3A_92 = arith.constant 0 : i32
      %dma_start3A_93 = tpu.memref_slice %arg3[%add3A, %add3A_90, %dma_start3A_91, %dma_start3A_92] : memref<32x80x2x128xi32, #tpu.memory_space<hbm>> -> memref<1x1x2x128xi32, #tpu.memory_space<hbm>>
      %dma_start3A_94 = tpu.memref_squeeze %dma_start3A_93 : memref<1x1x2x128xi32, #tpu.memory_space<hbm>> -> memref<2x128xi32, #tpu.memory_space<hbm>>
      %dma_start3A_95 = arith.constant 0 : i32
      %dma_start3A_96 = arith.constant 0 : i32
      %dma_start3A_97 = tpu.memref_slice %arg3[%add3A, %add3A_90, %dma_start3A_95, %dma_start3A_96] : memref<32x80x2x128xi32, #tpu.memory_space<hbm>> -> memref<1x1x2x128xi32, #tpu.memory_space<hbm>>
      %dma_start3A_98 = tpu.memref_squeeze %dma_start3A_97 : memref<1x1x2x128xi32, #tpu.memory_space<hbm>> -> memref<2x128xi32, #tpu.memory_space<hbm>>
      tpu.enqueue_dma source(%dma_start3A_98 : memref<2x128xi32, #tpu.memory_space<hbm>>) target(%arg6 : memref<2x128xi32, #tpu.memory_space<vmem>>) target_semaphore(%arg11 : memref<!tpu.dma_semaphore, #tpu.memory_space<semaphore_mem>>)
      %mul3A_99 = arith.constant 2 : i32
      %mul3A_100 = arith.muli %scan3A_58, %mul3A_99 : i32
      %add3A_101 = arith.constant 1 : i32
      %add3A_102 = arith.addi %mul3A_100, %add3A_101 : i32
      %dma_wait3A_103 = arith.constant 0 : i32
      %dma_wait3A_104 = arith.constant 0 : i32
      %dma_wait3A_105 = tpu.memref_slice %arg7[%dma_wait3A_103, %dma_wait3A_104] : memref<2x128xi32, #tpu.memory_space<vmem>> -> memref<1x128xi32, #tpu.memory_space<vmem>>
      %dma_wait3A_106 = tpu.memref_squeeze %dma_wait3A_105 : memref<1x128xi32, #tpu.memory_space<vmem>> -> memref<128xi32, #tpu.memory_space<vmem>>
      %dma_wait3A_107 = arith.constant 0 : i32
      %dma_wait3A_108 = arith.constant 0 : i32
      %dma_wait3A_109 = tpu.memref_slice %arg2[%dma_wait3A_107, %dma_wait3A_108] : memref<10000x128xf32, #tpu.memory_space<hbm>> -> memref<10000x128xf32, #tpu.memory_space<hbm>>
      tpu.wait_indirect_dma semaphore(%arg14 : memref<!tpu.dma_semaphore, #tpu.memory_space<semaphore_mem>>) src(%dma_wait3A_109 : memref<10000x128xf32, #tpu.memory_space<hbm>>) dst(%arg9 : memref<128x128xf32, #tpu.memory_space<vmem>>)
      %add3A_110 = arith.constant 1 : i32
      %add3A_111 = arith.addi %add3A_102, %add3A_110 : i32
      %dma_wait3A_112 = arith.constant 0 : i32
      %dma_wait3A_113 = arith.constant 0 : i32
      %dma_wait3A_114 = tpu.memref_slice %arg3[%add3A, %add3A_111, %dma_wait3A_112, %dma_wait3A_113] : memref<32x80x2x128xi32, #tpu.memory_space<hbm>> -> memref<1x1x2x128xi32, #tpu.memory_space<hbm>>
      %dma_wait3A_115 = tpu.memref_squeeze %dma_wait3A_114 : memref<1x1x2x128xi32, #tpu.memory_space<hbm>> -> memref<2x128xi32, #tpu.memory_space<hbm>>
      %dma_wait3A_116 = arith.constant 0 : i32
      %dma_wait3A_117 = arith.constant 0 : i32
      %dma_wait3A_118 = tpu.memref_slice %arg3[%add3A, %add3A_111, %dma_wait3A_116, %dma_wait3A_117] : memref<32x80x2x128xi32, #tpu.memory_space<hbm>> -> memref<1x1x2x128xi32, #tpu.memory_space<hbm>>
      %dma_wait3A_119 = tpu.memref_squeeze %dma_wait3A_118 : memref<1x1x2x128xi32, #tpu.memory_space<hbm>> -> memref<2x128xi32, #tpu.memory_space<hbm>>
      tpu.wait_dma2 semaphore(%arg11 : memref<!tpu.dma_semaphore, #tpu.memory_space<semaphore_mem>>) src(%dma_wait3A_119 : memref<2x128xi32, #tpu.memory_space<hbm>>) dst(%arg6 : memref<2x128xi32, #tpu.memory_space<vmem>>)
      %dma_start3A_120 = arith.constant 0 : i32
      %dma_start3A_121 = arith.constant 0 : i32
      %dma_start3A_122 = tpu.memref_slice %arg6[%dma_start3A_120, %dma_start3A_121] : memref<2x128xi32, #tpu.memory_space<vmem>> -> memref<1x128xi32, #tpu.memory_space<vmem>>
      %dma_start3A_123 = tpu.memref_squeeze %dma_start3A_122 : memref<1x128xi32, #tpu.memory_space<vmem>> -> memref<128xi32, #tpu.memory_space<vmem>>
      %dma_start3A_124 = arith.constant 0 : i32
      %dma_start3A_125 = arith.constant 0 : i32
      %dma_start3A_126 = tpu.memref_slice %arg2[%dma_start3A_124, %dma_start3A_125] : memref<10000x128xf32, #tpu.memory_space<hbm>> -> memref<10000x128xf32, #tpu.memory_space<hbm>>
      tpu.enqueue_indirect_dma source(%dma_start3A_126 : memref<10000x128xf32, #tpu.memory_space<hbm>>) target(%arg8 : memref<128x128xf32, #tpu.memory_space<vmem>>) offsets(%dma_start3A_123 : memref<128xi32, #tpu.memory_space<vmem>>) semaphore(%arg13 : memref<!tpu.dma_semaphore, #tpu.memory_space<semaphore_mem>>)
      %run_scoped3A_127 = arith.constant 1 : i32
      "tpu.region"() ({
        %run_scoped3A_139 = tpu.sem_alloc : memref<!tpu.dma_semaphore, #tpu.memory_space<semaphore_mem>>
        %dma_start3A_140 = arith.constant 0 : i32
        %dma_start3A_141 = tpu.memref_slice %arg7[%run_scoped3A_127, %dma_start3A_140] : memref<2x128xi32, #tpu.memory_space<vmem>> -> memref<1x128xi32, #tpu.memory_space<vmem>>
        %dma_start3A_142 = tpu.memref_squeeze %dma_start3A_141 : memref<1x128xi32, #tpu.memory_space<vmem>> -> memref<128xi32, #tpu.memory_space<vmem>>
        %dma_start3A_143 = arith.constant 0 : i32
        %dma_start3A_144 = arith.constant 0 : i32
        %dma_start3A_145 = tpu.memref_slice %arg10[%dma_start3A_143, %dma_start3A_144] : memref<10008x128xf32, #tpu.memory_space<vmem_shared>> -> memref<10008x128xf32, #tpu.memory_space<vmem_shared>>
        tpu.enqueue_indirect_dma source(%arg9 : memref<128x128xf32, #tpu.memory_space<vmem>>) target(%dma_start3A_145 : memref<10008x128xf32, #tpu.memory_space<vmem_shared>>) offsets(%dma_start3A_142 : memref<128xi32, #tpu.memory_space<vmem>>) semaphore(%run_scoped3A_139 : memref<!tpu.dma_semaphore, #tpu.memory_space<semaphore_mem>>) {add = true}
        %dma_wait3A_146 = arith.constant 0 : i32
        %dma_wait3A_147 = tpu.memref_slice %arg7[%run_scoped3A_127, %dma_wait3A_146] : memref<2x128xi32, #tpu.memory_space<vmem>> -> memref<1x128xi32, #tpu.memory_space<vmem>>
        %dma_wait3A_148 = tpu.memref_squeeze %dma_wait3A_147 : memref<1x128xi32, #tpu.memory_space<vmem>> -> memref<128xi32, #tpu.memory_space<vmem>>
        %dma_wait3A_149 = arith.constant 0 : i32
        %dma_wait3A_150 = arith.constant 0 : i32
        %dma_wait3A_151 = tpu.memref_slice %arg10[%dma_wait3A_149, %dma_wait3A_150] : memref<10008x128xf32, #tpu.memory_space<vmem_shared>> -> memref<10008x128xf32, #tpu.memory_space<vmem_shared>>
        tpu.wait_indirect_dma semaphore(%run_scoped3A_139 : memref<!tpu.dma_semaphore, #tpu.memory_space<semaphore_mem>>) src(%arg9 : memref<128x128xf32, #tpu.memory_space<vmem>>) dst(%dma_wait3A_151 : memref<10008x128xf32, #tpu.memory_space<vmem_shared>>)
        tpu.yield
      }) : () -> ()
      %add3A_128 = arith.constant 2 : i32
      %add3A_129 = arith.addi %add3A_102, %add3A_128 : i32
      %dma_start3A_130 = arith.constant 0 : i32
      %dma_start3A_131 = arith.constant 0 : i32
      %dma_start3A_132 = tpu.memref_slice %arg3[%add3A, %add3A_129, %dma_start3A_130, %dma_start3A_131] : memref<32x80x2x128xi32, #tpu.memory_space<hbm>> -> memref<1x1x2x128xi32, #tpu.memory_space<hbm>>
      %dma_start3A_133 = tpu.memref_squeeze %dma_start3A_132 : memref<1x1x2x128xi32, #tpu.memory_space<hbm>> -> memref<2x128xi32, #tpu.memory_space<hbm>>
      %dma_start3A_134 = arith.constant 0 : i32
      %dma_start3A_135 = arith.constant 0 : i32
      %dma_start3A_136 = tpu.memref_slice %arg3[%add3A, %add3A_129, %dma_start3A_134, %dma_start3A_135] : memref<32x80x2x128xi32, #tpu.memory_space<hbm>> -> memref<1x1x2x128xi32, #tpu.memory_space<hbm>>
      %dma_start3A_137 = tpu.memref_squeeze %dma_start3A_136 : memref<1x1x2x128xi32, #tpu.memory_space<hbm>> -> memref<2x128xi32, #tpu.memory_space<hbm>>
      tpu.enqueue_dma source(%dma_start3A_137 : memref<2x128xi32, #tpu.memory_space<hbm>>) target(%arg7 : memref<2x128xi32, #tpu.memory_space<vmem>>) target_semaphore(%arg12 : memref<!tpu.dma_semaphore, #tpu.memory_space<semaphore_mem>>)
      %scan3A_138 = arith.constant 0 : i32
      scf.yield %scan3A_138 : i32
    }
    %scan3A_40 = arith.constant 39 : i32
    %dma_wait3A_41 = arith.constant 0 : i32
    %dma_wait3A_42 = arith.constant 0 : i32
    %dma_wait3A_43 = tpu.memref_slice %arg6[%dma_wait3A_41, %dma_wait3A_42] : memref<2x128xi32, #tpu.memory_space<vmem>> -> memref<1x128xi32, #tpu.memory_space<vmem>>
    %dma_wait3A_44 = tpu.memref_squeeze %dma_wait3A_43 : memref<1x128xi32, #tpu.memory_space<vmem>> -> memref<128xi32, #tpu.memory_space<vmem>>
    %dma_wait3A_45 = arith.constant 0 : i32
    %dma_wait3A_46 = arith.constant 0 : i32
    %dma_wait3A_47 = tpu.memref_slice %arg2[%dma_wait3A_45, %dma_wait3A_46] : memref<10000x128xf32, #tpu.memory_space<hbm>> -> memref<10000x128xf32, #tpu.memory_space<hbm>>
    tpu.wait_indirect_dma semaphore(%arg13 : memref<!tpu.dma_semaphore, #tpu.memory_space<semaphore_mem>>) src(%dma_wait3A_47 : memref<10000x128xf32, #tpu.memory_space<hbm>>) dst(%arg8 : memref<128x128xf32, #tpu.memory_space<vmem>>)
    %run_scoped3A = arith.constant 1 : i32
    "tpu.region"() ({
      %run_scoped3A_58 = tpu.sem_alloc : memref<!tpu.dma_semaphore, #tpu.memory_space<semaphore_mem>>
      %dma_start3A_59 = arith.constant 0 : i32
      %dma_start3A_60 = tpu.memref_slice %arg6[%run_scoped3A, %dma_start3A_59] : memref<2x128xi32, #tpu.memory_space<vmem>> -> memref<1x128xi32, #tpu.memory_space<vmem>>
      %dma_start3A_61 = tpu.memref_squeeze %dma_start3A_60 : memref<1x128xi32, #tpu.memory_space<vmem>> -> memref<128xi32, #tpu.memory_space<vmem>>
      %dma_start3A_62 = arith.constant 0 : i32
      %dma_start3A_63 = arith.constant 0 : i32
      %dma_start3A_64 = tpu.memref_slice %arg10[%dma_start3A_62, %dma_start3A_63] : memref<10008x128xf32, #tpu.memory_space<vmem_shared>> -> memref<10008x128xf32, #tpu.memory_space<vmem_shared>>
      tpu.enqueue_indirect_dma source(%arg8 : memref<128x128xf32, #tpu.memory_space<vmem>>) target(%dma_start3A_64 : memref<10008x128xf32, #tpu.memory_space<vmem_shared>>) offsets(%dma_start3A_61 : memref<128xi32, #tpu.memory_space<vmem>>) semaphore(%run_scoped3A_58 : memref<!tpu.dma_semaphore, #tpu.memory_space<semaphore_mem>>) {add = true}
      %dma_wait3A_65 = arith.constant 0 : i32
      %dma_wait3A_66 = tpu.memref_slice %arg6[%run_scoped3A, %dma_wait3A_65] : memref<2x128xi32, #tpu.memory_space<vmem>> -> memref<1x128xi32, #tpu.memory_space<vmem>>
      %dma_wait3A_67 = tpu.memref_squeeze %dma_wait3A_66 : memref<1x128xi32, #tpu.memory_space<vmem>> -> memref<128xi32, #tpu.memory_space<vmem>>
      %dma_wait3A_68 = arith.constant 0 : i32
      %dma_wait3A_69 = arith.constant 0 : i32
      %dma_wait3A_70 = tpu.memref_slice %arg10[%dma_wait3A_68, %dma_wait3A_69] : memref<10008x128xf32, #tpu.memory_space<vmem_shared>> -> memref<10008x128xf32, #tpu.memory_space<vmem_shared>>
      tpu.wait_indirect_dma semaphore(%run_scoped3A_58 : memref<!tpu.dma_semaphore, #tpu.memory_space<semaphore_mem>>) src(%arg8 : memref<128x128xf32, #tpu.memory_space<vmem>>) dst(%dma_wait3A_70 : memref<10008x128xf32, #tpu.memory_space<vmem_shared>>)
      tpu.yield
    }) : () -> ()
    %dma_wait3A_48 = arith.constant 79 : i32
    %dma_wait3A_49 = arith.constant 0 : i32
    %dma_wait3A_50 = arith.constant 0 : i32
    %dma_wait3A_51 = tpu.memref_slice %arg3[%add3A, %dma_wait3A_48, %dma_wait3A_49, %dma_wait3A_50] : memref<32x80x2x128xi32, #tpu.memory_space<hbm>> -> memref<1x1x2x128xi32, #tpu.memory_space<hbm>>
    %dma_wait3A_52 = tpu.memref_squeeze %dma_wait3A_51 : memref<1x1x2x128xi32, #tpu.memory_space<hbm>> -> memref<2x128xi32, #tpu.memory_space<hbm>>
    %dma_wait3A_53 = arith.constant 0 : i32
    %dma_wait3A_54 = arith.constant 0 : i32
    %dma_wait3A_55 = tpu.memref_slice %arg3[%add3A, %dma_wait3A_48, %dma_wait3A_53, %dma_wait3A_54] : memref<32x80x2x128xi32, #tpu.memory_space<hbm>> -> memref<1x1x2x128xi32, #tpu.memory_space<hbm>>
    %dma_wait3A_56 = tpu.memref_squeeze %dma_wait3A_55 : memref<1x1x2x128xi32, #tpu.memory_space<hbm>> -> memref<2x128xi32, #tpu.memory_space<hbm>>
    tpu.wait_dma2 semaphore(%arg12 : memref<!tpu.dma_semaphore, #tpu.memory_space<semaphore_mem>>) src(%dma_wait3A_56 : memref<2x128xi32, #tpu.memory_space<hbm>>) dst(%arg7 : memref<2x128xi32, #tpu.memory_space<vmem>>)
    %barrier3A_57 = arith.constant 0 : index
    tpu.barrier barrier_id(%barrier3A_57)
    "tpu.region"() ({
      %run_scoped3A_58 = tpu.sem_alloc : memref<!tpu.dma_semaphore, #tpu.memory_space<semaphore_mem>>
      %dma_start3A_59 = arith.constant 0 : i32
      %dma_start3A_60 = tpu.memref_slice %arg5[%arg0, %multiple_of3A, %dma_start3A_59] : memref<2x10008x128xf32, #tpu.memory_space<hbm>> -> memref<1x648x128xf32, #tpu.memory_space<hbm>>
      %dma_start3A_61 = tpu.memref_squeeze %dma_start3A_60 : memref<1x648x128xf32, #tpu.memory_space<hbm>> -> memref<648x128xf32, #tpu.memory_space<hbm>>
      %dma_start3A_62 = arith.constant 0 : i32
      %dma_start3A_63 = tpu.memref_slice %arg10[%multiple_of3A, %dma_start3A_62] : memref<10008x128xf32, #tpu.memory_space<vmem_shared>> -> memref<648x128xf32, #tpu.memory_space<vmem_shared>>
      tpu.enqueue_dma source(%dma_start3A_63 : memref<648x128xf32, #tpu.memory_space<vmem_shared>>) target(%dma_start3A_61 : memref<648x128xf32, #tpu.memory_space<hbm>>) target_semaphore(%run_scoped3A_58 : memref<!tpu.dma_semaphore, #tpu.memory_space<semaphore_mem>>)
      %dma_wait3A_64 = arith.constant 0 : i32
      %dma_wait3A_65 = tpu.memref_slice %arg5[%arg0, %multiple_of3A, %dma_wait3A_64] : memref<2x10008x128xf32, #tpu.memory_space<hbm>> -> memref<1x648x128xf32, #tpu.memory_space<hbm>>
      %dma_wait3A_66 = tpu.memref_squeeze %dma_wait3A_65 : memref<1x648x128xf32, #tpu.memory_space<hbm>> -> memref<648x128xf32, #tpu.memory_space<hbm>>
      %dma_wait3A_67 = arith.constant 0 : i32
      %dma_wait3A_68 = tpu.memref_slice %arg10[%multiple_of3A, %dma_wait3A_67] : memref<10008x128xf32, #tpu.memory_space<vmem_shared>> -> memref<648x128xf32, #tpu.memory_space<vmem_shared>>
      tpu.wait_dma2 semaphore(%run_scoped3A_58 : memref<!tpu.dma_semaphore, #tpu.memory_space<semaphore_mem>>) src(%dma_wait3A_68 : memref<648x128xf32, #tpu.memory_space<vmem_shared>>) dst(%dma_wait3A_66 : memref<648x128xf32, #tpu.memory_space<hbm>>)
      tpu.yield
    }) : () -> ()
    return
  }
}

#map = affine_map<(d0, d1) -> (0, 0)>
#map1 = affine_map<(d0, d1) -> (0, 0, 0, 0)>
#map2 = affine_map<(d0, d1) -> (0, 0, 0)>
module attributes {stable_mosaic.version = 14 : i64} {
  func.func @_spmm_body(%arg0: i32, %arg1: i32, %arg2: memref<10000x128xf32, #tpu.memory_space<hbm>>, %arg3: memref<32x80x2x128xi32, #tpu.memory_space<hbm>>, %arg4: memref<10008x128xf32, #tpu.memory_space<hbm>>, %arg5: memref<2x10008x128xf32, #tpu.memory_space<hbm>>, %arg6: memref<2x128xi32, #tpu.memory_space<vmem>>, %arg7: memref<2x128xi32, #tpu.memory_space<vmem>>, %arg8: memref<128x128xf32, #tpu.memory_space<vmem>>, %arg9: memref<128x128xf32, #tpu.memory_space<vmem>>, %arg10: memref<10008x128xf32, #tpu.memory_space<vmem_shared>>, %arg11: memref<!tpu.dma_semaphore, #tpu.memory_space<semaphore_mem>>, %arg12: memref<!tpu.dma_semaphore, #tpu.memory_space<semaphore_mem>>, %arg13: memref<!tpu.dma_semaphore, #tpu.memory_space<semaphore_mem>>, %arg14: memref<!tpu.dma_semaphore, #tpu.memory_space<semaphore_mem>>) attributes {dimension_semantics = [#tpu.dimension_semantics<core_parallel>, #tpu.dimension_semantics<subcore_parallel>], iteration_bounds = array<i64: 2, 16>, scalar_prefetch = 0 : i64, scratch_operands = 9 : i64, tpu.core_type = #tpu.core_type<sc_vector_subcore>, window_params = [{transform_indices = #map}, {transform_indices = #map1}, {transform_indices = #map}, {transform_indices = #map2}]} {
    %mul3A = arith.constant 16 : i32
    %mul3A_0 = arith.muli %arg0, %mul3A : i32
    %add3A = arith.addi %mul3A_0, %arg1 : i32
    %mul3A_1 = arith.constant 624 : i32
    %mul3A_2 = arith.muli %arg1, %mul3A_1 : i32
    %multiple_of3A = tpu.assume_multiple %mul3A_2, 8 : i32
    %dma_start3A = arith.constant 0 : i32
    %dma_start3A_3 = arith.constant 0 : i32
    %dma_start3A_4 = arith.constant 0 : i32
    %dma_start3A_5 = tpu.memref_slice %arg3[%add3A, %dma_start3A, %dma_start3A_3, %dma_start3A_4] : memref<32x80x2x128xi32, #tpu.memory_space<hbm>> -> memref<1x1x2x128xi32, #tpu.memory_space<hbm>>
    %dma_start3A_6 = tpu.memref_squeeze %dma_start3A_5 : memref<1x1x2x128xi32, #tpu.memory_space<hbm>> -> memref<2x128xi32, #tpu.memory_space<hbm>>
    %dma_start3A_7 = arith.constant 0 : i32
    %dma_start3A_8 = arith.constant 0 : i32
    %dma_start3A_9 = tpu.memref_slice %arg3[%add3A, %dma_start3A, %dma_start3A_7, %dma_start3A_8] : memref<32x80x2x128xi32, #tpu.memory_space<hbm>> -> memref<1x1x2x128xi32, #tpu.memory_space<hbm>>
    %dma_start3A_10 = tpu.memref_squeeze %dma_start3A_9 : memref<1x1x2x128xi32, #tpu.memory_space<hbm>> -> memref<2x128xi32, #tpu.memory_space<hbm>>
    tpu.enqueue_dma source(%dma_start3A_10 : memref<2x128xi32, #tpu.memory_space<hbm>>) target(%arg6 : memref<2x128xi32, #tpu.memory_space<vmem>>) target_semaphore(%arg11 : memref<!tpu.dma_semaphore, #tpu.memory_space<semaphore_mem>>)
    %dma_start3A_11 = arith.constant 1 : i32
    %dma_start3A_12 = arith.constant 0 : i32
    %dma_start3A_13 = arith.constant 0 : i32
    %dma_start3A_14 = tpu.memref_slice %arg3[%add3A, %dma_start3A_11, %dma_start3A_12, %dma_start3A_13] : memref<32x80x2x128xi32, #tpu.memory_space<hbm>> -> memref<1x1x2x128xi32, #tpu.memory_space<hbm>>
    %dma_start3A_15 = tpu.memref_squeeze %dma_start3A_14 : memref<1x1x2x128xi32, #tpu.memory_space<hbm>> -> memref<2x128xi32, #tpu.memory_space<hbm>>
    %dma_start3A_16 = arith.constant 0 : i32
    %dma_start3A_17 = arith.constant 0 : i32
    %dma_start3A_18 = tpu.memref_slice %arg3[%add3A, %dma_start3A_11, %dma_start3A_16, %dma_start3A_17] : memref<32x80x2x128xi32, #tpu.memory_space<hbm>> -> memref<1x1x2x128xi32, #tpu.memory_space<hbm>>
    %dma_start3A_19 = tpu.memref_squeeze %dma_start3A_18 : memref<1x1x2x128xi32, #tpu.memory_space<hbm>> -> memref<2x128xi32, #tpu.memory_space<hbm>>
    tpu.enqueue_dma source(%dma_start3A_19 : memref<2x128xi32, #tpu.memory_space<hbm>>) target(%arg7 : memref<2x128xi32, #tpu.memory_space<vmem>>) target_semaphore(%arg12 : memref<!tpu.dma_semaphore, #tpu.memory_space<semaphore_mem>>)
    "tpu.region"() ({
      %run_scoped3A_58 = tpu.sem_alloc : memref<!tpu.dma_semaphore, #tpu.memory_space<semaphore_mem>>
      %dma_start3A_59 = arith.constant 0 : i32
      %dma_start3A_60 = tpu.memref_slice %arg10[%multiple_of3A, %dma_start3A_59] : memref<10008x128xf32, #tpu.memory_space<vmem_shared>> -> memref<648x128xf32, #tpu.memory_space<vmem_shared>>
      %dma_start3A_61 = arith.constant 0 : i32
      %dma_start3A_62 = tpu.memref_slice %arg4[%multiple_of3A, %dma_start3A_61] : memref<10008x128xf32, #tpu.memory_space<hbm>> -> memref<648x128xf32, #tpu.memory_space<hbm>>
      tpu.enqueue_dma source(%dma_start3A_62 : memref<648x128xf32, #tpu.memory_space<hbm>>) target(%dma_start3A_60 : memref<648x128xf32, #tpu.memory_space<vmem_shared>>) target_semaphore(%run_scoped3A_58 : memref<!tpu.dma_semaphore, #tpu.memory_space<semaphore_mem>>)
      %dma_wait3A_63 = arith.constant 0 : i32
      %dma_wait3A_64 = tpu.memref_slice %arg10[%multiple_of3A, %dma_wait3A_63] : memref<10008x128xf32, #tpu.memory_space<vmem_shared>> -> memref<648x128xf32, #tpu.memory_space<vmem_shared>>
      %dma_wait3A_65 = arith.constant 0 : i32
      %dma_wait3A_66 = tpu.memref_slice %arg4[%multiple_of3A, %dma_wait3A_65] : memref<10008x128xf32, #tpu.memory_space<hbm>> -> memref<648x128xf32, #tpu.memory_space<hbm>>
      tpu.wait_dma2 semaphore(%run_scoped3A_58 : memref<!tpu.dma_semaphore, #tpu.memory_space<semaphore_mem>>) src(%dma_wait3A_66 : memref<648x128xf32, #tpu.memory_space<hbm>>) dst(%dma_wait3A_64 : memref<648x128xf32, #tpu.memory_space<vmem_shared>>)
      tpu.yield
    }) : () -> ()
    %barrier3A = arith.constant 0 : index
    tpu.barrier barrier_id(%barrier3A)
    %dma_wait3A = arith.constant 0 : i32
    %dma_wait3A_20 = arith.constant 0 : i32
    %dma_wait3A_21 = arith.constant 0 : i32
    %dma_wait3A_22 = tpu.memref_slice %arg3[%add3A, %dma_wait3A, %dma_wait3A_20, %dma_wait3A_21] : memref<32x80x2x128xi32, #tpu.memory_space<hbm>> -> memref<1x1x2x128xi32, #tpu.memory_space<hbm>>
    %dma_wait3A_23 = tpu.memref_squeeze %dma_wait3A_22 : memref<1x1x2x128xi32, #tpu.memory_space<hbm>> -> memref<2x128xi32, #tpu.memory_space<hbm>>
    %dma_wait3A_24 = arith.constant 0 : i32
    %dma_wait3A_25 = arith.constant 0 : i32
    %dma_wait3A_26 = tpu.memref_slice %arg3[%add3A, %dma_wait3A, %dma_wait3A_24, %dma_wait3A_25] : memref<32x80x2x128xi32, #tpu.memory_space<hbm>> -> memref<1x1x2x128xi32, #tpu.memory_space<hbm>>
    %dma_wait3A_27 = tpu.memref_squeeze %dma_wait3A_26 : memref<1x1x2x128xi32, #tpu.memory_space<hbm>> -> memref<2x128xi32, #tpu.memory_space<hbm>>
    tpu.wait_dma2 semaphore(%arg11 : memref<!tpu.dma_semaphore, #tpu.memory_space<semaphore_mem>>) src(%dma_wait3A_27 : memref<2x128xi32, #tpu.memory_space<hbm>>) dst(%arg6 : memref<2x128xi32, #tpu.memory_space<vmem>>)
    %dma_start3A_28 = arith.constant 0 : i32
    %dma_start3A_29 = arith.constant 0 : i32
    %dma_start3A_30 = tpu.memref_slice %arg6[%dma_start3A_28, %dma_start3A_29] : memref<2x128xi32, #tpu.memory_space<vmem>> -> memref<1x128xi32, #tpu.memory_space<vmem>>
    %dma_start3A_31 = tpu.memref_squeeze %dma_start3A_30 : memref<1x128xi32, #tpu.memory_space<vmem>> -> memref<128xi32, #tpu.memory_space<vmem>>
    %dma_start3A_32 = arith.constant 0 : i32
    %dma_start3A_33 = arith.constant 0 : i32
    %dma_start3A_34 = tpu.memref_slice %arg2[%dma_start3A_32, %dma_start3A_33] : memref<10000x128xf32, #tpu.memory_space<hbm>> -> memref<10000x128xf32, #tpu.memory_space<hbm>>
    tpu.enqueue_indirect_dma source(%dma_start3A_34 : memref<10000x128xf32, #tpu.memory_space<hbm>>) target(%arg8 : memref<128x128xf32, #tpu.memory_space<vmem>>) offsets(%dma_start3A_31 : memref<128xi32, #tpu.memory_space<vmem>>) semaphore(%arg13 : memref<!tpu.dma_semaphore, #tpu.memory_space<semaphore_mem>>)
    %scan3A = arith.constant 0 : i32
    %scan3A_35 = arith.constant 0 : i32
    %scan3A_36 = arith.constant 39 : i32
    %scan3A_37 = arith.addi %scan3A_35, %scan3A_36 : i32
    %scan3A_38 = arith.constant 1 : i32
    %scan3A_39 = scf.for %scan3A_58 = %scan3A_35 to %scan3A_37 step %scan3A_38 iter_args(%scan3A_59 = %scan3A) -> (i32)  : i32 {
      %mul3A_60 = arith.constant 2 : i32
      %mul3A_61 = arith.muli %scan3A_58, %mul3A_60 : i32
      %add3A_62 = arith.constant 0 : i32
      %add3A_63 = arith.addi %mul3A_61, %add3A_62 : i32
      %dma_wait3A_64 = arith.constant 0 : i32
      %dma_wait3A_65 = arith.constant 0 : i32
      %dma_wait3A_66 = tpu.memref_slice %arg6[%dma_wait3A_64, %dma_wait3A_65] : memref<2x128xi32, #tpu.memory_space<vmem>> -> memref<1x128xi32, #tpu.memory_space<vmem>>
      %dma_wait3A_67 = tpu.memref_squeeze %dma_wait3A_66 : memref<1x128xi32, #tpu.memory_space<vmem>> -> memref<128xi32, #tpu.memory_space<vmem>>
      %dma_wait3A_68 = arith.constant 0 : i32
      %dma_wait3A_69 = arith.constant 0 : i32
      %dma_wait3A_70 = tpu.memref_slice %arg2[%dma_wait3A_68, %dma_wait3A_69] : memref<10000x128xf32, #tpu.memory_space<hbm>> -> memref<10000x128xf32, #tpu.memory_space<hbm>>
      tpu.wait_indirect_dma semaphore(%arg13 : memref<!tpu.dma_semaphore, #tpu.memory_space<semaphore_mem>>) src(%dma_wait3A_70 : memref<10000x128xf32, #tpu.memory_space<hbm>>) dst(%arg8 : memref<128x128xf32, #tpu.memory_space<vmem>>)
      %add3A_71 = arith.constant 1 : i32
      %add3A_72 = arith.addi %add3A_63, %add3A_71 : i32
      %dma_wait3A_73 = arith.constant 0 : i32
      %dma_wait3A_74 = arith.constant 0 : i32
      %dma_wait3A_75 = tpu.memref_slice %arg3[%add3A, %add3A_72, %dma_wait3A_73, %dma_wait3A_74] : memref<32x80x2x128xi32, #tpu.memory_space<hbm>> -> memref<1x1x2x128xi32, #tpu.memory_space<hbm>>
      %dma_wait3A_76 = tpu.memref_squeeze %dma_wait3A_75 : memref<1x1x2x128xi32, #tpu.memory_space<hbm>> -> memref<2x128xi32, #tpu.memory_space<hbm>>
      %dma_wait3A_77 = arith.constant 0 : i32
      %dma_wait3A_78 = arith.constant 0 : i32
      %dma_wait3A_79 = tpu.memref_slice %arg3[%add3A, %add3A_72, %dma_wait3A_77, %dma_wait3A_78] : memref<32x80x2x128xi32, #tpu.memory_space<hbm>> -> memref<1x1x2x128xi32, #tpu.memory_space<hbm>>
      %dma_wait3A_80 = tpu.memref_squeeze %dma_wait3A_79 : memref<1x1x2x128xi32, #tpu.memory_space<hbm>> -> memref<2x128xi32, #tpu.memory_space<hbm>>
      tpu.wait_dma2 semaphore(%arg12 : memref<!tpu.dma_semaphore, #tpu.memory_space<semaphore_mem>>) src(%dma_wait3A_80 : memref<2x128xi32, #tpu.memory_space<hbm>>) dst(%arg7 : memref<2x128xi32, #tpu.memory_space<vmem>>)
      %dma_start3A_81 = arith.constant 0 : i32
      %dma_start3A_82 = arith.constant 0 : i32
      %dma_start3A_83 = tpu.memref_slice %arg7[%dma_start3A_81, %dma_start3A_82] : memref<2x128xi32, #tpu.memory_space<vmem>> -> memref<1x128xi32, #tpu.memory_space<vmem>>
      %dma_start3A_84 = tpu.memref_squeeze %dma_start3A_83 : memref<1x128xi32, #tpu.memory_space<vmem>> -> memref<128xi32, #tpu.memory_space<vmem>>
      %dma_start3A_85 = arith.constant 0 : i32
      %dma_start3A_86 = arith.constant 0 : i32
      %dma_start3A_87 = tpu.memref_slice %arg2[%dma_start3A_85, %dma_start3A_86] : memref<10000x128xf32, #tpu.memory_space<hbm>> -> memref<10000x128xf32, #tpu.memory_space<hbm>>
      tpu.enqueue_indirect_dma source(%dma_start3A_87 : memref<10000x128xf32, #tpu.memory_space<hbm>>) target(%arg9 : memref<128x128xf32, #tpu.memory_space<vmem>>) offsets(%dma_start3A_84 : memref<128xi32, #tpu.memory_space<vmem>>) semaphore(%arg14 : memref<!tpu.dma_semaphore, #tpu.memory_space<semaphore_mem>>)
      %run_scoped3A_88 = arith.constant 1 : i32
      "tpu.region"() ({
        %run_scoped3A_139 = tpu.sem_alloc : memref<!tpu.dma_semaphore, #tpu.memory_space<semaphore_mem>>
        %dma_start3A_140 = arith.constant 0 : i32
        %dma_start3A_141 = tpu.memref_slice %arg6[%run_scoped3A_88, %dma_start3A_140] : memref<2x128xi32, #tpu.memory_space<vmem>> -> memref<1x128xi32, #tpu.memory_space<vmem>>
        %dma_start3A_142 = tpu.memref_squeeze %dma_start3A_141 : memref<1x128xi32, #tpu.memory_space<vmem>> -> memref<128xi32, #tpu.memory_space<vmem>>
        %dma_start3A_143 = arith.constant 0 : i32
        %dma_start3A_144 = arith.constant 0 : i32
        %dma_start3A_145 = tpu.memref_slice %arg10[%dma_start3A_143, %dma_start3A_144] : memref<10008x128xf32, #tpu.memory_space<vmem_shared>> -> memref<10008x128xf32, #tpu.memory_space<vmem_shared>>
        tpu.enqueue_indirect_dma source(%arg8 : memref<128x128xf32, #tpu.memory_space<vmem>>) target(%dma_start3A_145 : memref<10008x128xf32, #tpu.memory_space<vmem_shared>>) offsets(%dma_start3A_142 : memref<128xi32, #tpu.memory_space<vmem>>) semaphore(%run_scoped3A_139 : memref<!tpu.dma_semaphore, #tpu.memory_space<semaphore_mem>>) {add = true}
        %dma_wait3A_146 = arith.constant 0 : i32
        %dma_wait3A_147 = tpu.memref_slice %arg6[%run_scoped3A_88, %dma_wait3A_146] : memref<2x128xi32, #tpu.memory_space<vmem>> -> memref<1x128xi32, #tpu.memory_space<vmem>>
        %dma_wait3A_148 = tpu.memref_squeeze %dma_wait3A_147 : memref<1x128xi32, #tpu.memory_space<vmem>> -> memref<128xi32, #tpu.memory_space<vmem>>
        %dma_wait3A_149 = arith.constant 0 : i32
        %dma_wait3A_150 = arith.constant 0 : i32
        %dma_wait3A_151 = tpu.memref_slice %arg10[%dma_wait3A_149, %dma_wait3A_150] : memref<10008x128xf32, #tpu.memory_space<vmem_shared>> -> memref<10008x128xf32, #tpu.memory_space<vmem_shared>>
        tpu.wait_indirect_dma semaphore(%run_scoped3A_139 : memref<!tpu.dma_semaphore, #tpu.memory_space<semaphore_mem>>) src(%arg8 : memref<128x128xf32, #tpu.memory_space<vmem>>) dst(%dma_wait3A_151 : memref<10008x128xf32, #tpu.memory_space<vmem_shared>>)
        tpu.yield
      }) : () -> ()
      %add3A_89 = arith.constant 2 : i32
      %add3A_90 = arith.addi %add3A_63, %add3A_89 : i32
      %dma_start3A_91 = arith.constant 0 : i32
      %dma_start3A_92 = arith.constant 0 : i32
      %dma_start3A_93 = tpu.memref_slice %arg3[%add3A, %add3A_90, %dma_start3A_91, %dma_start3A_92] : memref<32x80x2x128xi32, #tpu.memory_space<hbm>> -> memref<1x1x2x128xi32, #tpu.memory_space<hbm>>
      %dma_start3A_94 = tpu.memref_squeeze %dma_start3A_93 : memref<1x1x2x128xi32, #tpu.memory_space<hbm>> -> memref<2x128xi32, #tpu.memory_space<hbm>>
      %dma_start3A_95 = arith.constant 0 : i32
      %dma_start3A_96 = arith.constant 0 : i32
      %dma_start3A_97 = tpu.memref_slice %arg3[%add3A, %add3A_90, %dma_start3A_95, %dma_start3A_96] : memref<32x80x2x128xi32, #tpu.memory_space<hbm>> -> memref<1x1x2x128xi32, #tpu.memory_space<hbm>>
      %dma_start3A_98 = tpu.memref_squeeze %dma_start3A_97 : memref<1x1x2x128xi32, #tpu.memory_space<hbm>> -> memref<2x128xi32, #tpu.memory_space<hbm>>
      tpu.enqueue_dma source(%dma_start3A_98 : memref<2x128xi32, #tpu.memory_space<hbm>>) target(%arg6 : memref<2x128xi32, #tpu.memory_space<vmem>>) target_semaphore(%arg11 : memref<!tpu.dma_semaphore, #tpu.memory_space<semaphore_mem>>)
      %mul3A_99 = arith.constant 2 : i32
      %mul3A_100 = arith.muli %scan3A_58, %mul3A_99 : i32
      %add3A_101 = arith.constant 1 : i32
      %add3A_102 = arith.addi %mul3A_100, %add3A_101 : i32
      %dma_wait3A_103 = arith.constant 0 : i32
      %dma_wait3A_104 = arith.constant 0 : i32
      %dma_wait3A_105 = tpu.memref_slice %arg7[%dma_wait3A_103, %dma_wait3A_104] : memref<2x128xi32, #tpu.memory_space<vmem>> -> memref<1x128xi32, #tpu.memory_space<vmem>>
      %dma_wait3A_106 = tpu.memref_squeeze %dma_wait3A_105 : memref<1x128xi32, #tpu.memory_space<vmem>> -> memref<128xi32, #tpu.memory_space<vmem>>
      %dma_wait3A_107 = arith.constant 0 : i32
      %dma_wait3A_108 = arith.constant 0 : i32
      %dma_wait3A_109 = tpu.memref_slice %arg2[%dma_wait3A_107, %dma_wait3A_108] : memref<10000x128xf32, #tpu.memory_space<hbm>> -> memref<10000x128xf32, #tpu.memory_space<hbm>>
      tpu.wait_indirect_dma semaphore(%arg14 : memref<!tpu.dma_semaphore, #tpu.memory_space<semaphore_mem>>) src(%dma_wait3A_109 : memref<10000x128xf32, #tpu.memory_space<hbm>>) dst(%arg9 : memref<128x128xf32, #tpu.memory_space<vmem>>)
      %add3A_110 = arith.constant 1 : i32
      %add3A_111 = arith.addi %add3A_102, %add3A_110 : i32
      %dma_wait3A_112 = arith.constant 0 : i32
      %dma_wait3A_113 = arith.constant 0 : i32
      %dma_wait3A_114 = tpu.memref_slice %arg3[%add3A, %add3A_111, %dma_wait3A_112, %dma_wait3A_113] : memref<32x80x2x128xi32, #tpu.memory_space<hbm>> -> memref<1x1x2x128xi32, #tpu.memory_space<hbm>>
      %dma_wait3A_115 = tpu.memref_squeeze %dma_wait3A_114 : memref<1x1x2x128xi32, #tpu.memory_space<hbm>> -> memref<2x128xi32, #tpu.memory_space<hbm>>
      %dma_wait3A_116 = arith.constant 0 : i32
      %dma_wait3A_117 = arith.constant 0 : i32
      %dma_wait3A_118 = tpu.memref_slice %arg3[%add3A, %add3A_111, %dma_wait3A_116, %dma_wait3A_117] : memref<32x80x2x128xi32, #tpu.memory_space<hbm>> -> memref<1x1x2x128xi32, #tpu.memory_space<hbm>>
      %dma_wait3A_119 = tpu.memref_squeeze %dma_wait3A_118 : memref<1x1x2x128xi32, #tpu.memory_space<hbm>> -> memref<2x128xi32, #tpu.memory_space<hbm>>
      tpu.wait_dma2 semaphore(%arg11 : memref<!tpu.dma_semaphore, #tpu.memory_space<semaphore_mem>>) src(%dma_wait3A_119 : memref<2x128xi32, #tpu.memory_space<hbm>>) dst(%arg6 : memref<2x128xi32, #tpu.memory_space<vmem>>)
      %dma_start3A_120 = arith.constant 0 : i32
      %dma_start3A_121 = arith.constant 0 : i32
      %dma_start3A_122 = tpu.memref_slice %arg6[%dma_start3A_120, %dma_start3A_121] : memref<2x128xi32, #tpu.memory_space<vmem>> -> memref<1x128xi32, #tpu.memory_space<vmem>>
      %dma_start3A_123 = tpu.memref_squeeze %dma_start3A_122 : memref<1x128xi32, #tpu.memory_space<vmem>> -> memref<128xi32, #tpu.memory_space<vmem>>
      %dma_start3A_124 = arith.constant 0 : i32
      %dma_start3A_125 = arith.constant 0 : i32
      %dma_start3A_126 = tpu.memref_slice %arg2[%dma_start3A_124, %dma_start3A_125] : memref<10000x128xf32, #tpu.memory_space<hbm>> -> memref<10000x128xf32, #tpu.memory_space<hbm>>
      tpu.enqueue_indirect_dma source(%dma_start3A_126 : memref<10000x128xf32, #tpu.memory_space<hbm>>) target(%arg8 : memref<128x128xf32, #tpu.memory_space<vmem>>) offsets(%dma_start3A_123 : memref<128xi32, #tpu.memory_space<vmem>>) semaphore(%arg13 : memref<!tpu.dma_semaphore, #tpu.memory_space<semaphore_mem>>)
      %run_scoped3A_127 = arith.constant 1 : i32
      "tpu.region"() ({
        %run_scoped3A_139 = tpu.sem_alloc : memref<!tpu.dma_semaphore, #tpu.memory_space<semaphore_mem>>
        %dma_start3A_140 = arith.constant 0 : i32
        %dma_start3A_141 = tpu.memref_slice %arg7[%run_scoped3A_127, %dma_start3A_140] : memref<2x128xi32, #tpu.memory_space<vmem>> -> memref<1x128xi32, #tpu.memory_space<vmem>>
        %dma_start3A_142 = tpu.memref_squeeze %dma_start3A_141 : memref<1x128xi32, #tpu.memory_space<vmem>> -> memref<128xi32, #tpu.memory_space<vmem>>
        %dma_start3A_143 = arith.constant 0 : i32
        %dma_start3A_144 = arith.constant 0 : i32
        %dma_start3A_145 = tpu.memref_slice %arg10[%dma_start3A_143, %dma_start3A_144] : memref<10008x128xf32, #tpu.memory_space<vmem_shared>> -> memref<10008x128xf32, #tpu.memory_space<vmem_shared>>
        tpu.enqueue_indirect_dma source(%arg9 : memref<128x128xf32, #tpu.memory_space<vmem>>) target(%dma_start3A_145 : memref<10008x128xf32, #tpu.memory_space<vmem_shared>>) offsets(%dma_start3A_142 : memref<128xi32, #tpu.memory_space<vmem>>) semaphore(%run_scoped3A_139 : memref<!tpu.dma_semaphore, #tpu.memory_space<semaphore_mem>>) {add = true}
        %dma_wait3A_146 = arith.constant 0 : i32
        %dma_wait3A_147 = tpu.memref_slice %arg7[%run_scoped3A_127, %dma_wait3A_146] : memref<2x128xi32, #tpu.memory_space<vmem>> -> memref<1x128xi32, #tpu.memory_space<vmem>>
        %dma_wait3A_148 = tpu.memref_squeeze %dma_wait3A_147 : memref<1x128xi32, #tpu.memory_space<vmem>> -> memref<128xi32, #tpu.memory_space<vmem>>
        %dma_wait3A_149 = arith.constant 0 : i32
        %dma_wait3A_150 = arith.constant 0 : i32
        %dma_wait3A_151 = tpu.memref_slice %arg10[%dma_wait3A_149, %dma_wait3A_150] : memref<10008x128xf32, #tpu.memory_space<vmem_shared>> -> memref<10008x128xf32, #tpu.memory_space<vmem_shared>>
        tpu.wait_indirect_dma semaphore(%run_scoped3A_139 : memref<!tpu.dma_semaphore, #tpu.memory_space<semaphore_mem>>) src(%arg9 : memref<128x128xf32, #tpu.memory_space<vmem>>) dst(%dma_wait3A_151 : memref<10008x128xf32, #tpu.memory_space<vmem_shared>>)
        tpu.yield
      }) : () -> ()
      %add3A_128 = arith.constant 2 : i32
      %add3A_129 = arith.addi %add3A_102, %add3A_128 : i32
      %dma_start3A_130 = arith.constant 0 : i32
      %dma_start3A_131 = arith.constant 0 : i32
      %dma_start3A_132 = tpu.memref_slice %arg3[%add3A, %add3A_129, %dma_start3A_130, %dma_start3A_131] : memref<32x80x2x128xi32, #tpu.memory_space<hbm>> -> memref<1x1x2x128xi32, #tpu.memory_space<hbm>>
      %dma_start3A_133 = tpu.memref_squeeze %dma_start3A_132 : memref<1x1x2x128xi32, #tpu.memory_space<hbm>> -> memref<2x128xi32, #tpu.memory_space<hbm>>
      %dma_start3A_134 = arith.constant 0 : i32
      %dma_start3A_135 = arith.constant 0 : i32
      %dma_start3A_136 = tpu.memref_slice %arg3[%add3A, %add3A_129, %dma_start3A_134, %dma_start3A_135] : memref<32x80x2x128xi32, #tpu.memory_space<hbm>> -> memref<1x1x2x128xi32, #tpu.memory_space<hbm>>
      %dma_start3A_137 = tpu.memref_squeeze %dma_start3A_136 : memref<1x1x2x128xi32, #tpu.memory_space<hbm>> -> memref<2x128xi32, #tpu.memory_space<hbm>>
      tpu.enqueue_dma source(%dma_start3A_137 : memref<2x128xi32, #tpu.memory_space<hbm>>) target(%arg7 : memref<2x128xi32, #tpu.memory_space<vmem>>) target_semaphore(%arg12 : memref<!tpu.dma_semaphore, #tpu.memory_space<semaphore_mem>>)
      %scan3A_138 = arith.constant 0 : i32
      scf.yield %scan3A_138 : i32
    }
    %scan3A_40 = arith.constant 39 : i32
    %dma_wait3A_41 = arith.constant 0 : i32
    %dma_wait3A_42 = arith.constant 0 : i32
    %dma_wait3A_43 = tpu.memref_slice %arg6[%dma_wait3A_41, %dma_wait3A_42] : memref<2x128xi32, #tpu.memory_space<vmem>> -> memref<1x128xi32, #tpu.memory_space<vmem>>
    %dma_wait3A_44 = tpu.memref_squeeze %dma_wait3A_43 : memref<1x128xi32, #tpu.memory_space<vmem>> -> memref<128xi32, #tpu.memory_space<vmem>>
    %dma_wait3A_45 = arith.constant 0 : i32
    %dma_wait3A_46 = arith.constant 0 : i32
    %dma_wait3A_47 = tpu.memref_slice %arg2[%dma_wait3A_45, %dma_wait3A_46] : memref<10000x128xf32, #tpu.memory_space<hbm>> -> memref<10000x128xf32, #tpu.memory_space<hbm>>
    tpu.wait_indirect_dma semaphore(%arg13 : memref<!tpu.dma_semaphore, #tpu.memory_space<semaphore_mem>>) src(%dma_wait3A_47 : memref<10000x128xf32, #tpu.memory_space<hbm>>) dst(%arg8 : memref<128x128xf32, #tpu.memory_space<vmem>>)
    %run_scoped3A = arith.constant 1 : i32
    "tpu.region"() ({
      %run_scoped3A_58 = tpu.sem_alloc : memref<!tpu.dma_semaphore, #tpu.memory_space<semaphore_mem>>
      %dma_start3A_59 = arith.constant 0 : i32
      %dma_start3A_60 = tpu.memref_slice %arg6[%run_scoped3A, %dma_start3A_59] : memref<2x128xi32, #tpu.memory_space<vmem>> -> memref<1x128xi32, #tpu.memory_space<vmem>>
      %dma_start3A_61 = tpu.memref_squeeze %dma_start3A_60 : memref<1x128xi32, #tpu.memory_space<vmem>> -> memref<128xi32, #tpu.memory_space<vmem>>
      %dma_start3A_62 = arith.constant 0 : i32
      %dma_start3A_63 = arith.constant 0 : i32
      %dma_start3A_64 = tpu.memref_slice %arg10[%dma_start3A_62, %dma_start3A_63] : memref<10008x128xf32, #tpu.memory_space<vmem_shared>> -> memref<10008x128xf32, #tpu.memory_space<vmem_shared>>
      tpu.enqueue_indirect_dma source(%arg8 : memref<128x128xf32, #tpu.memory_space<vmem>>) target(%dma_start3A_64 : memref<10008x128xf32, #tpu.memory_space<vmem_shared>>) offsets(%dma_start3A_61 : memref<128xi32, #tpu.memory_space<vmem>>) semaphore(%run_scoped3A_58 : memref<!tpu.dma_semaphore, #tpu.memory_space<semaphore_mem>>) {add = true}
      %dma_wait3A_65 = arith.constant 0 : i32
      %dma_wait3A_66 = tpu.memref_slice %arg6[%run_scoped3A, %dma_wait3A_65] : memref<2x128xi32, #tpu.memory_space<vmem>> -> memref<1x128xi32, #tpu.memory_space<vmem>>
      %dma_wait3A_67 = tpu.memref_squeeze %dma_wait3A_66 : memref<1x128xi32, #tpu.memory_space<vmem>> -> memref<128xi32, #tpu.memory_space<vmem>>
      %dma_wait3A_68 = arith.constant 0 : i32
      %dma_wait3A_69 = arith.constant 0 : i32
      %dma_wait3A_70 = tpu.memref_slice %arg10[%dma_wait3A_68, %dma_wait3A_69] : memref<10008x128xf32, #tpu.memory_space<vmem_shared>> -> memref<10008x128xf32, #tpu.memory_space<vmem_shared>>
      tpu.wait_indirect_dma semaphore(%run_scoped3A_58 : memref<!tpu.dma_semaphore, #tpu.memory_space<semaphore_mem>>) src(%arg8 : memref<128x128xf32, #tpu.memory_space<vmem>>) dst(%dma_wait3A_70 : memref<10008x128xf32, #tpu.memory_space<vmem_shared>>)
      tpu.yield
    }) : () -> ()
    %dma_wait3A_48 = arith.constant 79 : i32
    %dma_wait3A_49 = arith.constant 0 : i32
    %dma_wait3A_50 = arith.constant 0 : i32
    %dma_wait3A_51 = tpu.memref_slice %arg3[%add3A, %dma_wait3A_48, %dma_wait3A_49, %dma_wait3A_50] : memref<32x80x2x128xi32, #tpu.memory_space<hbm>> -> memref<1x1x2x128xi32, #tpu.memory_space<hbm>>
    %dma_wait3A_52 = tpu.memref_squeeze %dma_wait3A_51 : memref<1x1x2x128xi32, #tpu.memory_space<hbm>> -> memref<2x128xi32, #tpu.memory_space<hbm>>
    %dma_wait3A_53 = arith.constant 0 : i32
    %dma_wait3A_54 = arith.constant 0 : i32
    %dma_wait3A_55 = tpu.memref_slice %arg3[%add3A, %dma_wait3A_48, %dma_wait3A_53, %dma_wait3A_54] : memref<32x80x2x128xi32, #tpu.memory_space<hbm>> -> memref<1x1x2x128xi32, #tpu.memory_space<hbm>>
    %dma_wait3A_56 = tpu.memref_squeeze %dma_wait3A_55 : memref<1x1x2x128xi32, #tpu.memory_space<hbm>> -> memref<2x128xi32, #tpu.memory_space<hbm>>
    tpu.wait_dma2 semaphore(%arg12 : memref<!tpu.dma_semaphore, #tpu.memory_space<semaphore_mem>>) src(%dma_wait3A_56 : memref<2x128xi32, #tpu.memory_space<hbm>>) dst(%arg7 : memref<2x128xi32, #tpu.memory_space<vmem>>)
    %barrier3A_57 = arith.constant 0 : index
    tpu.barrier barrier_id(%barrier3A_57)
    "tpu.region"() ({
      %run_scoped3A_58 = tpu.sem_alloc : memref<!tpu.dma_semaphore, #tpu.memory_space<semaphore_mem>>
      %dma_start3A_59 = arith.constant 0 : i32
      %dma_start3A_60 = tpu.memref_slice %arg5[%arg0, %multiple_of3A, %dma_start3A_59] : memref<2x10008x128xf32, #tpu.memory_space<hbm>> -> memref<1x648x128xf32, #tpu.memory_space<hbm>>
      %dma_start3A_61 = tpu.memref_squeeze %dma_start3A_60 : memref<1x648x128xf32, #tpu.memory_space<hbm>> -> memref<648x128xf32, #tpu.memory_space<hbm>>
      %dma_start3A_62 = arith.constant 0 : i32
      %dma_start3A_63 = tpu.memref_slice %arg10[%multiple_of3A, %dma_start3A_62] : memref<10008x128xf32, #tpu.memory_space<vmem_shared>> -> memref<648x128xf32, #tpu.memory_space<vmem_shared>>
      tpu.enqueue_dma source(%dma_start3A_63 : memref<648x128xf32, #tpu.memory_space<vmem_shared>>) target(%dma_start3A_61 : memref<648x128xf32, #tpu.memory_space<hbm>>) target_semaphore(%run_scoped3A_58 : memref<!tpu.dma_semaphore, #tpu.memory_space<semaphore_mem>>)
      %dma_wait3A_64 = arith.constant 0 : i32
      %dma_wait3A_65 = tpu.memref_slice %arg5[%arg0, %multiple_of3A, %dma_wait3A_64] : memref<2x10008x128xf32, #tpu.memory_space<hbm>> -> memref<1x648x128xf32, #tpu.memory_space<hbm>>
      %dma_wait3A_66 = tpu.memref_squeeze %dma_wait3A_65 : memref<1x648x128xf32, #tpu.memory_space<hbm>> -> memref<648x128xf32, #tpu.memory_space<hbm>>
      %dma_wait3A_67 = arith.constant 0 : i32
      %dma_wait3A_68 = tpu.memref_slice %arg10[%multiple_of3A, %dma_wait3A_67] : memref<10008x128xf32, #tpu.memory_space<vmem_shared>> -> memref<648x128xf32, #tpu.memory_space<vmem_shared>>
      tpu.wait_dma2 semaphore(%run_scoped3A_58 : memref<!tpu.dma_semaphore, #tpu.memory_space<semaphore_mem>>) src(%dma_wait3A_68 : memref<648x128xf32, #tpu.memory_space<vmem_shared>>) dst(%dma_wait3A_66 : memref<648x128xf32, #tpu.memory_space<hbm>>)
      tpu.yield
    }) : () -> ()
    return
  }
}

#map = affine_map<(d0, d1) -> (0, 0)>
#map1 = affine_map<(d0, d1) -> (0, 0, 0, 0)>
#map2 = affine_map<(d0, d1) -> (0, 0, 0)>
module attributes {stable_mosaic.version = 14 : i64} {
  func.func @_spmm_body(%arg0: i32, %arg1: i32, %arg2: memref<10000x128xf32, #tpu.memory_space<hbm>>, %arg3: memref<32x80x2x128xi32, #tpu.memory_space<hbm>>, %arg4: memref<10008x128xf32, #tpu.memory_space<hbm>>, %arg5: memref<2x10008x128xf32, #tpu.memory_space<hbm>>, %arg6: memref<2x128xi32, #tpu.memory_space<vmem>>, %arg7: memref<2x128xi32, #tpu.memory_space<vmem>>, %arg8: memref<128x128xf32, #tpu.memory_space<vmem>>, %arg9: memref<128x128xf32, #tpu.memory_space<vmem>>, %arg10: memref<10008x128xf32, #tpu.memory_space<vmem_shared>>, %arg11: memref<!tpu.dma_semaphore, #tpu.memory_space<semaphore_mem>>, %arg12: memref<!tpu.dma_semaphore, #tpu.memory_space<semaphore_mem>>, %arg13: memref<!tpu.dma_semaphore, #tpu.memory_space<semaphore_mem>>, %arg14: memref<!tpu.dma_semaphore, #tpu.memory_space<semaphore_mem>>) attributes {dimension_semantics = [#tpu.dimension_semantics<core_parallel>, #tpu.dimension_semantics<subcore_parallel>], iteration_bounds = array<i64: 2, 16>, scalar_prefetch = 0 : i64, scratch_operands = 9 : i64, tpu.core_type = #tpu.core_type<sc_vector_subcore>, window_params = [{transform_indices = #map}, {transform_indices = #map1}, {transform_indices = #map}, {transform_indices = #map2}]} {
    %mul3A = arith.constant 16 : i32
    %mul3A_0 = arith.muli %arg0, %mul3A : i32
    %add3A = arith.addi %mul3A_0, %arg1 : i32
    %mul3A_1 = arith.constant 624 : i32
    %mul3A_2 = arith.muli %arg1, %mul3A_1 : i32
    %multiple_of3A = tpu.assume_multiple %mul3A_2, 8 : i32
    %dma_start3A = arith.constant 0 : i32
    %dma_start3A_3 = arith.constant 0 : i32
    %dma_start3A_4 = arith.constant 0 : i32
    %dma_start3A_5 = tpu.memref_slice %arg3[%add3A, %dma_start3A, %dma_start3A_3, %dma_start3A_4] : memref<32x80x2x128xi32, #tpu.memory_space<hbm>> -> memref<1x1x2x128xi32, #tpu.memory_space<hbm>>
    %dma_start3A_6 = tpu.memref_squeeze %dma_start3A_5 : memref<1x1x2x128xi32, #tpu.memory_space<hbm>> -> memref<2x128xi32, #tpu.memory_space<hbm>>
    %dma_start3A_7 = arith.constant 0 : i32
    %dma_start3A_8 = arith.constant 0 : i32
    %dma_start3A_9 = tpu.memref_slice %arg3[%add3A, %dma_start3A, %dma_start3A_7, %dma_start3A_8] : memref<32x80x2x128xi32, #tpu.memory_space<hbm>> -> memref<1x1x2x128xi32, #tpu.memory_space<hbm>>
    %dma_start3A_10 = tpu.memref_squeeze %dma_start3A_9 : memref<1x1x2x128xi32, #tpu.memory_space<hbm>> -> memref<2x128xi32, #tpu.memory_space<hbm>>
    tpu.enqueue_dma source(%dma_start3A_10 : memref<2x128xi32, #tpu.memory_space<hbm>>) target(%arg6 : memref<2x128xi32, #tpu.memory_space<vmem>>) target_semaphore(%arg11 : memref<!tpu.dma_semaphore, #tpu.memory_space<semaphore_mem>>)
    %dma_start3A_11 = arith.constant 1 : i32
    %dma_start3A_12 = arith.constant 0 : i32
    %dma_start3A_13 = arith.constant 0 : i32
    %dma_start3A_14 = tpu.memref_slice %arg3[%add3A, %dma_start3A_11, %dma_start3A_12, %dma_start3A_13] : memref<32x80x2x128xi32, #tpu.memory_space<hbm>> -> memref<1x1x2x128xi32, #tpu.memory_space<hbm>>
    %dma_start3A_15 = tpu.memref_squeeze %dma_start3A_14 : memref<1x1x2x128xi32, #tpu.memory_space<hbm>> -> memref<2x128xi32, #tpu.memory_space<hbm>>
    %dma_start3A_16 = arith.constant 0 : i32
    %dma_start3A_17 = arith.constant 0 : i32
    %dma_start3A_18 = tpu.memref_slice %arg3[%add3A, %dma_start3A_11, %dma_start3A_16, %dma_start3A_17] : memref<32x80x2x128xi32, #tpu.memory_space<hbm>> -> memref<1x1x2x128xi32, #tpu.memory_space<hbm>>
    %dma_start3A_19 = tpu.memref_squeeze %dma_start3A_18 : memref<1x1x2x128xi32, #tpu.memory_space<hbm>> -> memref<2x128xi32, #tpu.memory_space<hbm>>
    tpu.enqueue_dma source(%dma_start3A_19 : memref<2x128xi32, #tpu.memory_space<hbm>>) target(%arg7 : memref<2x128xi32, #tpu.memory_space<vmem>>) target_semaphore(%arg12 : memref<!tpu.dma_semaphore, #tpu.memory_space<semaphore_mem>>)
    "tpu.region"() ({
      %run_scoped3A_58 = tpu.sem_alloc : memref<!tpu.dma_semaphore, #tpu.memory_space<semaphore_mem>>
      %dma_start3A_59 = arith.constant 0 : i32
      %dma_start3A_60 = tpu.memref_slice %arg10[%multiple_of3A, %dma_start3A_59] : memref<10008x128xf32, #tpu.memory_space<vmem_shared>> -> memref<648x128xf32, #tpu.memory_space<vmem_shared>>
      %dma_start3A_61 = arith.constant 0 : i32
      %dma_start3A_62 = tpu.memref_slice %arg4[%multiple_of3A, %dma_start3A_61] : memref<10008x128xf32, #tpu.memory_space<hbm>> -> memref<648x128xf32, #tpu.memory_space<hbm>>
      tpu.enqueue_dma source(%dma_start3A_62 : memref<648x128xf32, #tpu.memory_space<hbm>>) target(%dma_start3A_60 : memref<648x128xf32, #tpu.memory_space<vmem_shared>>) target_semaphore(%run_scoped3A_58 : memref<!tpu.dma_semaphore, #tpu.memory_space<semaphore_mem>>)
      %dma_wait3A_63 = arith.constant 0 : i32
      %dma_wait3A_64 = tpu.memref_slice %arg10[%multiple_of3A, %dma_wait3A_63] : memref<10008x128xf32, #tpu.memory_space<vmem_shared>> -> memref<648x128xf32, #tpu.memory_space<vmem_shared>>
      %dma_wait3A_65 = arith.constant 0 : i32
      %dma_wait3A_66 = tpu.memref_slice %arg4[%multiple_of3A, %dma_wait3A_65] : memref<10008x128xf32, #tpu.memory_space<hbm>> -> memref<648x128xf32, #tpu.memory_space<hbm>>
      tpu.wait_dma2 semaphore(%run_scoped3A_58 : memref<!tpu.dma_semaphore, #tpu.memory_space<semaphore_mem>>) src(%dma_wait3A_66 : memref<648x128xf32, #tpu.memory_space<hbm>>) dst(%dma_wait3A_64 : memref<648x128xf32, #tpu.memory_space<vmem_shared>>)
      tpu.yield
    }) : () -> ()
    %barrier3A = arith.constant 0 : index
    tpu.barrier barrier_id(%barrier3A)
    %dma_wait3A = arith.constant 0 : i32
    %dma_wait3A_20 = arith.constant 0 : i32
    %dma_wait3A_21 = arith.constant 0 : i32
    %dma_wait3A_22 = tpu.memref_slice %arg3[%add3A, %dma_wait3A, %dma_wait3A_20, %dma_wait3A_21] : memref<32x80x2x128xi32, #tpu.memory_space<hbm>> -> memref<1x1x2x128xi32, #tpu.memory_space<hbm>>
    %dma_wait3A_23 = tpu.memref_squeeze %dma_wait3A_22 : memref<1x1x2x128xi32, #tpu.memory_space<hbm>> -> memref<2x128xi32, #tpu.memory_space<hbm>>
    %dma_wait3A_24 = arith.constant 0 : i32
    %dma_wait3A_25 = arith.constant 0 : i32
    %dma_wait3A_26 = tpu.memref_slice %arg3[%add3A, %dma_wait3A, %dma_wait3A_24, %dma_wait3A_25] : memref<32x80x2x128xi32, #tpu.memory_space<hbm>> -> memref<1x1x2x128xi32, #tpu.memory_space<hbm>>
    %dma_wait3A_27 = tpu.memref_squeeze %dma_wait3A_26 : memref<1x1x2x128xi32, #tpu.memory_space<hbm>> -> memref<2x128xi32, #tpu.memory_space<hbm>>
    tpu.wait_dma2 semaphore(%arg11 : memref<!tpu.dma_semaphore, #tpu.memory_space<semaphore_mem>>) src(%dma_wait3A_27 : memref<2x128xi32, #tpu.memory_space<hbm>>) dst(%arg6 : memref<2x128xi32, #tpu.memory_space<vmem>>)
    %dma_start3A_28 = arith.constant 0 : i32
    %dma_start3A_29 = arith.constant 0 : i32
    %dma_start3A_30 = tpu.memref_slice %arg6[%dma_start3A_28, %dma_start3A_29] : memref<2x128xi32, #tpu.memory_space<vmem>> -> memref<1x128xi32, #tpu.memory_space<vmem>>
    %dma_start3A_31 = tpu.memref_squeeze %dma_start3A_30 : memref<1x128xi32, #tpu.memory_space<vmem>> -> memref<128xi32, #tpu.memory_space<vmem>>
    %dma_start3A_32 = arith.constant 0 : i32
    %dma_start3A_33 = arith.constant 0 : i32
    %dma_start3A_34 = tpu.memref_slice %arg2[%dma_start3A_32, %dma_start3A_33] : memref<10000x128xf32, #tpu.memory_space<hbm>> -> memref<10000x128xf32, #tpu.memory_space<hbm>>
    tpu.enqueue_indirect_dma source(%dma_start3A_34 : memref<10000x128xf32, #tpu.memory_space<hbm>>) target(%arg8 : memref<128x128xf32, #tpu.memory_space<vmem>>) offsets(%dma_start3A_31 : memref<128xi32, #tpu.memory_space<vmem>>) semaphore(%arg13 : memref<!tpu.dma_semaphore, #tpu.memory_space<semaphore_mem>>)
    %scan3A = arith.constant 0 : i32
    %scan3A_35 = arith.constant 0 : i32
    %scan3A_36 = arith.constant 39 : i32
    %scan3A_37 = arith.addi %scan3A_35, %scan3A_36 : i32
    %scan3A_38 = arith.constant 1 : i32
    %scan3A_39 = scf.for %scan3A_58 = %scan3A_35 to %scan3A_37 step %scan3A_38 iter_args(%scan3A_59 = %scan3A) -> (i32)  : i32 {
      %mul3A_60 = arith.constant 2 : i32
      %mul3A_61 = arith.muli %scan3A_58, %mul3A_60 : i32
      %add3A_62 = arith.constant 0 : i32
      %add3A_63 = arith.addi %mul3A_61, %add3A_62 : i32
      %dma_wait3A_64 = arith.constant 0 : i32
      %dma_wait3A_65 = arith.constant 0 : i32
      %dma_wait3A_66 = tpu.memref_slice %arg6[%dma_wait3A_64, %dma_wait3A_65] : memref<2x128xi32, #tpu.memory_space<vmem>> -> memref<1x128xi32, #tpu.memory_space<vmem>>
      %dma_wait3A_67 = tpu.memref_squeeze %dma_wait3A_66 : memref<1x128xi32, #tpu.memory_space<vmem>> -> memref<128xi32, #tpu.memory_space<vmem>>
      %dma_wait3A_68 = arith.constant 0 : i32
      %dma_wait3A_69 = arith.constant 0 : i32
      %dma_wait3A_70 = tpu.memref_slice %arg2[%dma_wait3A_68, %dma_wait3A_69] : memref<10000x128xf32, #tpu.memory_space<hbm>> -> memref<10000x128xf32, #tpu.memory_space<hbm>>
      tpu.wait_indirect_dma semaphore(%arg13 : memref<!tpu.dma_semaphore, #tpu.memory_space<semaphore_mem>>) src(%dma_wait3A_70 : memref<10000x128xf32, #tpu.memory_space<hbm>>) dst(%arg8 : memref<128x128xf32, #tpu.memory_space<vmem>>)
      %add3A_71 = arith.constant 1 : i32
      %add3A_72 = arith.addi %add3A_63, %add3A_71 : i32
      %dma_wait3A_73 = arith.constant 0 : i32
      %dma_wait3A_74 = arith.constant 0 : i32
      %dma_wait3A_75 = tpu.memref_slice %arg3[%add3A, %add3A_72, %dma_wait3A_73, %dma_wait3A_74] : memref<32x80x2x128xi32, #tpu.memory_space<hbm>> -> memref<1x1x2x128xi32, #tpu.memory_space<hbm>>
      %dma_wait3A_76 = tpu.memref_squeeze %dma_wait3A_75 : memref<1x1x2x128xi32, #tpu.memory_space<hbm>> -> memref<2x128xi32, #tpu.memory_space<hbm>>
      %dma_wait3A_77 = arith.constant 0 : i32
      %dma_wait3A_78 = arith.constant 0 : i32
      %dma_wait3A_79 = tpu.memref_slice %arg3[%add3A, %add3A_72, %dma_wait3A_77, %dma_wait3A_78] : memref<32x80x2x128xi32, #tpu.memory_space<hbm>> -> memref<1x1x2x128xi32, #tpu.memory_space<hbm>>
      %dma_wait3A_80 = tpu.memref_squeeze %dma_wait3A_79 : memref<1x1x2x128xi32, #tpu.memory_space<hbm>> -> memref<2x128xi32, #tpu.memory_space<hbm>>
      tpu.wait_dma2 semaphore(%arg12 : memref<!tpu.dma_semaphore, #tpu.memory_space<semaphore_mem>>) src(%dma_wait3A_80 : memref<2x128xi32, #tpu.memory_space<hbm>>) dst(%arg7 : memref<2x128xi32, #tpu.memory_space<vmem>>)
      %dma_start3A_81 = arith.constant 0 : i32
      %dma_start3A_82 = arith.constant 0 : i32
      %dma_start3A_83 = tpu.memref_slice %arg7[%dma_start3A_81, %dma_start3A_82] : memref<2x128xi32, #tpu.memory_space<vmem>> -> memref<1x128xi32, #tpu.memory_space<vmem>>
      %dma_start3A_84 = tpu.memref_squeeze %dma_start3A_83 : memref<1x128xi32, #tpu.memory_space<vmem>> -> memref<128xi32, #tpu.memory_space<vmem>>
      %dma_start3A_85 = arith.constant 0 : i32
      %dma_start3A_86 = arith.constant 0 : i32
      %dma_start3A_87 = tpu.memref_slice %arg2[%dma_start3A_85, %dma_start3A_86] : memref<10000x128xf32, #tpu.memory_space<hbm>> -> memref<10000x128xf32, #tpu.memory_space<hbm>>
      tpu.enqueue_indirect_dma source(%dma_start3A_87 : memref<10000x128xf32, #tpu.memory_space<hbm>>) target(%arg9 : memref<128x128xf32, #tpu.memory_space<vmem>>) offsets(%dma_start3A_84 : memref<128xi32, #tpu.memory_space<vmem>>) semaphore(%arg14 : memref<!tpu.dma_semaphore, #tpu.memory_space<semaphore_mem>>)
      %run_scoped3A_88 = arith.constant 1 : i32
      "tpu.region"() ({
        %run_scoped3A_139 = tpu.sem_alloc : memref<!tpu.dma_semaphore, #tpu.memory_space<semaphore_mem>>
        %dma_start3A_140 = arith.constant 0 : i32
        %dma_start3A_141 = tpu.memref_slice %arg6[%run_scoped3A_88, %dma_start3A_140] : memref<2x128xi32, #tpu.memory_space<vmem>> -> memref<1x128xi32, #tpu.memory_space<vmem>>
        %dma_start3A_142 = tpu.memref_squeeze %dma_start3A_141 : memref<1x128xi32, #tpu.memory_space<vmem>> -> memref<128xi32, #tpu.memory_space<vmem>>
        %dma_start3A_143 = arith.constant 0 : i32
        %dma_start3A_144 = arith.constant 0 : i32
        %dma_start3A_145 = tpu.memref_slice %arg10[%dma_start3A_143, %dma_start3A_144] : memref<10008x128xf32, #tpu.memory_space<vmem_shared>> -> memref<10008x128xf32, #tpu.memory_space<vmem_shared>>
        tpu.enqueue_indirect_dma source(%arg8 : memref<128x128xf32, #tpu.memory_space<vmem>>) target(%dma_start3A_145 : memref<10008x128xf32, #tpu.memory_space<vmem_shared>>) offsets(%dma_start3A_142 : memref<128xi32, #tpu.memory_space<vmem>>) semaphore(%run_scoped3A_139 : memref<!tpu.dma_semaphore, #tpu.memory_space<semaphore_mem>>) {add = true}
        %dma_wait3A_146 = arith.constant 0 : i32
        %dma_wait3A_147 = tpu.memref_slice %arg6[%run_scoped3A_88, %dma_wait3A_146] : memref<2x128xi32, #tpu.memory_space<vmem>> -> memref<1x128xi32, #tpu.memory_space<vmem>>
        %dma_wait3A_148 = tpu.memref_squeeze %dma_wait3A_147 : memref<1x128xi32, #tpu.memory_space<vmem>> -> memref<128xi32, #tpu.memory_space<vmem>>
        %dma_wait3A_149 = arith.constant 0 : i32
        %dma_wait3A_150 = arith.constant 0 : i32
        %dma_wait3A_151 = tpu.memref_slice %arg10[%dma_wait3A_149, %dma_wait3A_150] : memref<10008x128xf32, #tpu.memory_space<vmem_shared>> -> memref<10008x128xf32, #tpu.memory_space<vmem_shared>>
        tpu.wait_indirect_dma semaphore(%run_scoped3A_139 : memref<!tpu.dma_semaphore, #tpu.memory_space<semaphore_mem>>) src(%arg8 : memref<128x128xf32, #tpu.memory_space<vmem>>) dst(%dma_wait3A_151 : memref<10008x128xf32, #tpu.memory_space<vmem_shared>>)
        tpu.yield
      }) : () -> ()
      %add3A_89 = arith.constant 2 : i32
      %add3A_90 = arith.addi %add3A_63, %add3A_89 : i32
      %dma_start3A_91 = arith.constant 0 : i32
      %dma_start3A_92 = arith.constant 0 : i32
      %dma_start3A_93 = tpu.memref_slice %arg3[%add3A, %add3A_90, %dma_start3A_91, %dma_start3A_92] : memref<32x80x2x128xi32, #tpu.memory_space<hbm>> -> memref<1x1x2x128xi32, #tpu.memory_space<hbm>>
      %dma_start3A_94 = tpu.memref_squeeze %dma_start3A_93 : memref<1x1x2x128xi32, #tpu.memory_space<hbm>> -> memref<2x128xi32, #tpu.memory_space<hbm>>
      %dma_start3A_95 = arith.constant 0 : i32
      %dma_start3A_96 = arith.constant 0 : i32
      %dma_start3A_97 = tpu.memref_slice %arg3[%add3A, %add3A_90, %dma_start3A_95, %dma_start3A_96] : memref<32x80x2x128xi32, #tpu.memory_space<hbm>> -> memref<1x1x2x128xi32, #tpu.memory_space<hbm>>
      %dma_start3A_98 = tpu.memref_squeeze %dma_start3A_97 : memref<1x1x2x128xi32, #tpu.memory_space<hbm>> -> memref<2x128xi32, #tpu.memory_space<hbm>>
      tpu.enqueue_dma source(%dma_start3A_98 : memref<2x128xi32, #tpu.memory_space<hbm>>) target(%arg6 : memref<2x128xi32, #tpu.memory_space<vmem>>) target_semaphore(%arg11 : memref<!tpu.dma_semaphore, #tpu.memory_space<semaphore_mem>>)
      %mul3A_99 = arith.constant 2 : i32
      %mul3A_100 = arith.muli %scan3A_58, %mul3A_99 : i32
      %add3A_101 = arith.constant 1 : i32
      %add3A_102 = arith.addi %mul3A_100, %add3A_101 : i32
      %dma_wait3A_103 = arith.constant 0 : i32
      %dma_wait3A_104 = arith.constant 0 : i32
      %dma_wait3A_105 = tpu.memref_slice %arg7[%dma_wait3A_103, %dma_wait3A_104] : memref<2x128xi32, #tpu.memory_space<vmem>> -> memref<1x128xi32, #tpu.memory_space<vmem>>
      %dma_wait3A_106 = tpu.memref_squeeze %dma_wait3A_105 : memref<1x128xi32, #tpu.memory_space<vmem>> -> memref<128xi32, #tpu.memory_space<vmem>>
      %dma_wait3A_107 = arith.constant 0 : i32
      %dma_wait3A_108 = arith.constant 0 : i32
      %dma_wait3A_109 = tpu.memref_slice %arg2[%dma_wait3A_107, %dma_wait3A_108] : memref<10000x128xf32, #tpu.memory_space<hbm>> -> memref<10000x128xf32, #tpu.memory_space<hbm>>
      tpu.wait_indirect_dma semaphore(%arg14 : memref<!tpu.dma_semaphore, #tpu.memory_space<semaphore_mem>>) src(%dma_wait3A_109 : memref<10000x128xf32, #tpu.memory_space<hbm>>) dst(%arg9 : memref<128x128xf32, #tpu.memory_space<vmem>>)
      %add3A_110 = arith.constant 1 : i32
      %add3A_111 = arith.addi %add3A_102, %add3A_110 : i32
      %dma_wait3A_112 = arith.constant 0 : i32
      %dma_wait3A_113 = arith.constant 0 : i32
      %dma_wait3A_114 = tpu.memref_slice %arg3[%add3A, %add3A_111, %dma_wait3A_112, %dma_wait3A_113] : memref<32x80x2x128xi32, #tpu.memory_space<hbm>> -> memref<1x1x2x128xi32, #tpu.memory_space<hbm>>
      %dma_wait3A_115 = tpu.memref_squeeze %dma_wait3A_114 : memref<1x1x2x128xi32, #tpu.memory_space<hbm>> -> memref<2x128xi32, #tpu.memory_space<hbm>>
      %dma_wait3A_116 = arith.constant 0 : i32
      %dma_wait3A_117 = arith.constant 0 : i32
      %dma_wait3A_118 = tpu.memref_slice %arg3[%add3A, %add3A_111, %dma_wait3A_116, %dma_wait3A_117] : memref<32x80x2x128xi32, #tpu.memory_space<hbm>> -> memref<1x1x2x128xi32, #tpu.memory_space<hbm>>
      %dma_wait3A_119 = tpu.memref_squeeze %dma_wait3A_118 : memref<1x1x2x128xi32, #tpu.memory_space<hbm>> -> memref<2x128xi32, #tpu.memory_space<hbm>>
      tpu.wait_dma2 semaphore(%arg11 : memref<!tpu.dma_semaphore, #tpu.memory_space<semaphore_mem>>) src(%dma_wait3A_119 : memref<2x128xi32, #tpu.memory_space<hbm>>) dst(%arg6 : memref<2x128xi32, #tpu.memory_space<vmem>>)
      %dma_start3A_120 = arith.constant 0 : i32
      %dma_start3A_121 = arith.constant 0 : i32
      %dma_start3A_122 = tpu.memref_slice %arg6[%dma_start3A_120, %dma_start3A_121] : memref<2x128xi32, #tpu.memory_space<vmem>> -> memref<1x128xi32, #tpu.memory_space<vmem>>
      %dma_start3A_123 = tpu.memref_squeeze %dma_start3A_122 : memref<1x128xi32, #tpu.memory_space<vmem>> -> memref<128xi32, #tpu.memory_space<vmem>>
      %dma_start3A_124 = arith.constant 0 : i32
      %dma_start3A_125 = arith.constant 0 : i32
      %dma_start3A_126 = tpu.memref_slice %arg2[%dma_start3A_124, %dma_start3A_125] : memref<10000x128xf32, #tpu.memory_space<hbm>> -> memref<10000x128xf32, #tpu.memory_space<hbm>>
      tpu.enqueue_indirect_dma source(%dma_start3A_126 : memref<10000x128xf32, #tpu.memory_space<hbm>>) target(%arg8 : memref<128x128xf32, #tpu.memory_space<vmem>>) offsets(%dma_start3A_123 : memref<128xi32, #tpu.memory_space<vmem>>) semaphore(%arg13 : memref<!tpu.dma_semaphore, #tpu.memory_space<semaphore_mem>>)
      %run_scoped3A_127 = arith.constant 1 : i32
      "tpu.region"() ({
        %run_scoped3A_139 = tpu.sem_alloc : memref<!tpu.dma_semaphore, #tpu.memory_space<semaphore_mem>>
        %dma_start3A_140 = arith.constant 0 : i32
        %dma_start3A_141 = tpu.memref_slice %arg7[%run_scoped3A_127, %dma_start3A_140] : memref<2x128xi32, #tpu.memory_space<vmem>> -> memref<1x128xi32, #tpu.memory_space<vmem>>
        %dma_start3A_142 = tpu.memref_squeeze %dma_start3A_141 : memref<1x128xi32, #tpu.memory_space<vmem>> -> memref<128xi32, #tpu.memory_space<vmem>>
        %dma_start3A_143 = arith.constant 0 : i32
        %dma_start3A_144 = arith.constant 0 : i32
        %dma_start3A_145 = tpu.memref_slice %arg10[%dma_start3A_143, %dma_start3A_144] : memref<10008x128xf32, #tpu.memory_space<vmem_shared>> -> memref<10008x128xf32, #tpu.memory_space<vmem_shared>>
        tpu.enqueue_indirect_dma source(%arg9 : memref<128x128xf32, #tpu.memory_space<vmem>>) target(%dma_start3A_145 : memref<10008x128xf32, #tpu.memory_space<vmem_shared>>) offsets(%dma_start3A_142 : memref<128xi32, #tpu.memory_space<vmem>>) semaphore(%run_scoped3A_139 : memref<!tpu.dma_semaphore, #tpu.memory_space<semaphore_mem>>) {add = true}
        %dma_wait3A_146 = arith.constant 0 : i32
        %dma_wait3A_147 = tpu.memref_slice %arg7[%run_scoped3A_127, %dma_wait3A_146] : memref<2x128xi32, #tpu.memory_space<vmem>> -> memref<1x128xi32, #tpu.memory_space<vmem>>
        %dma_wait3A_148 = tpu.memref_squeeze %dma_wait3A_147 : memref<1x128xi32, #tpu.memory_space<vmem>> -> memref<128xi32, #tpu.memory_space<vmem>>
        %dma_wait3A_149 = arith.constant 0 : i32
        %dma_wait3A_150 = arith.constant 0 : i32
        %dma_wait3A_151 = tpu.memref_slice %arg10[%dma_wait3A_149, %dma_wait3A_150] : memref<10008x128xf32, #tpu.memory_space<vmem_shared>> -> memref<10008x128xf32, #tpu.memory_space<vmem_shared>>
        tpu.wait_indirect_dma semaphore(%run_scoped3A_139 : memref<!tpu.dma_semaphore, #tpu.memory_space<semaphore_mem>>) src(%arg9 : memref<128x128xf32, #tpu.memory_space<vmem>>) dst(%dma_wait3A_151 : memref<10008x128xf32, #tpu.memory_space<vmem_shared>>)
        tpu.yield
      }) : () -> ()
      %add3A_128 = arith.constant 2 : i32
      %add3A_129 = arith.addi %add3A_102, %add3A_128 : i32
      %dma_start3A_130 = arith.constant 0 : i32
      %dma_start3A_131 = arith.constant 0 : i32
      %dma_start3A_132 = tpu.memref_slice %arg3[%add3A, %add3A_129, %dma_start3A_130, %dma_start3A_131] : memref<32x80x2x128xi32, #tpu.memory_space<hbm>> -> memref<1x1x2x128xi32, #tpu.memory_space<hbm>>
      %dma_start3A_133 = tpu.memref_squeeze %dma_start3A_132 : memref<1x1x2x128xi32, #tpu.memory_space<hbm>> -> memref<2x128xi32, #tpu.memory_space<hbm>>
      %dma_start3A_134 = arith.constant 0 : i32
      %dma_start3A_135 = arith.constant 0 : i32
      %dma_start3A_136 = tpu.memref_slice %arg3[%add3A, %add3A_129, %dma_start3A_134, %dma_start3A_135] : memref<32x80x2x128xi32, #tpu.memory_space<hbm>> -> memref<1x1x2x128xi32, #tpu.memory_space<hbm>>
      %dma_start3A_137 = tpu.memref_squeeze %dma_start3A_136 : memref<1x1x2x128xi32, #tpu.memory_space<hbm>> -> memref<2x128xi32, #tpu.memory_space<hbm>>
      tpu.enqueue_dma source(%dma_start3A_137 : memref<2x128xi32, #tpu.memory_space<hbm>>) target(%arg7 : memref<2x128xi32, #tpu.memory_space<vmem>>) target_semaphore(%arg12 : memref<!tpu.dma_semaphore, #tpu.memory_space<semaphore_mem>>)
      %scan3A_138 = arith.constant 0 : i32
      scf.yield %scan3A_138 : i32
    }
    %scan3A_40 = arith.constant 39 : i32
    %dma_wait3A_41 = arith.constant 0 : i32
    %dma_wait3A_42 = arith.constant 0 : i32
    %dma_wait3A_43 = tpu.memref_slice %arg6[%dma_wait3A_41, %dma_wait3A_42] : memref<2x128xi32, #tpu.memory_space<vmem>> -> memref<1x128xi32, #tpu.memory_space<vmem>>
    %dma_wait3A_44 = tpu.memref_squeeze %dma_wait3A_43 : memref<1x128xi32, #tpu.memory_space<vmem>> -> memref<128xi32, #tpu.memory_space<vmem>>
    %dma_wait3A_45 = arith.constant 0 : i32
    %dma_wait3A_46 = arith.constant 0 : i32
    %dma_wait3A_47 = tpu.memref_slice %arg2[%dma_wait3A_45, %dma_wait3A_46] : memref<10000x128xf32, #tpu.memory_space<hbm>> -> memref<10000x128xf32, #tpu.memory_space<hbm>>
    tpu.wait_indirect_dma semaphore(%arg13 : memref<!tpu.dma_semaphore, #tpu.memory_space<semaphore_mem>>) src(%dma_wait3A_47 : memref<10000x128xf32, #tpu.memory_space<hbm>>) dst(%arg8 : memref<128x128xf32, #tpu.memory_space<vmem>>)
    %run_scoped3A = arith.constant 1 : i32
    "tpu.region"() ({
      %run_scoped3A_58 = tpu.sem_alloc : memref<!tpu.dma_semaphore, #tpu.memory_space<semaphore_mem>>
      %dma_start3A_59 = arith.constant 0 : i32
      %dma_start3A_60 = tpu.memref_slice %arg6[%run_scoped3A, %dma_start3A_59] : memref<2x128xi32, #tpu.memory_space<vmem>> -> memref<1x128xi32, #tpu.memory_space<vmem>>
      %dma_start3A_61 = tpu.memref_squeeze %dma_start3A_60 : memref<1x128xi32, #tpu.memory_space<vmem>> -> memref<128xi32, #tpu.memory_space<vmem>>
      %dma_start3A_62 = arith.constant 0 : i32
      %dma_start3A_63 = arith.constant 0 : i32
      %dma_start3A_64 = tpu.memref_slice %arg10[%dma_start3A_62, %dma_start3A_63] : memref<10008x128xf32, #tpu.memory_space<vmem_shared>> -> memref<10008x128xf32, #tpu.memory_space<vmem_shared>>
      tpu.enqueue_indirect_dma source(%arg8 : memref<128x128xf32, #tpu.memory_space<vmem>>) target(%dma_start3A_64 : memref<10008x128xf32, #tpu.memory_space<vmem_shared>>) offsets(%dma_start3A_61 : memref<128xi32, #tpu.memory_space<vmem>>) semaphore(%run_scoped3A_58 : memref<!tpu.dma_semaphore, #tpu.memory_space<semaphore_mem>>) {add = true}
      %dma_wait3A_65 = arith.constant 0 : i32
      %dma_wait3A_66 = tpu.memref_slice %arg6[%run_scoped3A, %dma_wait3A_65] : memref<2x128xi32, #tpu.memory_space<vmem>> -> memref<1x128xi32, #tpu.memory_space<vmem>>
      %dma_wait3A_67 = tpu.memref_squeeze %dma_wait3A_66 : memref<1x128xi32, #tpu.memory_space<vmem>> -> memref<128xi32, #tpu.memory_space<vmem>>
      %dma_wait3A_68 = arith.constant 0 : i32
      %dma_wait3A_69 = arith.constant 0 : i32
      %dma_wait3A_70 = tpu.memref_slice %arg10[%dma_wait3A_68, %dma_wait3A_69] : memref<10008x128xf32, #tpu.memory_space<vmem_shared>> -> memref<10008x128xf32, #tpu.memory_space<vmem_shared>>
      tpu.wait_indirect_dma semaphore(%run_scoped3A_58 : memref<!tpu.dma_semaphore, #tpu.memory_space<semaphore_mem>>) src(%arg8 : memref<128x128xf32, #tpu.memory_space<vmem>>) dst(%dma_wait3A_70 : memref<10008x128xf32, #tpu.memory_space<vmem_shared>>)
      tpu.yield
    }) : () -> ()
    %dma_wait3A_48 = arith.constant 79 : i32
    %dma_wait3A_49 = arith.constant 0 : i32
    %dma_wait3A_50 = arith.constant 0 : i32
    %dma_wait3A_51 = tpu.memref_slice %arg3[%add3A, %dma_wait3A_48, %dma_wait3A_49, %dma_wait3A_50] : memref<32x80x2x128xi32, #tpu.memory_space<hbm>> -> memref<1x1x2x128xi32, #tpu.memory_space<hbm>>
    %dma_wait3A_52 = tpu.memref_squeeze %dma_wait3A_51 : memref<1x1x2x128xi32, #tpu.memory_space<hbm>> -> memref<2x128xi32, #tpu.memory_space<hbm>>
    %dma_wait3A_53 = arith.constant 0 : i32
    %dma_wait3A_54 = arith.constant 0 : i32
    %dma_wait3A_55 = tpu.memref_slice %arg3[%add3A, %dma_wait3A_48, %dma_wait3A_53, %dma_wait3A_54] : memref<32x80x2x128xi32, #tpu.memory_space<hbm>> -> memref<1x1x2x128xi32, #tpu.memory_space<hbm>>
    %dma_wait3A_56 = tpu.memref_squeeze %dma_wait3A_55 : memref<1x1x2x128xi32, #tpu.memory_space<hbm>> -> memref<2x128xi32, #tpu.memory_space<hbm>>
    tpu.wait_dma2 semaphore(%arg12 : memref<!tpu.dma_semaphore, #tpu.memory_space<semaphore_mem>>) src(%dma_wait3A_56 : memref<2x128xi32, #tpu.memory_space<hbm>>) dst(%arg7 : memref<2x128xi32, #tpu.memory_space<vmem>>)
    %barrier3A_57 = arith.constant 0 : index
    tpu.barrier barrier_id(%barrier3A_57)
    "tpu.region"() ({
      %run_scoped3A_58 = tpu.sem_alloc : memref<!tpu.dma_semaphore, #tpu.memory_space<semaphore_mem>>
      %dma_start3A_59 = arith.constant 0 : i32
      %dma_start3A_60 = tpu.memref_slice %arg5[%arg0, %multiple_of3A, %dma_start3A_59] : memref<2x10008x128xf32, #tpu.memory_space<hbm>> -> memref<1x648x128xf32, #tpu.memory_space<hbm>>
      %dma_start3A_61 = tpu.memref_squeeze %dma_start3A_60 : memref<1x648x128xf32, #tpu.memory_space<hbm>> -> memref<648x128xf32, #tpu.memory_space<hbm>>
      %dma_start3A_62 = arith.constant 0 : i32
      %dma_start3A_63 = tpu.memref_slice %arg10[%multiple_of3A, %dma_start3A_62] : memref<10008x128xf32, #tpu.memory_space<vmem_shared>> -> memref<648x128xf32, #tpu.memory_space<vmem_shared>>
      tpu.enqueue_dma source(%dma_start3A_63 : memref<648x128xf32, #tpu.memory_space<vmem_shared>>) target(%dma_start3A_61 : memref<648x128xf32, #tpu.memory_space<hbm>>) target_semaphore(%run_scoped3A_58 : memref<!tpu.dma_semaphore, #tpu.memory_space<semaphore_mem>>)
      %dma_wait3A_64 = arith.constant 0 : i32
      %dma_wait3A_65 = tpu.memref_slice %arg5[%arg0, %multiple_of3A, %dma_wait3A_64] : memref<2x10008x128xf32, #tpu.memory_space<hbm>> -> memref<1x648x128xf32, #tpu.memory_space<hbm>>
      %dma_wait3A_66 = tpu.memref_squeeze %dma_wait3A_65 : memref<1x648x128xf32, #tpu.memory_space<hbm>> -> memref<648x128xf32, #tpu.memory_space<hbm>>
      %dma_wait3A_67 = arith.constant 0 : i32
      %dma_wait3A_68 = tpu.memref_slice %arg10[%multiple_of3A, %dma_wait3A_67] : memref<10008x128xf32, #tpu.memory_space<vmem_shared>> -> memref<648x128xf32, #tpu.memory_space<vmem_shared>>
      tpu.wait_dma2 semaphore(%run_scoped3A_58 : memref<!tpu.dma_semaphore, #tpu.memory_space<semaphore_mem>>) src(%dma_wait3A_68 : memref<648x128xf32, #tpu.memory_space<vmem_shared>>) dst(%dma_wait3A_66 : memref<648x128xf32, #tpu.memory_space<hbm>>)
      tpu.yield
    }) : () -> ()
    return
  }
}

#map = affine_map<(d0, d1) -> (0, 0)>
#map1 = affine_map<(d0, d1) -> (0, 0, 0, 0)>
#map2 = affine_map<(d0, d1) -> (0, 0, 0)>
module attributes {stable_mosaic.version = 14 : i64} {
  func.func @_spmm_body(%arg0: i32, %arg1: i32, %arg2: memref<10000x128xf32, #tpu.memory_space<hbm>>, %arg3: memref<32x80x2x128xi32, #tpu.memory_space<hbm>>, %arg4: memref<10008x128xf32, #tpu.memory_space<hbm>>, %arg5: memref<2x10008x128xf32, #tpu.memory_space<hbm>>, %arg6: memref<2x128xi32, #tpu.memory_space<vmem>>, %arg7: memref<2x128xi32, #tpu.memory_space<vmem>>, %arg8: memref<128x128xf32, #tpu.memory_space<vmem>>, %arg9: memref<128x128xf32, #tpu.memory_space<vmem>>, %arg10: memref<10008x128xf32, #tpu.memory_space<vmem_shared>>, %arg11: memref<!tpu.dma_semaphore, #tpu.memory_space<semaphore_mem>>, %arg12: memref<!tpu.dma_semaphore, #tpu.memory_space<semaphore_mem>>, %arg13: memref<!tpu.dma_semaphore, #tpu.memory_space<semaphore_mem>>, %arg14: memref<!tpu.dma_semaphore, #tpu.memory_space<semaphore_mem>>) attributes {dimension_semantics = [#tpu.dimension_semantics<core_parallel>, #tpu.dimension_semantics<subcore_parallel>], iteration_bounds = array<i64: 2, 16>, scalar_prefetch = 0 : i64, scratch_operands = 9 : i64, tpu.core_type = #tpu.core_type<sc_vector_subcore>, window_params = [{transform_indices = #map}, {transform_indices = #map1}, {transform_indices = #map}, {transform_indices = #map2}]} {
    %mul3A = arith.constant 16 : i32
    %mul3A_0 = arith.muli %arg0, %mul3A : i32
    %add3A = arith.addi %mul3A_0, %arg1 : i32
    %mul3A_1 = arith.constant 624 : i32
    %mul3A_2 = arith.muli %arg1, %mul3A_1 : i32
    %multiple_of3A = tpu.assume_multiple %mul3A_2, 8 : i32
    %dma_start3A = arith.constant 0 : i32
    %dma_start3A_3 = arith.constant 0 : i32
    %dma_start3A_4 = arith.constant 0 : i32
    %dma_start3A_5 = tpu.memref_slice %arg3[%add3A, %dma_start3A, %dma_start3A_3, %dma_start3A_4] : memref<32x80x2x128xi32, #tpu.memory_space<hbm>> -> memref<1x1x2x128xi32, #tpu.memory_space<hbm>>
    %dma_start3A_6 = tpu.memref_squeeze %dma_start3A_5 : memref<1x1x2x128xi32, #tpu.memory_space<hbm>> -> memref<2x128xi32, #tpu.memory_space<hbm>>
    %dma_start3A_7 = arith.constant 0 : i32
    %dma_start3A_8 = arith.constant 0 : i32
    %dma_start3A_9 = tpu.memref_slice %arg3[%add3A, %dma_start3A, %dma_start3A_7, %dma_start3A_8] : memref<32x80x2x128xi32, #tpu.memory_space<hbm>> -> memref<1x1x2x128xi32, #tpu.memory_space<hbm>>
    %dma_start3A_10 = tpu.memref_squeeze %dma_start3A_9 : memref<1x1x2x128xi32, #tpu.memory_space<hbm>> -> memref<2x128xi32, #tpu.memory_space<hbm>>
    tpu.enqueue_dma source(%dma_start3A_10 : memref<2x128xi32, #tpu.memory_space<hbm>>) target(%arg6 : memref<2x128xi32, #tpu.memory_space<vmem>>) target_semaphore(%arg11 : memref<!tpu.dma_semaphore, #tpu.memory_space<semaphore_mem>>)
    %dma_start3A_11 = arith.constant 1 : i32
    %dma_start3A_12 = arith.constant 0 : i32
    %dma_start3A_13 = arith.constant 0 : i32
    %dma_start3A_14 = tpu.memref_slice %arg3[%add3A, %dma_start3A_11, %dma_start3A_12, %dma_start3A_13] : memref<32x80x2x128xi32, #tpu.memory_space<hbm>> -> memref<1x1x2x128xi32, #tpu.memory_space<hbm>>
    %dma_start3A_15 = tpu.memref_squeeze %dma_start3A_14 : memref<1x1x2x128xi32, #tpu.memory_space<hbm>> -> memref<2x128xi32, #tpu.memory_space<hbm>>
    %dma_start3A_16 = arith.constant 0 : i32
    %dma_start3A_17 = arith.constant 0 : i32
    %dma_start3A_18 = tpu.memref_slice %arg3[%add3A, %dma_start3A_11, %dma_start3A_16, %dma_start3A_17] : memref<32x80x2x128xi32, #tpu.memory_space<hbm>> -> memref<1x1x2x128xi32, #tpu.memory_space<hbm>>
    %dma_start3A_19 = tpu.memref_squeeze %dma_start3A_18 : memref<1x1x2x128xi32, #tpu.memory_space<hbm>> -> memref<2x128xi32, #tpu.memory_space<hbm>>
    tpu.enqueue_dma source(%dma_start3A_19 : memref<2x128xi32, #tpu.memory_space<hbm>>) target(%arg7 : memref<2x128xi32, #tpu.memory_space<vmem>>) target_semaphore(%arg12 : memref<!tpu.dma_semaphore, #tpu.memory_space<semaphore_mem>>)
    "tpu.region"() ({
      %run_scoped3A_58 = tpu.sem_alloc : memref<!tpu.dma_semaphore, #tpu.memory_space<semaphore_mem>>
      %dma_start3A_59 = arith.constant 0 : i32
      %dma_start3A_60 = tpu.memref_slice %arg10[%multiple_of3A, %dma_start3A_59] : memref<10008x128xf32, #tpu.memory_space<vmem_shared>> -> memref<648x128xf32, #tpu.memory_space<vmem_shared>>
      %dma_start3A_61 = arith.constant 0 : i32
      %dma_start3A_62 = tpu.memref_slice %arg4[%multiple_of3A, %dma_start3A_61] : memref<10008x128xf32, #tpu.memory_space<hbm>> -> memref<648x128xf32, #tpu.memory_space<hbm>>
      tpu.enqueue_dma source(%dma_start3A_62 : memref<648x128xf32, #tpu.memory_space<hbm>>) target(%dma_start3A_60 : memref<648x128xf32, #tpu.memory_space<vmem_shared>>) target_semaphore(%run_scoped3A_58 : memref<!tpu.dma_semaphore, #tpu.memory_space<semaphore_mem>>)
      %dma_wait3A_63 = arith.constant 0 : i32
      %dma_wait3A_64 = tpu.memref_slice %arg10[%multiple_of3A, %dma_wait3A_63] : memref<10008x128xf32, #tpu.memory_space<vmem_shared>> -> memref<648x128xf32, #tpu.memory_space<vmem_shared>>
      %dma_wait3A_65 = arith.constant 0 : i32
      %dma_wait3A_66 = tpu.memref_slice %arg4[%multiple_of3A, %dma_wait3A_65] : memref<10008x128xf32, #tpu.memory_space<hbm>> -> memref<648x128xf32, #tpu.memory_space<hbm>>
      tpu.wait_dma2 semaphore(%run_scoped3A_58 : memref<!tpu.dma_semaphore, #tpu.memory_space<semaphore_mem>>) src(%dma_wait3A_66 : memref<648x128xf32, #tpu.memory_space<hbm>>) dst(%dma_wait3A_64 : memref<648x128xf32, #tpu.memory_space<vmem_shared>>)
      tpu.yield
    }) : () -> ()
    %barrier3A = arith.constant 0 : index
    tpu.barrier barrier_id(%barrier3A)
    %dma_wait3A = arith.constant 0 : i32
    %dma_wait3A_20 = arith.constant 0 : i32
    %dma_wait3A_21 = arith.constant 0 : i32
    %dma_wait3A_22 = tpu.memref_slice %arg3[%add3A, %dma_wait3A, %dma_wait3A_20, %dma_wait3A_21] : memref<32x80x2x128xi32, #tpu.memory_space<hbm>> -> memref<1x1x2x128xi32, #tpu.memory_space<hbm>>
    %dma_wait3A_23 = tpu.memref_squeeze %dma_wait3A_22 : memref<1x1x2x128xi32, #tpu.memory_space<hbm>> -> memref<2x128xi32, #tpu.memory_space<hbm>>
    %dma_wait3A_24 = arith.constant 0 : i32
    %dma_wait3A_25 = arith.constant 0 : i32
    %dma_wait3A_26 = tpu.memref_slice %arg3[%add3A, %dma_wait3A, %dma_wait3A_24, %dma_wait3A_25] : memref<32x80x2x128xi32, #tpu.memory_space<hbm>> -> memref<1x1x2x128xi32, #tpu.memory_space<hbm>>
    %dma_wait3A_27 = tpu.memref_squeeze %dma_wait3A_26 : memref<1x1x2x128xi32, #tpu.memory_space<hbm>> -> memref<2x128xi32, #tpu.memory_space<hbm>>
    tpu.wait_dma2 semaphore(%arg11 : memref<!tpu.dma_semaphore, #tpu.memory_space<semaphore_mem>>) src(%dma_wait3A_27 : memref<2x128xi32, #tpu.memory_space<hbm>>) dst(%arg6 : memref<2x128xi32, #tpu.memory_space<vmem>>)
    %dma_start3A_28 = arith.constant 0 : i32
    %dma_start3A_29 = arith.constant 0 : i32
    %dma_start3A_30 = tpu.memref_slice %arg6[%dma_start3A_28, %dma_start3A_29] : memref<2x128xi32, #tpu.memory_space<vmem>> -> memref<1x128xi32, #tpu.memory_space<vmem>>
    %dma_start3A_31 = tpu.memref_squeeze %dma_start3A_30 : memref<1x128xi32, #tpu.memory_space<vmem>> -> memref<128xi32, #tpu.memory_space<vmem>>
    %dma_start3A_32 = arith.constant 0 : i32
    %dma_start3A_33 = arith.constant 0 : i32
    %dma_start3A_34 = tpu.memref_slice %arg2[%dma_start3A_32, %dma_start3A_33] : memref<10000x128xf32, #tpu.memory_space<hbm>> -> memref<10000x128xf32, #tpu.memory_space<hbm>>
    tpu.enqueue_indirect_dma source(%dma_start3A_34 : memref<10000x128xf32, #tpu.memory_space<hbm>>) target(%arg8 : memref<128x128xf32, #tpu.memory_space<vmem>>) offsets(%dma_start3A_31 : memref<128xi32, #tpu.memory_space<vmem>>) semaphore(%arg13 : memref<!tpu.dma_semaphore, #tpu.memory_space<semaphore_mem>>)
    %scan3A = arith.constant 0 : i32
    %scan3A_35 = arith.constant 0 : i32
    %scan3A_36 = arith.constant 39 : i32
    %scan3A_37 = arith.addi %scan3A_35, %scan3A_36 : i32
    %scan3A_38 = arith.constant 1 : i32
    %scan3A_39 = scf.for %scan3A_58 = %scan3A_35 to %scan3A_37 step %scan3A_38 iter_args(%scan3A_59 = %scan3A) -> (i32)  : i32 {
      %mul3A_60 = arith.constant 2 : i32
      %mul3A_61 = arith.muli %scan3A_58, %mul3A_60 : i32
      %add3A_62 = arith.constant 0 : i32
      %add3A_63 = arith.addi %mul3A_61, %add3A_62 : i32
      %dma_wait3A_64 = arith.constant 0 : i32
      %dma_wait3A_65 = arith.constant 0 : i32
      %dma_wait3A_66 = tpu.memref_slice %arg6[%dma_wait3A_64, %dma_wait3A_65] : memref<2x128xi32, #tpu.memory_space<vmem>> -> memref<1x128xi32, #tpu.memory_space<vmem>>
      %dma_wait3A_67 = tpu.memref_squeeze %dma_wait3A_66 : memref<1x128xi32, #tpu.memory_space<vmem>> -> memref<128xi32, #tpu.memory_space<vmem>>
      %dma_wait3A_68 = arith.constant 0 : i32
      %dma_wait3A_69 = arith.constant 0 : i32
      %dma_wait3A_70 = tpu.memref_slice %arg2[%dma_wait3A_68, %dma_wait3A_69] : memref<10000x128xf32, #tpu.memory_space<hbm>> -> memref<10000x128xf32, #tpu.memory_space<hbm>>
      tpu.wait_indirect_dma semaphore(%arg13 : memref<!tpu.dma_semaphore, #tpu.memory_space<semaphore_mem>>) src(%dma_wait3A_70 : memref<10000x128xf32, #tpu.memory_space<hbm>>) dst(%arg8 : memref<128x128xf32, #tpu.memory_space<vmem>>)
      %add3A_71 = arith.constant 1 : i32
      %add3A_72 = arith.addi %add3A_63, %add3A_71 : i32
      %dma_wait3A_73 = arith.constant 0 : i32
      %dma_wait3A_74 = arith.constant 0 : i32
      %dma_wait3A_75 = tpu.memref_slice %arg3[%add3A, %add3A_72, %dma_wait3A_73, %dma_wait3A_74] : memref<32x80x2x128xi32, #tpu.memory_space<hbm>> -> memref<1x1x2x128xi32, #tpu.memory_space<hbm>>
      %dma_wait3A_76 = tpu.memref_squeeze %dma_wait3A_75 : memref<1x1x2x128xi32, #tpu.memory_space<hbm>> -> memref<2x128xi32, #tpu.memory_space<hbm>>
      %dma_wait3A_77 = arith.constant 0 : i32
      %dma_wait3A_78 = arith.constant 0 : i32
      %dma_wait3A_79 = tpu.memref_slice %arg3[%add3A, %add3A_72, %dma_wait3A_77, %dma_wait3A_78] : memref<32x80x2x128xi32, #tpu.memory_space<hbm>> -> memref<1x1x2x128xi32, #tpu.memory_space<hbm>>
      %dma_wait3A_80 = tpu.memref_squeeze %dma_wait3A_79 : memref<1x1x2x128xi32, #tpu.memory_space<hbm>> -> memref<2x128xi32, #tpu.memory_space<hbm>>
      tpu.wait_dma2 semaphore(%arg12 : memref<!tpu.dma_semaphore, #tpu.memory_space<semaphore_mem>>) src(%dma_wait3A_80 : memref<2x128xi32, #tpu.memory_space<hbm>>) dst(%arg7 : memref<2x128xi32, #tpu.memory_space<vmem>>)
      %dma_start3A_81 = arith.constant 0 : i32
      %dma_start3A_82 = arith.constant 0 : i32
      %dma_start3A_83 = tpu.memref_slice %arg7[%dma_start3A_81, %dma_start3A_82] : memref<2x128xi32, #tpu.memory_space<vmem>> -> memref<1x128xi32, #tpu.memory_space<vmem>>
      %dma_start3A_84 = tpu.memref_squeeze %dma_start3A_83 : memref<1x128xi32, #tpu.memory_space<vmem>> -> memref<128xi32, #tpu.memory_space<vmem>>
      %dma_start3A_85 = arith.constant 0 : i32
      %dma_start3A_86 = arith.constant 0 : i32
      %dma_start3A_87 = tpu.memref_slice %arg2[%dma_start3A_85, %dma_start3A_86] : memref<10000x128xf32, #tpu.memory_space<hbm>> -> memref<10000x128xf32, #tpu.memory_space<hbm>>
      tpu.enqueue_indirect_dma source(%dma_start3A_87 : memref<10000x128xf32, #tpu.memory_space<hbm>>) target(%arg9 : memref<128x128xf32, #tpu.memory_space<vmem>>) offsets(%dma_start3A_84 : memref<128xi32, #tpu.memory_space<vmem>>) semaphore(%arg14 : memref<!tpu.dma_semaphore, #tpu.memory_space<semaphore_mem>>)
      %run_scoped3A_88 = arith.constant 1 : i32
      "tpu.region"() ({
        %run_scoped3A_139 = tpu.sem_alloc : memref<!tpu.dma_semaphore, #tpu.memory_space<semaphore_mem>>
        %dma_start3A_140 = arith.constant 0 : i32
        %dma_start3A_141 = tpu.memref_slice %arg6[%run_scoped3A_88, %dma_start3A_140] : memref<2x128xi32, #tpu.memory_space<vmem>> -> memref<1x128xi32, #tpu.memory_space<vmem>>
        %dma_start3A_142 = tpu.memref_squeeze %dma_start3A_141 : memref<1x128xi32, #tpu.memory_space<vmem>> -> memref<128xi32, #tpu.memory_space<vmem>>
        %dma_start3A_143 = arith.constant 0 : i32
        %dma_start3A_144 = arith.constant 0 : i32
        %dma_start3A_145 = tpu.memref_slice %arg10[%dma_start3A_143, %dma_start3A_144] : memref<10008x128xf32, #tpu.memory_space<vmem_shared>> -> memref<10008x128xf32, #tpu.memory_space<vmem_shared>>
        tpu.enqueue_indirect_dma source(%arg8 : memref<128x128xf32, #tpu.memory_space<vmem>>) target(%dma_start3A_145 : memref<10008x128xf32, #tpu.memory_space<vmem_shared>>) offsets(%dma_start3A_142 : memref<128xi32, #tpu.memory_space<vmem>>) semaphore(%run_scoped3A_139 : memref<!tpu.dma_semaphore, #tpu.memory_space<semaphore_mem>>) {add = true}
        %dma_wait3A_146 = arith.constant 0 : i32
        %dma_wait3A_147 = tpu.memref_slice %arg6[%run_scoped3A_88, %dma_wait3A_146] : memref<2x128xi32, #tpu.memory_space<vmem>> -> memref<1x128xi32, #tpu.memory_space<vmem>>
        %dma_wait3A_148 = tpu.memref_squeeze %dma_wait3A_147 : memref<1x128xi32, #tpu.memory_space<vmem>> -> memref<128xi32, #tpu.memory_space<vmem>>
        %dma_wait3A_149 = arith.constant 0 : i32
        %dma_wait3A_150 = arith.constant 0 : i32
        %dma_wait3A_151 = tpu.memref_slice %arg10[%dma_wait3A_149, %dma_wait3A_150] : memref<10008x128xf32, #tpu.memory_space<vmem_shared>> -> memref<10008x128xf32, #tpu.memory_space<vmem_shared>>
        tpu.wait_indirect_dma semaphore(%run_scoped3A_139 : memref<!tpu.dma_semaphore, #tpu.memory_space<semaphore_mem>>) src(%arg8 : memref<128x128xf32, #tpu.memory_space<vmem>>) dst(%dma_wait3A_151 : memref<10008x128xf32, #tpu.memory_space<vmem_shared>>)
        tpu.yield
      }) : () -> ()
      %add3A_89 = arith.constant 2 : i32
      %add3A_90 = arith.addi %add3A_63, %add3A_89 : i32
      %dma_start3A_91 = arith.constant 0 : i32
      %dma_start3A_92 = arith.constant 0 : i32
      %dma_start3A_93 = tpu.memref_slice %arg3[%add3A, %add3A_90, %dma_start3A_91, %dma_start3A_92] : memref<32x80x2x128xi32, #tpu.memory_space<hbm>> -> memref<1x1x2x128xi32, #tpu.memory_space<hbm>>
      %dma_start3A_94 = tpu.memref_squeeze %dma_start3A_93 : memref<1x1x2x128xi32, #tpu.memory_space<hbm>> -> memref<2x128xi32, #tpu.memory_space<hbm>>
      %dma_start3A_95 = arith.constant 0 : i32
      %dma_start3A_96 = arith.constant 0 : i32
      %dma_start3A_97 = tpu.memref_slice %arg3[%add3A, %add3A_90, %dma_start3A_95, %dma_start3A_96] : memref<32x80x2x128xi32, #tpu.memory_space<hbm>> -> memref<1x1x2x128xi32, #tpu.memory_space<hbm>>
      %dma_start3A_98 = tpu.memref_squeeze %dma_start3A_97 : memref<1x1x2x128xi32, #tpu.memory_space<hbm>> -> memref<2x128xi32, #tpu.memory_space<hbm>>
      tpu.enqueue_dma source(%dma_start3A_98 : memref<2x128xi32, #tpu.memory_space<hbm>>) target(%arg6 : memref<2x128xi32, #tpu.memory_space<vmem>>) target_semaphore(%arg11 : memref<!tpu.dma_semaphore, #tpu.memory_space<semaphore_mem>>)
      %mul3A_99 = arith.constant 2 : i32
      %mul3A_100 = arith.muli %scan3A_58, %mul3A_99 : i32
      %add3A_101 = arith.constant 1 : i32
      %add3A_102 = arith.addi %mul3A_100, %add3A_101 : i32
      %dma_wait3A_103 = arith.constant 0 : i32
      %dma_wait3A_104 = arith.constant 0 : i32
      %dma_wait3A_105 = tpu.memref_slice %arg7[%dma_wait3A_103, %dma_wait3A_104] : memref<2x128xi32, #tpu.memory_space<vmem>> -> memref<1x128xi32, #tpu.memory_space<vmem>>
      %dma_wait3A_106 = tpu.memref_squeeze %dma_wait3A_105 : memref<1x128xi32, #tpu.memory_space<vmem>> -> memref<128xi32, #tpu.memory_space<vmem>>
      %dma_wait3A_107 = arith.constant 0 : i32
      %dma_wait3A_108 = arith.constant 0 : i32
      %dma_wait3A_109 = tpu.memref_slice %arg2[%dma_wait3A_107, %dma_wait3A_108] : memref<10000x128xf32, #tpu.memory_space<hbm>> -> memref<10000x128xf32, #tpu.memory_space<hbm>>
      tpu.wait_indirect_dma semaphore(%arg14 : memref<!tpu.dma_semaphore, #tpu.memory_space<semaphore_mem>>) src(%dma_wait3A_109 : memref<10000x128xf32, #tpu.memory_space<hbm>>) dst(%arg9 : memref<128x128xf32, #tpu.memory_space<vmem>>)
      %add3A_110 = arith.constant 1 : i32
      %add3A_111 = arith.addi %add3A_102, %add3A_110 : i32
      %dma_wait3A_112 = arith.constant 0 : i32
      %dma_wait3A_113 = arith.constant 0 : i32
      %dma_wait3A_114 = tpu.memref_slice %arg3[%add3A, %add3A_111, %dma_wait3A_112, %dma_wait3A_113] : memref<32x80x2x128xi32, #tpu.memory_space<hbm>> -> memref<1x1x2x128xi32, #tpu.memory_space<hbm>>
      %dma_wait3A_115 = tpu.memref_squeeze %dma_wait3A_114 : memref<1x1x2x128xi32, #tpu.memory_space<hbm>> -> memref<2x128xi32, #tpu.memory_space<hbm>>
      %dma_wait3A_116 = arith.constant 0 : i32
      %dma_wait3A_117 = arith.constant 0 : i32
      %dma_wait3A_118 = tpu.memref_slice %arg3[%add3A, %add3A_111, %dma_wait3A_116, %dma_wait3A_117] : memref<32x80x2x128xi32, #tpu.memory_space<hbm>> -> memref<1x1x2x128xi32, #tpu.memory_space<hbm>>
      %dma_wait3A_119 = tpu.memref_squeeze %dma_wait3A_118 : memref<1x1x2x128xi32, #tpu.memory_space<hbm>> -> memref<2x128xi32, #tpu.memory_space<hbm>>
      tpu.wait_dma2 semaphore(%arg11 : memref<!tpu.dma_semaphore, #tpu.memory_space<semaphore_mem>>) src(%dma_wait3A_119 : memref<2x128xi32, #tpu.memory_space<hbm>>) dst(%arg6 : memref<2x128xi32, #tpu.memory_space<vmem>>)
      %dma_start3A_120 = arith.constant 0 : i32
      %dma_start3A_121 = arith.constant 0 : i32
      %dma_start3A_122 = tpu.memref_slice %arg6[%dma_start3A_120, %dma_start3A_121] : memref<2x128xi32, #tpu.memory_space<vmem>> -> memref<1x128xi32, #tpu.memory_space<vmem>>
      %dma_start3A_123 = tpu.memref_squeeze %dma_start3A_122 : memref<1x128xi32, #tpu.memory_space<vmem>> -> memref<128xi32, #tpu.memory_space<vmem>>
      %dma_start3A_124 = arith.constant 0 : i32
      %dma_start3A_125 = arith.constant 0 : i32
      %dma_start3A_126 = tpu.memref_slice %arg2[%dma_start3A_124, %dma_start3A_125] : memref<10000x128xf32, #tpu.memory_space<hbm>> -> memref<10000x128xf32, #tpu.memory_space<hbm>>
      tpu.enqueue_indirect_dma source(%dma_start3A_126 : memref<10000x128xf32, #tpu.memory_space<hbm>>) target(%arg8 : memref<128x128xf32, #tpu.memory_space<vmem>>) offsets(%dma_start3A_123 : memref<128xi32, #tpu.memory_space<vmem>>) semaphore(%arg13 : memref<!tpu.dma_semaphore, #tpu.memory_space<semaphore_mem>>)
      %run_scoped3A_127 = arith.constant 1 : i32
      "tpu.region"() ({
        %run_scoped3A_139 = tpu.sem_alloc : memref<!tpu.dma_semaphore, #tpu.memory_space<semaphore_mem>>
        %dma_start3A_140 = arith.constant 0 : i32
        %dma_start3A_141 = tpu.memref_slice %arg7[%run_scoped3A_127, %dma_start3A_140] : memref<2x128xi32, #tpu.memory_space<vmem>> -> memref<1x128xi32, #tpu.memory_space<vmem>>
        %dma_start3A_142 = tpu.memref_squeeze %dma_start3A_141 : memref<1x128xi32, #tpu.memory_space<vmem>> -> memref<128xi32, #tpu.memory_space<vmem>>
        %dma_start3A_143 = arith.constant 0 : i32
        %dma_start3A_144 = arith.constant 0 : i32
        %dma_start3A_145 = tpu.memref_slice %arg10[%dma_start3A_143, %dma_start3A_144] : memref<10008x128xf32, #tpu.memory_space<vmem_shared>> -> memref<10008x128xf32, #tpu.memory_space<vmem_shared>>
        tpu.enqueue_indirect_dma source(%arg9 : memref<128x128xf32, #tpu.memory_space<vmem>>) target(%dma_start3A_145 : memref<10008x128xf32, #tpu.memory_space<vmem_shared>>) offsets(%dma_start3A_142 : memref<128xi32, #tpu.memory_space<vmem>>) semaphore(%run_scoped3A_139 : memref<!tpu.dma_semaphore, #tpu.memory_space<semaphore_mem>>) {add = true}
        %dma_wait3A_146 = arith.constant 0 : i32
        %dma_wait3A_147 = tpu.memref_slice %arg7[%run_scoped3A_127, %dma_wait3A_146] : memref<2x128xi32, #tpu.memory_space<vmem>> -> memref<1x128xi32, #tpu.memory_space<vmem>>
        %dma_wait3A_148 = tpu.memref_squeeze %dma_wait3A_147 : memref<1x128xi32, #tpu.memory_space<vmem>> -> memref<128xi32, #tpu.memory_space<vmem>>
        %dma_wait3A_149 = arith.constant 0 : i32
        %dma_wait3A_150 = arith.constant 0 : i32
        %dma_wait3A_151 = tpu.memref_slice %arg10[%dma_wait3A_149, %dma_wait3A_150] : memref<10008x128xf32, #tpu.memory_space<vmem_shared>> -> memref<10008x128xf32, #tpu.memory_space<vmem_shared>>
        tpu.wait_indirect_dma semaphore(%run_scoped3A_139 : memref<!tpu.dma_semaphore, #tpu.memory_space<semaphore_mem>>) src(%arg9 : memref<128x128xf32, #tpu.memory_space<vmem>>) dst(%dma_wait3A_151 : memref<10008x128xf32, #tpu.memory_space<vmem_shared>>)
        tpu.yield
      }) : () -> ()
      %add3A_128 = arith.constant 2 : i32
      %add3A_129 = arith.addi %add3A_102, %add3A_128 : i32
      %dma_start3A_130 = arith.constant 0 : i32
      %dma_start3A_131 = arith.constant 0 : i32
      %dma_start3A_132 = tpu.memref_slice %arg3[%add3A, %add3A_129, %dma_start3A_130, %dma_start3A_131] : memref<32x80x2x128xi32, #tpu.memory_space<hbm>> -> memref<1x1x2x128xi32, #tpu.memory_space<hbm>>
      %dma_start3A_133 = tpu.memref_squeeze %dma_start3A_132 : memref<1x1x2x128xi32, #tpu.memory_space<hbm>> -> memref<2x128xi32, #tpu.memory_space<hbm>>
      %dma_start3A_134 = arith.constant 0 : i32
      %dma_start3A_135 = arith.constant 0 : i32
      %dma_start3A_136 = tpu.memref_slice %arg3[%add3A, %add3A_129, %dma_start3A_134, %dma_start3A_135] : memref<32x80x2x128xi32, #tpu.memory_space<hbm>> -> memref<1x1x2x128xi32, #tpu.memory_space<hbm>>
      %dma_start3A_137 = tpu.memref_squeeze %dma_start3A_136 : memref<1x1x2x128xi32, #tpu.memory_space<hbm>> -> memref<2x128xi32, #tpu.memory_space<hbm>>
      tpu.enqueue_dma source(%dma_start3A_137 : memref<2x128xi32, #tpu.memory_space<hbm>>) target(%arg7 : memref<2x128xi32, #tpu.memory_space<vmem>>) target_semaphore(%arg12 : memref<!tpu.dma_semaphore, #tpu.memory_space<semaphore_mem>>)
      %scan3A_138 = arith.constant 0 : i32
      scf.yield %scan3A_138 : i32
    }
    %scan3A_40 = arith.constant 39 : i32
    %dma_wait3A_41 = arith.constant 0 : i32
    %dma_wait3A_42 = arith.constant 0 : i32
    %dma_wait3A_43 = tpu.memref_slice %arg6[%dma_wait3A_41, %dma_wait3A_42] : memref<2x128xi32, #tpu.memory_space<vmem>> -> memref<1x128xi32, #tpu.memory_space<vmem>>
    %dma_wait3A_44 = tpu.memref_squeeze %dma_wait3A_43 : memref<1x128xi32, #tpu.memory_space<vmem>> -> memref<128xi32, #tpu.memory_space<vmem>>
    %dma_wait3A_45 = arith.constant 0 : i32
    %dma_wait3A_46 = arith.constant 0 : i32
    %dma_wait3A_47 = tpu.memref_slice %arg2[%dma_wait3A_45, %dma_wait3A_46] : memref<10000x128xf32, #tpu.memory_space<hbm>> -> memref<10000x128xf32, #tpu.memory_space<hbm>>
    tpu.wait_indirect_dma semaphore(%arg13 : memref<!tpu.dma_semaphore, #tpu.memory_space<semaphore_mem>>) src(%dma_wait3A_47 : memref<10000x128xf32, #tpu.memory_space<hbm>>) dst(%arg8 : memref<128x128xf32, #tpu.memory_space<vmem>>)
    %run_scoped3A = arith.constant 1 : i32
    "tpu.region"() ({
      %run_scoped3A_58 = tpu.sem_alloc : memref<!tpu.dma_semaphore, #tpu.memory_space<semaphore_mem>>
      %dma_start3A_59 = arith.constant 0 : i32
      %dma_start3A_60 = tpu.memref_slice %arg6[%run_scoped3A, %dma_start3A_59] : memref<2x128xi32, #tpu.memory_space<vmem>> -> memref<1x128xi32, #tpu.memory_space<vmem>>
      %dma_start3A_61 = tpu.memref_squeeze %dma_start3A_60 : memref<1x128xi32, #tpu.memory_space<vmem>> -> memref<128xi32, #tpu.memory_space<vmem>>
      %dma_start3A_62 = arith.constant 0 : i32
      %dma_start3A_63 = arith.constant 0 : i32
      %dma_start3A_64 = tpu.memref_slice %arg10[%dma_start3A_62, %dma_start3A_63] : memref<10008x128xf32, #tpu.memory_space<vmem_shared>> -> memref<10008x128xf32, #tpu.memory_space<vmem_shared>>
      tpu.enqueue_indirect_dma source(%arg8 : memref<128x128xf32, #tpu.memory_space<vmem>>) target(%dma_start3A_64 : memref<10008x128xf32, #tpu.memory_space<vmem_shared>>) offsets(%dma_start3A_61 : memref<128xi32, #tpu.memory_space<vmem>>) semaphore(%run_scoped3A_58 : memref<!tpu.dma_semaphore, #tpu.memory_space<semaphore_mem>>) {add = true}
      %dma_wait3A_65 = arith.constant 0 : i32
      %dma_wait3A_66 = tpu.memref_slice %arg6[%run_scoped3A, %dma_wait3A_65] : memref<2x128xi32, #tpu.memory_space<vmem>> -> memref<1x128xi32, #tpu.memory_space<vmem>>
      %dma_wait3A_67 = tpu.memref_squeeze %dma_wait3A_66 : memref<1x128xi32, #tpu.memory_space<vmem>> -> memref<128xi32, #tpu.memory_space<vmem>>
      %dma_wait3A_68 = arith.constant 0 : i32
      %dma_wait3A_69 = arith.constant 0 : i32
      %dma_wait3A_70 = tpu.memref_slice %arg10[%dma_wait3A_68, %dma_wait3A_69] : memref<10008x128xf32, #tpu.memory_space<vmem_shared>> -> memref<10008x128xf32, #tpu.memory_space<vmem_shared>>
      tpu.wait_indirect_dma semaphore(%run_scoped3A_58 : memref<!tpu.dma_semaphore, #tpu.memory_space<semaphore_mem>>) src(%arg8 : memref<128x128xf32, #tpu.memory_space<vmem>>) dst(%dma_wait3A_70 : memref<10008x128xf32, #tpu.memory_space<vmem_shared>>)
      tpu.yield
    }) : () -> ()
    %dma_wait3A_48 = arith.constant 79 : i32
    %dma_wait3A_49 = arith.constant 0 : i32
    %dma_wait3A_50 = arith.constant 0 : i32
    %dma_wait3A_51 = tpu.memref_slice %arg3[%add3A, %dma_wait3A_48, %dma_wait3A_49, %dma_wait3A_50] : memref<32x80x2x128xi32, #tpu.memory_space<hbm>> -> memref<1x1x2x128xi32, #tpu.memory_space<hbm>>
    %dma_wait3A_52 = tpu.memref_squeeze %dma_wait3A_51 : memref<1x1x2x128xi32, #tpu.memory_space<hbm>> -> memref<2x128xi32, #tpu.memory_space<hbm>>
    %dma_wait3A_53 = arith.constant 0 : i32
    %dma_wait3A_54 = arith.constant 0 : i32
    %dma_wait3A_55 = tpu.memref_slice %arg3[%add3A, %dma_wait3A_48, %dma_wait3A_53, %dma_wait3A_54] : memref<32x80x2x128xi32, #tpu.memory_space<hbm>> -> memref<1x1x2x128xi32, #tpu.memory_space<hbm>>
    %dma_wait3A_56 = tpu.memref_squeeze %dma_wait3A_55 : memref<1x1x2x128xi32, #tpu.memory_space<hbm>> -> memref<2x128xi32, #tpu.memory_space<hbm>>
    tpu.wait_dma2 semaphore(%arg12 : memref<!tpu.dma_semaphore, #tpu.memory_space<semaphore_mem>>) src(%dma_wait3A_56 : memref<2x128xi32, #tpu.memory_space<hbm>>) dst(%arg7 : memref<2x128xi32, #tpu.memory_space<vmem>>)
    %barrier3A_57 = arith.constant 0 : index
    tpu.barrier barrier_id(%barrier3A_57)
    "tpu.region"() ({
      %run_scoped3A_58 = tpu.sem_alloc : memref<!tpu.dma_semaphore, #tpu.memory_space<semaphore_mem>>
      %dma_start3A_59 = arith.constant 0 : i32
      %dma_start3A_60 = tpu.memref_slice %arg5[%arg0, %multiple_of3A, %dma_start3A_59] : memref<2x10008x128xf32, #tpu.memory_space<hbm>> -> memref<1x648x128xf32, #tpu.memory_space<hbm>>
      %dma_start3A_61 = tpu.memref_squeeze %dma_start3A_60 : memref<1x648x128xf32, #tpu.memory_space<hbm>> -> memref<648x128xf32, #tpu.memory_space<hbm>>
      %dma_start3A_62 = arith.constant 0 : i32
      %dma_start3A_63 = tpu.memref_slice %arg10[%multiple_of3A, %dma_start3A_62] : memref<10008x128xf32, #tpu.memory_space<vmem_shared>> -> memref<648x128xf32, #tpu.memory_space<vmem_shared>>
      tpu.enqueue_dma source(%dma_start3A_63 : memref<648x128xf32, #tpu.memory_space<vmem_shared>>) target(%dma_start3A_61 : memref<648x128xf32, #tpu.memory_space<hbm>>) target_semaphore(%run_scoped3A_58 : memref<!tpu.dma_semaphore, #tpu.memory_space<semaphore_mem>>)
      %dma_wait3A_64 = arith.constant 0 : i32
      %dma_wait3A_65 = tpu.memref_slice %arg5[%arg0, %multiple_of3A, %dma_wait3A_64] : memref<2x10008x128xf32, #tpu.memory_space<hbm>> -> memref<1x648x128xf32, #tpu.memory_space<hbm>>
      %dma_wait3A_66 = tpu.memref_squeeze %dma_wait3A_65 : memref<1x648x128xf32, #tpu.memory_space<hbm>> -> memref<648x128xf32, #tpu.memory_space<hbm>>
      %dma_wait3A_67 = arith.constant 0 : i32
      %dma_wait3A_68 = tpu.memref_slice %arg10[%multiple_of3A, %dma_wait3A_67] : memref<10008x128xf32, #tpu.memory_space<vmem_shared>> -> memref<648x128xf32, #tpu.memory_space<vmem_shared>>
      tpu.wait_dma2 semaphore(%run_scoped3A_58 : memref<!tpu.dma_semaphore, #tpu.memory_space<semaphore_mem>>) src(%dma_wait3A_68 : memref<648x128xf32, #tpu.memory_space<vmem_shared>>) dst(%dma_wait3A_66 : memref<648x128xf32, #tpu.memory_space<hbm>>)
      tpu.yield
    }) : () -> ()
    return
  }
}

#map = affine_map<(d0, d1) -> (0, 0)>
#map1 = affine_map<(d0, d1) -> (0, 0, 0, 0)>
#map2 = affine_map<(d0, d1) -> (0, 0, 0)>
module attributes {stable_mosaic.version = 14 : i64} {
  func.func @_spmm_body(%arg0: i32, %arg1: i32, %arg2: memref<10000x128xf32, #tpu.memory_space<hbm>>, %arg3: memref<32x80x2x128xi32, #tpu.memory_space<hbm>>, %arg4: memref<10008x128xf32, #tpu.memory_space<hbm>>, %arg5: memref<2x10008x128xf32, #tpu.memory_space<hbm>>, %arg6: memref<2x128xi32, #tpu.memory_space<vmem>>, %arg7: memref<2x128xi32, #tpu.memory_space<vmem>>, %arg8: memref<128x128xf32, #tpu.memory_space<vmem>>, %arg9: memref<128x128xf32, #tpu.memory_space<vmem>>, %arg10: memref<10008x128xf32, #tpu.memory_space<vmem_shared>>, %arg11: memref<!tpu.dma_semaphore, #tpu.memory_space<semaphore_mem>>, %arg12: memref<!tpu.dma_semaphore, #tpu.memory_space<semaphore_mem>>, %arg13: memref<!tpu.dma_semaphore, #tpu.memory_space<semaphore_mem>>, %arg14: memref<!tpu.dma_semaphore, #tpu.memory_space<semaphore_mem>>) attributes {dimension_semantics = [#tpu.dimension_semantics<core_parallel>, #tpu.dimension_semantics<subcore_parallel>], iteration_bounds = array<i64: 2, 16>, scalar_prefetch = 0 : i64, scratch_operands = 9 : i64, tpu.core_type = #tpu.core_type<sc_vector_subcore>, window_params = [{transform_indices = #map}, {transform_indices = #map1}, {transform_indices = #map}, {transform_indices = #map2}]} {
    %mul3A = arith.constant 16 : i32
    %mul3A_0 = arith.muli %arg0, %mul3A : i32
    %add3A = arith.addi %mul3A_0, %arg1 : i32
    %mul3A_1 = arith.constant 624 : i32
    %mul3A_2 = arith.muli %arg1, %mul3A_1 : i32
    %multiple_of3A = tpu.assume_multiple %mul3A_2, 8 : i32
    %dma_start3A = arith.constant 0 : i32
    %dma_start3A_3 = arith.constant 0 : i32
    %dma_start3A_4 = arith.constant 0 : i32
    %dma_start3A_5 = tpu.memref_slice %arg3[%add3A, %dma_start3A, %dma_start3A_3, %dma_start3A_4] : memref<32x80x2x128xi32, #tpu.memory_space<hbm>> -> memref<1x1x2x128xi32, #tpu.memory_space<hbm>>
    %dma_start3A_6 = tpu.memref_squeeze %dma_start3A_5 : memref<1x1x2x128xi32, #tpu.memory_space<hbm>> -> memref<2x128xi32, #tpu.memory_space<hbm>>
    %dma_start3A_7 = arith.constant 0 : i32
    %dma_start3A_8 = arith.constant 0 : i32
    %dma_start3A_9 = tpu.memref_slice %arg3[%add3A, %dma_start3A, %dma_start3A_7, %dma_start3A_8] : memref<32x80x2x128xi32, #tpu.memory_space<hbm>> -> memref<1x1x2x128xi32, #tpu.memory_space<hbm>>
    %dma_start3A_10 = tpu.memref_squeeze %dma_start3A_9 : memref<1x1x2x128xi32, #tpu.memory_space<hbm>> -> memref<2x128xi32, #tpu.memory_space<hbm>>
    tpu.enqueue_dma source(%dma_start3A_10 : memref<2x128xi32, #tpu.memory_space<hbm>>) target(%arg6 : memref<2x128xi32, #tpu.memory_space<vmem>>) target_semaphore(%arg11 : memref<!tpu.dma_semaphore, #tpu.memory_space<semaphore_mem>>)
    %dma_start3A_11 = arith.constant 1 : i32
    %dma_start3A_12 = arith.constant 0 : i32
    %dma_start3A_13 = arith.constant 0 : i32
    %dma_start3A_14 = tpu.memref_slice %arg3[%add3A, %dma_start3A_11, %dma_start3A_12, %dma_start3A_13] : memref<32x80x2x128xi32, #tpu.memory_space<hbm>> -> memref<1x1x2x128xi32, #tpu.memory_space<hbm>>
    %dma_start3A_15 = tpu.memref_squeeze %dma_start3A_14 : memref<1x1x2x128xi32, #tpu.memory_space<hbm>> -> memref<2x128xi32, #tpu.memory_space<hbm>>
    %dma_start3A_16 = arith.constant 0 : i32
    %dma_start3A_17 = arith.constant 0 : i32
    %dma_start3A_18 = tpu.memref_slice %arg3[%add3A, %dma_start3A_11, %dma_start3A_16, %dma_start3A_17] : memref<32x80x2x128xi32, #tpu.memory_space<hbm>> -> memref<1x1x2x128xi32, #tpu.memory_space<hbm>>
    %dma_start3A_19 = tpu.memref_squeeze %dma_start3A_18 : memref<1x1x2x128xi32, #tpu.memory_space<hbm>> -> memref<2x128xi32, #tpu.memory_space<hbm>>
    tpu.enqueue_dma source(%dma_start3A_19 : memref<2x128xi32, #tpu.memory_space<hbm>>) target(%arg7 : memref<2x128xi32, #tpu.memory_space<vmem>>) target_semaphore(%arg12 : memref<!tpu.dma_semaphore, #tpu.memory_space<semaphore_mem>>)
    "tpu.region"() ({
      %run_scoped3A_58 = tpu.sem_alloc : memref<!tpu.dma_semaphore, #tpu.memory_space<semaphore_mem>>
      %dma_start3A_59 = arith.constant 0 : i32
      %dma_start3A_60 = tpu.memref_slice %arg10[%multiple_of3A, %dma_start3A_59] : memref<10008x128xf32, #tpu.memory_space<vmem_shared>> -> memref<648x128xf32, #tpu.memory_space<vmem_shared>>
      %dma_start3A_61 = arith.constant 0 : i32
      %dma_start3A_62 = tpu.memref_slice %arg4[%multiple_of3A, %dma_start3A_61] : memref<10008x128xf32, #tpu.memory_space<hbm>> -> memref<648x128xf32, #tpu.memory_space<hbm>>
      tpu.enqueue_dma source(%dma_start3A_62 : memref<648x128xf32, #tpu.memory_space<hbm>>) target(%dma_start3A_60 : memref<648x128xf32, #tpu.memory_space<vmem_shared>>) target_semaphore(%run_scoped3A_58 : memref<!tpu.dma_semaphore, #tpu.memory_space<semaphore_mem>>)
      %dma_wait3A_63 = arith.constant 0 : i32
      %dma_wait3A_64 = tpu.memref_slice %arg10[%multiple_of3A, %dma_wait3A_63] : memref<10008x128xf32, #tpu.memory_space<vmem_shared>> -> memref<648x128xf32, #tpu.memory_space<vmem_shared>>
      %dma_wait3A_65 = arith.constant 0 : i32
      %dma_wait3A_66 = tpu.memref_slice %arg4[%multiple_of3A, %dma_wait3A_65] : memref<10008x128xf32, #tpu.memory_space<hbm>> -> memref<648x128xf32, #tpu.memory_space<hbm>>
      tpu.wait_dma2 semaphore(%run_scoped3A_58 : memref<!tpu.dma_semaphore, #tpu.memory_space<semaphore_mem>>) src(%dma_wait3A_66 : memref<648x128xf32, #tpu.memory_space<hbm>>) dst(%dma_wait3A_64 : memref<648x128xf32, #tpu.memory_space<vmem_shared>>)
      tpu.yield
    }) : () -> ()
    %barrier3A = arith.constant 0 : index
    tpu.barrier barrier_id(%barrier3A)
    %dma_wait3A = arith.constant 0 : i32
    %dma_wait3A_20 = arith.constant 0 : i32
    %dma_wait3A_21 = arith.constant 0 : i32
    %dma_wait3A_22 = tpu.memref_slice %arg3[%add3A, %dma_wait3A, %dma_wait3A_20, %dma_wait3A_21] : memref<32x80x2x128xi32, #tpu.memory_space<hbm>> -> memref<1x1x2x128xi32, #tpu.memory_space<hbm>>
    %dma_wait3A_23 = tpu.memref_squeeze %dma_wait3A_22 : memref<1x1x2x128xi32, #tpu.memory_space<hbm>> -> memref<2x128xi32, #tpu.memory_space<hbm>>
    %dma_wait3A_24 = arith.constant 0 : i32
    %dma_wait3A_25 = arith.constant 0 : i32
    %dma_wait3A_26 = tpu.memref_slice %arg3[%add3A, %dma_wait3A, %dma_wait3A_24, %dma_wait3A_25] : memref<32x80x2x128xi32, #tpu.memory_space<hbm>> -> memref<1x1x2x128xi32, #tpu.memory_space<hbm>>
    %dma_wait3A_27 = tpu.memref_squeeze %dma_wait3A_26 : memref<1x1x2x128xi32, #tpu.memory_space<hbm>> -> memref<2x128xi32, #tpu.memory_space<hbm>>
    tpu.wait_dma2 semaphore(%arg11 : memref<!tpu.dma_semaphore, #tpu.memory_space<semaphore_mem>>) src(%dma_wait3A_27 : memref<2x128xi32, #tpu.memory_space<hbm>>) dst(%arg6 : memref<2x128xi32, #tpu.memory_space<vmem>>)
    %dma_start3A_28 = arith.constant 0 : i32
    %dma_start3A_29 = arith.constant 0 : i32
    %dma_start3A_30 = tpu.memref_slice %arg6[%dma_start3A_28, %dma_start3A_29] : memref<2x128xi32, #tpu.memory_space<vmem>> -> memref<1x128xi32, #tpu.memory_space<vmem>>
    %dma_start3A_31 = tpu.memref_squeeze %dma_start3A_30 : memref<1x128xi32, #tpu.memory_space<vmem>> -> memref<128xi32, #tpu.memory_space<vmem>>
    %dma_start3A_32 = arith.constant 0 : i32
    %dma_start3A_33 = arith.constant 0 : i32
    %dma_start3A_34 = tpu.memref_slice %arg2[%dma_start3A_32, %dma_start3A_33] : memref<10000x128xf32, #tpu.memory_space<hbm>> -> memref<10000x128xf32, #tpu.memory_space<hbm>>
    tpu.enqueue_indirect_dma source(%dma_start3A_34 : memref<10000x128xf32, #tpu.memory_space<hbm>>) target(%arg8 : memref<128x128xf32, #tpu.memory_space<vmem>>) offsets(%dma_start3A_31 : memref<128xi32, #tpu.memory_space<vmem>>) semaphore(%arg13 : memref<!tpu.dma_semaphore, #tpu.memory_space<semaphore_mem>>)
    %scan3A = arith.constant 0 : i32
    %scan3A_35 = arith.constant 0 : i32
    %scan3A_36 = arith.constant 39 : i32
    %scan3A_37 = arith.addi %scan3A_35, %scan3A_36 : i32
    %scan3A_38 = arith.constant 1 : i32
    %scan3A_39 = scf.for %scan3A_58 = %scan3A_35 to %scan3A_37 step %scan3A_38 iter_args(%scan3A_59 = %scan3A) -> (i32)  : i32 {
      %mul3A_60 = arith.constant 2 : i32
      %mul3A_61 = arith.muli %scan3A_58, %mul3A_60 : i32
      %add3A_62 = arith.constant 0 : i32
      %add3A_63 = arith.addi %mul3A_61, %add3A_62 : i32
      %dma_wait3A_64 = arith.constant 0 : i32
      %dma_wait3A_65 = arith.constant 0 : i32
      %dma_wait3A_66 = tpu.memref_slice %arg6[%dma_wait3A_64, %dma_wait3A_65] : memref<2x128xi32, #tpu.memory_space<vmem>> -> memref<1x128xi32, #tpu.memory_space<vmem>>
      %dma_wait3A_67 = tpu.memref_squeeze %dma_wait3A_66 : memref<1x128xi32, #tpu.memory_space<vmem>> -> memref<128xi32, #tpu.memory_space<vmem>>
      %dma_wait3A_68 = arith.constant 0 : i32
      %dma_wait3A_69 = arith.constant 0 : i32
      %dma_wait3A_70 = tpu.memref_slice %arg2[%dma_wait3A_68, %dma_wait3A_69] : memref<10000x128xf32, #tpu.memory_space<hbm>> -> memref<10000x128xf32, #tpu.memory_space<hbm>>
      tpu.wait_indirect_dma semaphore(%arg13 : memref<!tpu.dma_semaphore, #tpu.memory_space<semaphore_mem>>) src(%dma_wait3A_70 : memref<10000x128xf32, #tpu.memory_space<hbm>>) dst(%arg8 : memref<128x128xf32, #tpu.memory_space<vmem>>)
      %add3A_71 = arith.constant 1 : i32
      %add3A_72 = arith.addi %add3A_63, %add3A_71 : i32
      %dma_wait3A_73 = arith.constant 0 : i32
      %dma_wait3A_74 = arith.constant 0 : i32
      %dma_wait3A_75 = tpu.memref_slice %arg3[%add3A, %add3A_72, %dma_wait3A_73, %dma_wait3A_74] : memref<32x80x2x128xi32, #tpu.memory_space<hbm>> -> memref<1x1x2x128xi32, #tpu.memory_space<hbm>>
      %dma_wait3A_76 = tpu.memref_squeeze %dma_wait3A_75 : memref<1x1x2x128xi32, #tpu.memory_space<hbm>> -> memref<2x128xi32, #tpu.memory_space<hbm>>
      %dma_wait3A_77 = arith.constant 0 : i32
      %dma_wait3A_78 = arith.constant 0 : i32
      %dma_wait3A_79 = tpu.memref_slice %arg3[%add3A, %add3A_72, %dma_wait3A_77, %dma_wait3A_78] : memref<32x80x2x128xi32, #tpu.memory_space<hbm>> -> memref<1x1x2x128xi32, #tpu.memory_space<hbm>>
      %dma_wait3A_80 = tpu.memref_squeeze %dma_wait3A_79 : memref<1x1x2x128xi32, #tpu.memory_space<hbm>> -> memref<2x128xi32, #tpu.memory_space<hbm>>
      tpu.wait_dma2 semaphore(%arg12 : memref<!tpu.dma_semaphore, #tpu.memory_space<semaphore_mem>>) src(%dma_wait3A_80 : memref<2x128xi32, #tpu.memory_space<hbm>>) dst(%arg7 : memref<2x128xi32, #tpu.memory_space<vmem>>)
      %dma_start3A_81 = arith.constant 0 : i32
      %dma_start3A_82 = arith.constant 0 : i32
      %dma_start3A_83 = tpu.memref_slice %arg7[%dma_start3A_81, %dma_start3A_82] : memref<2x128xi32, #tpu.memory_space<vmem>> -> memref<1x128xi32, #tpu.memory_space<vmem>>
      %dma_start3A_84 = tpu.memref_squeeze %dma_start3A_83 : memref<1x128xi32, #tpu.memory_space<vmem>> -> memref<128xi32, #tpu.memory_space<vmem>>
      %dma_start3A_85 = arith.constant 0 : i32
      %dma_start3A_86 = arith.constant 0 : i32
      %dma_start3A_87 = tpu.memref_slice %arg2[%dma_start3A_85, %dma_start3A_86] : memref<10000x128xf32, #tpu.memory_space<hbm>> -> memref<10000x128xf32, #tpu.memory_space<hbm>>
      tpu.enqueue_indirect_dma source(%dma_start3A_87 : memref<10000x128xf32, #tpu.memory_space<hbm>>) target(%arg9 : memref<128x128xf32, #tpu.memory_space<vmem>>) offsets(%dma_start3A_84 : memref<128xi32, #tpu.memory_space<vmem>>) semaphore(%arg14 : memref<!tpu.dma_semaphore, #tpu.memory_space<semaphore_mem>>)
      %run_scoped3A_88 = arith.constant 1 : i32
      "tpu.region"() ({
        %run_scoped3A_139 = tpu.sem_alloc : memref<!tpu.dma_semaphore, #tpu.memory_space<semaphore_mem>>
        %dma_start3A_140 = arith.constant 0 : i32
        %dma_start3A_141 = tpu.memref_slice %arg6[%run_scoped3A_88, %dma_start3A_140] : memref<2x128xi32, #tpu.memory_space<vmem>> -> memref<1x128xi32, #tpu.memory_space<vmem>>
        %dma_start3A_142 = tpu.memref_squeeze %dma_start3A_141 : memref<1x128xi32, #tpu.memory_space<vmem>> -> memref<128xi32, #tpu.memory_space<vmem>>
        %dma_start3A_143 = arith.constant 0 : i32
        %dma_start3A_144 = arith.constant 0 : i32
        %dma_start3A_145 = tpu.memref_slice %arg10[%dma_start3A_143, %dma_start3A_144] : memref<10008x128xf32, #tpu.memory_space<vmem_shared>> -> memref<10008x128xf32, #tpu.memory_space<vmem_shared>>
        tpu.enqueue_indirect_dma source(%arg8 : memref<128x128xf32, #tpu.memory_space<vmem>>) target(%dma_start3A_145 : memref<10008x128xf32, #tpu.memory_space<vmem_shared>>) offsets(%dma_start3A_142 : memref<128xi32, #tpu.memory_space<vmem>>) semaphore(%run_scoped3A_139 : memref<!tpu.dma_semaphore, #tpu.memory_space<semaphore_mem>>) {add = true}
        %dma_wait3A_146 = arith.constant 0 : i32
        %dma_wait3A_147 = tpu.memref_slice %arg6[%run_scoped3A_88, %dma_wait3A_146] : memref<2x128xi32, #tpu.memory_space<vmem>> -> memref<1x128xi32, #tpu.memory_space<vmem>>
        %dma_wait3A_148 = tpu.memref_squeeze %dma_wait3A_147 : memref<1x128xi32, #tpu.memory_space<vmem>> -> memref<128xi32, #tpu.memory_space<vmem>>
        %dma_wait3A_149 = arith.constant 0 : i32
        %dma_wait3A_150 = arith.constant 0 : i32
        %dma_wait3A_151 = tpu.memref_slice %arg10[%dma_wait3A_149, %dma_wait3A_150] : memref<10008x128xf32, #tpu.memory_space<vmem_shared>> -> memref<10008x128xf32, #tpu.memory_space<vmem_shared>>
        tpu.wait_indirect_dma semaphore(%run_scoped3A_139 : memref<!tpu.dma_semaphore, #tpu.memory_space<semaphore_mem>>) src(%arg8 : memref<128x128xf32, #tpu.memory_space<vmem>>) dst(%dma_wait3A_151 : memref<10008x128xf32, #tpu.memory_space<vmem_shared>>)
        tpu.yield
      }) : () -> ()
      %add3A_89 = arith.constant 2 : i32
      %add3A_90 = arith.addi %add3A_63, %add3A_89 : i32
      %dma_start3A_91 = arith.constant 0 : i32
      %dma_start3A_92 = arith.constant 0 : i32
      %dma_start3A_93 = tpu.memref_slice %arg3[%add3A, %add3A_90, %dma_start3A_91, %dma_start3A_92] : memref<32x80x2x128xi32, #tpu.memory_space<hbm>> -> memref<1x1x2x128xi32, #tpu.memory_space<hbm>>
      %dma_start3A_94 = tpu.memref_squeeze %dma_start3A_93 : memref<1x1x2x128xi32, #tpu.memory_space<hbm>> -> memref<2x128xi32, #tpu.memory_space<hbm>>
      %dma_start3A_95 = arith.constant 0 : i32
      %dma_start3A_96 = arith.constant 0 : i32
      %dma_start3A_97 = tpu.memref_slice %arg3[%add3A, %add3A_90, %dma_start3A_95, %dma_start3A_96] : memref<32x80x2x128xi32, #tpu.memory_space<hbm>> -> memref<1x1x2x128xi32, #tpu.memory_space<hbm>>
      %dma_start3A_98 = tpu.memref_squeeze %dma_start3A_97 : memref<1x1x2x128xi32, #tpu.memory_space<hbm>> -> memref<2x128xi32, #tpu.memory_space<hbm>>
      tpu.enqueue_dma source(%dma_start3A_98 : memref<2x128xi32, #tpu.memory_space<hbm>>) target(%arg6 : memref<2x128xi32, #tpu.memory_space<vmem>>) target_semaphore(%arg11 : memref<!tpu.dma_semaphore, #tpu.memory_space<semaphore_mem>>)
      %mul3A_99 = arith.constant 2 : i32
      %mul3A_100 = arith.muli %scan3A_58, %mul3A_99 : i32
      %add3A_101 = arith.constant 1 : i32
      %add3A_102 = arith.addi %mul3A_100, %add3A_101 : i32
      %dma_wait3A_103 = arith.constant 0 : i32
      %dma_wait3A_104 = arith.constant 0 : i32
      %dma_wait3A_105 = tpu.memref_slice %arg7[%dma_wait3A_103, %dma_wait3A_104] : memref<2x128xi32, #tpu.memory_space<vmem>> -> memref<1x128xi32, #tpu.memory_space<vmem>>
      %dma_wait3A_106 = tpu.memref_squeeze %dma_wait3A_105 : memref<1x128xi32, #tpu.memory_space<vmem>> -> memref<128xi32, #tpu.memory_space<vmem>>
      %dma_wait3A_107 = arith.constant 0 : i32
      %dma_wait3A_108 = arith.constant 0 : i32
      %dma_wait3A_109 = tpu.memref_slice %arg2[%dma_wait3A_107, %dma_wait3A_108] : memref<10000x128xf32, #tpu.memory_space<hbm>> -> memref<10000x128xf32, #tpu.memory_space<hbm>>
      tpu.wait_indirect_dma semaphore(%arg14 : memref<!tpu.dma_semaphore, #tpu.memory_space<semaphore_mem>>) src(%dma_wait3A_109 : memref<10000x128xf32, #tpu.memory_space<hbm>>) dst(%arg9 : memref<128x128xf32, #tpu.memory_space<vmem>>)
      %add3A_110 = arith.constant 1 : i32
      %add3A_111 = arith.addi %add3A_102, %add3A_110 : i32
      %dma_wait3A_112 = arith.constant 0 : i32
      %dma_wait3A_113 = arith.constant 0 : i32
      %dma_wait3A_114 = tpu.memref_slice %arg3[%add3A, %add3A_111, %dma_wait3A_112, %dma_wait3A_113] : memref<32x80x2x128xi32, #tpu.memory_space<hbm>> -> memref<1x1x2x128xi32, #tpu.memory_space<hbm>>
      %dma_wait3A_115 = tpu.memref_squeeze %dma_wait3A_114 : memref<1x1x2x128xi32, #tpu.memory_space<hbm>> -> memref<2x128xi32, #tpu.memory_space<hbm>>
      %dma_wait3A_116 = arith.constant 0 : i32
      %dma_wait3A_117 = arith.constant 0 : i32
      %dma_wait3A_118 = tpu.memref_slice %arg3[%add3A, %add3A_111, %dma_wait3A_116, %dma_wait3A_117] : memref<32x80x2x128xi32, #tpu.memory_space<hbm>> -> memref<1x1x2x128xi32, #tpu.memory_space<hbm>>
      %dma_wait3A_119 = tpu.memref_squeeze %dma_wait3A_118 : memref<1x1x2x128xi32, #tpu.memory_space<hbm>> -> memref<2x128xi32, #tpu.memory_space<hbm>>
      tpu.wait_dma2 semaphore(%arg11 : memref<!tpu.dma_semaphore, #tpu.memory_space<semaphore_mem>>) src(%dma_wait3A_119 : memref<2x128xi32, #tpu.memory_space<hbm>>) dst(%arg6 : memref<2x128xi32, #tpu.memory_space<vmem>>)
      %dma_start3A_120 = arith.constant 0 : i32
      %dma_start3A_121 = arith.constant 0 : i32
      %dma_start3A_122 = tpu.memref_slice %arg6[%dma_start3A_120, %dma_start3A_121] : memref<2x128xi32, #tpu.memory_space<vmem>> -> memref<1x128xi32, #tpu.memory_space<vmem>>
      %dma_start3A_123 = tpu.memref_squeeze %dma_start3A_122 : memref<1x128xi32, #tpu.memory_space<vmem>> -> memref<128xi32, #tpu.memory_space<vmem>>
      %dma_start3A_124 = arith.constant 0 : i32
      %dma_start3A_125 = arith.constant 0 : i32
      %dma_start3A_126 = tpu.memref_slice %arg2[%dma_start3A_124, %dma_start3A_125] : memref<10000x128xf32, #tpu.memory_space<hbm>> -> memref<10000x128xf32, #tpu.memory_space<hbm>>
      tpu.enqueue_indirect_dma source(%dma_start3A_126 : memref<10000x128xf32, #tpu.memory_space<hbm>>) target(%arg8 : memref<128x128xf32, #tpu.memory_space<vmem>>) offsets(%dma_start3A_123 : memref<128xi32, #tpu.memory_space<vmem>>) semaphore(%arg13 : memref<!tpu.dma_semaphore, #tpu.memory_space<semaphore_mem>>)
      %run_scoped3A_127 = arith.constant 1 : i32
      "tpu.region"() ({
        %run_scoped3A_139 = tpu.sem_alloc : memref<!tpu.dma_semaphore, #tpu.memory_space<semaphore_mem>>
        %dma_start3A_140 = arith.constant 0 : i32
        %dma_start3A_141 = tpu.memref_slice %arg7[%run_scoped3A_127, %dma_start3A_140] : memref<2x128xi32, #tpu.memory_space<vmem>> -> memref<1x128xi32, #tpu.memory_space<vmem>>
        %dma_start3A_142 = tpu.memref_squeeze %dma_start3A_141 : memref<1x128xi32, #tpu.memory_space<vmem>> -> memref<128xi32, #tpu.memory_space<vmem>>
        %dma_start3A_143 = arith.constant 0 : i32
        %dma_start3A_144 = arith.constant 0 : i32
        %dma_start3A_145 = tpu.memref_slice %arg10[%dma_start3A_143, %dma_start3A_144] : memref<10008x128xf32, #tpu.memory_space<vmem_shared>> -> memref<10008x128xf32, #tpu.memory_space<vmem_shared>>
        tpu.enqueue_indirect_dma source(%arg9 : memref<128x128xf32, #tpu.memory_space<vmem>>) target(%dma_start3A_145 : memref<10008x128xf32, #tpu.memory_space<vmem_shared>>) offsets(%dma_start3A_142 : memref<128xi32, #tpu.memory_space<vmem>>) semaphore(%run_scoped3A_139 : memref<!tpu.dma_semaphore, #tpu.memory_space<semaphore_mem>>) {add = true}
        %dma_wait3A_146 = arith.constant 0 : i32
        %dma_wait3A_147 = tpu.memref_slice %arg7[%run_scoped3A_127, %dma_wait3A_146] : memref<2x128xi32, #tpu.memory_space<vmem>> -> memref<1x128xi32, #tpu.memory_space<vmem>>
        %dma_wait3A_148 = tpu.memref_squeeze %dma_wait3A_147 : memref<1x128xi32, #tpu.memory_space<vmem>> -> memref<128xi32, #tpu.memory_space<vmem>>
        %dma_wait3A_149 = arith.constant 0 : i32
        %dma_wait3A_150 = arith.constant 0 : i32
        %dma_wait3A_151 = tpu.memref_slice %arg10[%dma_wait3A_149, %dma_wait3A_150] : memref<10008x128xf32, #tpu.memory_space<vmem_shared>> -> memref<10008x128xf32, #tpu.memory_space<vmem_shared>>
        tpu.wait_indirect_dma semaphore(%run_scoped3A_139 : memref<!tpu.dma_semaphore, #tpu.memory_space<semaphore_mem>>) src(%arg9 : memref<128x128xf32, #tpu.memory_space<vmem>>) dst(%dma_wait3A_151 : memref<10008x128xf32, #tpu.memory_space<vmem_shared>>)
        tpu.yield
      }) : () -> ()
      %add3A_128 = arith.constant 2 : i32
      %add3A_129 = arith.addi %add3A_102, %add3A_128 : i32
      %dma_start3A_130 = arith.constant 0 : i32
      %dma_start3A_131 = arith.constant 0 : i32
      %dma_start3A_132 = tpu.memref_slice %arg3[%add3A, %add3A_129, %dma_start3A_130, %dma_start3A_131] : memref<32x80x2x128xi32, #tpu.memory_space<hbm>> -> memref<1x1x2x128xi32, #tpu.memory_space<hbm>>
      %dma_start3A_133 = tpu.memref_squeeze %dma_start3A_132 : memref<1x1x2x128xi32, #tpu.memory_space<hbm>> -> memref<2x128xi32, #tpu.memory_space<hbm>>
      %dma_start3A_134 = arith.constant 0 : i32
      %dma_start3A_135 = arith.constant 0 : i32
      %dma_start3A_136 = tpu.memref_slice %arg3[%add3A, %add3A_129, %dma_start3A_134, %dma_start3A_135] : memref<32x80x2x128xi32, #tpu.memory_space<hbm>> -> memref<1x1x2x128xi32, #tpu.memory_space<hbm>>
      %dma_start3A_137 = tpu.memref_squeeze %dma_start3A_136 : memref<1x1x2x128xi32, #tpu.memory_space<hbm>> -> memref<2x128xi32, #tpu.memory_space<hbm>>
      tpu.enqueue_dma source(%dma_start3A_137 : memref<2x128xi32, #tpu.memory_space<hbm>>) target(%arg7 : memref<2x128xi32, #tpu.memory_space<vmem>>) target_semaphore(%arg12 : memref<!tpu.dma_semaphore, #tpu.memory_space<semaphore_mem>>)
      %scan3A_138 = arith.constant 0 : i32
      scf.yield %scan3A_138 : i32
    }
    %scan3A_40 = arith.constant 39 : i32
    %dma_wait3A_41 = arith.constant 0 : i32
    %dma_wait3A_42 = arith.constant 0 : i32
    %dma_wait3A_43 = tpu.memref_slice %arg6[%dma_wait3A_41, %dma_wait3A_42] : memref<2x128xi32, #tpu.memory_space<vmem>> -> memref<1x128xi32, #tpu.memory_space<vmem>>
    %dma_wait3A_44 = tpu.memref_squeeze %dma_wait3A_43 : memref<1x128xi32, #tpu.memory_space<vmem>> -> memref<128xi32, #tpu.memory_space<vmem>>
    %dma_wait3A_45 = arith.constant 0 : i32
    %dma_wait3A_46 = arith.constant 0 : i32
    %dma_wait3A_47 = tpu.memref_slice %arg2[%dma_wait3A_45, %dma_wait3A_46] : memref<10000x128xf32, #tpu.memory_space<hbm>> -> memref<10000x128xf32, #tpu.memory_space<hbm>>
    tpu.wait_indirect_dma semaphore(%arg13 : memref<!tpu.dma_semaphore, #tpu.memory_space<semaphore_mem>>) src(%dma_wait3A_47 : memref<10000x128xf32, #tpu.memory_space<hbm>>) dst(%arg8 : memref<128x128xf32, #tpu.memory_space<vmem>>)
    %run_scoped3A = arith.constant 1 : i32
    "tpu.region"() ({
      %run_scoped3A_58 = tpu.sem_alloc : memref<!tpu.dma_semaphore, #tpu.memory_space<semaphore_mem>>
      %dma_start3A_59 = arith.constant 0 : i32
      %dma_start3A_60 = tpu.memref_slice %arg6[%run_scoped3A, %dma_start3A_59] : memref<2x128xi32, #tpu.memory_space<vmem>> -> memref<1x128xi32, #tpu.memory_space<vmem>>
      %dma_start3A_61 = tpu.memref_squeeze %dma_start3A_60 : memref<1x128xi32, #tpu.memory_space<vmem>> -> memref<128xi32, #tpu.memory_space<vmem>>
      %dma_start3A_62 = arith.constant 0 : i32
      %dma_start3A_63 = arith.constant 0 : i32
      %dma_start3A_64 = tpu.memref_slice %arg10[%dma_start3A_62, %dma_start3A_63] : memref<10008x128xf32, #tpu.memory_space<vmem_shared>> -> memref<10008x128xf32, #tpu.memory_space<vmem_shared>>
      tpu.enqueue_indirect_dma source(%arg8 : memref<128x128xf32, #tpu.memory_space<vmem>>) target(%dma_start3A_64 : memref<10008x128xf32, #tpu.memory_space<vmem_shared>>) offsets(%dma_start3A_61 : memref<128xi32, #tpu.memory_space<vmem>>) semaphore(%run_scoped3A_58 : memref<!tpu.dma_semaphore, #tpu.memory_space<semaphore_mem>>) {add = true}
      %dma_wait3A_65 = arith.constant 0 : i32
      %dma_wait3A_66 = tpu.memref_slice %arg6[%run_scoped3A, %dma_wait3A_65] : memref<2x128xi32, #tpu.memory_space<vmem>> -> memref<1x128xi32, #tpu.memory_space<vmem>>
      %dma_wait3A_67 = tpu.memref_squeeze %dma_wait3A_66 : memref<1x128xi32, #tpu.memory_space<vmem>> -> memref<128xi32, #tpu.memory_space<vmem>>
      %dma_wait3A_68 = arith.constant 0 : i32
      %dma_wait3A_69 = arith.constant 0 : i32
      %dma_wait3A_70 = tpu.memref_slice %arg10[%dma_wait3A_68, %dma_wait3A_69] : memref<10008x128xf32, #tpu.memory_space<vmem_shared>> -> memref<10008x128xf32, #tpu.memory_space<vmem_shared>>
      tpu.wait_indirect_dma semaphore(%run_scoped3A_58 : memref<!tpu.dma_semaphore, #tpu.memory_space<semaphore_mem>>) src(%arg8 : memref<128x128xf32, #tpu.memory_space<vmem>>) dst(%dma_wait3A_70 : memref<10008x128xf32, #tpu.memory_space<vmem_shared>>)
      tpu.yield
    }) : () -> ()
    %dma_wait3A_48 = arith.constant 79 : i32
    %dma_wait3A_49 = arith.constant 0 : i32
    %dma_wait3A_50 = arith.constant 0 : i32
    %dma_wait3A_51 = tpu.memref_slice %arg3[%add3A, %dma_wait3A_48, %dma_wait3A_49, %dma_wait3A_50] : memref<32x80x2x128xi32, #tpu.memory_space<hbm>> -> memref<1x1x2x128xi32, #tpu.memory_space<hbm>>
    %dma_wait3A_52 = tpu.memref_squeeze %dma_wait3A_51 : memref<1x1x2x128xi32, #tpu.memory_space<hbm>> -> memref<2x128xi32, #tpu.memory_space<hbm>>
    %dma_wait3A_53 = arith.constant 0 : i32
    %dma_wait3A_54 = arith.constant 0 : i32
    %dma_wait3A_55 = tpu.memref_slice %arg3[%add3A, %dma_wait3A_48, %dma_wait3A_53, %dma_wait3A_54] : memref<32x80x2x128xi32, #tpu.memory_space<hbm>> -> memref<1x1x2x128xi32, #tpu.memory_space<hbm>>
    %dma_wait3A_56 = tpu.memref_squeeze %dma_wait3A_55 : memref<1x1x2x128xi32, #tpu.memory_space<hbm>> -> memref<2x128xi32, #tpu.memory_space<hbm>>
    tpu.wait_dma2 semaphore(%arg12 : memref<!tpu.dma_semaphore, #tpu.memory_space<semaphore_mem>>) src(%dma_wait3A_56 : memref<2x128xi32, #tpu.memory_space<hbm>>) dst(%arg7 : memref<2x128xi32, #tpu.memory_space<vmem>>)
    %barrier3A_57 = arith.constant 0 : index
    tpu.barrier barrier_id(%barrier3A_57)
    "tpu.region"() ({
      %run_scoped3A_58 = tpu.sem_alloc : memref<!tpu.dma_semaphore, #tpu.memory_space<semaphore_mem>>
      %dma_start3A_59 = arith.constant 0 : i32
      %dma_start3A_60 = tpu.memref_slice %arg5[%arg0, %multiple_of3A, %dma_start3A_59] : memref<2x10008x128xf32, #tpu.memory_space<hbm>> -> memref<1x648x128xf32, #tpu.memory_space<hbm>>
      %dma_start3A_61 = tpu.memref_squeeze %dma_start3A_60 : memref<1x648x128xf32, #tpu.memory_space<hbm>> -> memref<648x128xf32, #tpu.memory_space<hbm>>
      %dma_start3A_62 = arith.constant 0 : i32
      %dma_start3A_63 = tpu.memref_slice %arg10[%multiple_of3A, %dma_start3A_62] : memref<10008x128xf32, #tpu.memory_space<vmem_shared>> -> memref<648x128xf32, #tpu.memory_space<vmem_shared>>
      tpu.enqueue_dma source(%dma_start3A_63 : memref<648x128xf32, #tpu.memory_space<vmem_shared>>) target(%dma_start3A_61 : memref<648x128xf32, #tpu.memory_space<hbm>>) target_semaphore(%run_scoped3A_58 : memref<!tpu.dma_semaphore, #tpu.memory_space<semaphore_mem>>)
      %dma_wait3A_64 = arith.constant 0 : i32
      %dma_wait3A_65 = tpu.memref_slice %arg5[%arg0, %multiple_of3A, %dma_wait3A_64] : memref<2x10008x128xf32, #tpu.memory_space<hbm>> -> memref<1x648x128xf32, #tpu.memory_space<hbm>>
      %dma_wait3A_66 = tpu.memref_squeeze %dma_wait3A_65 : memref<1x648x128xf32, #tpu.memory_space<hbm>> -> memref<648x128xf32, #tpu.memory_space<hbm>>
      %dma_wait3A_67 = arith.constant 0 : i32
      %dma_wait3A_68 = tpu.memref_slice %arg10[%multiple_of3A, %dma_wait3A_67] : memref<10008x128xf32, #tpu.memory_space<vmem_shared>> -> memref<648x128xf32, #tpu.memory_space<vmem_shared>>
      tpu.wait_dma2 semaphore(%run_scoped3A_58 : memref<!tpu.dma_semaphore, #tpu.memory_space<semaphore_mem>>) src(%dma_wait3A_68 : memref<648x128xf32, #tpu.memory_space<vmem_shared>>) dst(%dma_wait3A_66 : memref<648x128xf32, #tpu.memory_space<hbm>>)
      tpu.yield
    }) : () -> ()
    return
  }
}

#map = affine_map<(d0, d1) -> (0, 0)>
#map1 = affine_map<(d0, d1) -> (0, 0, 0, 0)>
#map2 = affine_map<(d0, d1) -> (0, 0, 0)>
module attributes {stable_mosaic.version = 14 : i64} {
  func.func @_spmm_body(%arg0: i32, %arg1: i32, %arg2: memref<10000x128xf32, #tpu.memory_space<hbm>>, %arg3: memref<32x80x2x128xi32, #tpu.memory_space<hbm>>, %arg4: memref<10008x128xf32, #tpu.memory_space<hbm>>, %arg5: memref<2x10008x128xf32, #tpu.memory_space<hbm>>, %arg6: memref<2x128xi32, #tpu.memory_space<vmem>>, %arg7: memref<2x128xi32, #tpu.memory_space<vmem>>, %arg8: memref<128x128xf32, #tpu.memory_space<vmem>>, %arg9: memref<128x128xf32, #tpu.memory_space<vmem>>, %arg10: memref<10008x128xf32, #tpu.memory_space<vmem_shared>>, %arg11: memref<!tpu.dma_semaphore, #tpu.memory_space<semaphore_mem>>, %arg12: memref<!tpu.dma_semaphore, #tpu.memory_space<semaphore_mem>>, %arg13: memref<!tpu.dma_semaphore, #tpu.memory_space<semaphore_mem>>, %arg14: memref<!tpu.dma_semaphore, #tpu.memory_space<semaphore_mem>>) attributes {dimension_semantics = [#tpu.dimension_semantics<core_parallel>, #tpu.dimension_semantics<subcore_parallel>], iteration_bounds = array<i64: 2, 16>, scalar_prefetch = 0 : i64, scratch_operands = 9 : i64, tpu.core_type = #tpu.core_type<sc_vector_subcore>, window_params = [{transform_indices = #map}, {transform_indices = #map1}, {transform_indices = #map}, {transform_indices = #map2}]} {
    %mul3A = arith.constant 16 : i32
    %mul3A_0 = arith.muli %arg0, %mul3A : i32
    %add3A = arith.addi %mul3A_0, %arg1 : i32
    %mul3A_1 = arith.constant 624 : i32
    %mul3A_2 = arith.muli %arg1, %mul3A_1 : i32
    %multiple_of3A = tpu.assume_multiple %mul3A_2, 8 : i32
    %dma_start3A = arith.constant 0 : i32
    %dma_start3A_3 = arith.constant 0 : i32
    %dma_start3A_4 = arith.constant 0 : i32
    %dma_start3A_5 = tpu.memref_slice %arg3[%add3A, %dma_start3A, %dma_start3A_3, %dma_start3A_4] : memref<32x80x2x128xi32, #tpu.memory_space<hbm>> -> memref<1x1x2x128xi32, #tpu.memory_space<hbm>>
    %dma_start3A_6 = tpu.memref_squeeze %dma_start3A_5 : memref<1x1x2x128xi32, #tpu.memory_space<hbm>> -> memref<2x128xi32, #tpu.memory_space<hbm>>
    %dma_start3A_7 = arith.constant 0 : i32
    %dma_start3A_8 = arith.constant 0 : i32
    %dma_start3A_9 = tpu.memref_slice %arg3[%add3A, %dma_start3A, %dma_start3A_7, %dma_start3A_8] : memref<32x80x2x128xi32, #tpu.memory_space<hbm>> -> memref<1x1x2x128xi32, #tpu.memory_space<hbm>>
    %dma_start3A_10 = tpu.memref_squeeze %dma_start3A_9 : memref<1x1x2x128xi32, #tpu.memory_space<hbm>> -> memref<2x128xi32, #tpu.memory_space<hbm>>
    tpu.enqueue_dma source(%dma_start3A_10 : memref<2x128xi32, #tpu.memory_space<hbm>>) target(%arg6 : memref<2x128xi32, #tpu.memory_space<vmem>>) target_semaphore(%arg11 : memref<!tpu.dma_semaphore, #tpu.memory_space<semaphore_mem>>)
    %dma_start3A_11 = arith.constant 1 : i32
    %dma_start3A_12 = arith.constant 0 : i32
    %dma_start3A_13 = arith.constant 0 : i32
    %dma_start3A_14 = tpu.memref_slice %arg3[%add3A, %dma_start3A_11, %dma_start3A_12, %dma_start3A_13] : memref<32x80x2x128xi32, #tpu.memory_space<hbm>> -> memref<1x1x2x128xi32, #tpu.memory_space<hbm>>
    %dma_start3A_15 = tpu.memref_squeeze %dma_start3A_14 : memref<1x1x2x128xi32, #tpu.memory_space<hbm>> -> memref<2x128xi32, #tpu.memory_space<hbm>>
    %dma_start3A_16 = arith.constant 0 : i32
    %dma_start3A_17 = arith.constant 0 : i32
    %dma_start3A_18 = tpu.memref_slice %arg3[%add3A, %dma_start3A_11, %dma_start3A_16, %dma_start3A_17] : memref<32x80x2x128xi32, #tpu.memory_space<hbm>> -> memref<1x1x2x128xi32, #tpu.memory_space<hbm>>
    %dma_start3A_19 = tpu.memref_squeeze %dma_start3A_18 : memref<1x1x2x128xi32, #tpu.memory_space<hbm>> -> memref<2x128xi32, #tpu.memory_space<hbm>>
    tpu.enqueue_dma source(%dma_start3A_19 : memref<2x128xi32, #tpu.memory_space<hbm>>) target(%arg7 : memref<2x128xi32, #tpu.memory_space<vmem>>) target_semaphore(%arg12 : memref<!tpu.dma_semaphore, #tpu.memory_space<semaphore_mem>>)
    "tpu.region"() ({
      %run_scoped3A_58 = tpu.sem_alloc : memref<!tpu.dma_semaphore, #tpu.memory_space<semaphore_mem>>
      %dma_start3A_59 = arith.constant 0 : i32
      %dma_start3A_60 = tpu.memref_slice %arg10[%multiple_of3A, %dma_start3A_59] : memref<10008x128xf32, #tpu.memory_space<vmem_shared>> -> memref<648x128xf32, #tpu.memory_space<vmem_shared>>
      %dma_start3A_61 = arith.constant 0 : i32
      %dma_start3A_62 = tpu.memref_slice %arg4[%multiple_of3A, %dma_start3A_61] : memref<10008x128xf32, #tpu.memory_space<hbm>> -> memref<648x128xf32, #tpu.memory_space<hbm>>
      tpu.enqueue_dma source(%dma_start3A_62 : memref<648x128xf32, #tpu.memory_space<hbm>>) target(%dma_start3A_60 : memref<648x128xf32, #tpu.memory_space<vmem_shared>>) target_semaphore(%run_scoped3A_58 : memref<!tpu.dma_semaphore, #tpu.memory_space<semaphore_mem>>)
      %dma_wait3A_63 = arith.constant 0 : i32
      %dma_wait3A_64 = tpu.memref_slice %arg10[%multiple_of3A, %dma_wait3A_63] : memref<10008x128xf32, #tpu.memory_space<vmem_shared>> -> memref<648x128xf32, #tpu.memory_space<vmem_shared>>
      %dma_wait3A_65 = arith.constant 0 : i32
      %dma_wait3A_66 = tpu.memref_slice %arg4[%multiple_of3A, %dma_wait3A_65] : memref<10008x128xf32, #tpu.memory_space<hbm>> -> memref<648x128xf32, #tpu.memory_space<hbm>>
      tpu.wait_dma2 semaphore(%run_scoped3A_58 : memref<!tpu.dma_semaphore, #tpu.memory_space<semaphore_mem>>) src(%dma_wait3A_66 : memref<648x128xf32, #tpu.memory_space<hbm>>) dst(%dma_wait3A_64 : memref<648x128xf32, #tpu.memory_space<vmem_shared>>)
      tpu.yield
    }) : () -> ()
    %barrier3A = arith.constant 0 : index
    tpu.barrier barrier_id(%barrier3A)
    %dma_wait3A = arith.constant 0 : i32
    %dma_wait3A_20 = arith.constant 0 : i32
    %dma_wait3A_21 = arith.constant 0 : i32
    %dma_wait3A_22 = tpu.memref_slice %arg3[%add3A, %dma_wait3A, %dma_wait3A_20, %dma_wait3A_21] : memref<32x80x2x128xi32, #tpu.memory_space<hbm>> -> memref<1x1x2x128xi32, #tpu.memory_space<hbm>>
    %dma_wait3A_23 = tpu.memref_squeeze %dma_wait3A_22 : memref<1x1x2x128xi32, #tpu.memory_space<hbm>> -> memref<2x128xi32, #tpu.memory_space<hbm>>
    %dma_wait3A_24 = arith.constant 0 : i32
    %dma_wait3A_25 = arith.constant 0 : i32
    %dma_wait3A_26 = tpu.memref_slice %arg3[%add3A, %dma_wait3A, %dma_wait3A_24, %dma_wait3A_25] : memref<32x80x2x128xi32, #tpu.memory_space<hbm>> -> memref<1x1x2x128xi32, #tpu.memory_space<hbm>>
    %dma_wait3A_27 = tpu.memref_squeeze %dma_wait3A_26 : memref<1x1x2x128xi32, #tpu.memory_space<hbm>> -> memref<2x128xi32, #tpu.memory_space<hbm>>
    tpu.wait_dma2 semaphore(%arg11 : memref<!tpu.dma_semaphore, #tpu.memory_space<semaphore_mem>>) src(%dma_wait3A_27 : memref<2x128xi32, #tpu.memory_space<hbm>>) dst(%arg6 : memref<2x128xi32, #tpu.memory_space<vmem>>)
    %dma_start3A_28 = arith.constant 0 : i32
    %dma_start3A_29 = arith.constant 0 : i32
    %dma_start3A_30 = tpu.memref_slice %arg6[%dma_start3A_28, %dma_start3A_29] : memref<2x128xi32, #tpu.memory_space<vmem>> -> memref<1x128xi32, #tpu.memory_space<vmem>>
    %dma_start3A_31 = tpu.memref_squeeze %dma_start3A_30 : memref<1x128xi32, #tpu.memory_space<vmem>> -> memref<128xi32, #tpu.memory_space<vmem>>
    %dma_start3A_32 = arith.constant 0 : i32
    %dma_start3A_33 = arith.constant 0 : i32
    %dma_start3A_34 = tpu.memref_slice %arg2[%dma_start3A_32, %dma_start3A_33] : memref<10000x128xf32, #tpu.memory_space<hbm>> -> memref<10000x128xf32, #tpu.memory_space<hbm>>
    tpu.enqueue_indirect_dma source(%dma_start3A_34 : memref<10000x128xf32, #tpu.memory_space<hbm>>) target(%arg8 : memref<128x128xf32, #tpu.memory_space<vmem>>) offsets(%dma_start3A_31 : memref<128xi32, #tpu.memory_space<vmem>>) semaphore(%arg13 : memref<!tpu.dma_semaphore, #tpu.memory_space<semaphore_mem>>)
    %scan3A = arith.constant 0 : i32
    %scan3A_35 = arith.constant 0 : i32
    %scan3A_36 = arith.constant 39 : i32
    %scan3A_37 = arith.addi %scan3A_35, %scan3A_36 : i32
    %scan3A_38 = arith.constant 1 : i32
    %scan3A_39 = scf.for %scan3A_58 = %scan3A_35 to %scan3A_37 step %scan3A_38 iter_args(%scan3A_59 = %scan3A) -> (i32)  : i32 {
      %mul3A_60 = arith.constant 2 : i32
      %mul3A_61 = arith.muli %scan3A_58, %mul3A_60 : i32
      %add3A_62 = arith.constant 0 : i32
      %add3A_63 = arith.addi %mul3A_61, %add3A_62 : i32
      %dma_wait3A_64 = arith.constant 0 : i32
      %dma_wait3A_65 = arith.constant 0 : i32
      %dma_wait3A_66 = tpu.memref_slice %arg6[%dma_wait3A_64, %dma_wait3A_65] : memref<2x128xi32, #tpu.memory_space<vmem>> -> memref<1x128xi32, #tpu.memory_space<vmem>>
      %dma_wait3A_67 = tpu.memref_squeeze %dma_wait3A_66 : memref<1x128xi32, #tpu.memory_space<vmem>> -> memref<128xi32, #tpu.memory_space<vmem>>
      %dma_wait3A_68 = arith.constant 0 : i32
      %dma_wait3A_69 = arith.constant 0 : i32
      %dma_wait3A_70 = tpu.memref_slice %arg2[%dma_wait3A_68, %dma_wait3A_69] : memref<10000x128xf32, #tpu.memory_space<hbm>> -> memref<10000x128xf32, #tpu.memory_space<hbm>>
      tpu.wait_indirect_dma semaphore(%arg13 : memref<!tpu.dma_semaphore, #tpu.memory_space<semaphore_mem>>) src(%dma_wait3A_70 : memref<10000x128xf32, #tpu.memory_space<hbm>>) dst(%arg8 : memref<128x128xf32, #tpu.memory_space<vmem>>)
      %add3A_71 = arith.constant 1 : i32
      %add3A_72 = arith.addi %add3A_63, %add3A_71 : i32
      %dma_wait3A_73 = arith.constant 0 : i32
      %dma_wait3A_74 = arith.constant 0 : i32
      %dma_wait3A_75 = tpu.memref_slice %arg3[%add3A, %add3A_72, %dma_wait3A_73, %dma_wait3A_74] : memref<32x80x2x128xi32, #tpu.memory_space<hbm>> -> memref<1x1x2x128xi32, #tpu.memory_space<hbm>>
      %dma_wait3A_76 = tpu.memref_squeeze %dma_wait3A_75 : memref<1x1x2x128xi32, #tpu.memory_space<hbm>> -> memref<2x128xi32, #tpu.memory_space<hbm>>
      %dma_wait3A_77 = arith.constant 0 : i32
      %dma_wait3A_78 = arith.constant 0 : i32
      %dma_wait3A_79 = tpu.memref_slice %arg3[%add3A, %add3A_72, %dma_wait3A_77, %dma_wait3A_78] : memref<32x80x2x128xi32, #tpu.memory_space<hbm>> -> memref<1x1x2x128xi32, #tpu.memory_space<hbm>>
      %dma_wait3A_80 = tpu.memref_squeeze %dma_wait3A_79 : memref<1x1x2x128xi32, #tpu.memory_space<hbm>> -> memref<2x128xi32, #tpu.memory_space<hbm>>
      tpu.wait_dma2 semaphore(%arg12 : memref<!tpu.dma_semaphore, #tpu.memory_space<semaphore_mem>>) src(%dma_wait3A_80 : memref<2x128xi32, #tpu.memory_space<hbm>>) dst(%arg7 : memref<2x128xi32, #tpu.memory_space<vmem>>)
      %dma_start3A_81 = arith.constant 0 : i32
      %dma_start3A_82 = arith.constant 0 : i32
      %dma_start3A_83 = tpu.memref_slice %arg7[%dma_start3A_81, %dma_start3A_82] : memref<2x128xi32, #tpu.memory_space<vmem>> -> memref<1x128xi32, #tpu.memory_space<vmem>>
      %dma_start3A_84 = tpu.memref_squeeze %dma_start3A_83 : memref<1x128xi32, #tpu.memory_space<vmem>> -> memref<128xi32, #tpu.memory_space<vmem>>
      %dma_start3A_85 = arith.constant 0 : i32
      %dma_start3A_86 = arith.constant 0 : i32
      %dma_start3A_87 = tpu.memref_slice %arg2[%dma_start3A_85, %dma_start3A_86] : memref<10000x128xf32, #tpu.memory_space<hbm>> -> memref<10000x128xf32, #tpu.memory_space<hbm>>
      tpu.enqueue_indirect_dma source(%dma_start3A_87 : memref<10000x128xf32, #tpu.memory_space<hbm>>) target(%arg9 : memref<128x128xf32, #tpu.memory_space<vmem>>) offsets(%dma_start3A_84 : memref<128xi32, #tpu.memory_space<vmem>>) semaphore(%arg14 : memref<!tpu.dma_semaphore, #tpu.memory_space<semaphore_mem>>)
      %run_scoped3A_88 = arith.constant 1 : i32
      "tpu.region"() ({
        %run_scoped3A_139 = tpu.sem_alloc : memref<!tpu.dma_semaphore, #tpu.memory_space<semaphore_mem>>
        %dma_start3A_140 = arith.constant 0 : i32
        %dma_start3A_141 = tpu.memref_slice %arg6[%run_scoped3A_88, %dma_start3A_140] : memref<2x128xi32, #tpu.memory_space<vmem>> -> memref<1x128xi32, #tpu.memory_space<vmem>>
        %dma_start3A_142 = tpu.memref_squeeze %dma_start3A_141 : memref<1x128xi32, #tpu.memory_space<vmem>> -> memref<128xi32, #tpu.memory_space<vmem>>
        %dma_start3A_143 = arith.constant 0 : i32
        %dma_start3A_144 = arith.constant 0 : i32
        %dma_start3A_145 = tpu.memref_slice %arg10[%dma_start3A_143, %dma_start3A_144] : memref<10008x128xf32, #tpu.memory_space<vmem_shared>> -> memref<10008x128xf32, #tpu.memory_space<vmem_shared>>
        tpu.enqueue_indirect_dma source(%arg8 : memref<128x128xf32, #tpu.memory_space<vmem>>) target(%dma_start3A_145 : memref<10008x128xf32, #tpu.memory_space<vmem_shared>>) offsets(%dma_start3A_142 : memref<128xi32, #tpu.memory_space<vmem>>) semaphore(%run_scoped3A_139 : memref<!tpu.dma_semaphore, #tpu.memory_space<semaphore_mem>>) {add = true}
        %dma_wait3A_146 = arith.constant 0 : i32
        %dma_wait3A_147 = tpu.memref_slice %arg6[%run_scoped3A_88, %dma_wait3A_146] : memref<2x128xi32, #tpu.memory_space<vmem>> -> memref<1x128xi32, #tpu.memory_space<vmem>>
        %dma_wait3A_148 = tpu.memref_squeeze %dma_wait3A_147 : memref<1x128xi32, #tpu.memory_space<vmem>> -> memref<128xi32, #tpu.memory_space<vmem>>
        %dma_wait3A_149 = arith.constant 0 : i32
        %dma_wait3A_150 = arith.constant 0 : i32
        %dma_wait3A_151 = tpu.memref_slice %arg10[%dma_wait3A_149, %dma_wait3A_150] : memref<10008x128xf32, #tpu.memory_space<vmem_shared>> -> memref<10008x128xf32, #tpu.memory_space<vmem_shared>>
        tpu.wait_indirect_dma semaphore(%run_scoped3A_139 : memref<!tpu.dma_semaphore, #tpu.memory_space<semaphore_mem>>) src(%arg8 : memref<128x128xf32, #tpu.memory_space<vmem>>) dst(%dma_wait3A_151 : memref<10008x128xf32, #tpu.memory_space<vmem_shared>>)
        tpu.yield
      }) : () -> ()
      %add3A_89 = arith.constant 2 : i32
      %add3A_90 = arith.addi %add3A_63, %add3A_89 : i32
      %dma_start3A_91 = arith.constant 0 : i32
      %dma_start3A_92 = arith.constant 0 : i32
      %dma_start3A_93 = tpu.memref_slice %arg3[%add3A, %add3A_90, %dma_start3A_91, %dma_start3A_92] : memref<32x80x2x128xi32, #tpu.memory_space<hbm>> -> memref<1x1x2x128xi32, #tpu.memory_space<hbm>>
      %dma_start3A_94 = tpu.memref_squeeze %dma_start3A_93 : memref<1x1x2x128xi32, #tpu.memory_space<hbm>> -> memref<2x128xi32, #tpu.memory_space<hbm>>
      %dma_start3A_95 = arith.constant 0 : i32
      %dma_start3A_96 = arith.constant 0 : i32
      %dma_start3A_97 = tpu.memref_slice %arg3[%add3A, %add3A_90, %dma_start3A_95, %dma_start3A_96] : memref<32x80x2x128xi32, #tpu.memory_space<hbm>> -> memref<1x1x2x128xi32, #tpu.memory_space<hbm>>
      %dma_start3A_98 = tpu.memref_squeeze %dma_start3A_97 : memref<1x1x2x128xi32, #tpu.memory_space<hbm>> -> memref<2x128xi32, #tpu.memory_space<hbm>>
      tpu.enqueue_dma source(%dma_start3A_98 : memref<2x128xi32, #tpu.memory_space<hbm>>) target(%arg6 : memref<2x128xi32, #tpu.memory_space<vmem>>) target_semaphore(%arg11 : memref<!tpu.dma_semaphore, #tpu.memory_space<semaphore_mem>>)
      %mul3A_99 = arith.constant 2 : i32
      %mul3A_100 = arith.muli %scan3A_58, %mul3A_99 : i32
      %add3A_101 = arith.constant 1 : i32
      %add3A_102 = arith.addi %mul3A_100, %add3A_101 : i32
      %dma_wait3A_103 = arith.constant 0 : i32
      %dma_wait3A_104 = arith.constant 0 : i32
      %dma_wait3A_105 = tpu.memref_slice %arg7[%dma_wait3A_103, %dma_wait3A_104] : memref<2x128xi32, #tpu.memory_space<vmem>> -> memref<1x128xi32, #tpu.memory_space<vmem>>
      %dma_wait3A_106 = tpu.memref_squeeze %dma_wait3A_105 : memref<1x128xi32, #tpu.memory_space<vmem>> -> memref<128xi32, #tpu.memory_space<vmem>>
      %dma_wait3A_107 = arith.constant 0 : i32
      %dma_wait3A_108 = arith.constant 0 : i32
      %dma_wait3A_109 = tpu.memref_slice %arg2[%dma_wait3A_107, %dma_wait3A_108] : memref<10000x128xf32, #tpu.memory_space<hbm>> -> memref<10000x128xf32, #tpu.memory_space<hbm>>
      tpu.wait_indirect_dma semaphore(%arg14 : memref<!tpu.dma_semaphore, #tpu.memory_space<semaphore_mem>>) src(%dma_wait3A_109 : memref<10000x128xf32, #tpu.memory_space<hbm>>) dst(%arg9 : memref<128x128xf32, #tpu.memory_space<vmem>>)
      %add3A_110 = arith.constant 1 : i32
      %add3A_111 = arith.addi %add3A_102, %add3A_110 : i32
      %dma_wait3A_112 = arith.constant 0 : i32
      %dma_wait3A_113 = arith.constant 0 : i32
      %dma_wait3A_114 = tpu.memref_slice %arg3[%add3A, %add3A_111, %dma_wait3A_112, %dma_wait3A_113] : memref<32x80x2x128xi32, #tpu.memory_space<hbm>> -> memref<1x1x2x128xi32, #tpu.memory_space<hbm>>
      %dma_wait3A_115 = tpu.memref_squeeze %dma_wait3A_114 : memref<1x1x2x128xi32, #tpu.memory_space<hbm>> -> memref<2x128xi32, #tpu.memory_space<hbm>>
      %dma_wait3A_116 = arith.constant 0 : i32
      %dma_wait3A_117 = arith.constant 0 : i32
      %dma_wait3A_118 = tpu.memref_slice %arg3[%add3A, %add3A_111, %dma_wait3A_116, %dma_wait3A_117] : memref<32x80x2x128xi32, #tpu.memory_space<hbm>> -> memref<1x1x2x128xi32, #tpu.memory_space<hbm>>
      %dma_wait3A_119 = tpu.memref_squeeze %dma_wait3A_118 : memref<1x1x2x128xi32, #tpu.memory_space<hbm>> -> memref<2x128xi32, #tpu.memory_space<hbm>>
      tpu.wait_dma2 semaphore(%arg11 : memref<!tpu.dma_semaphore, #tpu.memory_space<semaphore_mem>>) src(%dma_wait3A_119 : memref<2x128xi32, #tpu.memory_space<hbm>>) dst(%arg6 : memref<2x128xi32, #tpu.memory_space<vmem>>)
      %dma_start3A_120 = arith.constant 0 : i32
      %dma_start3A_121 = arith.constant 0 : i32
      %dma_start3A_122 = tpu.memref_slice %arg6[%dma_start3A_120, %dma_start3A_121] : memref<2x128xi32, #tpu.memory_space<vmem>> -> memref<1x128xi32, #tpu.memory_space<vmem>>
      %dma_start3A_123 = tpu.memref_squeeze %dma_start3A_122 : memref<1x128xi32, #tpu.memory_space<vmem>> -> memref<128xi32, #tpu.memory_space<vmem>>
      %dma_start3A_124 = arith.constant 0 : i32
      %dma_start3A_125 = arith.constant 0 : i32
      %dma_start3A_126 = tpu.memref_slice %arg2[%dma_start3A_124, %dma_start3A_125] : memref<10000x128xf32, #tpu.memory_space<hbm>> -> memref<10000x128xf32, #tpu.memory_space<hbm>>
      tpu.enqueue_indirect_dma source(%dma_start3A_126 : memref<10000x128xf32, #tpu.memory_space<hbm>>) target(%arg8 : memref<128x128xf32, #tpu.memory_space<vmem>>) offsets(%dma_start3A_123 : memref<128xi32, #tpu.memory_space<vmem>>) semaphore(%arg13 : memref<!tpu.dma_semaphore, #tpu.memory_space<semaphore_mem>>)
      %run_scoped3A_127 = arith.constant 1 : i32
      "tpu.region"() ({
        %run_scoped3A_139 = tpu.sem_alloc : memref<!tpu.dma_semaphore, #tpu.memory_space<semaphore_mem>>
        %dma_start3A_140 = arith.constant 0 : i32
        %dma_start3A_141 = tpu.memref_slice %arg7[%run_scoped3A_127, %dma_start3A_140] : memref<2x128xi32, #tpu.memory_space<vmem>> -> memref<1x128xi32, #tpu.memory_space<vmem>>
        %dma_start3A_142 = tpu.memref_squeeze %dma_start3A_141 : memref<1x128xi32, #tpu.memory_space<vmem>> -> memref<128xi32, #tpu.memory_space<vmem>>
        %dma_start3A_143 = arith.constant 0 : i32
        %dma_start3A_144 = arith.constant 0 : i32
        %dma_start3A_145 = tpu.memref_slice %arg10[%dma_start3A_143, %dma_start3A_144] : memref<10008x128xf32, #tpu.memory_space<vmem_shared>> -> memref<10008x128xf32, #tpu.memory_space<vmem_shared>>
        tpu.enqueue_indirect_dma source(%arg9 : memref<128x128xf32, #tpu.memory_space<vmem>>) target(%dma_start3A_145 : memref<10008x128xf32, #tpu.memory_space<vmem_shared>>) offsets(%dma_start3A_142 : memref<128xi32, #tpu.memory_space<vmem>>) semaphore(%run_scoped3A_139 : memref<!tpu.dma_semaphore, #tpu.memory_space<semaphore_mem>>) {add = true}
        %dma_wait3A_146 = arith.constant 0 : i32
        %dma_wait3A_147 = tpu.memref_slice %arg7[%run_scoped3A_127, %dma_wait3A_146] : memref<2x128xi32, #tpu.memory_space<vmem>> -> memref<1x128xi32, #tpu.memory_space<vmem>>
        %dma_wait3A_148 = tpu.memref_squeeze %dma_wait3A_147 : memref<1x128xi32, #tpu.memory_space<vmem>> -> memref<128xi32, #tpu.memory_space<vmem>>
        %dma_wait3A_149 = arith.constant 0 : i32
        %dma_wait3A_150 = arith.constant 0 : i32
        %dma_wait3A_151 = tpu.memref_slice %arg10[%dma_wait3A_149, %dma_wait3A_150] : memref<10008x128xf32, #tpu.memory_space<vmem_shared>> -> memref<10008x128xf32, #tpu.memory_space<vmem_shared>>
        tpu.wait_indirect_dma semaphore(%run_scoped3A_139 : memref<!tpu.dma_semaphore, #tpu.memory_space<semaphore_mem>>) src(%arg9 : memref<128x128xf32, #tpu.memory_space<vmem>>) dst(%dma_wait3A_151 : memref<10008x128xf32, #tpu.memory_space<vmem_shared>>)
        tpu.yield
      }) : () -> ()
      %add3A_128 = arith.constant 2 : i32
      %add3A_129 = arith.addi %add3A_102, %add3A_128 : i32
      %dma_start3A_130 = arith.constant 0 : i32
      %dma_start3A_131 = arith.constant 0 : i32
      %dma_start3A_132 = tpu.memref_slice %arg3[%add3A, %add3A_129, %dma_start3A_130, %dma_start3A_131] : memref<32x80x2x128xi32, #tpu.memory_space<hbm>> -> memref<1x1x2x128xi32, #tpu.memory_space<hbm>>
      %dma_start3A_133 = tpu.memref_squeeze %dma_start3A_132 : memref<1x1x2x128xi32, #tpu.memory_space<hbm>> -> memref<2x128xi32, #tpu.memory_space<hbm>>
      %dma_start3A_134 = arith.constant 0 : i32
      %dma_start3A_135 = arith.constant 0 : i32
      %dma_start3A_136 = tpu.memref_slice %arg3[%add3A, %add3A_129, %dma_start3A_134, %dma_start3A_135] : memref<32x80x2x128xi32, #tpu.memory_space<hbm>> -> memref<1x1x2x128xi32, #tpu.memory_space<hbm>>
      %dma_start3A_137 = tpu.memref_squeeze %dma_start3A_136 : memref<1x1x2x128xi32, #tpu.memory_space<hbm>> -> memref<2x128xi32, #tpu.memory_space<hbm>>
      tpu.enqueue_dma source(%dma_start3A_137 : memref<2x128xi32, #tpu.memory_space<hbm>>) target(%arg7 : memref<2x128xi32, #tpu.memory_space<vmem>>) target_semaphore(%arg12 : memref<!tpu.dma_semaphore, #tpu.memory_space<semaphore_mem>>)
      %scan3A_138 = arith.constant 0 : i32
      scf.yield %scan3A_138 : i32
    }
    %scan3A_40 = arith.constant 39 : i32
    %dma_wait3A_41 = arith.constant 0 : i32
    %dma_wait3A_42 = arith.constant 0 : i32
    %dma_wait3A_43 = tpu.memref_slice %arg6[%dma_wait3A_41, %dma_wait3A_42] : memref<2x128xi32, #tpu.memory_space<vmem>> -> memref<1x128xi32, #tpu.memory_space<vmem>>
    %dma_wait3A_44 = tpu.memref_squeeze %dma_wait3A_43 : memref<1x128xi32, #tpu.memory_space<vmem>> -> memref<128xi32, #tpu.memory_space<vmem>>
    %dma_wait3A_45 = arith.constant 0 : i32
    %dma_wait3A_46 = arith.constant 0 : i32
    %dma_wait3A_47 = tpu.memref_slice %arg2[%dma_wait3A_45, %dma_wait3A_46] : memref<10000x128xf32, #tpu.memory_space<hbm>> -> memref<10000x128xf32, #tpu.memory_space<hbm>>
    tpu.wait_indirect_dma semaphore(%arg13 : memref<!tpu.dma_semaphore, #tpu.memory_space<semaphore_mem>>) src(%dma_wait3A_47 : memref<10000x128xf32, #tpu.memory_space<hbm>>) dst(%arg8 : memref<128x128xf32, #tpu.memory_space<vmem>>)
    %run_scoped3A = arith.constant 1 : i32
    "tpu.region"() ({
      %run_scoped3A_58 = tpu.sem_alloc : memref<!tpu.dma_semaphore, #tpu.memory_space<semaphore_mem>>
      %dma_start3A_59 = arith.constant 0 : i32
      %dma_start3A_60 = tpu.memref_slice %arg6[%run_scoped3A, %dma_start3A_59] : memref<2x128xi32, #tpu.memory_space<vmem>> -> memref<1x128xi32, #tpu.memory_space<vmem>>
      %dma_start3A_61 = tpu.memref_squeeze %dma_start3A_60 : memref<1x128xi32, #tpu.memory_space<vmem>> -> memref<128xi32, #tpu.memory_space<vmem>>
      %dma_start3A_62 = arith.constant 0 : i32
      %dma_start3A_63 = arith.constant 0 : i32
      %dma_start3A_64 = tpu.memref_slice %arg10[%dma_start3A_62, %dma_start3A_63] : memref<10008x128xf32, #tpu.memory_space<vmem_shared>> -> memref<10008x128xf32, #tpu.memory_space<vmem_shared>>
      tpu.enqueue_indirect_dma source(%arg8 : memref<128x128xf32, #tpu.memory_space<vmem>>) target(%dma_start3A_64 : memref<10008x128xf32, #tpu.memory_space<vmem_shared>>) offsets(%dma_start3A_61 : memref<128xi32, #tpu.memory_space<vmem>>) semaphore(%run_scoped3A_58 : memref<!tpu.dma_semaphore, #tpu.memory_space<semaphore_mem>>) {add = true}
      %dma_wait3A_65 = arith.constant 0 : i32
      %dma_wait3A_66 = tpu.memref_slice %arg6[%run_scoped3A, %dma_wait3A_65] : memref<2x128xi32, #tpu.memory_space<vmem>> -> memref<1x128xi32, #tpu.memory_space<vmem>>
      %dma_wait3A_67 = tpu.memref_squeeze %dma_wait3A_66 : memref<1x128xi32, #tpu.memory_space<vmem>> -> memref<128xi32, #tpu.memory_space<vmem>>
      %dma_wait3A_68 = arith.constant 0 : i32
      %dma_wait3A_69 = arith.constant 0 : i32
      %dma_wait3A_70 = tpu.memref_slice %arg10[%dma_wait3A_68, %dma_wait3A_69] : memref<10008x128xf32, #tpu.memory_space<vmem_shared>> -> memref<10008x128xf32, #tpu.memory_space<vmem_shared>>
      tpu.wait_indirect_dma semaphore(%run_scoped3A_58 : memref<!tpu.dma_semaphore, #tpu.memory_space<semaphore_mem>>) src(%arg8 : memref<128x128xf32, #tpu.memory_space<vmem>>) dst(%dma_wait3A_70 : memref<10008x128xf32, #tpu.memory_space<vmem_shared>>)
      tpu.yield
    }) : () -> ()
    %dma_wait3A_48 = arith.constant 79 : i32
    %dma_wait3A_49 = arith.constant 0 : i32
    %dma_wait3A_50 = arith.constant 0 : i32
    %dma_wait3A_51 = tpu.memref_slice %arg3[%add3A, %dma_wait3A_48, %dma_wait3A_49, %dma_wait3A_50] : memref<32x80x2x128xi32, #tpu.memory_space<hbm>> -> memref<1x1x2x128xi32, #tpu.memory_space<hbm>>
    %dma_wait3A_52 = tpu.memref_squeeze %dma_wait3A_51 : memref<1x1x2x128xi32, #tpu.memory_space<hbm>> -> memref<2x128xi32, #tpu.memory_space<hbm>>
    %dma_wait3A_53 = arith.constant 0 : i32
    %dma_wait3A_54 = arith.constant 0 : i32
    %dma_wait3A_55 = tpu.memref_slice %arg3[%add3A, %dma_wait3A_48, %dma_wait3A_53, %dma_wait3A_54] : memref<32x80x2x128xi32, #tpu.memory_space<hbm>> -> memref<1x1x2x128xi32, #tpu.memory_space<hbm>>
    %dma_wait3A_56 = tpu.memref_squeeze %dma_wait3A_55 : memref<1x1x2x128xi32, #tpu.memory_space<hbm>> -> memref<2x128xi32, #tpu.memory_space<hbm>>
    tpu.wait_dma2 semaphore(%arg12 : memref<!tpu.dma_semaphore, #tpu.memory_space<semaphore_mem>>) src(%dma_wait3A_56 : memref<2x128xi32, #tpu.memory_space<hbm>>) dst(%arg7 : memref<2x128xi32, #tpu.memory_space<vmem>>)
    %barrier3A_57 = arith.constant 0 : index
    tpu.barrier barrier_id(%barrier3A_57)
    "tpu.region"() ({
      %run_scoped3A_58 = tpu.sem_alloc : memref<!tpu.dma_semaphore, #tpu.memory_space<semaphore_mem>>
      %dma_start3A_59 = arith.constant 0 : i32
      %dma_start3A_60 = tpu.memref_slice %arg5[%arg0, %multiple_of3A, %dma_start3A_59] : memref<2x10008x128xf32, #tpu.memory_space<hbm>> -> memref<1x648x128xf32, #tpu.memory_space<hbm>>
      %dma_start3A_61 = tpu.memref_squeeze %dma_start3A_60 : memref<1x648x128xf32, #tpu.memory_space<hbm>> -> memref<648x128xf32, #tpu.memory_space<hbm>>
      %dma_start3A_62 = arith.constant 0 : i32
      %dma_start3A_63 = tpu.memref_slice %arg10[%multiple_of3A, %dma_start3A_62] : memref<10008x128xf32, #tpu.memory_space<vmem_shared>> -> memref<648x128xf32, #tpu.memory_space<vmem_shared>>
      tpu.enqueue_dma source(%dma_start3A_63 : memref<648x128xf32, #tpu.memory_space<vmem_shared>>) target(%dma_start3A_61 : memref<648x128xf32, #tpu.memory_space<hbm>>) target_semaphore(%run_scoped3A_58 : memref<!tpu.dma_semaphore, #tpu.memory_space<semaphore_mem>>)
      %dma_wait3A_64 = arith.constant 0 : i32
      %dma_wait3A_65 = tpu.memref_slice %arg5[%arg0, %multiple_of3A, %dma_wait3A_64] : memref<2x10008x128xf32, #tpu.memory_space<hbm>> -> memref<1x648x128xf32, #tpu.memory_space<hbm>>
      %dma_wait3A_66 = tpu.memref_squeeze %dma_wait3A_65 : memref<1x648x128xf32, #tpu.memory_space<hbm>> -> memref<648x128xf32, #tpu.memory_space<hbm>>
      %dma_wait3A_67 = arith.constant 0 : i32
      %dma_wait3A_68 = tpu.memref_slice %arg10[%multiple_of3A, %dma_wait3A_67] : memref<10008x128xf32, #tpu.memory_space<vmem_shared>> -> memref<648x128xf32, #tpu.memory_space<vmem_shared>>
      tpu.wait_dma2 semaphore(%run_scoped3A_58 : memref<!tpu.dma_semaphore, #tpu.memory_space<semaphore_mem>>) src(%dma_wait3A_68 : memref<648x128xf32, #tpu.memory_space<vmem_shared>>) dst(%dma_wait3A_66 : memref<648x128xf32, #tpu.memory_space<hbm>>)
      tpu.yield
    }) : () -> ()
    return
  }
}

#map = affine_map<(d0, d1) -> (0, 0)>
#map1 = affine_map<(d0, d1) -> (0, 0, 0, 0)>
#map2 = affine_map<(d0, d1) -> (0, 0, 0)>
module attributes {stable_mosaic.version = 14 : i64} {
  func.func @_spmm_body(%arg0: i32, %arg1: i32, %arg2: memref<10000x128xf32, #tpu.memory_space<hbm>>, %arg3: memref<32x80x2x128xi32, #tpu.memory_space<hbm>>, %arg4: memref<10008x128xf32, #tpu.memory_space<hbm>>, %arg5: memref<2x10008x128xf32, #tpu.memory_space<hbm>>, %arg6: memref<2x128xi32, #tpu.memory_space<vmem>>, %arg7: memref<2x128xi32, #tpu.memory_space<vmem>>, %arg8: memref<128x128xf32, #tpu.memory_space<vmem>>, %arg9: memref<128x128xf32, #tpu.memory_space<vmem>>, %arg10: memref<10008x128xf32, #tpu.memory_space<vmem_shared>>, %arg11: memref<!tpu.dma_semaphore, #tpu.memory_space<semaphore_mem>>, %arg12: memref<!tpu.dma_semaphore, #tpu.memory_space<semaphore_mem>>, %arg13: memref<!tpu.dma_semaphore, #tpu.memory_space<semaphore_mem>>, %arg14: memref<!tpu.dma_semaphore, #tpu.memory_space<semaphore_mem>>) attributes {dimension_semantics = [#tpu.dimension_semantics<core_parallel>, #tpu.dimension_semantics<subcore_parallel>], iteration_bounds = array<i64: 2, 16>, scalar_prefetch = 0 : i64, scratch_operands = 9 : i64, tpu.core_type = #tpu.core_type<sc_vector_subcore>, window_params = [{transform_indices = #map}, {transform_indices = #map1}, {transform_indices = #map}, {transform_indices = #map2}]} {
    %mul3A = arith.constant 16 : i32
    %mul3A_0 = arith.muli %arg0, %mul3A : i32
    %add3A = arith.addi %mul3A_0, %arg1 : i32
    %mul3A_1 = arith.constant 624 : i32
    %mul3A_2 = arith.muli %arg1, %mul3A_1 : i32
    %multiple_of3A = tpu.assume_multiple %mul3A_2, 8 : i32
    %dma_start3A = arith.constant 0 : i32
    %dma_start3A_3 = arith.constant 0 : i32
    %dma_start3A_4 = arith.constant 0 : i32
    %dma_start3A_5 = tpu.memref_slice %arg3[%add3A, %dma_start3A, %dma_start3A_3, %dma_start3A_4] : memref<32x80x2x128xi32, #tpu.memory_space<hbm>> -> memref<1x1x2x128xi32, #tpu.memory_space<hbm>>
    %dma_start3A_6 = tpu.memref_squeeze %dma_start3A_5 : memref<1x1x2x128xi32, #tpu.memory_space<hbm>> -> memref<2x128xi32, #tpu.memory_space<hbm>>
    %dma_start3A_7 = arith.constant 0 : i32
    %dma_start3A_8 = arith.constant 0 : i32
    %dma_start3A_9 = tpu.memref_slice %arg3[%add3A, %dma_start3A, %dma_start3A_7, %dma_start3A_8] : memref<32x80x2x128xi32, #tpu.memory_space<hbm>> -> memref<1x1x2x128xi32, #tpu.memory_space<hbm>>
    %dma_start3A_10 = tpu.memref_squeeze %dma_start3A_9 : memref<1x1x2x128xi32, #tpu.memory_space<hbm>> -> memref<2x128xi32, #tpu.memory_space<hbm>>
    tpu.enqueue_dma source(%dma_start3A_10 : memref<2x128xi32, #tpu.memory_space<hbm>>) target(%arg6 : memref<2x128xi32, #tpu.memory_space<vmem>>) target_semaphore(%arg11 : memref<!tpu.dma_semaphore, #tpu.memory_space<semaphore_mem>>)
    %dma_start3A_11 = arith.constant 1 : i32
    %dma_start3A_12 = arith.constant 0 : i32
    %dma_start3A_13 = arith.constant 0 : i32
    %dma_start3A_14 = tpu.memref_slice %arg3[%add3A, %dma_start3A_11, %dma_start3A_12, %dma_start3A_13] : memref<32x80x2x128xi32, #tpu.memory_space<hbm>> -> memref<1x1x2x128xi32, #tpu.memory_space<hbm>>
    %dma_start3A_15 = tpu.memref_squeeze %dma_start3A_14 : memref<1x1x2x128xi32, #tpu.memory_space<hbm>> -> memref<2x128xi32, #tpu.memory_space<hbm>>
    %dma_start3A_16 = arith.constant 0 : i32
    %dma_start3A_17 = arith.constant 0 : i32
    %dma_start3A_18 = tpu.memref_slice %arg3[%add3A, %dma_start3A_11, %dma_start3A_16, %dma_start3A_17] : memref<32x80x2x128xi32, #tpu.memory_space<hbm>> -> memref<1x1x2x128xi32, #tpu.memory_space<hbm>>
    %dma_start3A_19 = tpu.memref_squeeze %dma_start3A_18 : memref<1x1x2x128xi32, #tpu.memory_space<hbm>> -> memref<2x128xi32, #tpu.memory_space<hbm>>
    tpu.enqueue_dma source(%dma_start3A_19 : memref<2x128xi32, #tpu.memory_space<hbm>>) target(%arg7 : memref<2x128xi32, #tpu.memory_space<vmem>>) target_semaphore(%arg12 : memref<!tpu.dma_semaphore, #tpu.memory_space<semaphore_mem>>)
    "tpu.region"() ({
      %run_scoped3A_58 = tpu.sem_alloc : memref<!tpu.dma_semaphore, #tpu.memory_space<semaphore_mem>>
      %dma_start3A_59 = arith.constant 0 : i32
      %dma_start3A_60 = tpu.memref_slice %arg10[%multiple_of3A, %dma_start3A_59] : memref<10008x128xf32, #tpu.memory_space<vmem_shared>> -> memref<648x128xf32, #tpu.memory_space<vmem_shared>>
      %dma_start3A_61 = arith.constant 0 : i32
      %dma_start3A_62 = tpu.memref_slice %arg4[%multiple_of3A, %dma_start3A_61] : memref<10008x128xf32, #tpu.memory_space<hbm>> -> memref<648x128xf32, #tpu.memory_space<hbm>>
      tpu.enqueue_dma source(%dma_start3A_62 : memref<648x128xf32, #tpu.memory_space<hbm>>) target(%dma_start3A_60 : memref<648x128xf32, #tpu.memory_space<vmem_shared>>) target_semaphore(%run_scoped3A_58 : memref<!tpu.dma_semaphore, #tpu.memory_space<semaphore_mem>>)
      %dma_wait3A_63 = arith.constant 0 : i32
      %dma_wait3A_64 = tpu.memref_slice %arg10[%multiple_of3A, %dma_wait3A_63] : memref<10008x128xf32, #tpu.memory_space<vmem_shared>> -> memref<648x128xf32, #tpu.memory_space<vmem_shared>>
      %dma_wait3A_65 = arith.constant 0 : i32
      %dma_wait3A_66 = tpu.memref_slice %arg4[%multiple_of3A, %dma_wait3A_65] : memref<10008x128xf32, #tpu.memory_space<hbm>> -> memref<648x128xf32, #tpu.memory_space<hbm>>
      tpu.wait_dma2 semaphore(%run_scoped3A_58 : memref<!tpu.dma_semaphore, #tpu.memory_space<semaphore_mem>>) src(%dma_wait3A_66 : memref<648x128xf32, #tpu.memory_space<hbm>>) dst(%dma_wait3A_64 : memref<648x128xf32, #tpu.memory_space<vmem_shared>>)
      tpu.yield
    }) : () -> ()
    %barrier3A = arith.constant 0 : index
    tpu.barrier barrier_id(%barrier3A)
    %dma_wait3A = arith.constant 0 : i32
    %dma_wait3A_20 = arith.constant 0 : i32
    %dma_wait3A_21 = arith.constant 0 : i32
    %dma_wait3A_22 = tpu.memref_slice %arg3[%add3A, %dma_wait3A, %dma_wait3A_20, %dma_wait3A_21] : memref<32x80x2x128xi32, #tpu.memory_space<hbm>> -> memref<1x1x2x128xi32, #tpu.memory_space<hbm>>
    %dma_wait3A_23 = tpu.memref_squeeze %dma_wait3A_22 : memref<1x1x2x128xi32, #tpu.memory_space<hbm>> -> memref<2x128xi32, #tpu.memory_space<hbm>>
    %dma_wait3A_24 = arith.constant 0 : i32
    %dma_wait3A_25 = arith.constant 0 : i32
    %dma_wait3A_26 = tpu.memref_slice %arg3[%add3A, %dma_wait3A, %dma_wait3A_24, %dma_wait3A_25] : memref<32x80x2x128xi32, #tpu.memory_space<hbm>> -> memref<1x1x2x128xi32, #tpu.memory_space<hbm>>
    %dma_wait3A_27 = tpu.memref_squeeze %dma_wait3A_26 : memref<1x1x2x128xi32, #tpu.memory_space<hbm>> -> memref<2x128xi32, #tpu.memory_space<hbm>>
    tpu.wait_dma2 semaphore(%arg11 : memref<!tpu.dma_semaphore, #tpu.memory_space<semaphore_mem>>) src(%dma_wait3A_27 : memref<2x128xi32, #tpu.memory_space<hbm>>) dst(%arg6 : memref<2x128xi32, #tpu.memory_space<vmem>>)
    %dma_start3A_28 = arith.constant 0 : i32
    %dma_start3A_29 = arith.constant 0 : i32
    %dma_start3A_30 = tpu.memref_slice %arg6[%dma_start3A_28, %dma_start3A_29] : memref<2x128xi32, #tpu.memory_space<vmem>> -> memref<1x128xi32, #tpu.memory_space<vmem>>
    %dma_start3A_31 = tpu.memref_squeeze %dma_start3A_30 : memref<1x128xi32, #tpu.memory_space<vmem>> -> memref<128xi32, #tpu.memory_space<vmem>>
    %dma_start3A_32 = arith.constant 0 : i32
    %dma_start3A_33 = arith.constant 0 : i32
    %dma_start3A_34 = tpu.memref_slice %arg2[%dma_start3A_32, %dma_start3A_33] : memref<10000x128xf32, #tpu.memory_space<hbm>> -> memref<10000x128xf32, #tpu.memory_space<hbm>>
    tpu.enqueue_indirect_dma source(%dma_start3A_34 : memref<10000x128xf32, #tpu.memory_space<hbm>>) target(%arg8 : memref<128x128xf32, #tpu.memory_space<vmem>>) offsets(%dma_start3A_31 : memref<128xi32, #tpu.memory_space<vmem>>) semaphore(%arg13 : memref<!tpu.dma_semaphore, #tpu.memory_space<semaphore_mem>>)
    %scan3A = arith.constant 0 : i32
    %scan3A_35 = arith.constant 0 : i32
    %scan3A_36 = arith.constant 39 : i32
    %scan3A_37 = arith.addi %scan3A_35, %scan3A_36 : i32
    %scan3A_38 = arith.constant 1 : i32
    %scan3A_39 = scf.for %scan3A_58 = %scan3A_35 to %scan3A_37 step %scan3A_38 iter_args(%scan3A_59 = %scan3A) -> (i32)  : i32 {
      %mul3A_60 = arith.constant 2 : i32
      %mul3A_61 = arith.muli %scan3A_58, %mul3A_60 : i32
      %add3A_62 = arith.constant 0 : i32
      %add3A_63 = arith.addi %mul3A_61, %add3A_62 : i32
      %dma_wait3A_64 = arith.constant 0 : i32
      %dma_wait3A_65 = arith.constant 0 : i32
      %dma_wait3A_66 = tpu.memref_slice %arg6[%dma_wait3A_64, %dma_wait3A_65] : memref<2x128xi32, #tpu.memory_space<vmem>> -> memref<1x128xi32, #tpu.memory_space<vmem>>
      %dma_wait3A_67 = tpu.memref_squeeze %dma_wait3A_66 : memref<1x128xi32, #tpu.memory_space<vmem>> -> memref<128xi32, #tpu.memory_space<vmem>>
      %dma_wait3A_68 = arith.constant 0 : i32
      %dma_wait3A_69 = arith.constant 0 : i32
      %dma_wait3A_70 = tpu.memref_slice %arg2[%dma_wait3A_68, %dma_wait3A_69] : memref<10000x128xf32, #tpu.memory_space<hbm>> -> memref<10000x128xf32, #tpu.memory_space<hbm>>
      tpu.wait_indirect_dma semaphore(%arg13 : memref<!tpu.dma_semaphore, #tpu.memory_space<semaphore_mem>>) src(%dma_wait3A_70 : memref<10000x128xf32, #tpu.memory_space<hbm>>) dst(%arg8 : memref<128x128xf32, #tpu.memory_space<vmem>>)
      %add3A_71 = arith.constant 1 : i32
      %add3A_72 = arith.addi %add3A_63, %add3A_71 : i32
      %dma_wait3A_73 = arith.constant 0 : i32
      %dma_wait3A_74 = arith.constant 0 : i32
      %dma_wait3A_75 = tpu.memref_slice %arg3[%add3A, %add3A_72, %dma_wait3A_73, %dma_wait3A_74] : memref<32x80x2x128xi32, #tpu.memory_space<hbm>> -> memref<1x1x2x128xi32, #tpu.memory_space<hbm>>
      %dma_wait3A_76 = tpu.memref_squeeze %dma_wait3A_75 : memref<1x1x2x128xi32, #tpu.memory_space<hbm>> -> memref<2x128xi32, #tpu.memory_space<hbm>>
      %dma_wait3A_77 = arith.constant 0 : i32
      %dma_wait3A_78 = arith.constant 0 : i32
      %dma_wait3A_79 = tpu.memref_slice %arg3[%add3A, %add3A_72, %dma_wait3A_77, %dma_wait3A_78] : memref<32x80x2x128xi32, #tpu.memory_space<hbm>> -> memref<1x1x2x128xi32, #tpu.memory_space<hbm>>
      %dma_wait3A_80 = tpu.memref_squeeze %dma_wait3A_79 : memref<1x1x2x128xi32, #tpu.memory_space<hbm>> -> memref<2x128xi32, #tpu.memory_space<hbm>>
      tpu.wait_dma2 semaphore(%arg12 : memref<!tpu.dma_semaphore, #tpu.memory_space<semaphore_mem>>) src(%dma_wait3A_80 : memref<2x128xi32, #tpu.memory_space<hbm>>) dst(%arg7 : memref<2x128xi32, #tpu.memory_space<vmem>>)
      %dma_start3A_81 = arith.constant 0 : i32
      %dma_start3A_82 = arith.constant 0 : i32
      %dma_start3A_83 = tpu.memref_slice %arg7[%dma_start3A_81, %dma_start3A_82] : memref<2x128xi32, #tpu.memory_space<vmem>> -> memref<1x128xi32, #tpu.memory_space<vmem>>
      %dma_start3A_84 = tpu.memref_squeeze %dma_start3A_83 : memref<1x128xi32, #tpu.memory_space<vmem>> -> memref<128xi32, #tpu.memory_space<vmem>>
      %dma_start3A_85 = arith.constant 0 : i32
      %dma_start3A_86 = arith.constant 0 : i32
      %dma_start3A_87 = tpu.memref_slice %arg2[%dma_start3A_85, %dma_start3A_86] : memref<10000x128xf32, #tpu.memory_space<hbm>> -> memref<10000x128xf32, #tpu.memory_space<hbm>>
      tpu.enqueue_indirect_dma source(%dma_start3A_87 : memref<10000x128xf32, #tpu.memory_space<hbm>>) target(%arg9 : memref<128x128xf32, #tpu.memory_space<vmem>>) offsets(%dma_start3A_84 : memref<128xi32, #tpu.memory_space<vmem>>) semaphore(%arg14 : memref<!tpu.dma_semaphore, #tpu.memory_space<semaphore_mem>>)
      %run_scoped3A_88 = arith.constant 1 : i32
      "tpu.region"() ({
        %run_scoped3A_139 = tpu.sem_alloc : memref<!tpu.dma_semaphore, #tpu.memory_space<semaphore_mem>>
        %dma_start3A_140 = arith.constant 0 : i32
        %dma_start3A_141 = tpu.memref_slice %arg6[%run_scoped3A_88, %dma_start3A_140] : memref<2x128xi32, #tpu.memory_space<vmem>> -> memref<1x128xi32, #tpu.memory_space<vmem>>
        %dma_start3A_142 = tpu.memref_squeeze %dma_start3A_141 : memref<1x128xi32, #tpu.memory_space<vmem>> -> memref<128xi32, #tpu.memory_space<vmem>>
        %dma_start3A_143 = arith.constant 0 : i32
        %dma_start3A_144 = arith.constant 0 : i32
        %dma_start3A_145 = tpu.memref_slice %arg10[%dma_start3A_143, %dma_start3A_144] : memref<10008x128xf32, #tpu.memory_space<vmem_shared>> -> memref<10008x128xf32, #tpu.memory_space<vmem_shared>>
        tpu.enqueue_indirect_dma source(%arg8 : memref<128x128xf32, #tpu.memory_space<vmem>>) target(%dma_start3A_145 : memref<10008x128xf32, #tpu.memory_space<vmem_shared>>) offsets(%dma_start3A_142 : memref<128xi32, #tpu.memory_space<vmem>>) semaphore(%run_scoped3A_139 : memref<!tpu.dma_semaphore, #tpu.memory_space<semaphore_mem>>) {add = true}
        %dma_wait3A_146 = arith.constant 0 : i32
        %dma_wait3A_147 = tpu.memref_slice %arg6[%run_scoped3A_88, %dma_wait3A_146] : memref<2x128xi32, #tpu.memory_space<vmem>> -> memref<1x128xi32, #tpu.memory_space<vmem>>
        %dma_wait3A_148 = tpu.memref_squeeze %dma_wait3A_147 : memref<1x128xi32, #tpu.memory_space<vmem>> -> memref<128xi32, #tpu.memory_space<vmem>>
        %dma_wait3A_149 = arith.constant 0 : i32
        %dma_wait3A_150 = arith.constant 0 : i32
        %dma_wait3A_151 = tpu.memref_slice %arg10[%dma_wait3A_149, %dma_wait3A_150] : memref<10008x128xf32, #tpu.memory_space<vmem_shared>> -> memref<10008x128xf32, #tpu.memory_space<vmem_shared>>
        tpu.wait_indirect_dma semaphore(%run_scoped3A_139 : memref<!tpu.dma_semaphore, #tpu.memory_space<semaphore_mem>>) src(%arg8 : memref<128x128xf32, #tpu.memory_space<vmem>>) dst(%dma_wait3A_151 : memref<10008x128xf32, #tpu.memory_space<vmem_shared>>)
        tpu.yield
      }) : () -> ()
      %add3A_89 = arith.constant 2 : i32
      %add3A_90 = arith.addi %add3A_63, %add3A_89 : i32
      %dma_start3A_91 = arith.constant 0 : i32
      %dma_start3A_92 = arith.constant 0 : i32
      %dma_start3A_93 = tpu.memref_slice %arg3[%add3A, %add3A_90, %dma_start3A_91, %dma_start3A_92] : memref<32x80x2x128xi32, #tpu.memory_space<hbm>> -> memref<1x1x2x128xi32, #tpu.memory_space<hbm>>
      %dma_start3A_94 = tpu.memref_squeeze %dma_start3A_93 : memref<1x1x2x128xi32, #tpu.memory_space<hbm>> -> memref<2x128xi32, #tpu.memory_space<hbm>>
      %dma_start3A_95 = arith.constant 0 : i32
      %dma_start3A_96 = arith.constant 0 : i32
      %dma_start3A_97 = tpu.memref_slice %arg3[%add3A, %add3A_90, %dma_start3A_95, %dma_start3A_96] : memref<32x80x2x128xi32, #tpu.memory_space<hbm>> -> memref<1x1x2x128xi32, #tpu.memory_space<hbm>>
      %dma_start3A_98 = tpu.memref_squeeze %dma_start3A_97 : memref<1x1x2x128xi32, #tpu.memory_space<hbm>> -> memref<2x128xi32, #tpu.memory_space<hbm>>
      tpu.enqueue_dma source(%dma_start3A_98 : memref<2x128xi32, #tpu.memory_space<hbm>>) target(%arg6 : memref<2x128xi32, #tpu.memory_space<vmem>>) target_semaphore(%arg11 : memref<!tpu.dma_semaphore, #tpu.memory_space<semaphore_mem>>)
      %mul3A_99 = arith.constant 2 : i32
      %mul3A_100 = arith.muli %scan3A_58, %mul3A_99 : i32
      %add3A_101 = arith.constant 1 : i32
      %add3A_102 = arith.addi %mul3A_100, %add3A_101 : i32
      %dma_wait3A_103 = arith.constant 0 : i32
      %dma_wait3A_104 = arith.constant 0 : i32
      %dma_wait3A_105 = tpu.memref_slice %arg7[%dma_wait3A_103, %dma_wait3A_104] : memref<2x128xi32, #tpu.memory_space<vmem>> -> memref<1x128xi32, #tpu.memory_space<vmem>>
      %dma_wait3A_106 = tpu.memref_squeeze %dma_wait3A_105 : memref<1x128xi32, #tpu.memory_space<vmem>> -> memref<128xi32, #tpu.memory_space<vmem>>
      %dma_wait3A_107 = arith.constant 0 : i32
      %dma_wait3A_108 = arith.constant 0 : i32
      %dma_wait3A_109 = tpu.memref_slice %arg2[%dma_wait3A_107, %dma_wait3A_108] : memref<10000x128xf32, #tpu.memory_space<hbm>> -> memref<10000x128xf32, #tpu.memory_space<hbm>>
      tpu.wait_indirect_dma semaphore(%arg14 : memref<!tpu.dma_semaphore, #tpu.memory_space<semaphore_mem>>) src(%dma_wait3A_109 : memref<10000x128xf32, #tpu.memory_space<hbm>>) dst(%arg9 : memref<128x128xf32, #tpu.memory_space<vmem>>)
      %add3A_110 = arith.constant 1 : i32
      %add3A_111 = arith.addi %add3A_102, %add3A_110 : i32
      %dma_wait3A_112 = arith.constant 0 : i32
      %dma_wait3A_113 = arith.constant 0 : i32
      %dma_wait3A_114 = tpu.memref_slice %arg3[%add3A, %add3A_111, %dma_wait3A_112, %dma_wait3A_113] : memref<32x80x2x128xi32, #tpu.memory_space<hbm>> -> memref<1x1x2x128xi32, #tpu.memory_space<hbm>>
      %dma_wait3A_115 = tpu.memref_squeeze %dma_wait3A_114 : memref<1x1x2x128xi32, #tpu.memory_space<hbm>> -> memref<2x128xi32, #tpu.memory_space<hbm>>
      %dma_wait3A_116 = arith.constant 0 : i32
      %dma_wait3A_117 = arith.constant 0 : i32
      %dma_wait3A_118 = tpu.memref_slice %arg3[%add3A, %add3A_111, %dma_wait3A_116, %dma_wait3A_117] : memref<32x80x2x128xi32, #tpu.memory_space<hbm>> -> memref<1x1x2x128xi32, #tpu.memory_space<hbm>>
      %dma_wait3A_119 = tpu.memref_squeeze %dma_wait3A_118 : memref<1x1x2x128xi32, #tpu.memory_space<hbm>> -> memref<2x128xi32, #tpu.memory_space<hbm>>
      tpu.wait_dma2 semaphore(%arg11 : memref<!tpu.dma_semaphore, #tpu.memory_space<semaphore_mem>>) src(%dma_wait3A_119 : memref<2x128xi32, #tpu.memory_space<hbm>>) dst(%arg6 : memref<2x128xi32, #tpu.memory_space<vmem>>)
      %dma_start3A_120 = arith.constant 0 : i32
      %dma_start3A_121 = arith.constant 0 : i32
      %dma_start3A_122 = tpu.memref_slice %arg6[%dma_start3A_120, %dma_start3A_121] : memref<2x128xi32, #tpu.memory_space<vmem>> -> memref<1x128xi32, #tpu.memory_space<vmem>>
      %dma_start3A_123 = tpu.memref_squeeze %dma_start3A_122 : memref<1x128xi32, #tpu.memory_space<vmem>> -> memref<128xi32, #tpu.memory_space<vmem>>
      %dma_start3A_124 = arith.constant 0 : i32
      %dma_start3A_125 = arith.constant 0 : i32
      %dma_start3A_126 = tpu.memref_slice %arg2[%dma_start3A_124, %dma_start3A_125] : memref<10000x128xf32, #tpu.memory_space<hbm>> -> memref<10000x128xf32, #tpu.memory_space<hbm>>
      tpu.enqueue_indirect_dma source(%dma_start3A_126 : memref<10000x128xf32, #tpu.memory_space<hbm>>) target(%arg8 : memref<128x128xf32, #tpu.memory_space<vmem>>) offsets(%dma_start3A_123 : memref<128xi32, #tpu.memory_space<vmem>>) semaphore(%arg13 : memref<!tpu.dma_semaphore, #tpu.memory_space<semaphore_mem>>)
      %run_scoped3A_127 = arith.constant 1 : i32
      "tpu.region"() ({
        %run_scoped3A_139 = tpu.sem_alloc : memref<!tpu.dma_semaphore, #tpu.memory_space<semaphore_mem>>
        %dma_start3A_140 = arith.constant 0 : i32
        %dma_start3A_141 = tpu.memref_slice %arg7[%run_scoped3A_127, %dma_start3A_140] : memref<2x128xi32, #tpu.memory_space<vmem>> -> memref<1x128xi32, #tpu.memory_space<vmem>>
        %dma_start3A_142 = tpu.memref_squeeze %dma_start3A_141 : memref<1x128xi32, #tpu.memory_space<vmem>> -> memref<128xi32, #tpu.memory_space<vmem>>
        %dma_start3A_143 = arith.constant 0 : i32
        %dma_start3A_144 = arith.constant 0 : i32
        %dma_start3A_145 = tpu.memref_slice %arg10[%dma_start3A_143, %dma_start3A_144] : memref<10008x128xf32, #tpu.memory_space<vmem_shared>> -> memref<10008x128xf32, #tpu.memory_space<vmem_shared>>
        tpu.enqueue_indirect_dma source(%arg9 : memref<128x128xf32, #tpu.memory_space<vmem>>) target(%dma_start3A_145 : memref<10008x128xf32, #tpu.memory_space<vmem_shared>>) offsets(%dma_start3A_142 : memref<128xi32, #tpu.memory_space<vmem>>) semaphore(%run_scoped3A_139 : memref<!tpu.dma_semaphore, #tpu.memory_space<semaphore_mem>>) {add = true}
        %dma_wait3A_146 = arith.constant 0 : i32
        %dma_wait3A_147 = tpu.memref_slice %arg7[%run_scoped3A_127, %dma_wait3A_146] : memref<2x128xi32, #tpu.memory_space<vmem>> -> memref<1x128xi32, #tpu.memory_space<vmem>>
        %dma_wait3A_148 = tpu.memref_squeeze %dma_wait3A_147 : memref<1x128xi32, #tpu.memory_space<vmem>> -> memref<128xi32, #tpu.memory_space<vmem>>
        %dma_wait3A_149 = arith.constant 0 : i32
        %dma_wait3A_150 = arith.constant 0 : i32
        %dma_wait3A_151 = tpu.memref_slice %arg10[%dma_wait3A_149, %dma_wait3A_150] : memref<10008x128xf32, #tpu.memory_space<vmem_shared>> -> memref<10008x128xf32, #tpu.memory_space<vmem_shared>>
        tpu.wait_indirect_dma semaphore(%run_scoped3A_139 : memref<!tpu.dma_semaphore, #tpu.memory_space<semaphore_mem>>) src(%arg9 : memref<128x128xf32, #tpu.memory_space<vmem>>) dst(%dma_wait3A_151 : memref<10008x128xf32, #tpu.memory_space<vmem_shared>>)
        tpu.yield
      }) : () -> ()
      %add3A_128 = arith.constant 2 : i32
      %add3A_129 = arith.addi %add3A_102, %add3A_128 : i32
      %dma_start3A_130 = arith.constant 0 : i32
      %dma_start3A_131 = arith.constant 0 : i32
      %dma_start3A_132 = tpu.memref_slice %arg3[%add3A, %add3A_129, %dma_start3A_130, %dma_start3A_131] : memref<32x80x2x128xi32, #tpu.memory_space<hbm>> -> memref<1x1x2x128xi32, #tpu.memory_space<hbm>>
      %dma_start3A_133 = tpu.memref_squeeze %dma_start3A_132 : memref<1x1x2x128xi32, #tpu.memory_space<hbm>> -> memref<2x128xi32, #tpu.memory_space<hbm>>
      %dma_start3A_134 = arith.constant 0 : i32
      %dma_start3A_135 = arith.constant 0 : i32
      %dma_start3A_136 = tpu.memref_slice %arg3[%add3A, %add3A_129, %dma_start3A_134, %dma_start3A_135] : memref<32x80x2x128xi32, #tpu.memory_space<hbm>> -> memref<1x1x2x128xi32, #tpu.memory_space<hbm>>
      %dma_start3A_137 = tpu.memref_squeeze %dma_start3A_136 : memref<1x1x2x128xi32, #tpu.memory_space<hbm>> -> memref<2x128xi32, #tpu.memory_space<hbm>>
      tpu.enqueue_dma source(%dma_start3A_137 : memref<2x128xi32, #tpu.memory_space<hbm>>) target(%arg7 : memref<2x128xi32, #tpu.memory_space<vmem>>) target_semaphore(%arg12 : memref<!tpu.dma_semaphore, #tpu.memory_space<semaphore_mem>>)
      %scan3A_138 = arith.constant 0 : i32
      scf.yield %scan3A_138 : i32
    }
    %scan3A_40 = arith.constant 39 : i32
    %dma_wait3A_41 = arith.constant 0 : i32
    %dma_wait3A_42 = arith.constant 0 : i32
    %dma_wait3A_43 = tpu.memref_slice %arg6[%dma_wait3A_41, %dma_wait3A_42] : memref<2x128xi32, #tpu.memory_space<vmem>> -> memref<1x128xi32, #tpu.memory_space<vmem>>
    %dma_wait3A_44 = tpu.memref_squeeze %dma_wait3A_43 : memref<1x128xi32, #tpu.memory_space<vmem>> -> memref<128xi32, #tpu.memory_space<vmem>>
    %dma_wait3A_45 = arith.constant 0 : i32
    %dma_wait3A_46 = arith.constant 0 : i32
    %dma_wait3A_47 = tpu.memref_slice %arg2[%dma_wait3A_45, %dma_wait3A_46] : memref<10000x128xf32, #tpu.memory_space<hbm>> -> memref<10000x128xf32, #tpu.memory_space<hbm>>
    tpu.wait_indirect_dma semaphore(%arg13 : memref<!tpu.dma_semaphore, #tpu.memory_space<semaphore_mem>>) src(%dma_wait3A_47 : memref<10000x128xf32, #tpu.memory_space<hbm>>) dst(%arg8 : memref<128x128xf32, #tpu.memory_space<vmem>>)
    %run_scoped3A = arith.constant 1 : i32
    "tpu.region"() ({
      %run_scoped3A_58 = tpu.sem_alloc : memref<!tpu.dma_semaphore, #tpu.memory_space<semaphore_mem>>
      %dma_start3A_59 = arith.constant 0 : i32
      %dma_start3A_60 = tpu.memref_slice %arg6[%run_scoped3A, %dma_start3A_59] : memref<2x128xi32, #tpu.memory_space<vmem>> -> memref<1x128xi32, #tpu.memory_space<vmem>>
      %dma_start3A_61 = tpu.memref_squeeze %dma_start3A_60 : memref<1x128xi32, #tpu.memory_space<vmem>> -> memref<128xi32, #tpu.memory_space<vmem>>
      %dma_start3A_62 = arith.constant 0 : i32
      %dma_start3A_63 = arith.constant 0 : i32
      %dma_start3A_64 = tpu.memref_slice %arg10[%dma_start3A_62, %dma_start3A_63] : memref<10008x128xf32, #tpu.memory_space<vmem_shared>> -> memref<10008x128xf32, #tpu.memory_space<vmem_shared>>
      tpu.enqueue_indirect_dma source(%arg8 : memref<128x128xf32, #tpu.memory_space<vmem>>) target(%dma_start3A_64 : memref<10008x128xf32, #tpu.memory_space<vmem_shared>>) offsets(%dma_start3A_61 : memref<128xi32, #tpu.memory_space<vmem>>) semaphore(%run_scoped3A_58 : memref<!tpu.dma_semaphore, #tpu.memory_space<semaphore_mem>>) {add = true}
      %dma_wait3A_65 = arith.constant 0 : i32
      %dma_wait3A_66 = tpu.memref_slice %arg6[%run_scoped3A, %dma_wait3A_65] : memref<2x128xi32, #tpu.memory_space<vmem>> -> memref<1x128xi32, #tpu.memory_space<vmem>>
      %dma_wait3A_67 = tpu.memref_squeeze %dma_wait3A_66 : memref<1x128xi32, #tpu.memory_space<vmem>> -> memref<128xi32, #tpu.memory_space<vmem>>
      %dma_wait3A_68 = arith.constant 0 : i32
      %dma_wait3A_69 = arith.constant 0 : i32
      %dma_wait3A_70 = tpu.memref_slice %arg10[%dma_wait3A_68, %dma_wait3A_69] : memref<10008x128xf32, #tpu.memory_space<vmem_shared>> -> memref<10008x128xf32, #tpu.memory_space<vmem_shared>>
      tpu.wait_indirect_dma semaphore(%run_scoped3A_58 : memref<!tpu.dma_semaphore, #tpu.memory_space<semaphore_mem>>) src(%arg8 : memref<128x128xf32, #tpu.memory_space<vmem>>) dst(%dma_wait3A_70 : memref<10008x128xf32, #tpu.memory_space<vmem_shared>>)
      tpu.yield
    }) : () -> ()
    %dma_wait3A_48 = arith.constant 79 : i32
    %dma_wait3A_49 = arith.constant 0 : i32
    %dma_wait3A_50 = arith.constant 0 : i32
    %dma_wait3A_51 = tpu.memref_slice %arg3[%add3A, %dma_wait3A_48, %dma_wait3A_49, %dma_wait3A_50] : memref<32x80x2x128xi32, #tpu.memory_space<hbm>> -> memref<1x1x2x128xi32, #tpu.memory_space<hbm>>
    %dma_wait3A_52 = tpu.memref_squeeze %dma_wait3A_51 : memref<1x1x2x128xi32, #tpu.memory_space<hbm>> -> memref<2x128xi32, #tpu.memory_space<hbm>>
    %dma_wait3A_53 = arith.constant 0 : i32
    %dma_wait3A_54 = arith.constant 0 : i32
    %dma_wait3A_55 = tpu.memref_slice %arg3[%add3A, %dma_wait3A_48, %dma_wait3A_53, %dma_wait3A_54] : memref<32x80x2x128xi32, #tpu.memory_space<hbm>> -> memref<1x1x2x128xi32, #tpu.memory_space<hbm>>
    %dma_wait3A_56 = tpu.memref_squeeze %dma_wait3A_55 : memref<1x1x2x128xi32, #tpu.memory_space<hbm>> -> memref<2x128xi32, #tpu.memory_space<hbm>>
    tpu.wait_dma2 semaphore(%arg12 : memref<!tpu.dma_semaphore, #tpu.memory_space<semaphore_mem>>) src(%dma_wait3A_56 : memref<2x128xi32, #tpu.memory_space<hbm>>) dst(%arg7 : memref<2x128xi32, #tpu.memory_space<vmem>>)
    %barrier3A_57 = arith.constant 0 : index
    tpu.barrier barrier_id(%barrier3A_57)
    "tpu.region"() ({
      %run_scoped3A_58 = tpu.sem_alloc : memref<!tpu.dma_semaphore, #tpu.memory_space<semaphore_mem>>
      %dma_start3A_59 = arith.constant 0 : i32
      %dma_start3A_60 = tpu.memref_slice %arg5[%arg0, %multiple_of3A, %dma_start3A_59] : memref<2x10008x128xf32, #tpu.memory_space<hbm>> -> memref<1x648x128xf32, #tpu.memory_space<hbm>>
      %dma_start3A_61 = tpu.memref_squeeze %dma_start3A_60 : memref<1x648x128xf32, #tpu.memory_space<hbm>> -> memref<648x128xf32, #tpu.memory_space<hbm>>
      %dma_start3A_62 = arith.constant 0 : i32
      %dma_start3A_63 = tpu.memref_slice %arg10[%multiple_of3A, %dma_start3A_62] : memref<10008x128xf32, #tpu.memory_space<vmem_shared>> -> memref<648x128xf32, #tpu.memory_space<vmem_shared>>
      tpu.enqueue_dma source(%dma_start3A_63 : memref<648x128xf32, #tpu.memory_space<vmem_shared>>) target(%dma_start3A_61 : memref<648x128xf32, #tpu.memory_space<hbm>>) target_semaphore(%run_scoped3A_58 : memref<!tpu.dma_semaphore, #tpu.memory_space<semaphore_mem>>)
      %dma_wait3A_64 = arith.constant 0 : i32
      %dma_wait3A_65 = tpu.memref_slice %arg5[%arg0, %multiple_of3A, %dma_wait3A_64] : memref<2x10008x128xf32, #tpu.memory_space<hbm>> -> memref<1x648x128xf32, #tpu.memory_space<hbm>>
      %dma_wait3A_66 = tpu.memref_squeeze %dma_wait3A_65 : memref<1x648x128xf32, #tpu.memory_space<hbm>> -> memref<648x128xf32, #tpu.memory_space<hbm>>
      %dma_wait3A_67 = arith.constant 0 : i32
      %dma_wait3A_68 = tpu.memref_slice %arg10[%multiple_of3A, %dma_wait3A_67] : memref<10008x128xf32, #tpu.memory_space<vmem_shared>> -> memref<648x128xf32, #tpu.memory_space<vmem_shared>>
      tpu.wait_dma2 semaphore(%run_scoped3A_58 : memref<!tpu.dma_semaphore, #tpu.memory_space<semaphore_mem>>) src(%dma_wait3A_68 : memref<648x128xf32, #tpu.memory_space<vmem_shared>>) dst(%dma_wait3A_66 : memref<648x128xf32, #tpu.memory_space<hbm>>)
      tpu.yield
    }) : () -> ()
    return
  }
}

module attributes {stable_mosaic.version = 14 : i64} {
  func.func @_embed_body(%arg0: i32, %arg1: memref<1000x1xi32, #tpu.memory_space<vmem>>, %arg2: memref<2x1000x128xf32, #tpu.memory_space<vmem>>, %arg3: memref<128x128xf32, #tpu.memory_space<vmem>>, %arg4: memref<1000x128xf32, #tpu.memory_space<vmem>>, %arg5: memref<1000x128xf32, #tpu.memory_space<vmem>>, %arg6: memref<1000x1xf32, #tpu.memory_space<vmem>>) attributes {dimension_semantics = [#tpu.dimension_semantics<arbitrary>], iteration_bounds = array<i64: 10>, scalar_prefetch = 0 : i64, scratch_operands = 0 : i64, tpu.core_type = #tpu.core_type<tc>, window_params = [{transform_indices = @transform_0, window_bounds = array<i64: 1000, 1>}, {transform_indices = @transform_1, window_bounds = array<i64: 2, 1000, 128>}, {pipeline_mode = #tpu.pipeline_mode<synchronous>, transform_indices = @transform_2, window_bounds = array<i64: 128, 128>}, {transform_indices = @transform_3, window_bounds = array<i64: 1000, 128>}, {transform_indices = @transform_4, window_bounds = array<i64: 1000, 128>}, {transform_indices = @transform_5, window_bounds = array<i64: 1000, 1>}]} {
    %get3A = arith.constant 0 : index
    %get3A_0 = arith.constant 0 : index
    %get3A_1 = vector.load %arg1[%get3A, %get3A_0] : memref<1000x1xi32, #tpu.memory_space<vmem>>, vector<1000x1xi32>
    %iota3A = tpu.iota {dimensions = array<i32: 1>} : vector<1x128xi32>
    %eq3A = vector.broadcast %get3A_1 : vector<1000x1xi32> to vector<1000x128xi32>
    %eq3A_2 = vector.broadcast %iota3A : vector<1x128xi32> to vector<1000x128xi32>
    %eq3A_3 = arith.cmpi eq, %eq3A, %eq3A_2 : vector<1000x128xi32>
    %convert_element_type3A = arith.extui %eq3A_3 : vector<1000x128xi1> to vector<1000x128xi32>
    %convert_element_type3A_4 = arith.sitofp %convert_element_type3A : vector<1000x128xi32> to vector<1000x128xf32>
    %get3A_5 = arith.constant 0 : index
    %get3A_6 = arith.constant 0 : index
    %get3A_7 = vector.load %arg3[%get3A_5, %get3A_6] : memref<128x128xf32, #tpu.memory_space<vmem>>, vector<128x128xf32>
    %dot_general3A = arith.constant dense<0.000000e+00> : vector<1000x128xf32>
    %dot_general3A_8 = tpu.matmul %convert_element_type3A_4, %get3A_7, %dot_general3A {dimension_numbers = #tpu.dot_dimension_numbers<[1], [0], [0], [1], [0, 0, 1, 1], [], []>, transpose_lhs_hint = false} : vector<1000x128xf32>, vector<128x128xf32>, vector<1000x128xf32> -> vector<1000x128xf32>
    %get3A_9 = arith.constant 0 : index
    %get3A_10 = arith.constant 0 : index
    %get3A_11 = arith.constant 0 : index
    %get3A_12 = vector.load %arg2[%get3A_9, %get3A_10, %get3A_11] : memref<2x1000x128xf32, #tpu.memory_space<vmem>>, vector<1x1000x1xf32>
    %get3A_13 = vector.shape_cast %get3A_12 : vector<1x1000x1xf32> to vector<1000x1xf32>
    %get3A_14 = arith.constant 1 : index
    %get3A_15 = arith.constant 0 : index
    %get3A_16 = arith.constant 0 : index
    %get3A_17 = vector.load %arg2[%get3A_14, %get3A_15, %get3A_16] : memref<2x1000x128xf32, #tpu.memory_space<vmem>>, vector<1x1000x1xf32>
    %get3A_18 = vector.shape_cast %get3A_17 : vector<1x1000x1xf32> to vector<1000x1xf32>
    %add3A = arith.addf %get3A_13, %get3A_18 : vector<1000x1xf32>
    %max3A = arith.constant 1.000000e+00 : f32
    %max3A_19 = vector.broadcast %max3A : f32 to vector<1000x1xf32>
    %max3A_20 = arith.maximumf %add3A, %max3A_19 : vector<1000x1xf32>
    %pow3A = arith.constant -5.000000e-01 : f32
    %pow3A_21 = vector.broadcast %pow3A : f32 to vector<1000x1xf32>
    %pow3A_22 = math.powf %max3A_20, %pow3A_21 : vector<1000x1xf32>
    %swap3A = arith.constant 0 : index
    %swap3A_23 = arith.constant 0 : index
    %swap3A_24 = vector.load %arg4[%swap3A, %swap3A_23] : memref<1000x128xf32, #tpu.memory_space<vmem>>, vector<1000x128xf32>
    tpu.vector_store %arg4[%swap3A, %swap3A_23], %dot_general3A_8 {strides = array<i32>} : memref<1000x128xf32, #tpu.memory_space<vmem>>, vector<1000x128xf32>,
    %mul3A = vector.broadcast %pow3A_22 : vector<1000x1xf32> to vector<1000x128xf32>
    %mul3A_25 = arith.mulf %dot_general3A_8, %mul3A : vector<1000x128xf32>
    %swap3A_26 = arith.constant 0 : index
    %swap3A_27 = arith.constant 0 : index
    %swap3A_28 = vector.load %arg5[%swap3A_26, %swap3A_27] : memref<1000x128xf32, #tpu.memory_space<vmem>>, vector<1000x128xf32>
    tpu.vector_store %arg5[%swap3A_26, %swap3A_27], %mul3A_25 {strides = array<i32>} : memref<1000x128xf32, #tpu.memory_space<vmem>>, vector<1000x128xf32>,
    %swap3A_29 = arith.constant 0 : index
    %swap3A_30 = arith.constant 0 : index
    %swap3A_31 = vector.load %arg6[%swap3A_29, %swap3A_30] : memref<1000x1xf32, #tpu.memory_space<vmem>>, vector<1000x1xf32>
    tpu.vector_store %arg6[%swap3A_29, %swap3A_30], %pow3A_22 {strides = array<i32>} : memref<1000x1xf32, #tpu.memory_space<vmem>>, vector<1000x1xf32>,
    return
  }
  func.func @transform_0(%arg0: i32) -> (i32, i32) {
    %c0_i32 = arith.constant 0 : i32
    %c0_i32_0 = arith.constant 0 : i32
    return %arg0, %c0_i32 : i32, i32
  }
  func.func @transform_1(%arg0: i32) -> (i32, i32, i32) {
    %c0_i32 = arith.constant 0 : i32
    %c0_i32_0 = arith.constant 0 : i32
    %c0_i32_1 = arith.constant 0 : i32
    return %c0_i32, %arg0, %c0_i32_0 : i32, i32, i32
  }
  func.func @transform_2(%arg0: i32) -> (i32, i32) {
    %c0_i32 = arith.constant 0 : i32
    %c0_i32_0 = arith.constant 0 : i32
    %c0_i32_1 = arith.constant 0 : i32
    return %c0_i32, %c0_i32_0 : i32, i32
  }
  func.func @transform_3(%arg0: i32) -> (i32, i32) {
    %c0_i32 = arith.constant 0 : i32
    %c0_i32_0 = arith.constant 0 : i32
    return %arg0, %c0_i32 : i32, i32
  }
  func.func @transform_4(%arg0: i32) -> (i32, i32) {
    %c0_i32 = arith.constant 0 : i32
    %c0_i32_0 = arith.constant 0 : i32
    return %arg0, %c0_i32 : i32, i32
  }
  func.func @transform_5(%arg0: i32) -> (i32, i32) {
    %c0_i32 = arith.constant 0 : i32
    %c0_i32_0 = arith.constant 0 : i32
    return %arg0, %c0_i32 : i32, i32
  }
}

module attributes {stable_mosaic.version = 14 : i64} {
  func.func @_mid_body(%arg0: i32, %arg1: memref<2x1000x128xf32, #tpu.memory_space<vmem>>, %arg2: memref<1000x1xf32, #tpu.memory_space<vmem>>, %arg3: memref<1000x128xf32, #tpu.memory_space<vmem>>, %arg4: memref<1000x128xf32, #tpu.memory_space<vmem>>) attributes {dimension_semantics = [#tpu.dimension_semantics<arbitrary>], iteration_bounds = array<i64: 10>, scalar_prefetch = 0 : i64, scratch_operands = 0 : i64, tpu.core_type = #tpu.core_type<tc>, window_params = [{transform_indices = @transform_0, window_bounds = array<i64: 2, 1000, 128>}, {transform_indices = @transform_1, window_bounds = array<i64: 1000, 1>}, {transform_indices = @transform_2, window_bounds = array<i64: 1000, 128>}, {transform_indices = @transform_3, window_bounds = array<i64: 1000, 128>}]} {
    %get3A = arith.constant 0 : index
    %get3A_0 = arith.constant 0 : index
    %get3A_1 = arith.constant 0 : index
    %get3A_2 = vector.load %arg1[%get3A, %get3A_0, %get3A_1] : memref<2x1000x128xf32, #tpu.memory_space<vmem>>, vector<1x1000x128xf32>
    %get3A_3 = vector.shape_cast %get3A_2 : vector<1x1000x128xf32> to vector<1000x128xf32>
    %get3A_4 = arith.constant 1 : index
    %get3A_5 = arith.constant 0 : index
    %get3A_6 = arith.constant 0 : index
    %get3A_7 = vector.load %arg1[%get3A_4, %get3A_5, %get3A_6] : memref<2x1000x128xf32, #tpu.memory_space<vmem>>, vector<1x1000x128xf32>
    %get3A_8 = vector.shape_cast %get3A_7 : vector<1x1000x128xf32> to vector<1000x128xf32>
    %add3A = arith.addf %get3A_3, %get3A_8 : vector<1000x128xf32>
    %get3A_9 = arith.constant 0 : index
    %get3A_10 = arith.constant 0 : index
    %get3A_11 = vector.load %arg2[%get3A_9, %get3A_10] : memref<1000x1xf32, #tpu.memory_space<vmem>>, vector<1000x1xf32>
    %mul3A = vector.broadcast %get3A_11 : vector<1000x1xf32> to vector<1000x128xf32>
    %mul3A_12 = arith.mulf %add3A, %mul3A : vector<1000x128xf32>
    %neg3A = arith.constant 0.000000e+00 : f32
    %neg3A_13 = vector.broadcast %neg3A : f32 to vector<1000x128xf32>
    %neg3A_14 = arith.subf %neg3A_13, %mul3A_12 : vector<1000x128xf32>
    %swap3A = arith.constant 0 : index
    %swap3A_15 = arith.constant 0 : index
    %swap3A_16 = vector.load %arg3[%swap3A, %swap3A_15] : memref<1000x128xf32, #tpu.memory_space<vmem>>, vector<1000x128xf32>
    tpu.vector_store %arg3[%swap3A, %swap3A_15], %neg3A_14 {strides = array<i32>} : memref<1000x128xf32, #tpu.memory_space<vmem>>, vector<1000x128xf32>,
    %mul3A_17 = vector.broadcast %get3A_11 : vector<1000x1xf32> to vector<1000x128xf32>
    %mul3A_18 = arith.mulf %neg3A_14, %mul3A_17 : vector<1000x128xf32>
    %swap3A_19 = arith.constant 0 : index
    %swap3A_20 = arith.constant 0 : index
    %swap3A_21 = vector.load %arg4[%swap3A_19, %swap3A_20] : memref<1000x128xf32, #tpu.memory_space<vmem>>, vector<1000x128xf32>
    tpu.vector_store %arg4[%swap3A_19, %swap3A_20], %mul3A_18 {strides = array<i32>} : memref<1000x128xf32, #tpu.memory_space<vmem>>, vector<1000x128xf32>,
    return
  }
  func.func @transform_0(%arg0: i32) -> (i32, i32, i32) {
    %c0_i32 = arith.constant 0 : i32
    %c0_i32_0 = arith.constant 0 : i32
    %c0_i32_1 = arith.constant 0 : i32
    return %c0_i32, %arg0, %c0_i32_0 : i32, i32, i32
  }
  func.func @transform_1(%arg0: i32) -> (i32, i32) {
    %c0_i32 = arith.constant 0 : i32
    %c0_i32_0 = arith.constant 0 : i32
    return %arg0, %c0_i32 : i32, i32
  }
  func.func @transform_2(%arg0: i32) -> (i32, i32) {
    %c0_i32 = arith.constant 0 : i32
    %c0_i32_0 = arith.constant 0 : i32
    return %arg0, %c0_i32 : i32, i32
  }
  func.func @transform_3(%arg0: i32) -> (i32, i32) {
    %c0_i32 = arith.constant 0 : i32
    %c0_i32_0 = arith.constant 0 : i32
    return %arg0, %c0_i32 : i32, i32
  }
}

module attributes {stable_mosaic.version = 14 : i64} {
  func.func @_layer_body(%arg0: i32, %arg1: memref<2x1000x128xf32, #tpu.memory_space<vmem>>, %arg2: memref<1000x128xf32, #tpu.memory_space<vmem>>, %arg3: memref<1000x128xf32, #tpu.memory_space<vmem>>, %arg4: memref<1000x1xf32, #tpu.memory_space<vmem>>, %arg5: memref<3x128x128xf32, #tpu.memory_space<vmem>>, %arg6: memref<1x128xf32, #tpu.memory_space<vmem>>, %arg7: memref<1000x128xf32, #tpu.memory_space<vmem>>, %arg8: memref<1000x128xf32, #tpu.memory_space<vmem>>) attributes {dimension_semantics = [#tpu.dimension_semantics<arbitrary>], iteration_bounds = array<i64: 10>, scalar_prefetch = 0 : i64, scratch_operands = 0 : i64, tpu.core_type = #tpu.core_type<tc>, window_params = [{transform_indices = @transform_0, window_bounds = array<i64: 2, 1000, 128>}, {transform_indices = @transform_1, window_bounds = array<i64: 1000, 128>}, {transform_indices = @transform_2, window_bounds = array<i64: 1000, 128>}, {transform_indices = @transform_3, window_bounds = array<i64: 1000, 1>}, {pipeline_mode = #tpu.pipeline_mode<synchronous>, transform_indices = @transform_4, window_bounds = array<i64: 3, 128, 128>}, {pipeline_mode = #tpu.pipeline_mode<synchronous>, transform_indices = @transform_5, window_bounds = array<i64: 1, 128>}, {transform_indices = @transform_6, window_bounds = array<i64: 1000, 128>}, {transform_indices = @transform_7, window_bounds = array<i64: 1000, 128>}]} {
    %get3A = arith.constant 0 : index
    %get3A_0 = arith.constant 0 : index
    %get3A_1 = vector.load %arg4[%get3A, %get3A_0] : memref<1000x1xf32, #tpu.memory_space<vmem>>, vector<1000x1xf32>
    %get3A_2 = arith.constant 0 : index
    %get3A_3 = arith.constant 0 : index
    %get3A_4 = vector.load %arg2[%get3A_2, %get3A_3] : memref<1000x128xf32, #tpu.memory_space<vmem>>, vector<1000x128xf32>
    %get3A_5 = arith.constant 0 : index
    %get3A_6 = arith.constant 0 : index
    %get3A_7 = arith.constant 0 : index
    %get3A_8 = vector.load %arg1[%get3A_5, %get3A_6, %get3A_7] : memref<2x1000x128xf32, #tpu.memory_space<vmem>>, vector<1x1000x128xf32>
    %get3A_9 = vector.shape_cast %get3A_8 : vector<1x1000x128xf32> to vector<1000x128xf32>
    %get3A_10 = arith.constant 1 : index
    %get3A_11 = arith.constant 0 : index
    %get3A_12 = arith.constant 0 : index
    %get3A_13 = vector.load %arg1[%get3A_10, %get3A_11, %get3A_12] : memref<2x1000x128xf32, #tpu.memory_space<vmem>>, vector<1x1000x128xf32>
    %get3A_14 = vector.shape_cast %get3A_13 : vector<1x1000x128xf32> to vector<1000x128xf32>
    %add3A = arith.addf %get3A_9, %get3A_14 : vector<1000x128xf32>
    %mul3A = vector.broadcast %get3A_1 : vector<1000x1xf32> to vector<1000x128xf32>
    %mul3A_15 = arith.mulf %add3A, %mul3A : vector<1000x128xf32>
    %mul3A_16 = arith.constant -2.000000e+00 : f32
    %mul3A_17 = vector.broadcast %mul3A_16 : f32 to vector<1000x128xf32>
    %mul3A_18 = arith.mulf %mul3A_17, %mul3A_15 : vector<1000x128xf32>
    %sub3A = arith.subf %mul3A_18, %get3A_4 : vector<1000x128xf32>
    %get3A_19 = arith.constant 0 : index
    %get3A_20 = arith.constant 0 : index
    %get3A_21 = arith.constant 0 : index
    %get3A_22 = vector.load %arg5[%get3A_19, %get3A_20, %get3A_21] : memref<3x128x128xf32, #tpu.memory_space<vmem>>, vector<1x128x128xf32>
    %get3A_23 = vector.shape_cast %get3A_22 : vector<1x128x128xf32> to vector<128x128xf32>
    %dot_general3A = arith.constant dense<0.000000e+00> : vector<1000x128xf32>
    %dot_general3A_24 = tpu.matmul %get3A_4, %get3A_23, %dot_general3A {dimension_numbers = #tpu.dot_dimension_numbers<[1], [0], [0], [1], [0, 0, 1, 1], [], []>, transpose_lhs_hint = false} : vector<1000x128xf32>, vector<128x128xf32>, vector<1000x128xf32> -> vector<1000x128xf32>
    %get3A_25 = arith.constant 0 : index
    %get3A_26 = arith.constant 0 : index
    %get3A_27 = vector.load %arg3[%get3A_25, %get3A_26] : memref<1000x128xf32, #tpu.memory_space<vmem>>, vector<1000x128xf32>
    %get3A_28 = arith.constant 1 : index
    %get3A_29 = arith.constant 0 : index
    %get3A_30 = arith.constant 0 : index
    %get3A_31 = vector.load %arg5[%get3A_28, %get3A_29, %get3A_30] : memref<3x128x128xf32, #tpu.memory_space<vmem>>, vector<1x128x128xf32>
    %get3A_32 = vector.shape_cast %get3A_31 : vector<1x128x128xf32> to vector<128x128xf32>
    %dot_general3A_33 = arith.constant dense<0.000000e+00> : vector<1000x128xf32>
    %dot_general3A_34 = tpu.matmul %get3A_27, %get3A_32, %dot_general3A_33 {dimension_numbers = #tpu.dot_dimension_numbers<[1], [0], [0], [1], [0, 0, 1, 1], [], []>, transpose_lhs_hint = false} : vector<1000x128xf32>, vector<128x128xf32>, vector<1000x128xf32> -> vector<1000x128xf32>
    %add3A_35 = arith.addf %dot_general3A_24, %dot_general3A_34 : vector<1000x128xf32>
    %get3A_36 = arith.constant 2 : index
    %get3A_37 = arith.constant 0 : index
    %get3A_38 = arith.constant 0 : index
    %get3A_39 = vector.load %arg5[%get3A_36, %get3A_37, %get3A_38] : memref<3x128x128xf32, #tpu.memory_space<vmem>>, vector<1x128x128xf32>
    %get3A_40 = vector.shape_cast %get3A_39 : vector<1x128x128xf32> to vector<128x128xf32>
    %dot_general3A_41 = arith.constant dense<0.000000e+00> : vector<1000x128xf32>
    %dot_general3A_42 = tpu.matmul %sub3A, %get3A_40, %dot_general3A_41 {dimension_numbers = #tpu.dot_dimension_numbers<[1], [0], [0], [1], [0, 0, 1, 1], [], []>, transpose_lhs_hint = false} : vector<1000x128xf32>, vector<128x128xf32>, vector<1000x128xf32> -> vector<1000x128xf32>
    %add3A_43 = arith.addf %add3A_35, %dot_general3A_42 : vector<1000x128xf32>
    %get3A_44 = arith.constant 0 : index
    %get3A_45 = arith.constant 0 : index
    %get3A_46 = vector.load %arg6[%get3A_44, %get3A_45] : memref<1x128xf32, #tpu.memory_space<vmem>>, vector<1x128xf32>
    %add3A_47 = vector.broadcast %get3A_46 : vector<1x128xf32> to vector<1000x128xf32>
    %add3A_48 = arith.addf %add3A_43, %add3A_47 : vector<1000x128xf32>
    %max3A = arith.constant 0.000000e+00 : f32
    %max3A_49 = vector.broadcast %max3A : f32 to vector<1000x128xf32>
    %max3A_50 = arith.maximumf %add3A_48, %max3A_49 : vector<1000x128xf32>
    %add3A_51 = arith.addf %get3A_4, %max3A_50 : vector<1000x128xf32>
    %swap3A = arith.constant 0 : index
    %swap3A_52 = arith.constant 0 : index
    %swap3A_53 = vector.load %arg7[%swap3A, %swap3A_52] : memref<1000x128xf32, #tpu.memory_space<vmem>>, vector<1000x128xf32>
    tpu.vector_store %arg7[%swap3A, %swap3A_52], %add3A_51 {strides = array<i32>} : memref<1000x128xf32, #tpu.memory_space<vmem>>, vector<1000x128xf32>,
    %mul3A_54 = vector.broadcast %get3A_1 : vector<1000x1xf32> to vector<1000x128xf32>
    %mul3A_55 = arith.mulf %add3A_51, %mul3A_54 : vector<1000x128xf32>
    %swap3A_56 = arith.constant 0 : index
    %swap3A_57 = arith.constant 0 : index
    %swap3A_58 = vector.load %arg8[%swap3A_56, %swap3A_57] : memref<1000x128xf32, #tpu.memory_space<vmem>>, vector<1000x128xf32>
    tpu.vector_store %arg8[%swap3A_56, %swap3A_57], %mul3A_55 {strides = array<i32>} : memref<1000x128xf32, #tpu.memory_space<vmem>>, vector<1000x128xf32>,
    return
  }
  func.func @transform_0(%arg0: i32) -> (i32, i32, i32) {
    %c0_i32 = arith.constant 0 : i32
    %c0_i32_0 = arith.constant 0 : i32
    %c0_i32_1 = arith.constant 0 : i32
    return %c0_i32, %arg0, %c0_i32_0 : i32, i32, i32
  }
  func.func @transform_1(%arg0: i32) -> (i32, i32) {
    %c0_i32 = arith.constant 0 : i32
    %c0_i32_0 = arith.constant 0 : i32
    return %arg0, %c0_i32 : i32, i32
  }
  func.func @transform_2(%arg0: i32) -> (i32, i32) {
    %c0_i32 = arith.constant 0 : i32
    %c0_i32_0 = arith.constant 0 : i32
    return %arg0, %c0_i32 : i32, i32
  }
  func.func @transform_3(%arg0: i32) -> (i32, i32) {
    %c0_i32 = arith.constant 0 : i32
    %c0_i32_0 = arith.constant 0 : i32
    return %arg0, %c0_i32 : i32, i32
  }
  func.func @transform_4(%arg0: i32) -> (i32, i32, i32) {
    %c0_i32 = arith.constant 0 : i32
    %c0_i32_0 = arith.constant 0 : i32
    %c0_i32_1 = arith.constant 0 : i32
    %c0_i32_2 = arith.constant 0 : i32
    return %c0_i32, %c0_i32_0, %c0_i32_1 : i32, i32, i32
  }
  func.func @transform_5(%arg0: i32) -> (i32, i32) {
    %c0_i32 = arith.constant 0 : i32
    %c0_i32_0 = arith.constant 0 : i32
    %c0_i32_1 = arith.constant 0 : i32
    return %c0_i32, %c0_i32_0 : i32, i32
  }
  func.func @transform_6(%arg0: i32) -> (i32, i32) {
    %c0_i32 = arith.constant 0 : i32
    %c0_i32_0 = arith.constant 0 : i32
    return %arg0, %c0_i32 : i32, i32
  }
  func.func @transform_7(%arg0: i32) -> (i32, i32) {
    %c0_i32 = arith.constant 0 : i32
    %c0_i32_0 = arith.constant 0 : i32
    return %arg0, %c0_i32 : i32, i32
  }
}

module attributes {stable_mosaic.version = 14 : i64} {
  func.func @_layer_body(%arg0: i32, %arg1: memref<2x1000x128xf32, #tpu.memory_space<vmem>>, %arg2: memref<1000x128xf32, #tpu.memory_space<vmem>>, %arg3: memref<1000x128xf32, #tpu.memory_space<vmem>>, %arg4: memref<1000x1xf32, #tpu.memory_space<vmem>>, %arg5: memref<3x128x128xf32, #tpu.memory_space<vmem>>, %arg6: memref<1x128xf32, #tpu.memory_space<vmem>>, %arg7: memref<1000x128xf32, #tpu.memory_space<vmem>>, %arg8: memref<1000x128xf32, #tpu.memory_space<vmem>>) attributes {dimension_semantics = [#tpu.dimension_semantics<arbitrary>], iteration_bounds = array<i64: 10>, scalar_prefetch = 0 : i64, scratch_operands = 0 : i64, tpu.core_type = #tpu.core_type<tc>, window_params = [{transform_indices = @transform_0, window_bounds = array<i64: 2, 1000, 128>}, {transform_indices = @transform_1, window_bounds = array<i64: 1000, 128>}, {transform_indices = @transform_2, window_bounds = array<i64: 1000, 128>}, {transform_indices = @transform_3, window_bounds = array<i64: 1000, 1>}, {pipeline_mode = #tpu.pipeline_mode<synchronous>, transform_indices = @transform_4, window_bounds = array<i64: 3, 128, 128>}, {pipeline_mode = #tpu.pipeline_mode<synchronous>, transform_indices = @transform_5, window_bounds = array<i64: 1, 128>}, {transform_indices = @transform_6, window_bounds = array<i64: 1000, 128>}, {transform_indices = @transform_7, window_bounds = array<i64: 1000, 128>}]} {
    %get3A = arith.constant 0 : index
    %get3A_0 = arith.constant 0 : index
    %get3A_1 = vector.load %arg4[%get3A, %get3A_0] : memref<1000x1xf32, #tpu.memory_space<vmem>>, vector<1000x1xf32>
    %get3A_2 = arith.constant 0 : index
    %get3A_3 = arith.constant 0 : index
    %get3A_4 = vector.load %arg2[%get3A_2, %get3A_3] : memref<1000x128xf32, #tpu.memory_space<vmem>>, vector<1000x128xf32>
    %get3A_5 = arith.constant 0 : index
    %get3A_6 = arith.constant 0 : index
    %get3A_7 = arith.constant 0 : index
    %get3A_8 = vector.load %arg1[%get3A_5, %get3A_6, %get3A_7] : memref<2x1000x128xf32, #tpu.memory_space<vmem>>, vector<1x1000x128xf32>
    %get3A_9 = vector.shape_cast %get3A_8 : vector<1x1000x128xf32> to vector<1000x128xf32>
    %get3A_10 = arith.constant 1 : index
    %get3A_11 = arith.constant 0 : index
    %get3A_12 = arith.constant 0 : index
    %get3A_13 = vector.load %arg1[%get3A_10, %get3A_11, %get3A_12] : memref<2x1000x128xf32, #tpu.memory_space<vmem>>, vector<1x1000x128xf32>
    %get3A_14 = vector.shape_cast %get3A_13 : vector<1x1000x128xf32> to vector<1000x128xf32>
    %add3A = arith.addf %get3A_9, %get3A_14 : vector<1000x128xf32>
    %mul3A = vector.broadcast %get3A_1 : vector<1000x1xf32> to vector<1000x128xf32>
    %mul3A_15 = arith.mulf %add3A, %mul3A : vector<1000x128xf32>
    %mul3A_16 = arith.constant -2.000000e+00 : f32
    %mul3A_17 = vector.broadcast %mul3A_16 : f32 to vector<1000x128xf32>
    %mul3A_18 = arith.mulf %mul3A_17, %mul3A_15 : vector<1000x128xf32>
    %sub3A = arith.subf %mul3A_18, %get3A_4 : vector<1000x128xf32>
    %get3A_19 = arith.constant 0 : index
    %get3A_20 = arith.constant 0 : index
    %get3A_21 = arith.constant 0 : index
    %get3A_22 = vector.load %arg5[%get3A_19, %get3A_20, %get3A_21] : memref<3x128x128xf32, #tpu.memory_space<vmem>>, vector<1x128x128xf32>
    %get3A_23 = vector.shape_cast %get3A_22 : vector<1x128x128xf32> to vector<128x128xf32>
    %dot_general3A = arith.constant dense<0.000000e+00> : vector<1000x128xf32>
    %dot_general3A_24 = tpu.matmul %get3A_4, %get3A_23, %dot_general3A {dimension_numbers = #tpu.dot_dimension_numbers<[1], [0], [0], [1], [0, 0, 1, 1], [], []>, transpose_lhs_hint = false} : vector<1000x128xf32>, vector<128x128xf32>, vector<1000x128xf32> -> vector<1000x128xf32>
    %get3A_25 = arith.constant 0 : index
    %get3A_26 = arith.constant 0 : index
    %get3A_27 = vector.load %arg3[%get3A_25, %get3A_26] : memref<1000x128xf32, #tpu.memory_space<vmem>>, vector<1000x128xf32>
    %get3A_28 = arith.constant 1 : index
    %get3A_29 = arith.constant 0 : index
    %get3A_30 = arith.constant 0 : index
    %get3A_31 = vector.load %arg5[%get3A_28, %get3A_29, %get3A_30] : memref<3x128x128xf32, #tpu.memory_space<vmem>>, vector<1x128x128xf32>
    %get3A_32 = vector.shape_cast %get3A_31 : vector<1x128x128xf32> to vector<128x128xf32>
    %dot_general3A_33 = arith.constant dense<0.000000e+00> : vector<1000x128xf32>
    %dot_general3A_34 = tpu.matmul %get3A_27, %get3A_32, %dot_general3A_33 {dimension_numbers = #tpu.dot_dimension_numbers<[1], [0], [0], [1], [0, 0, 1, 1], [], []>, transpose_lhs_hint = false} : vector<1000x128xf32>, vector<128x128xf32>, vector<1000x128xf32> -> vector<1000x128xf32>
    %add3A_35 = arith.addf %dot_general3A_24, %dot_general3A_34 : vector<1000x128xf32>
    %get3A_36 = arith.constant 2 : index
    %get3A_37 = arith.constant 0 : index
    %get3A_38 = arith.constant 0 : index
    %get3A_39 = vector.load %arg5[%get3A_36, %get3A_37, %get3A_38] : memref<3x128x128xf32, #tpu.memory_space<vmem>>, vector<1x128x128xf32>
    %get3A_40 = vector.shape_cast %get3A_39 : vector<1x128x128xf32> to vector<128x128xf32>
    %dot_general3A_41 = arith.constant dense<0.000000e+00> : vector<1000x128xf32>
    %dot_general3A_42 = tpu.matmul %sub3A, %get3A_40, %dot_general3A_41 {dimension_numbers = #tpu.dot_dimension_numbers<[1], [0], [0], [1], [0, 0, 1, 1], [], []>, transpose_lhs_hint = false} : vector<1000x128xf32>, vector<128x128xf32>, vector<1000x128xf32> -> vector<1000x128xf32>
    %add3A_43 = arith.addf %add3A_35, %dot_general3A_42 : vector<1000x128xf32>
    %get3A_44 = arith.constant 0 : index
    %get3A_45 = arith.constant 0 : index
    %get3A_46 = vector.load %arg6[%get3A_44, %get3A_45] : memref<1x128xf32, #tpu.memory_space<vmem>>, vector<1x128xf32>
    %add3A_47 = vector.broadcast %get3A_46 : vector<1x128xf32> to vector<1000x128xf32>
    %add3A_48 = arith.addf %add3A_43, %add3A_47 : vector<1000x128xf32>
    %max3A = arith.constant 0.000000e+00 : f32
    %max3A_49 = vector.broadcast %max3A : f32 to vector<1000x128xf32>
    %max3A_50 = arith.maximumf %add3A_48, %max3A_49 : vector<1000x128xf32>
    %add3A_51 = arith.addf %get3A_4, %max3A_50 : vector<1000x128xf32>
    %swap3A = arith.constant 0 : index
    %swap3A_52 = arith.constant 0 : index
    %swap3A_53 = vector.load %arg7[%swap3A, %swap3A_52] : memref<1000x128xf32, #tpu.memory_space<vmem>>, vector<1000x128xf32>
    tpu.vector_store %arg7[%swap3A, %swap3A_52], %add3A_51 {strides = array<i32>} : memref<1000x128xf32, #tpu.memory_space<vmem>>, vector<1000x128xf32>,
    %mul3A_54 = vector.broadcast %get3A_1 : vector<1000x1xf32> to vector<1000x128xf32>
    %mul3A_55 = arith.mulf %add3A_51, %mul3A_54 : vector<1000x128xf32>
    %swap3A_56 = arith.constant 0 : index
    %swap3A_57 = arith.constant 0 : index
    %swap3A_58 = vector.load %arg8[%swap3A_56, %swap3A_57] : memref<1000x128xf32, #tpu.memory_space<vmem>>, vector<1000x128xf32>
    tpu.vector_store %arg8[%swap3A_56, %swap3A_57], %mul3A_55 {strides = array<i32>} : memref<1000x128xf32, #tpu.memory_space<vmem>>, vector<1000x128xf32>,
    return
  }
  func.func @transform_0(%arg0: i32) -> (i32, i32, i32) {
    %c0_i32 = arith.constant 0 : i32
    %c0_i32_0 = arith.constant 0 : i32
    %c0_i32_1 = arith.constant 0 : i32
    return %c0_i32, %arg0, %c0_i32_0 : i32, i32, i32
  }
  func.func @transform_1(%arg0: i32) -> (i32, i32) {
    %c0_i32 = arith.constant 0 : i32
    %c0_i32_0 = arith.constant 0 : i32
    return %arg0, %c0_i32 : i32, i32
  }
  func.func @transform_2(%arg0: i32) -> (i32, i32) {
    %c0_i32 = arith.constant 0 : i32
    %c0_i32_0 = arith.constant 0 : i32
    return %arg0, %c0_i32 : i32, i32
  }
  func.func @transform_3(%arg0: i32) -> (i32, i32) {
    %c0_i32 = arith.constant 0 : i32
    %c0_i32_0 = arith.constant 0 : i32
    return %arg0, %c0_i32 : i32, i32
  }
  func.func @transform_4(%arg0: i32) -> (i32, i32, i32) {
    %c0_i32 = arith.constant 0 : i32
    %c0_i32_0 = arith.constant 0 : i32
    %c0_i32_1 = arith.constant 0 : i32
    %c0_i32_2 = arith.constant 0 : i32
    return %c0_i32, %c0_i32_0, %c0_i32_1 : i32, i32, i32
  }
  func.func @transform_5(%arg0: i32) -> (i32, i32) {
    %c0_i32 = arith.constant 0 : i32
    %c0_i32_0 = arith.constant 0 : i32
    %c0_i32_1 = arith.constant 0 : i32
    return %c0_i32, %c0_i32_0 : i32, i32
  }
  func.func @transform_6(%arg0: i32) -> (i32, i32) {
    %c0_i32 = arith.constant 0 : i32
    %c0_i32_0 = arith.constant 0 : i32
    return %arg0, %c0_i32 : i32, i32
  }
  func.func @transform_7(%arg0: i32) -> (i32, i32) {
    %c0_i32 = arith.constant 0 : i32
    %c0_i32_0 = arith.constant 0 : i32
    return %arg0, %c0_i32 : i32, i32
  }
}

module attributes {stable_mosaic.version = 14 : i64} {
  func.func @_readout_body(%arg0: memref<10000x128xf32, #tpu.memory_space<vmem>>, %arg1: memref<128x128xf32, #tpu.memory_space<vmem>>, %arg2: memref<1x128xf32, #tpu.memory_space<vmem>>, %arg3: memref<128x128xf32, #tpu.memory_space<vmem>>, %arg4: memref<1x128xf32, #tpu.memory_space<vmem>>, %arg5: memref<128x128xf32, #tpu.memory_space<vmem>>, %arg6: memref<1x128xf32, #tpu.memory_space<vmem>>, %arg7: memref<1x128xf32, #tpu.memory_space<vmem>>) attributes {dimension_semantics = [], scalar_prefetch = 0 : i64, scratch_operands = 0 : i64, tpu.core_type = #tpu.core_type<tc>} {
    %get3A = arith.constant 0 : index
    %get3A_0 = arith.constant 0 : index
    %get3A_1 = vector.load %arg0[%get3A, %get3A_0] : memref<10000x128xf32, #tpu.memory_space<vmem>>, vector<10000x128xf32>
    %reduce_sum3A = arith.constant dense<0.000000e+00> : vector<128xf32>
    %reduce_sum3A_2 = vector.multi_reduction <add>, %get3A_1, %reduce_sum3A [0] : vector<10000x128xf32> to vector<128xf32>
    %broadcast_in_dim3A = vector.shape_cast %reduce_sum3A_2 : vector<128xf32> to vector<1x128xf32>
    %mul3A = arith.constant 9.99999974E-5 : f32
    %mul3A_3 = vector.broadcast %mul3A : f32 to vector<1x128xf32>
    %mul3A_4 = arith.mulf %broadcast_in_dim3A, %mul3A_3 : vector<1x128xf32>
    %get3A_5 = arith.constant 0 : index
    %get3A_6 = arith.constant 0 : index
    %get3A_7 = vector.load %arg1[%get3A_5, %get3A_6] : memref<128x128xf32, #tpu.memory_space<vmem>>, vector<128x128xf32>
    %dot_general3A = arith.constant dense<0.000000e+00> : vector<1x128xf32>
    %dot_general3A_8 = tpu.matmul %mul3A_4, %get3A_7, %dot_general3A {dimension_numbers = #tpu.dot_dimension_numbers<[1], [0], [0], [1], [0, 0, 1, 1], [], []>, transpose_lhs_hint = false} : vector<1x128xf32>, vector<128x128xf32>, vector<1x128xf32> -> vector<1x128xf32>
    %get3A_9 = arith.constant 0 : index
    %get3A_10 = arith.constant 0 : index
    %get3A_11 = vector.load %arg2[%get3A_9, %get3A_10] : memref<1x128xf32, #tpu.memory_space<vmem>>, vector<1x128xf32>
    %add3A = arith.addf %dot_general3A_8, %get3A_11 : vector<1x128xf32>
    %max3A = arith.constant 0.000000e+00 : f32
    %max3A_12 = vector.broadcast %max3A : f32 to vector<1x128xf32>
    %max3A_13 = arith.maximumf %add3A, %max3A_12 : vector<1x128xf32>
    %get3A_14 = arith.constant 0 : index
    %get3A_15 = arith.constant 0 : index
    %get3A_16 = vector.load %arg3[%get3A_14, %get3A_15] : memref<128x128xf32, #tpu.memory_space<vmem>>, vector<128x128xf32>
    %dot_general3A_17 = arith.constant dense<0.000000e+00> : vector<1x128xf32>
    %dot_general3A_18 = tpu.matmul %max3A_13, %get3A_16, %dot_general3A_17 {dimension_numbers = #tpu.dot_dimension_numbers<[1], [0], [0], [1], [0, 0, 1, 1], [], []>, transpose_lhs_hint = false} : vector<1x128xf32>, vector<128x128xf32>, vector<1x128xf32> -> vector<1x128xf32>
    %get3A_19 = arith.constant 0 : index
    %get3A_20 = arith.constant 0 : index
    %get3A_21 = vector.load %arg4[%get3A_19, %get3A_20] : memref<1x128xf32, #tpu.memory_space<vmem>>, vector<1x128xf32>
    %add3A_22 = arith.addf %dot_general3A_18, %get3A_21 : vector<1x128xf32>
    %max3A_23 = arith.constant 0.000000e+00 : f32
    %max3A_24 = vector.broadcast %max3A_23 : f32 to vector<1x128xf32>
    %max3A_25 = arith.maximumf %add3A_22, %max3A_24 : vector<1x128xf32>
    %get3A_26 = arith.constant 0 : index
    %get3A_27 = arith.constant 0 : index
    %get3A_28 = vector.load %arg5[%get3A_26, %get3A_27] : memref<128x128xf32, #tpu.memory_space<vmem>>, vector<128x128xf32>
    %dot_general3A_29 = arith.constant dense<0.000000e+00> : vector<1x128xf32>
    %dot_general3A_30 = tpu.matmul %max3A_25, %get3A_28, %dot_general3A_29 {dimension_numbers = #tpu.dot_dimension_numbers<[1], [0], [0], [1], [0, 0, 1, 1], [], []>, transpose_lhs_hint = false} : vector<1x128xf32>, vector<128x128xf32>, vector<1x128xf32> -> vector<1x128xf32>
    %get3A_31 = arith.constant 0 : index
    %get3A_32 = arith.constant 0 : index
    %get3A_33 = vector.load %arg6[%get3A_31, %get3A_32] : memref<1x128xf32, #tpu.memory_space<vmem>>, vector<1x128xf32>
    %add3A_34 = arith.addf %dot_general3A_30, %get3A_33 : vector<1x128xf32>
    %swap3A = arith.constant 0 : index
    %swap3A_35 = arith.constant 0 : index
    %swap3A_36 = vector.load %arg7[%swap3A, %swap3A_35] : memref<1x128xf32, #tpu.memory_space<vmem>>, vector<1x128xf32>
    tpu.vector_store %arg7[%swap3A, %swap3A_35], %add3A_34 {strides = array<i32>} : memref<1x128xf32, #tpu.memory_space<vmem>>, vector<1x128xf32>,
    return
  }
}

</mosaic_0001>

<sc_bundles>
// kernel: kernel.21.cloned.1.call-start
scs
__scs_entry_jumppad:
0x0: {  	(pc) =	sbr.rel $0x88, $3  }
0x1: {  	(tag) =	ssettag $0x0;
	lr =	simm.s32 $0x1  }
0x2: {  	[smem:$0x3F88] =	sst lr;
	_ =	strace $0xD0000000  }
0x3: {  	_ = 	snop  }
0x4: {  	_ = 	snop  }
0x5: {  	_ = 	snop  }
0x6: {  	_ = 	snop  }
0x7: {  	_ = 	snop  }
__scs_overlays_trampoline_lowered:
0x8: {  	[smem:$0x3F97] =	sst s0  }
0x9: {  	[smem:$0x3F98] =	sst s1  }
0xa: {  	[smem:$0x3F99] =	sst s2  }
0xb: {  	[smem:$0x3F9A] =	sst s3  }
0xc: {  	[smem:$0x3F9B] =	sst s4  }
0xd: {  	[smem:$0x3F9C] =	sst s5  }
0xe: {  	[smem:$0x3F9D] =	sst s6  }
0xf: {  	[smem:$0x3F9E] =	sst s7  }
0x10: {  	[smem:$0x3F9F] =	sst s8  }
0x11: {  	[smem:$0x3FA0] =	sst s9;
	s0 =	simm.s32 @!p0 $0x0  }
0x12: {  	s1 =	sld [smem:$0x3F86];
	s0 =	simm.s32 @p0 $0x1  }
0x13: {  	[smem:$0x3FA1] =	sst s0;
	s0 =	simm.s32 @!p1 $0x0  }
0x14: {  	s2 =	sld [smem:$0x3F85];
	s0 =	simm.s32 @p1 $0x1  }
0x15: {  	[smem:$0x3FA2] =	sst s0;
	s0 =	simm.s32 @!p2 $0x0  }
0x16: {  	s3 =	sld [smem:$0x3FDB];
	s0 =	simm.s32 @p2 $0x1  }
0x17: {  	s4 =	simm.s32 $0x1BF5;
	[smem:$0x3FA4] =	sst s0  }
0x18: {  	s0 =	sld [smem:$0x3F87];
	_ =	swait.ge [sflag:s4], $0x0  }
0x19: {  	s7 =	sld [smem:$0x3F88]  }
0x1a: {  	s8 =	sadd.s32 $0xFFFFE003, lr  }
0x1b: {  	s9 =	sadd.s32 $0xFFFFFEF7, lr;
	s5 =	simm.s32 $0xFFFFFFFF;
	p2 =	slt.u32 s8, $0xFFFFF086  }
0x1c: {  	p1 =	slt.u32 s9, $0xF7A;
	s5 =	simm.s32 @!p2 $0x0  }
0x1d: {  	s5 =	simm.s32 @p1 $0x1;
	p0 =	seq.s32 s7, s2  }
0x1e: {  	s7 =	smul.u32 @!p0 $0xF7A, s2;
	p2 =	seq.s32 @!p0 s5, $0x0  }
0x1f: {  	s9 =	smul.u32 $0xF7A, s1;
	s8 =	simm.s32 @!p0 $0x1BF5;
	p2 =	por !p2, p0  }
0x20: {  	[sflag:s8] =	ssyncset.s32 @!p0 $0xFFFFF086;
	s6 =	sadd.s32 @!p0 s3, s7;
	s7 =	simm.s32 @!p0 $0x108  }
0x21: {  	s3 =	sadd.s32 s3, s9;
	s6 =	sadd.s32 @!p0 $0x88, s6;
	s7 =	simm.s32 @p2 $0x1082  }
0x22: {  	[simem:s7], [sflag:s8] =	dma.local @!p0 [hbm:s6], $0xF7A  }
0x23: {  	s9 =	sor.u32 $0xD0000000, s2;
	s6 =	simm.s32 $0x108;
	_ =	swait.ge @!p0 [sflag:s8], $0x0  }
0x24: {  	s3 =	sadd.s32 $0x88, s3;
	s6 =	simm.s32 @!p1 $0x1082;
	[sflag:s4] =	ssyncset.s32 $0xFFFFF086  }
0x25: {  	[simem:s6], [sflag:s4] =	dma.local [hbm:s3], $0xF7A  }
0x26: {  	[smem:$0x3F88] =	sst s1;
	(tag) =	ssettag s2;
	_ =	strace s9  }
0x27: {  	s1 =	sld [smem:$0x3F98]  }
0x28: {  	s2 =	sld [smem:$0x3F99]  }
0x29: {  	s4 =	sld [smem:$0x3F9B]  }
0x2a: {  	p0 =	seq.s32 s5, $0x0;
	s5 =	sld [smem:$0x3F9C]  }
0x2b: {  	s6 =	sld [smem:$0x3F9D]  }
0x2c: {  	s7 =	sld [smem:$0x3F9E]  }
0x2d: {  	s3 =	simm.s32 $0x108;
	s8 =	sld [smem:$0x3F9F]  }
0x2e: {  	s3 =	simm.s32 @!p0 $0x1082;
	s9 =	sld [smem:$0x3FA0]  }
0x2f: {  	lr =	sadd.s32 s0, s3;
	s0 =	sld [smem:$0x3F97]  }
0x30: {  	s3 =	sld [smem:$0x3F9A]  }
0x31: {  	[smem:$0x3FA3] =	sst s10  }
0x32: {  	s10 =	sld [smem:$0x3FA1];
	_ =	sdelay $0x3  }
0x33: {  	p0 =	seq.s32 s10, $0x1;
	s10 =	sld [smem:$0x3FA3];
	_ =	sdelay $0x3  }
0x34: {  	[smem:$0x3FA3] =	sst s10  }
0x35: {  	s10 =	sld [smem:$0x3FA2];
	_ =	sdelay $0x3  }
0x36: {  	p1 =	seq.s32 s10, $0x1;
	s10 =	sld [smem:$0x3FA3];
	_ =	sdelay $0x3  }
0x37: {  	[smem:$0x3FA3] =	sst s10  }
0x38: {  	s10 =	sld [smem:$0x3FA4]  }
0x39: {  	_ = 	snop;
	(pc) =	sbr.ind lr, $3  }
0x3a: {  	_ = 	snop  }
0x3b: {  	_ = 	snop  }
0x3c: {  	p2 =	seq.s32 s10, $0x1;
	s10 =	sld [smem:$0x3FA3]  }
0x3d: {  	_ =	shalt  }
0x3e: {  	_ =	shalt  }
0x3f: {  	_ =	shalt  }
0x40: {  	_ =	shalt  }
0x41: {  	_ =	shalt  }
0x42: {  	_ =	shalt  }
0x43: {  	_ =	shalt  }
0x44: {  	_ =	shalt  }
0x45: {  	_ =	shalt  }
0x46: {  	_ =	shalt  }
0x47: {  	_ =	shalt  }
0x48: {  	_ =	shalt  }
0x49: {  	_ =	shalt  }
0x4a: {  	_ =	shalt  }
0x4b: {  	_ =	shalt  }
0x4c: {  	_ =	shalt  }
0x4d: {  	_ =	shalt  }
0x4e: {  	_ =	shalt  }
0x4f: {  	_ =	shalt  }
0x50: {  	_ =	shalt  }
0x51: {  	_ =	shalt  }
0x52: {  	_ =	shalt  }
0x53: {  	_ =	shalt  }
0x54: {  	_ =	shalt  }
0x55: {  	_ =	shalt  }
0x56: {  	_ =	shalt  }
0x57: {  	_ =	shalt  }
0x58: {  	_ =	shalt  }
0x59: {  	_ =	shalt  }
0x5a: {  	_ =	shalt  }
0x5b: {  	_ =	shalt  }
0x5c: {  	_ =	shalt  }
0x5d: {  	_ =	shalt  }
0x5e: {  	_ =	shalt  }
0x5f: {  	_ =	shalt  }
0x60: {  	_ =	shalt  }
0x61: {  	_ =	shalt  }
0x62: {  	_ =	shalt  }
0x63: {  	_ =	shalt  }
0x64: {  	_ =	shalt  }
0x65: {  	_ =	shalt  }
0x66: {  	_ =	shalt  }
0x67: {  	_ =	shalt  }
0x68: {  	_ =	shalt  }
0x69: {  	_ =	shalt  }
0x6a: {  	_ =	shalt  }
0x6b: {  	_ =	shalt  }
0x6c: {  	_ =	shalt  }
0x6d: {  	_ =	shalt  }
0x6e: {  	_ =	shalt  }
0x6f: {  	_ =	shalt  }
0x70: {  	_ =	shalt  }
0x71: {  	_ =	shalt  }
0x72: {  	_ =	shalt  }
0x73: {  	_ =	shalt  }
0x74: {  	_ =	shalt  }
0x75: {  	_ =	shalt  }
0x76: {  	_ =	shalt  }
0x77: {  	_ =	shalt  }
0x78: {  	_ =	shalt  }
0x79: {  	_ =	shalt  }
0x7a: {  	_ =	shalt  }
0x7b: {  	_ =	shalt  }
0x7c: {  	_ =	shalt  }
0x7d: {  	_ =	shalt  }
0x7e: {  	_ =	shalt  }
0x7f: {  	_ =	shalt  }
0x80: {  	_ =	shalt  }
0x81: {  	_ =	shalt  }
0x82: {  	_ =	shalt  }
0x83: {  	_ =	shalt  }
0x84: {  	_ =	shalt  }
0x85: {  	_ =	shalt  }
0x86: {  	_ =	shalt  }
0x87: {  	_ =	shalt  }
.Lfunc_end0:
.L_simem_size_0:
called_computation_lowered:
.L_overlay_start_0:
0x88: {  	s2 =	sld [smem:$0x3FD9]  }
0x89: {  	s3 =	sld [smem:$0x3FFE];
	_ =	sdelay $0x1  }
0x8a: {  	s1 =	srdreg.scid  }
0x8b: {  	s0 =	sand.u32 $0x1, s1  }
0x8c: {  	s16 =	sshll.u32 s0, $0xA;
	s2 =	sadd.s32 s3, s2  }
0x8d: {  	s2 =	sadd.s32 s2, s16  }
0x8e: {  	[smem:$0x3FAF] =	sst s2  }
0x8f: {  	_ = 	snop  }
0x90: {  	(tm) =	ssettm $0x1  }
0x91: {  	s17 =	sld [smem:$0x3FFB];
	_ =	sdelay $0x3  }
0x92: {  	_ =	strace s17  }
0x93: {  	s2 =	sld [smem:$0x3FFC];
	_ =	sdelay $0x3  }
0x94: {  	_ =	strace s2  }
0x95: {  	s2 =	sld [smem:$0x3FFD];
	_ =	sdelay $0x3  }
0x96: {  	_ =	strace s2  }
0x97: {  	_ =	strace $0x8FFFFFFF  }
0x98: {  	s18 =	sld [smem:$0x3FDB];
	_ =	sdelay $0x1  }
0x99: {  	s19 =	simm.s32 $_scs_section_size  }
0x9a: {  	s4 =	simm.s32 $_size__tile_overlayer_lowered;
	s5 =	simm.s32 $_tile_overlayer_lowered  }
0x9b: {  	s22 =	simm.s32 $0x1BFF;
	s21 =	sshll.u32 s5, $0x1;
	s2 =	sadd.s32 s19, s18  }
0x9c: {  	s6 =	simm.s32 $0x0;
	s20 =	sshll.u32 s4, $0x1;
	s4 =	sadd.s32 s21, s2  }
0x9d: {  	[timem:s6], [sflag:s22] =	dma.local [hbm:s4], s20  }
0x9e: {  	_ =	swait.ge [sflag:s22], s20  }
0x9f: {  	s3 =	ssub.s32 $0x0, s20;
	[sflag:s22] =	ssyncset.done $0x0  }
0xa0: {  	[sflag:s22] =	ssyncadd.s32 s3;
	_ =	sdelay $0x1  }
0xa1: {  	s23 =	simm.s32 $0x1B8B  }
0xa2: {  	_ =	swait.ge [sflag:s23], $0x1  }
0xa3: {  	[sflag:s23] =	ssyncset.done $0x0  }
0xa4: {  	s25 =	simm.s32 $0x1B8E;
	s24 =	sld [smem:$0x3FFE];
	[sflag:s23] =	ssyncadd.s32 $0xFFFFFFFF  }
0xa5: {  	s26 =	simm.s32 $execute0_lowered;
	[smem:$0x3FD2] =	sst s25  }
0xa6: {  	s4 =	sshll.u32 s26, $0x1;
	_ =	strace $0x80000046;
	[dreg:$0x1] =	wrdreg $0xFFFFFFFF  }
0xa7: {  	s28 =	simm.s32 $_size_execute0_lowered;
	s2 =	sadd.s32 s2, s4;
	[dreg:$0x0] =	wrdreg $0x0  }
0xa8: {  	s4 =	sshll.u32 s28, $0x1;
	[dreg:$0x2] =	wrdreg s2  }
0xa9: {  	[dreg:$0x3] =	wrdreg s4  }
0xaa: {  	[dreg:$0x4] =	wrdreg $0xC0  }
0xab: {  	_ =	task [dreg:s6], $0x5FFFF  }
0xac: {  	[dreg:$0x1] =	wrdreg $0xFFFFFFFF  }
0xad: {  	[dreg:$0x0] =	wrdreg $0x60  }
0xae: {  	[dreg:$0x2] =	wrdreg s24  }
0xaf: {  	[dreg:$0x3] =	wrdreg $0x82000  }
0xb0: {  	[dreg:$0x4] =	wrdreg $0x9  }
0xb1: {  	_ =	task.clear_ibuf [dreg:s6], $0x5FFFF;
	_ =	strace $0x90000046  }
0xb2: {  	s29 =	simm.s32 $0x9;
	_ =	strace $0x80000048  }
0xb3: {  	_ =	swait.ge [sflag:s29], $0x1  }
0xb4: {  	[sflag:s29] =	ssyncadd.s32 $0xFFFFFFFF  }
0xb5: {  	_ =	strace $0x90000048  }
0xb6: {  	_ =	sfence  }
0xb7: {  	s30 =	sld [smem:$0x0];
	_ =	sdelay $0x2  }
0xb8: {  	s31 =	sshll.u32 s1, $0xD;
	s1 =	sshrl.u32 s1, $0x2  }
0xb9: {  	s3 =	sand.u32 $0x4000, s31;
	s1 =	sadd.s32 s1, s30  }
0xba: {  	s0 =	sor.u32 s3, s0;
	s1 =	sshll.u32 s1, $0x11  }
0xbb: {  	s0 =	sor.u32 s1, s0  }
0xbc: {  	s0 =	sadd.s32 $0x8F2B, s0  }
0xbd: {  	[sflag:s0] =	ssyncadd.remote.s32 $0x1  }
0xbe: {  	_ =	sfence.sel $0xFFFF  }
0xbf: {  	[dreg:$0x0] =	wrdreg $0xFFFFFFFF;
	(pc) =	sbr.abs _section_cstart, $3  }
0xc0: {  	[dreg:$0x1] =	wrdreg $0xFFFFFFFF  }
0xc1: {  	_ =	task.clear_ibuf [dreg:s6], $0x2FFFF;
	_ =	strace $0x9FFFFFFF  }
0xc2: {  	(tm) =	ssettm $0x7FFFFFFF  }
0xc3: {  	_ =	shalt  }
tec
execute0_lowered:
.L_overlay_start_1:
0x0: {  	(tag) =	ssettag $0x1  }
0x1: {  	s5 =	rddreg [dreg:$0x0]  }
0x2: {  	s2 =	rddreg [dreg:$0x1]  }
0x3: {  	s0 =	rddreg [dreg:$0x2];
	s3 =	simm.s32 $0x0;
	s1 =	stileid.u32  }
0x4: {  	s4 =	srdreg.scid;
	s17 =	simm.s32 $0x80;
	s18 =	simm.s32 $0x200  }
0x5: {  	s19 =	simm.s32 $0x3;
	s20 =	simm.s32 $0x2;
	s21 =	simm.s32 $0x4200  }
0x6: {  	[smem:$0x7FF] =	sst s3;
	s6 =	smul.u32 $0x13800, s1;
	s7 =	sand.u32 $0x1, s4  }
0x7: {  	s4 =	sadd.s32 $0x44400, s5;
	s12 =	sadd.s32 $0x9200, s5;
	s11 =	smul.u32 $0x4E000, s1  }
0x8: {  	s30 =	smul.u32 $0x5000, s1;
	s31 =	sshll.u32 s1, $0x6;
	_ =	strace $0x80000047  }
0x9: {  	s8 =	smul.u32 $0x138C00, s7;
	s9 =	sshll.u32 s7, $0x4;
	s25 =	ssub.s32 $0x2, s7  }
0xa: {  	s28 =	smul.u32 $0x50000, s7;
	s10 =	sshrl.u32 s6, $0x3;
	s22 =	sor.u32 s1, s9  }
0xb: {  	s13 =	sshrl.u32 s25, $0x1;
	s29 =	sshrl.u32 s11, $0x2;
	s6 =	sadd.s32 s6, s8  }
0xc: {  	s23 =	sadd.s32 s10, s5;
	s8 =	smul.u32 $0x5000, s22;
	s13 =	ssub.s32 s25, s13  }
0xd: {  	s14 =	sadd.s32 s29, s2;
	s11 =	sadd.s32 s30, s28;
	s22 =	simm.s32 $0x4  }
0xe: {  	s6 =	sshrl.u32 s6, $0x3;
	s7 =	sadd.s32 $0x1D200, s23;
	s15 =	sor.u32 $0x300, s11  }
0xf: {  	s11 =	sor.u32 $0x200, s11;
	s10 =	smax.u32 s13, $0x1;
	s13 =	simm.s32 $0x100  }
0x10: {  	s14 =	sshrl.u32 s14, $0x3;
	s23 =	simm.s32 $0x180;
	s24 =	sadd.s32 s6, s5  }
0x11: {  	s26 =	sshrl.u32 s8, $0x3;
	s8 =	sor.u32 $0x1C05, s31;
	s15 =	sshrl.u32 s15, $0x3  }
0x12: {  	s16 =	sshrl.u32 s11, $0x3;
	s5 =	sadd.s32 s12, s26;
	s9 =	sadd.s32 $0x6B600, s24  }
0x13: {  	s11 =	sadd.s32 s15, s12;
	s12 =	sadd.s32 s16, s12;
	s15 =	simm.s32 $0x5  }
0x14: {  	s16 =	simm.s32 $0x1;
	s24 =	simm.s32 $0x0;
	s6 =	sadd.s32 $0x20, s5  }
.LBB2_1:
0x15: {  	[tilespmem:s3], [sflag:$0x1] =	stream.linear.gather [hbm4b:s5+s3], $0x100, $0x38;
	[tilespmem:$0x1BAC0] =	vst v63  }
0x16: {  	_ = 	snop  }
0x17: {  	[tilespmem:s13], [sflag:$0x2] =	stream.linear.gather [hbm4b:s6+s3], $0x100, $0x38;
	[tilespmem:$0x1BAC0] =	vst v63  }
0x18: {  	[spmem:s14], [sflag:s8] =	dma.local [hbm:s7], $0x2880  }
0x19: {  	_ =	swait.ge [sflag:s15], $0x2880  }
0x1a: {  	[sflag:s15] =	ssyncset.done $0x0  }
0x1b: {  	[sflag:s15] =	ssyncadd.s32 $0xFFFFD780  }
0x1c: {  	[bflag:$0x0] =	sbarrier.arrive $0xFFFF  }
0x1d: {  	_ =	swait.ge [sflag:s16], $0x100  }
0x1e: {  	[sflag:s16] =	ssyncset.done $0x0  }
0x1f: {  	[sflag:s16] =	ssyncadd.s32 $0xFFFFFF00  }
0x20: {  	[tilespmem:s18], [sflag:$0x3] =	stream.indirect.gather [hbm4b:s4+s17], $0x80, s3, s17, $0xb8;
	[tilespmem:$0x1BAC0] =	vst v63  }
0x21: {  	_ =	swait.ge [sflag:s19], $0x4000  }
0x22: {  	[sflag:s19] =	ssyncset.done $0x0  }
0x23: {  	[sflag:s19] =	ssyncadd.s32 $0xFFFFC000  }
0x24: {  	_ =	swait.ge [sflag:s20], $0x100  }
0x25: {  	[sflag:s20] =	ssyncset.done $0x0  }
0x26: {  	[sflag:s20] =	ssyncadd.s32 $0xFFFFFF00  }
0x27: {  	[tilespmem:s21], [sflag:$0x4] =	stream.indirect.gather [hbm4b:s4+s17], $0x80, s13, s17, $0xb8;
	[tilespmem:$0x1BAC0] =	vst v63  }
0x28: {  	_ = 	snop  }
0x29: {  	[spmem:s2] =	stream.indirect.scatter.add.f32 [tilespmem:s18], [sflag:$0x5], $0x80, s17, s17, $0xb8;
	[tilespmem:$0x1BAC0] =	vst v63  }
0x2a: {  	_ =	swait.ge [sflag:s15], $0x4000  }
0x2b: {  	[sflag:s15] =	ssyncset.done $0x0  }
0x2c: {  	s25 =	sadd.s32 $0x0, s12;
	[sflag:s15] =	ssyncadd.s32 $0xFFFFC000  }
0x2d: {  	[tilespmem:s3], [sflag:$0x1] =	stream.linear.gather [hbm4b:s25+s3], $0x100, $0x38;
	[tilespmem:$0x1BAC0] =	vst v63  }
0x2e: {  	_ =	swait.ge [sflag:s22], $0x4000  }
0x2f: {  	[sflag:s22] =	ssyncset.done $0x0  }
0x30: {  	[sflag:s22] =	ssyncadd.s32 $0xFFFFC000  }
0x31: {  	_ =	swait.ge [sflag:s16], $0x100  }
0x32: {  	[sflag:s16] =	ssyncset.done $0x0  }
0x33: {  	[sflag:s16] =	ssyncadd.s32 $0xFFFFFF00  }
0x34: {  	[tilespmem:s18], [sflag:$0x3] =	stream.indirect.gather [hbm4b:s4+s17], $0x80, s3, s17, $0xb8;
	[tilespmem:$0x1BAC0] =	vst v63  }
0x35: {  	_ = 	snop  }
0x36: {  	[spmem:s2] =	stream.indirect.scatter.add.f32 [tilespmem:s21], [sflag:$0x5], $0x80, s23, s17, $0xb8;
	[tilespmem:$0x1BAC0] =	vst v63  }
0x37: {  	_ =	swait.ge [sflag:s15], $0x4000  }
0x38: {  	[sflag:s15] =	ssyncset.done $0x0  }
0x39: {  	s26 =	sadd.s32 $0x0, s11;
	s25 =	simm.s32 $0x40;
	[sflag:s15] =	ssyncadd.s32 $0xFFFFC000  }
.LBB2_2:
0x3a: {  	[tilespmem:s13], [sflag:$0x2] =	stream.linear.gather [hbm4b:s26+s3], $0x100, $0x38;
	[tilespmem:$0x1BAC0] =	vst v63  }
0x3b: {  	s26 =	smov.u32 s25  }
0x3c: {  	p0 =	sne.s32 s25, $0x980;
	s25 =	sadd.s32 $0x40, s25;
	_ =	swait.ge [sflag:s19], $0x4000  }
0x3d: {  	[sflag:s19] =	ssyncset.done $0x0  }
0x3e: {  	[sflag:s19] =	ssyncadd.s32 $0xFFFFC000  }
0x3f: {  	_ =	swait.ge [sflag:s20], $0x100  }
0x40: {  	[sflag:s20] =	ssyncset.done $0x0  }
0x41: {  	[sflag:s20] =	ssyncadd.s32 $0xFFFFFF00  }
0x42: {  	[tilespmem:s21], [sflag:$0x4] =	stream.indirect.gather [hbm4b:s4+s17], $0x80, s13, s17, $0xb8;
	[tilespmem:$0x1BAC0] =	vst v63  }
0x43: {  	_ = 	snop  }
0x44: {  	[spmem:s2] =	stream.indirect.scatter.add.f32 [tilespmem:s18], [sflag:$0x5], $0x80, s17, s17, $0xb8;
	[tilespmem:$0x1BAC0] =	vst v63  }
0x45: {  	_ =	swait.ge [sflag:s15], $0x4000  }
0x46: {  	[sflag:s15] =	ssyncset.done $0x0  }
0x47: {  	s28 =	sadd.s32 s26, s12;
	[sflag:s15] =	ssyncadd.s32 $0xFFFFC000  }
0x48: {  	[tilespmem:s3], [sflag:$0x1] =	stream.linear.gather [hbm4b:s28+s3], $0x100, $0x38;
	[tilespmem:$0x1BAC0] =	vst v63  }
0x49: {  	_ =	swait.ge [sflag:s22], $0x4000  }
0x4a: {  	[sflag:s22] =	ssyncset.done $0x0  }
0x4b: {  	[sflag:s22] =	ssyncadd.s32 $0xFFFFC000  }
0x4c: {  	_ =	swait.ge [sflag:s16], $0x100  }
0x4d: {  	[sflag:s16] =	ssyncset.done $0x0  }
0x4e: {  	[sflag:s16] =	ssyncadd.s32 $0xFFFFFF00  }
0x4f: {  	[tilespmem:s18], [sflag:$0x3] =	stream.indirect.gather [hbm4b:s4+s17], $0x80, s3, s17, $0xb8;
	[tilespmem:$0x1BAC0] =	vst v63  }
.Ltmp0:
0x50: {  	(pc) =	sbr.rel @p0 .LBB2_2-.Ltmp0, $4  }
0x51: {  	[spmem:s2] =	stream.indirect.scatter.add.f32 [tilespmem:s21], [sflag:$0x5], $0x80, s23, s17, $0xb8;
	[tilespmem:$0x1BAC0] =	vst v63  }
0x52: {  	_ =	swait.ge [sflag:s15], $0x4000  }
0x53: {  	[sflag:s15] =	ssyncset.done $0x0  }
0x54: {  	s26 =	sadd.s32 s26, s11;
	[sflag:s15] =	ssyncadd.s32 $0xFFFFC000  }
0x55: {  	[tilespmem:s13], [sflag:$0x2] =	stream.linear.gather [hbm4b:s26+s3], $0x100, $0x38;
	[tilespmem:$0x1BAC0] =	vst v63  }
0x56: {  	_ =	swait.ge [sflag:s19], $0x4000  }
0x57: {  	[sflag:s19] =	ssyncset.done $0x0  }
0x58: {  	[sflag:s19] =	ssyncadd.s32 $0xFFFFC000  }
0x59: {  	[spmem:s2] =	stream.indirect.scatter.add.f32 [tilespmem:s18], [sflag:$0x5], $0x80, s17, s17, $0xb8;
	[tilespmem:$0x1BAC0] =	vst v63  }
0x5a: {  	_ =	swait.ge [sflag:s15], $0x4000  }
0x5b: {  	[sflag:s15] =	ssyncset.done $0x0  }
0x5c: {  	[sflag:s15] =	ssyncadd.s32 $0xFFFFC000  }
0x5d: {  	_ =	swait.ge [sflag:s20], $0x100  }
0x5e: {  	s24 =	sadd.s32 $0x1, s24;
	[sflag:s20] =	ssyncset.done $0x0  }
0x5f: {  	p0 =	sne.s32 s24, s10;
	[sflag:s20] =	ssyncadd.s32 $0xFFFFFF00  }
.Ltmp1:
0x60: {  	[bflag:$0x0] =	sbarrier.arrive $0xFFFF;
	(pc) =	sbr.rel @p0 .LBB2_1-.Ltmp1, $4  }
0x61: {  	[hbm:s9], [sflag:s8] =	dma.local [spmem:s14], $0x2880  }
0x62: {  	_ =	swait.ge [sflag:s15], $0x2880  }
0x63: {  	[sflag:s15] =	ssyncset.done $0x0  }
0x64: {  	[sflag:s15] =	ssyncadd.s32 $0xFFFFD780  }
0x65: {  	_ =	sfence.sel $0x180000  }
0x66: {  	[bflag:$0x0] =	sbarrier.arrive $0xFFFF  }
0x67: {  	p0 =	sne.s32 s1, $0x0;
	_ =	strace $0x90000047  }
0x68: {  	s0 =	sadd.s32 @!p0 $0x100000, s0;
	[bflag:$0x2] =	sbarrier.arrive $0xFFFF  }
0x69: {  	[sflag:s0] =	ssyncadd.tile.s32 @!p0 $0x1;
	_ =	shalt  }
.Lfunc_end2:
_tile_overlayer_lowered:
.L_overlay_start_2:
0x6a: {  	(tag) =	ssettag $0x2  }
0x6b: {  	s0 =	rddreg [dreg:$0x0];
	s2 =	stileid.u32  }
0x6c: {  	s1 =	rddreg [dreg:$0x1];
	p0 =	sne.s32 s2, $0x0  }
0x6d: {  	s3 =	rddreg [dreg:$0x2];
	[bflag:$0x3] =	sbarrier.arrive $0xFFFF;
	s2 =	simm.s32 @!p0 $0x1C05  }
0x6e: {  	[timem:s3], [sflag:s2] =	dma.local @!p0 [hbm:s0], s1  }
0x6f: {  	s0 =	simm.s32 @!p0 $0x5  }
0x70: {  	_ =	swait.ge @!p0 [sflag:s0], s1  }
0x71: {  	s1 =	ssub.s32 @!p0 $0x0, s1;
	[sflag:s0] =	ssyncset.done @!p0 $0x0  }
0x72: {  	[sflag:s0] =	ssyncadd.s32 @!p0 s1  }
0x73: {  	[bflag:$0x3] =	sbarrier.arrive $0xFFFF  }
0x74: {  	_ =	shalt  }

// kernel: kernel.24.cloned.1.call-start
scs
__scs_entry_jumppad:
0x0: {  	(pc) =	sbr.rel $0x88, $3  }
0x1: {  	(tag) =	ssettag $0x0;
	lr =	simm.s32 $0x1  }
0x2: {  	[smem:$0x3F88] =	sst lr;
	_ =	strace $0xD0000000  }
0x3: {  	_ = 	snop  }
0x4: {  	_ = 	snop  }
0x5: {  	_ = 	snop  }
0x6: {  	_ = 	snop  }
0x7: {  	_ = 	snop  }
__scs_overlays_trampoline_lowered:
0x8: {  	[smem:$0x3F97] =	sst s0  }
0x9: {  	[smem:$0x3F98] =	sst s1  }
0xa: {  	[smem:$0x3F99] =	sst s2  }
0xb: {  	[smem:$0x3F9A] =	sst s3  }
0xc: {  	[smem:$0x3F9B] =	sst s4  }
0xd: {  	[smem:$0x3F9C] =	sst s5  }
0xe: {  	[smem:$0x3F9D] =	sst s6  }
0xf: {  	[smem:$0x3F9E] =	sst s7  }
0x10: {  	[smem:$0x3F9F] =	sst s8  }
0x11: {  	[smem:$0x3FA0] =	sst s9;
	s0 =	simm.s32 @!p0 $0x0  }
0x12: {  	s1 =	sld [smem:$0x3F86];
	s0 =	simm.s32 @p0 $0x1  }
0x13: {  	[smem:$0x3FA1] =	sst s0;
	s0 =	simm.s32 @!p1 $0x0  }
0x14: {  	s2 =	sld [smem:$0x3F85];
	s0 =	simm.s32 @p1 $0x1  }
0x15: {  	[smem:$0x3FA2] =	sst s0;
	s0 =	simm.s32 @!p2 $0x0  }
0x16: {  	s3 =	sld [smem:$0x3FDB];
	s0 =	simm.s32 @p2 $0x1  }
0x17: {  	s4 =	simm.s32 $0x1BF5;
	[smem:$0x3FA4] =	sst s0  }
0x18: {  	s0 =	sld [smem:$0x3F87];
	_ =	swait.ge [sflag:s4], $0x0  }
0x19: {  	s7 =	sld [smem:$0x3F88]  }
0x1a: {  	s8 =	sadd.s32 $0xFFFFE003, lr  }
0x1b: {  	s9 =	sadd.s32 $0xFFFFFEF7, lr;
	s5 =	simm.s32 $0xFFFFFFFF;
	p2 =	slt.u32 s8, $0xFFFFF086  }
0x1c: {  	p1 =	slt.u32 s9, $0xF7A;
	s5 =	simm.s32 @!p2 $0x0  }
0x1d: {  	s5 =	simm.s32 @p1 $0x1;
	p0 =	seq.s32 s7, s2  }
0x1e: {  	s7 =	smul.u32 @!p0 $0xF7A, s2;
	p2 =	seq.s32 @!p0 s5, $0x0  }
0x1f: {  	s9 =	smul.u32 $0xF7A, s1;
	s8 =	simm.s32 @!p0 $0x1BF5;
	p2 =	por !p2, p0  }
0x20: {  	[sflag:s8] =	ssyncset.s32 @!p0 $0xFFFFF086;
	s6 =	sadd.s32 @!p0 s3, s7;
	s7 =	simm.s32 @!p0 $0x108  }
0x21: {  	s3 =	sadd.s32 s3, s9;
	s6 =	sadd.s32 @!p0 $0x88, s6;
	s7 =	simm.s32 @p2 $0x1082  }
0x22: {  	[simem:s7], [sflag:s8] =	dma.local @!p0 [hbm:s6], $0xF7A  }
0x23: {  	s9 =	sor.u32 $0xD0000000, s2;
	s6 =	simm.s32 $0x108;
	_ =	swait.ge @!p0 [sflag:s8], $0x0  }
0x24: {  	s3 =	sadd.s32 $0x88, s3;
	s6 =	simm.s32 @!p1 $0x1082;
	[sflag:s4] =	ssyncset.s32 $0xFFFFF086  }
0x25: {  	[simem:s6], [sflag:s4] =	dma.local [hbm:s3], $0xF7A  }
0x26: {  	[smem:$0x3F88] =	sst s1;
	(tag) =	ssettag s2;
	_ =	strace s9  }
0x27: {  	s1 =	sld [smem:$0x3F98]  }
0x28: {  	s2 =	sld [smem:$0x3F99]  }
0x29: {  	s4 =	sld [smem:$0x3F9B]  }
0x2a: {  	p0 =	seq.s32 s5, $0x0;
	s5 =	sld [smem:$0x3F9C]  }
0x2b: {  	s6 =	sld [smem:$0x3F9D]  }
0x2c: {  	s7 =	sld [smem:$0x3F9E]  }
0x2d: {  	s3 =	simm.s32 $0x108;
	s8 =	sld [smem:$0x3F9F]  }
0x2e: {  	s3 =	simm.s32 @!p0 $0x1082;
	s9 =	sld [smem:$0x3FA0]  }
0x2f: {  	lr =	sadd.s32 s0, s3;
	s0 =	sld [smem:$0x3F97]  }
0x30: {  	s3 =	sld [smem:$0x3F9A]  }
0x31: {  	[smem:$0x3FA3] =	sst s10  }
0x32: {  	s10 =	sld [smem:$0x3FA1];
	_ =	sdelay $0x3  }
0x33: {  	p0 =	seq.s32 s10, $0x1;
	s10 =	sld [smem:$0x3FA3];
	_ =	sdelay $0x3  }
0x34: {  	[smem:$0x3FA3] =	sst s10  }
0x35: {  	s10 =	sld [smem:$0x3FA2];
	_ =	sdelay $0x3  }
0x36: {  	p1 =	seq.s32 s10, $0x1;
	s10 =	sld [smem:$0x3FA3];
	_ =	sdelay $0x3  }
0x37: {  	[smem:$0x3FA3] =	sst s10  }
0x38: {  	s10 =	sld [smem:$0x3FA4]  }
0x39: {  	_ = 	snop;
	(pc) =	sbr.ind lr, $3  }
0x3a: {  	_ = 	snop  }
0x3b: {  	_ = 	snop  }
0x3c: {  	p2 =	seq.s32 s10, $0x1;
	s10 =	sld [smem:$0x3FA3]  }
0x3d: {  	_ =	shalt  }
0x3e: {  	_ =	shalt  }
0x3f: {  	_ =	shalt  }
0x40: {  	_ =	shalt  }
0x41: {  	_ =	shalt  }
0x42: {  	_ =	shalt  }
0x43: {  	_ =	shalt  }
0x44: {  	_ =	shalt  }
0x45: {  	_ =	shalt  }
0x46: {  	_ =	shalt  }
0x47: {  	_ =	shalt  }
0x48: {  	_ =	shalt  }
0x49: {  	_ =	shalt  }
0x4a: {  	_ =	shalt  }
0x4b: {  	_ =	shalt  }
0x4c: {  	_ =	shalt  }
0x4d: {  	_ =	shalt  }
0x4e: {  	_ =	shalt  }
0x4f: {  	_ =	shalt  }
0x50: {  	_ =	shalt  }
0x51: {  	_ =	shalt  }
0x52: {  	_ =	shalt  }
0x53: {  	_ =	shalt  }
0x54: {  	_ =	shalt  }
0x55: {  	_ =	shalt  }
0x56: {  	_ =	shalt  }
0x57: {  	_ =	shalt  }
0x58: {  	_ =	shalt  }
0x59: {  	_ =	shalt  }
0x5a: {  	_ =	shalt  }
0x5b: {  	_ =	shalt  }
0x5c: {  	_ =	shalt  }
0x5d: {  	_ =	shalt  }
0x5e: {  	_ =	shalt  }
0x5f: {  	_ =	shalt  }
0x60: {  	_ =	shalt  }
0x61: {  	_ =	shalt  }
0x62: {  	_ =	shalt  }
0x63: {  	_ =	shalt  }
0x64: {  	_ =	shalt  }
0x65: {  	_ =	shalt  }
0x66: {  	_ =	shalt  }
0x67: {  	_ =	shalt  }
0x68: {  	_ =	shalt  }
0x69: {  	_ =	shalt  }
0x6a: {  	_ =	shalt  }
0x6b: {  	_ =	shalt  }
0x6c: {  	_ =	shalt  }
0x6d: {  	_ =	shalt  }
0x6e: {  	_ =	shalt  }
0x6f: {  	_ =	shalt  }
0x70: {  	_ =	shalt  }
0x71: {  	_ =	shalt  }
0x72: {  	_ =	shalt  }
0x73: {  	_ =	shalt  }
0x74: {  	_ =	shalt  }
0x75: {  	_ =	shalt  }
0x76: {  	_ =	shalt  }
0x77: {  	_ =	shalt  }
0x78: {  	_ =	shalt  }
0x79: {  	_ =	shalt  }
0x7a: {  	_ =	shalt  }
0x7b: {  	_ =	shalt  }
0x7c: {  	_ =	shalt  }
0x7d: {  	_ =	shalt  }
0x7e: {  	_ =	shalt  }
0x7f: {  	_ =	shalt  }
0x80: {  	_ =	shalt  }
0x81: {  	_ =	shalt  }
0x82: {  	_ =	shalt  }
0x83: {  	_ =	shalt  }
0x84: {  	_ =	shalt  }
0x85: {  	_ =	shalt  }
0x86: {  	_ =	shalt  }
0x87: {  	_ =	shalt  }
.Lfunc_end0:
.L_simem_size_0:
called_computation.1_lowered:
.L_overlay_start_0:
0x88: {  	s2 =	sld [smem:$0x3FD9]  }
0x89: {  	s3 =	sld [smem:$0x3FFE];
	_ =	sdelay $0x1  }
0x8a: {  	s1 =	srdreg.scid  }
0x8b: {  	s0 =	sand.u32 $0x1, s1  }
0x8c: {  	s16 =	sshll.u32 s0, $0xA;
	s2 =	sadd.s32 s3, s2  }
0x8d: {  	s2 =	sadd.s32 s2, s16  }
0x8e: {  	[smem:$0x3FAF] =	sst s2  }
0x8f: {  	_ = 	snop  }
0x90: {  	(tm) =	ssettm $0x1  }
0x91: {  	s17 =	sld [smem:$0x3FFB];
	_ =	sdelay $0x3  }
0x92: {  	_ =	strace s17  }
0x93: {  	s2 =	sld [smem:$0x3FFC];
	_ =	sdelay $0x3  }
0x94: {  	_ =	strace s2  }
0x95: {  	s2 =	sld [smem:$0x3FFD];
	_ =	sdelay $0x3  }
0x96: {  	_ =	strace s2  }
0x97: {  	_ =	strace $0x8FFFFFFF  }
0x98: {  	s18 =	sld [smem:$0x3FDB];
	_ =	sdelay $0x1  }
0x99: {  	s19 =	simm.s32 $_scs_section_size  }
0x9a: {  	s4 =	simm.s32 $_size__tile_overlayer_lowered;
	s5 =	simm.s32 $_tile_overlayer_lowered  }
0x9b: {  	s22 =	simm.s32 $0x1BFF;
	s21 =	sshll.u32 s5, $0x1;
	s2 =	sadd.s32 s19, s18  }
0x9c: {  	s6 =	simm.s32 $0x0;
	s20 =	sshll.u32 s4, $0x1;
	s4 =	sadd.s32 s21, s2  }
0x9d: {  	[timem:s6], [sflag:s22] =	dma.local [hbm:s4], s20  }
0x9e: {  	_ =	swait.ge [sflag:s22], s20  }
0x9f: {  	s3 =	ssub.s32 $0x0, s20;
	[sflag:s22] =	ssyncset.done $0x0  }
0xa0: {  	[sflag:s22] =	ssyncadd.s32 s3;
	_ =	sdelay $0x1  }
0xa1: {  	s23 =	simm.s32 $0x1B8B  }
0xa2: {  	_ =	swait.ge [sflag:s23], $0x1  }
0xa3: {  	[sflag:s23] =	ssyncset.done $0x0  }
0xa4: {  	s25 =	simm.s32 $0x1B8E;
	s24 =	sld [smem:$0x3FFE];
	[sflag:s23] =	ssyncadd.s32 $0xFFFFFFFF  }
0xa5: {  	s26 =	simm.s32 $execute0_lowered;
	[smem:$0x3FD2] =	sst s25  }
0xa6: {  	s4 =	sshll.u32 s26, $0x1;
	_ =	strace $0x80000049;
	[dreg:$0x1] =	wrdreg $0xFFFFFFFF  }
0xa7: {  	s28 =	simm.s32 $_size_execute0_lowered;
	s2 =	sadd.s32 s2, s4;
	[dreg:$0x0] =	wrdreg $0x0  }
0xa8: {  	s4 =	sshll.u32 s28, $0x1;
	[dreg:$0x2] =	wrdreg s2  }
0xa9: {  	[dreg:$0x3] =	wrdreg s4  }
0xaa: {  	[dreg:$0x4] =	wrdreg $0xC0  }
0xab: {  	_ =	task [dreg:s6], $0x5FFFF  }
0xac: {  	[dreg:$0x1] =	wrdreg $0xFFFFFFFF  }
0xad: {  	[dreg:$0x0] =	wrdreg $0x60  }
0xae: {  	[dreg:$0x2] =	wrdreg s24  }
0xaf: {  	[dreg:$0x3] =	wrdreg $0x82000  }
0xb0: {  	[dreg:$0x4] =	wrdreg $0x9  }
0xb1: {  	_ =	task.clear_ibuf [dreg:s6], $0x5FFFF;
	_ =	strace $0x90000049  }
0xb2: {  	s29 =	simm.s32 $0x9;
	_ =	strace $0x8000004B  }
0xb3: {  	_ =	swait.ge [sflag:s29], $0x1  }
0xb4: {  	[sflag:s29] =	ssyncadd.s32 $0xFFFFFFFF  }
0xb5: {  	_ =	strace $0x9000004B  }
0xb6: {  	_ =	sfence  }
0xb7: {  	s30 =	sld [smem:$0x0];
	_ =	sdelay $0x2  }
0xb8: {  	s31 =	sshll.u32 s1, $0xD;
	s1 =	sshrl.u32 s1, $0x2  }
0xb9: {  	s3 =	sand.u32 $0x4000, s31;
	s1 =	sadd.s32 s1, s30  }
0xba: {  	s0 =	sor.u32 s3, s0;
	s1 =	sshll.u32 s1, $0x11  }
0xbb: {  	s0 =	sor.u32 s1, s0  }
0xbc: {  	s0 =	sadd.s32 $0x8F2B, s0  }
0xbd: {  	[sflag:s0] =	ssyncadd.remote.s32 $0x1  }
0xbe: {  	_ =	sfence.sel $0xFFFF  }
0xbf: {  	[dreg:$0x0] =	wrdreg $0xFFFFFFFF;
	(pc) =	sbr.abs _section_cstart, $3  }
0xc0: {  	[dreg:$0x1] =	wrdreg $0xFFFFFFFF  }
0xc1: {  	_ =	task.clear_ibuf [dreg:s6], $0x2FFFF;
	_ =	strace $0x9FFFFFFF  }
0xc2: {  	(tm) =	ssettm $0x7FFFFFFF  }
0xc3: {  	_ =	shalt  }
tec
execute0_lowered:
.L_overlay_start_1:
0x0: {  	(tag) =	ssettag $0x1  }
0x1: {  	s5 =	rddreg [dreg:$0x0]  }
0x2: {  	s2 =	rddreg [dreg:$0x1]  }
0x3: {  	s0 =	rddreg [dreg:$0x2];
	s3 =	simm.s32 $0x0;
	s1 =	stileid.u32  }
0x4: {  	s4 =	srdreg.scid;
	s17 =	simm.s32 $0x80;
	s18 =	simm.s32 $0x200  }
0x5: {  	s19 =	simm.s32 $0x3;
	s20 =	simm.s32 $0x2;
	s21 =	simm.s32 $0x4200  }
0x6: {  	[smem:$0x7FF] =	sst s3;
	s6 =	smul.u32 $0x13800, s1;
	s7 =	sand.u32 $0x1, s4  }
0x7: {  	s4 =	sadd.s32 $0x44400, s5;
	s12 =	sadd.s32 $0x9200, s5;
	s11 =	smul.u32 $0x4E000, s1  }
0x8: {  	s30 =	smul.u32 $0x5000, s1;
	s31 =	sshll.u32 s1, $0x6;
	_ =	strace $0x8000004A  }
0x9: {  	s8 =	smul.u32 $0x138C00, s7;
	s9 =	sshll.u32 s7, $0x4;
	s25 =	ssub.s32 $0x2, s7  }
0xa: {  	s28 =	smul.u32 $0x50000, s7;
	s10 =	sshrl.u32 s6, $0x3;
	s22 =	sor.u32 s1, s9  }
0xb: {  	s13 =	sshrl.u32 s25, $0x1;
	s29 =	sshrl.u32 s11, $0x2;
	s6 =	sadd.s32 s6, s8  }
0xc: {  	s23 =	sadd.s32 s10, s5;
	s8 =	smul.u32 $0x5000, s22;
	s13 =	ssub.s32 s25, s13  }
0xd: {  	s14 =	sadd.s32 s29, s2;
	s11 =	sadd.s32 s30, s28;
	s22 =	simm.s32 $0x4  }
0xe: {  	s6 =	sshrl.u32 s6, $0x3;
	s7 =	sadd.s32 $0x1D200, s23;
	s15 =	sor.u32 $0x300, s11  }
0xf: {  	s11 =	sor.u32 $0x200, s11;
	s10 =	smax.u32 s13, $0x1;
	s13 =	simm.s32 $0x100  }
0x10: {  	s14 =	sshrl.u32 s14, $0x3;
	s23 =	simm.s32 $0x180;
	s24 =	sadd.s32 s6, s5  }
0x11: {  	s26 =	sshrl.u32 s8, $0x3;
	s8 =	sor.u32 $0x1C05, s31;
	s15 =	sshrl.u32 s15, $0x3  }
0x12: {  	s16 =	sshrl.u32 s11, $0x3;
	s5 =	sadd.s32 s12, s26;
	s9 =	sadd.s32 $0xB9A00, s24  }
0x13: {  	s11 =	sadd.s32 s15, s12;
	s12 =	sadd.s32 s16, s12;
	s15 =	simm.s32 $0x5  }
0x14: {  	s16 =	simm.s32 $0x1;
	s24 =	simm.s32 $0x0;
	s6 =	sadd.s32 $0x20, s5  }
.LBB2_1:
0x15: {  	[tilespmem:s3], [sflag:$0x1] =	stream.linear.gather [hbm4b:s5+s3], $0x100, $0x38;
	[tilespmem:$0x1BAC0] =	vst v63  }
0x16: {  	_ = 	snop  }
0x17: {  	[tilespmem:s13], [sflag:$0x2] =	stream.linear.gather [hbm4b:s6+s3], $0x100, $0x38;
	[tilespmem:$0x1BAC0] =	vst v63  }
0x18: {  	[spmem:s14], [sflag:s8] =	dma.local [hbm:s7], $0x2880  }
0x19: {  	_ =	swait.ge [sflag:s15], $0x2880  }
0x1a: {  	[sflag:s15] =	ssyncset.done $0x0  }
0x1b: {  	[sflag:s15] =	ssyncadd.s32 $0xFFFFD780  }
0x1c: {  	[bflag:$0x0] =	sbarrier.arrive $0xFFFF  }
0x1d: {  	_ =	swait.ge [sflag:s16], $0x100  }
0x1e: {  	[sflag:s16] =	ssyncset.done $0x0  }
0x1f: {  	[sflag:s16] =	ssyncadd.s32 $0xFFFFFF00  }
0x20: {  	[tilespmem:s18], [sflag:$0x3] =	stream.indirect.gather [hbm4b:s4+s17], $0x80, s3, s17, $0xb8;
	[tilespmem:$0x1BAC0] =	vst v63  }
0x21: {  	_ =	swait.ge [sflag:s19], $0x4000  }
0x22: {  	[sflag:s19] =	ssyncset.done $0x0  }
0x23: {  	[sflag:s19] =	ssyncadd.s32 $0xFFFFC000  }
0x24: {  	_ =	swait.ge [sflag:s20], $0x100  }
0x25: {  	[sflag:s20] =	ssyncset.done $0x0  }
0x26: {  	[sflag:s20] =	ssyncadd.s32 $0xFFFFFF00  }
0x27: {  	[tilespmem:s21], [sflag:$0x4] =	stream.indirect.gather [hbm4b:s4+s17], $0x80, s13, s17, $0xb8;
	[tilespmem:$0x1BAC0] =	vst v63  }
0x28: {  	_ = 	snop  }
0x29: {  	[spmem:s2] =	stream.indirect.scatter.add.f32 [tilespmem:s18], [sflag:$0x5], $0x80, s17, s17, $0xb8;
	[tilespmem:$0x1BAC0] =	vst v63  }
0x2a: {  	_ =	swait.ge [sflag:s15], $0x4000  }
0x2b: {  	[sflag:s15] =	ssyncset.done $0x0  }
0x2c: {  	s25 =	sadd.s32 $0x0, s12;
	[sflag:s15] =	ssyncadd.s32 $0xFFFFC000  }
0x2d: {  	[tilespmem:s3], [sflag:$0x1] =	stream.linear.gather [hbm4b:s25+s3], $0x100, $0x38;
	[tilespmem:$0x1BAC0] =	vst v63  }
0x2e: {  	_ =	swait.ge [sflag:s22], $0x4000  }
0x2f: {  	[sflag:s22] =	ssyncset.done $0x0  }
0x30: {  	[sflag:s22] =	ssyncadd.s32 $0xFFFFC000  }
0x31: {  	_ =	swait.ge [sflag:s16], $0x100  }
0x32: {  	[sflag:s16] =	ssyncset.done $0x0  }
0x33: {  	[sflag:s16] =	ssyncadd.s32 $0xFFFFFF00  }
0x34: {  	[tilespmem:s18], [sflag:$0x3] =	stream.indirect.gather [hbm4b:s4+s17], $0x80, s3, s17, $0xb8;
	[tilespmem:$0x1BAC0] =	vst v63  }
0x35: {  	_ = 	snop  }
0x36: {  	[spmem:s2] =	stream.indirect.scatter.add.f32 [tilespmem:s21], [sflag:$0x5], $0x80, s23, s17, $0xb8;
	[tilespmem:$0x1BAC0] =	vst v63  }
0x37: {  	_ =	swait.ge [sflag:s15], $0x4000  }
0x38: {  	[sflag:s15] =	ssyncset.done $0x0  }
0x39: {  	s26 =	sadd.s32 $0x0, s11;
	s25 =	simm.s32 $0x40;
	[sflag:s15] =	ssyncadd.s32 $0xFFFFC000  }
.LBB2_2:
0x3a: {  	[tilespmem:s13], [sflag:$0x2] =	stream.linear.gather [hbm4b:s26+s3], $0x100, $0x38;
	[tilespmem:$0x1BAC0] =	vst v63  }
0x3b: {  	s26 =	smov.u32 s25  }
0x3c: {  	p0 =	sne.s32 s25, $0x980;
	s25 =	sadd.s32 $0x40, s25;
	_ =	swait.ge [sflag:s19], $0x4000  }
0x3d: {  	[sflag:s19] =	ssyncset.done $0x0  }
0x3e: {  	[sflag:s19] =	ssyncadd.s32 $0xFFFFC000  }
0x3f: {  	_ =	swait.ge [sflag:s20], $0x100  }
0x40: {  	[sflag:s20] =	ssyncset.done $0x0  }
0x41: {  	[sflag:s20] =	ssyncadd.s32 $0xFFFFFF00  }
0x42: {  	[tilespmem:s21], [sflag:$0x4] =	stream.indirect.gather [hbm4b:s4+s17], $0x80, s13, s17, $0xb8;
	[tilespmem:$0x1BAC0] =	vst v63  }
0x43: {  	_ = 	snop  }
0x44: {  	[spmem:s2] =	stream.indirect.scatter.add.f32 [tilespmem:s18], [sflag:$0x5], $0x80, s17, s17, $0xb8;
	[tilespmem:$0x1BAC0] =	vst v63  }
0x45: {  	_ =	swait.ge [sflag:s15], $0x4000  }
0x46: {  	[sflag:s15] =	ssyncset.done $0x0  }
0x47: {  	s28 =	sadd.s32 s26, s12;
	[sflag:s15] =	ssyncadd.s32 $0xFFFFC000  }
0x48: {  	[tilespmem:s3], [sflag:$0x1] =	stream.linear.gather [hbm4b:s28+s3], $0x100, $0x38;
	[tilespmem:$0x1BAC0] =	vst v63  }
0x49: {  	_ =	swait.ge [sflag:s22], $0x4000  }
0x4a: {  	[sflag:s22] =	ssyncset.done $0x0  }
0x4b: {  	[sflag:s22] =	ssyncadd.s32 $0xFFFFC000  }
0x4c: {  	_ =	swait.ge [sflag:s16], $0x100  }
0x4d: {  	[sflag:s16] =	ssyncset.done $0x0  }
0x4e: {  	[sflag:s16] =	ssyncadd.s32 $0xFFFFFF00  }
0x4f: {  	[tilespmem:s18], [sflag:$0x3] =	stream.indirect.gather [hbm4b:s4+s17], $0x80, s3, s17, $0xb8;
	[tilespmem:$0x1BAC0] =	vst v63  }
.Ltmp0:
0x50: {  	(pc) =	sbr.rel @p0 .LBB2_2-.Ltmp0, $4  }
0x51: {  	[spmem:s2] =	stream.indirect.scatter.add.f32 [tilespmem:s21], [sflag:$0x5], $0x80, s23, s17, $0xb8;
	[tilespmem:$0x1BAC0] =	vst v63  }
0x52: {  	_ =	swait.ge [sflag:s15], $0x4000  }
0x53: {  	[sflag:s15] =	ssyncset.done $0x0  }
0x54: {  	s26 =	sadd.s32 s26, s11;
	[sflag:s15] =	ssyncadd.s32 $0xFFFFC000  }
0x55: {  	[tilespmem:s13], [sflag:$0x2] =	stream.linear.gather [hbm4b:s26+s3], $0x100, $0x38;
	[tilespmem:$0x1BAC0] =	vst v63  }
0x56: {  	_ =	swait.ge [sflag:s19], $0x4000  }
0x57: {  	[sflag:s19] =	ssyncset.done $0x0  }
0x58: {  	[sflag:s19] =	ssyncadd.s32 $0xFFFFC000  }
0x59: {  	[spmem:s2] =	stream.indirect.scatter.add.f32 [tilespmem:s18], [sflag:$0x5], $0x80, s17, s17, $0xb8;
	[tilespmem:$0x1BAC0] =	vst v63  }
0x5a: {  	_ =	swait.ge [sflag:s15], $0x4000  }
0x5b: {  	[sflag:s15] =	ssyncset.done $0x0  }
0x5c: {  	[sflag:s15] =	ssyncadd.s32 $0xFFFFC000  }
0x5d: {  	_ =	swait.ge [sflag:s20], $0x100  }
0x5e: {  	s24 =	sadd.s32 $0x1, s24;
	[sflag:s20] =	ssyncset.done $0x0  }
0x5f: {  	p0 =	sne.s32 s24, s10;
	[sflag:s20] =	ssyncadd.s32 $0xFFFFFF00  }
.Ltmp1:
0x60: {  	[bflag:$0x0] =	sbarrier.arrive $0xFFFF;
	(pc) =	sbr.rel @p0 .LBB2_1-.Ltmp1, $4  }
0x61: {  	[hbm:s9], [sflag:s8] =	dma.local [spmem:s14], $0x2880  }
0x62: {  	_ =	swait.ge [sflag:s15], $0x2880  }
0x63: {  	[sflag:s15] =	ssyncset.done $0x0  }
0x64: {  	[sflag:s15] =	ssyncadd.s32 $0xFFFFD780  }
0x65: {  	_ =	sfence.sel $0x180000  }
0x66: {  	[bflag:$0x0] =	sbarrier.arrive $0xFFFF  }
0x67: {  	p0 =	sne.s32 s1, $0x0;
	_ =	strace $0x9000004A  }
0x68: {  	s0 =	sadd.s32 @!p0 $0x100000, s0;
	[bflag:$0x2] =	sbarrier.arrive $0xFFFF  }
0x69: {  	[sflag:s0] =	ssyncadd.tile.s32 @!p0 $0x1;
	_ =	shalt  }
.Lfunc_end2:
_tile_overlayer_lowered:
.L_overlay_start_2:
0x6a: {  	(tag) =	ssettag $0x2  }
0x6b: {  	s0 =	rddreg [dreg:$0x0];
	s2 =	stileid.u32  }
0x6c: {  	s1 =	rddreg [dreg:$0x1];
	p0 =	sne.s32 s2, $0x0  }
0x6d: {  	s3 =	rddreg [dreg:$0x2];
	[bflag:$0x3] =	sbarrier.arrive $0xFFFF;
	s2 =	simm.s32 @!p0 $0x1C05  }
0x6e: {  	[timem:s3], [sflag:s2] =	dma.local @!p0 [hbm:s0], s1  }
0x6f: {  	s0 =	simm.s32 @!p0 $0x5  }
0x70: {  	_ =	swait.ge @!p0 [sflag:s0], s1  }
0x71: {  	s1 =	ssub.s32 @!p0 $0x0, s1;
	[sflag:s0] =	ssyncset.done @!p0 $0x0  }
0x72: {  	[sflag:s0] =	ssyncadd.s32 @!p0 s1  }
0x73: {  	[bflag:$0x3] =	sbarrier.arrive $0xFFFF  }
0x74: {  	_ =	shalt  }

// kernel: kernel.27.cloned.1.call-start
scs
__scs_entry_jumppad:
0x0: {  	(pc) =	sbr.rel $0x88, $3  }
0x1: {  	(tag) =	ssettag $0x0;
	lr =	simm.s32 $0x1  }
0x2: {  	[smem:$0x3F88] =	sst lr;
	_ =	strace $0xD0000000  }
0x3: {  	_ = 	snop  }
0x4: {  	_ = 	snop  }
0x5: {  	_ = 	snop  }
0x6: {  	_ = 	snop  }
0x7: {  	_ = 	snop  }
__scs_overlays_trampoline_lowered:
0x8: {  	[smem:$0x3F97] =	sst s0  }
0x9: {  	[smem:$0x3F98] =	sst s1  }
0xa: {  	[smem:$0x3F99] =	sst s2  }
0xb: {  	[smem:$0x3F9A] =	sst s3  }
0xc: {  	[smem:$0x3F9B] =	sst s4  }
0xd: {  	[smem:$0x3F9C] =	sst s5  }
0xe: {  	[smem:$0x3F9D] =	sst s6  }
0xf: {  	[smem:$0x3F9E] =	sst s7  }
0x10: {  	[smem:$0x3F9F] =	sst s8  }
0x11: {  	[smem:$0x3FA0] =	sst s9;
	s0 =	simm.s32 @!p0 $0x0  }
0x12: {  	s1 =	sld [smem:$0x3F86];
	s0 =	simm.s32 @p0 $0x1  }
0x13: {  	[smem:$0x3FA1] =	sst s0;
	s0 =	simm.s32 @!p1 $0x0  }
0x14: {  	s2 =	sld [smem:$0x3F85];
	s0 =	simm.s32 @p1 $0x1  }
0x15: {  	[smem:$0x3FA2] =	sst s0;
	s0 =	simm.s32 @!p2 $0x0  }
0x16: {  	s3 =	sld [smem:$0x3FDB];
	s0 =	simm.s32 @p2 $0x1  }
0x17: {  	s4 =	simm.s32 $0x1BF5;
	[smem:$0x3FA4] =	sst s0  }
0x18: {  	s0 =	sld [smem:$0x3F87];
	_ =	swait.ge [sflag:s4], $0x0  }
0x19: {  	s7 =	sld [smem:$0x3F88]  }
0x1a: {  	s8 =	sadd.s32 $0xFFFFE003, lr  }
0x1b: {  	s9 =	sadd.s32 $0xFFFFFEF7, lr;
	s5 =	simm.s32 $0xFFFFFFFF;
	p2 =	slt.u32 s8, $0xFFFFF086  }
0x1c: {  	p1 =	slt.u32 s9, $0xF7A;
	s5 =	simm.s32 @!p2 $0x0  }
0x1d: {  	s5 =	simm.s32 @p1 $0x1;
	p0 =	seq.s32 s7, s2  }
0x1e: {  	s7 =	smul.u32 @!p0 $0xF7A, s2;
	p2 =	seq.s32 @!p0 s5, $0x0  }
0x1f: {  	s9 =	smul.u32 $0xF7A, s1;
	s8 =	simm.s32 @!p0 $0x1BF5;
	p2 =	por !p2, p0  }
0x20: {  	[sflag:s8] =	ssyncset.s32 @!p0 $0xFFFFF086;
	s6 =	sadd.s32 @!p0 s3, s7;
	s7 =	simm.s32 @!p0 $0x108  }
0x21: {  	s3 =	sadd.s32 s3, s9;
	s6 =	sadd.s32 @!p0 $0x88, s6;
	s7 =	simm.s32 @p2 $0x1082  }
0x22: {  	[simem:s7], [sflag:s8] =	dma.local @!p0 [hbm:s6], $0xF7A  }
0x23: {  	s9 =	sor.u32 $0xD0000000, s2;
	s6 =	simm.s32 $0x108;
	_ =	swait.ge @!p0 [sflag:s8], $0x0  }
0x24: {  	s3 =	sadd.s32 $0x88, s3;
	s6 =	simm.s32 @!p1 $0x1082;
	[sflag:s4] =	ssyncset.s32 $0xFFFFF086  }
0x25: {  	[simem:s6], [sflag:s4] =	dma.local [hbm:s3], $0xF7A  }
0x26: {  	[smem:$0x3F88] =	sst s1;
	(tag) =	ssettag s2;
	_ =	strace s9  }
0x27: {  	s1 =	sld [smem:$0x3F98]  }
0x28: {  	s2 =	sld [smem:$0x3F99]  }
0x29: {  	s4 =	sld [smem:$0x3F9B]  }
0x2a: {  	p0 =	seq.s32 s5, $0x0;
	s5 =	sld [smem:$0x3F9C]  }
0x2b: {  	s6 =	sld [smem:$0x3F9D]  }
0x2c: {  	s7 =	sld [smem:$0x3F9E]  }
0x2d: {  	s3 =	simm.s32 $0x108;
	s8 =	sld [smem:$0x3F9F]  }
0x2e: {  	s3 =	simm.s32 @!p0 $0x1082;
	s9 =	sld [smem:$0x3FA0]  }
0x2f: {  	lr =	sadd.s32 s0, s3;
	s0 =	sld [smem:$0x3F97]  }
0x30: {  	s3 =	sld [smem:$0x3F9A]  }
0x31: {  	[smem:$0x3FA3] =	sst s10  }
0x32: {  	s10 =	sld [smem:$0x3FA1];
	_ =	sdelay $0x3  }
0x33: {  	p0 =	seq.s32 s10, $0x1;
	s10 =	sld [smem:$0x3FA3];
	_ =	sdelay $0x3  }
0x34: {  	[smem:$0x3FA3] =	sst s10  }
0x35: {  	s10 =	sld [smem:$0x3FA2];
	_ =	sdelay $0x3  }
0x36: {  	p1 =	seq.s32 s10, $0x1;
	s10 =	sld [smem:$0x3FA3];
	_ =	sdelay $0x3  }
0x37: {  	[smem:$0x3FA3] =	sst s10  }
0x38: {  	s10 =	sld [smem:$0x3FA4]  }
0x39: {  	_ = 	snop;
	(pc) =	sbr.ind lr, $3  }
0x3a: {  	_ = 	snop  }
0x3b: {  	_ = 	snop  }
0x3c: {  	p2 =	seq.s32 s10, $0x1;
	s10 =	sld [smem:$0x3FA3]  }
0x3d: {  	_ =	shalt  }
0x3e: {  	_ =	shalt  }
0x3f: {  	_ =	shalt  }
0x40: {  	_ =	shalt  }
0x41: {  	_ =	shalt  }
0x42: {  	_ =	shalt  }
0x43: {  	_ =	shalt  }
0x44: {  	_ =	shalt  }
0x45: {  	_ =	shalt  }
0x46: {  	_ =	shalt  }
0x47: {  	_ =	shalt  }
0x48: {  	_ =	shalt  }
0x49: {  	_ =	shalt  }
0x4a: {  	_ =	shalt  }
0x4b: {  	_ =	shalt  }
0x4c: {  	_ =	shalt  }
0x4d: {  	_ =	shalt  }
0x4e: {  	_ =	shalt  }
0x4f: {  	_ =	shalt  }
0x50: {  	_ =	shalt  }
0x51: {  	_ =	shalt  }
0x52: {  	_ =	shalt  }
0x53: {  	_ =	shalt  }
0x54: {  	_ =	shalt  }
0x55: {  	_ =	shalt  }
0x56: {  	_ =	shalt  }
0x57: {  	_ =	shalt  }
0x58: {  	_ =	shalt  }
0x59: {  	_ =	shalt  }
0x5a: {  	_ =	shalt  }
0x5b: {  	_ =	shalt  }
0x5c: {  	_ =	shalt  }
0x5d: {  	_ =	shalt  }
0x5e: {  	_ =	shalt  }
0x5f: {  	_ =	shalt  }
0x60: {  	_ =	shalt  }
0x61: {  	_ =	shalt  }
0x62: {  	_ =	shalt  }
0x63: {  	_ =	shalt  }
0x64: {  	_ =	shalt  }
0x65: {  	_ =	shalt  }
0x66: {  	_ =	shalt  }
0x67: {  	_ =	shalt  }
0x68: {  	_ =	shalt  }
0x69: {  	_ =	shalt  }
0x6a: {  	_ =	shalt  }
0x6b: {  	_ =	shalt  }
0x6c: {  	_ =	shalt  }
0x6d: {  	_ =	shalt  }
0x6e: {  	_ =	shalt  }
0x6f: {  	_ =	shalt  }
0x70: {  	_ =	shalt  }
0x71: {  	_ =	shalt  }
0x72: {  	_ =	shalt  }
0x73: {  	_ =	shalt  }
0x74: {  	_ =	shalt  }
0x75: {  	_ =	shalt  }
0x76: {  	_ =	shalt  }
0x77: {  	_ =	shalt  }
0x78: {  	_ =	shalt  }
0x79: {  	_ =	shalt  }
0x7a: {  	_ =	shalt  }
0x7b: {  	_ =	shalt  }
0x7c: {  	_ =	shalt  }
0x7d: {  	_ =	shalt  }
0x7e: {  	_ =	shalt  }
0x7f: {  	_ =	shalt  }
0x80: {  	_ =	shalt  }
0x81: {  	_ =	shalt  }
0x82: {  	_ =	shalt  }
0x83: {  	_ =	shalt  }
0x84: {  	_ =	shalt  }
0x85: {  	_ =	shalt  }
0x86: {  	_ =	shalt  }
0x87: {  	_ =	shalt  }
.Lfunc_end0:
.L_simem_size_0:
called_computation.2_lowered:
.L_overlay_start_0:
0x88: {  	s2 =	sld [smem:$0x3FD9]  }
0x89: {  	s3 =	sld [smem:$0x3FFE];
	_ =	sdelay $0x1  }
0x8a: {  	s1 =	srdreg.scid  }
0x8b: {  	s0 =	sand.u32 $0x1, s1  }
0x8c: {  	s16 =	sshll.u32 s0, $0xA;
	s2 =	sadd.s32 s3, s2  }
0x8d: {  	s2 =	sadd.s32 s2, s16  }
0x8e: {  	[smem:$0x3FAF] =	sst s2  }
0x8f: {  	_ = 	snop  }
0x90: {  	(tm) =	ssettm $0x1  }
0x91: {  	s17 =	sld [smem:$0x3FFB];
	_ =	sdelay $0x3  }
0x92: {  	_ =	strace s17  }
0x93: {  	s2 =	sld [smem:$0x3FFC];
	_ =	sdelay $0x3  }
0x94: {  	_ =	strace s2  }
0x95: {  	s2 =	sld [smem:$0x3FFD];
	_ =	sdelay $0x3  }
0x96: {  	_ =	strace s2  }
0x97: {  	_ =	strace $0x8FFFFFFF  }
0x98: {  	s18 =	sld [smem:$0x3FDB];
	_ =	sdelay $0x1  }
0x99: {  	s19 =	simm.s32 $_scs_section_size  }
0x9a: {  	s4 =	simm.s32 $_size__tile_overlayer_lowered;
	s5 =	simm.s32 $_tile_overlayer_lowered  }
0x9b: {  	s22 =	simm.s32 $0x1BFF;
	s21 =	sshll.u32 s5, $0x1;
	s2 =	sadd.s32 s19, s18  }
0x9c: {  	s6 =	simm.s32 $0x0;
	s20 =	sshll.u32 s4, $0x1;
	s4 =	sadd.s32 s21, s2  }
0x9d: {  	[timem:s6], [sflag:s22] =	dma.local [hbm:s4], s20  }
0x9e: {  	_ =	swait.ge [sflag:s22], s20  }
0x9f: {  	s3 =	ssub.s32 $0x0, s20;
	[sflag:s22] =	ssyncset.done $0x0  }
0xa0: {  	[sflag:s22] =	ssyncadd.s32 s3;
	_ =	sdelay $0x1  }
0xa1: {  	s23 =	simm.s32 $0x1B8B  }
0xa2: {  	_ =	swait.ge [sflag:s23], $0x1  }
0xa3: {  	[sflag:s23] =	ssyncset.done $0x0  }
0xa4: {  	s25 =	simm.s32 $0x1B8E;
	s24 =	sld [smem:$0x3FFE];
	[sflag:s23] =	ssyncadd.s32 $0xFFFFFFFF  }
0xa5: {  	s26 =	simm.s32 $execute0_lowered;
	[smem:$0x3FD2] =	sst s25  }
0xa6: {  	s4 =	sshll.u32 s26, $0x1;
	_ =	strace $0x8000004C;
	[dreg:$0x1] =	wrdreg $0xFFFFFFFF  }
0xa7: {  	s28 =	simm.s32 $_size_execute0_lowered;
	s2 =	sadd.s32 s2, s4;
	[dreg:$0x0] =	wrdreg $0x0  }
0xa8: {  	s4 =	sshll.u32 s28, $0x1;
	[dreg:$0x2] =	wrdreg s2  }
0xa9: {  	[dreg:$0x3] =	wrdreg s4  }
0xaa: {  	[dreg:$0x4] =	wrdreg $0xC0  }
0xab: {  	_ =	task [dreg:s6], $0x5FFFF  }
0xac: {  	[dreg:$0x1] =	wrdreg $0xFFFFFFFF  }
0xad: {  	[dreg:$0x0] =	wrdreg $0x60  }
0xae: {  	[dreg:$0x2] =	wrdreg s24  }
0xaf: {  	[dreg:$0x3] =	wrdreg $0x82000  }
0xb0: {  	[dreg:$0x4] =	wrdreg $0x9  }
0xb1: {  	_ =	task.clear_ibuf [dreg:s6], $0x5FFFF;
	_ =	strace $0x9000004C  }
0xb2: {  	s29 =	simm.s32 $0x9;
	_ =	strace $0x8000004E  }
0xb3: {  	_ =	swait.ge [sflag:s29], $0x1  }
0xb4: {  	[sflag:s29] =	ssyncadd.s32 $0xFFFFFFFF  }
0xb5: {  	_ =	strace $0x9000004E  }
0xb6: {  	_ =	sfence  }
0xb7: {  	s30 =	sld [smem:$0x0];
	_ =	sdelay $0x2  }
0xb8: {  	s31 =	sshll.u32 s1, $0xD;
	s1 =	sshrl.u32 s1, $0x2  }
0xb9: {  	s3 =	sand.u32 $0x4000, s31;
	s1 =	sadd.s32 s1, s30  }
0xba: {  	s0 =	sor.u32 s3, s0;
	s1 =	sshll.u32 s1, $0x11  }
0xbb: {  	s0 =	sor.u32 s1, s0  }
0xbc: {  	s0 =	sadd.s32 $0x8F2B, s0  }
0xbd: {  	[sflag:s0] =	ssyncadd.remote.s32 $0x1  }
0xbe: {  	_ =	sfence.sel $0xFFFF  }
0xbf: {  	[dreg:$0x0] =	wrdreg $0xFFFFFFFF;
	(pc) =	sbr.abs _section_cstart, $3  }
0xc0: {  	[dreg:$0x1] =	wrdreg $0xFFFFFFFF  }
0xc1: {  	_ =	task.clear_ibuf [dreg:s6], $0x2FFFF;
	_ =	strace $0x9FFFFFFF  }
0xc2: {  	(tm) =	ssettm $0x7FFFFFFF  }
0xc3: {  	_ =	shalt  }
tec
execute0_lowered:
.L_overlay_start_1:
0x0: {  	(tag) =	ssettag $0x1  }
0x1: {  	s5 =	rddreg [dreg:$0x0]  }
0x2: {  	s2 =	rddreg [dreg:$0x1]  }
0x3: {  	s0 =	rddreg [dreg:$0x2];
	s3 =	simm.s32 $0x0;
	s1 =	stileid.u32  }
0x4: {  	s4 =	srdreg.scid;
	s17 =	simm.s32 $0x80;
	s18 =	simm.s32 $0x200  }
0x5: {  	s19 =	simm.s32 $0x3;
	s20 =	simm.s32 $0x2;
	s21 =	simm.s32 $0x4200  }
0x6: {  	[smem:$0x7FF] =	sst s3;
	s6 =	smul.u32 $0x13800, s1;
	s7 =	sand.u32 $0x1, s4  }
0x7: {  	s4 =	sadd.s32 $0x44400, s5;
	s12 =	sadd.s32 $0x9200, s5;
	s11 =	smul.u32 $0x4E000, s1  }
0x8: {  	s30 =	smul.u32 $0x5000, s1;
	s31 =	sshll.u32 s1, $0x6;
	_ =	strace $0x8000004D  }
0x9: {  	s8 =	smul.u32 $0x138C00, s7;
	s9 =	sshll.u32 s7, $0x4;
	s25 =	ssub.s32 $0x2, s7  }
0xa: {  	s28 =	smul.u32 $0x50000, s7;
	s10 =	sshrl.u32 s6, $0x3;
	s22 =	sor.u32 s1, s9  }
0xb: {  	s13 =	sshrl.u32 s25, $0x1;
	s29 =	sshrl.u32 s11, $0x2;
	s6 =	sadd.s32 s6, s8  }
0xc: {  	s23 =	sadd.s32 s10, s5;
	s8 =	smul.u32 $0x5000, s22;
	s13 =	ssub.s32 s25, s13  }
0xd: {  	s14 =	sadd.s32 s29, s2;
	s11 =	sadd.s32 s30, s28;
	s22 =	simm.s32 $0x4  }
0xe: {  	s6 =	sshrl.u32 s6, $0x3;
	s7 =	sadd.s32 $0x1D200, s23;
	s15 =	sor.u32 $0x300, s11  }
0xf: {  	s11 =	sor.u32 $0x200, s11;
	s10 =	smax.u32 s13, $0x1;
	s13 =	simm.s32 $0x100  }
0x10: {  	s14 =	sshrl.u32 s14, $0x3;
	s23 =	simm.s32 $0x180;
	s24 =	sadd.s32 s6, s5  }
0x11: {  	s26 =	sshrl.u32 s8, $0x3;
	s8 =	sor.u32 $0x1C05, s31;
	s15 =	sshrl.u32 s15, $0x3  }
0x12: {  	s16 =	sshrl.u32 s11, $0x3;
	s5 =	sadd.s32 s12, s26;
	s9 =	sadd.s32 $0xB9A00, s24  }
0x13: {  	s11 =	sadd.s32 s15, s12;
	s12 =	sadd.s32 s16, s12;
	s15 =	simm.s32 $0x5  }
0x14: {  	s16 =	simm.s32 $0x1;
	s24 =	simm.s32 $0x0;
	s6 =	sadd.s32 $0x20, s5  }
.LBB2_1:
0x15: {  	[tilespmem:s3], [sflag:$0x1] =	stream.linear.gather [hbm4b:s5+s3], $0x100, $0x38;
	[tilespmem:$0x1BAC0] =	vst v63  }
0x16: {  	_ = 	snop  }
0x17: {  	[tilespmem:s13], [sflag:$0x2] =	stream.linear.gather [hbm4b:s6+s3], $0x100, $0x38;
	[tilespmem:$0x1BAC0] =	vst v63  }
0x18: {  	[spmem:s14], [sflag:s8] =	dma.local [hbm:s7], $0x2880  }
0x19: {  	_ =	swait.ge [sflag:s15], $0x2880  }
0x1a: {  	[sflag:s15] =	ssyncset.done $0x0  }
0x1b: {  	[sflag:s15] =	ssyncadd.s32 $0xFFFFD780  }
0x1c: {  	[bflag:$0x0] =	sbarrier.arrive $0xFFFF  }
0x1d: {  	_ =	swait.ge [sflag:s16], $0x100  }
0x1e: {  	[sflag:s16] =	ssyncset.done $0x0  }
0x1f: {  	[sflag:s16] =	ssyncadd.s32 $0xFFFFFF00  }
0x20: {  	[tilespmem:s18], [sflag:$0x3] =	stream.indirect.gather [hbm4b:s4+s17], $0x80, s3, s17, $0xb8;
	[tilespmem:$0x1BAC0] =	vst v63  }
0x21: {  	_ =	swait.ge [sflag:s19], $0x4000  }
0x22: {  	[sflag:s19] =	ssyncset.done $0x0  }
0x23: {  	[sflag:s19] =	ssyncadd.s32 $0xFFFFC000  }
0x24: {  	_ =	swait.ge [sflag:s20], $0x100  }
0x25: {  	[sflag:s20] =	ssyncset.done $0x0  }
0x26: {  	[sflag:s20] =	ssyncadd.s32 $0xFFFFFF00  }
0x27: {  	[tilespmem:s21], [sflag:$0x4] =	stream.indirect.gather [hbm4b:s4+s17], $0x80, s13, s17, $0xb8;
	[tilespmem:$0x1BAC0] =	vst v63  }
0x28: {  	_ = 	snop  }
0x29: {  	[spmem:s2] =	stream.indirect.scatter.add.f32 [tilespmem:s18], [sflag:$0x5], $0x80, s17, s17, $0xb8;
	[tilespmem:$0x1BAC0] =	vst v63  }
0x2a: {  	_ =	swait.ge [sflag:s15], $0x4000  }
0x2b: {  	[sflag:s15] =	ssyncset.done $0x0  }
0x2c: {  	s25 =	sadd.s32 $0x0, s12;
	[sflag:s15] =	ssyncadd.s32 $0xFFFFC000  }
0x2d: {  	[tilespmem:s3], [sflag:$0x1] =	stream.linear.gather [hbm4b:s25+s3], $0x100, $0x38;
	[tilespmem:$0x1BAC0] =	vst v63  }
0x2e: {  	_ =	swait.ge [sflag:s22], $0x4000  }
0x2f: {  	[sflag:s22] =	ssyncset.done $0x0  }
0x30: {  	[sflag:s22] =	ssyncadd.s32 $0xFFFFC000  }
0x31: {  	_ =	swait.ge [sflag:s16], $0x100  }
0x32: {  	[sflag:s16] =	ssyncset.done $0x0  }
0x33: {  	[sflag:s16] =	ssyncadd.s32 $0xFFFFFF00  }
0x34: {  	[tilespmem:s18], [sflag:$0x3] =	stream.indirect.gather [hbm4b:s4+s17], $0x80, s3, s17, $0xb8;
	[tilespmem:$0x1BAC0] =	vst v63  }
0x35: {  	_ = 	snop  }
0x36: {  	[spmem:s2] =	stream.indirect.scatter.add.f32 [tilespmem:s21], [sflag:$0x5], $0x80, s23, s17, $0xb8;
	[tilespmem:$0x1BAC0] =	vst v63  }
0x37: {  	_ =	swait.ge [sflag:s15], $0x4000  }
0x38: {  	[sflag:s15] =	ssyncset.done $0x0  }
0x39: {  	s26 =	sadd.s32 $0x0, s11;
	s25 =	simm.s32 $0x40;
	[sflag:s15] =	ssyncadd.s32 $0xFFFFC000  }
.LBB2_2:
0x3a: {  	[tilespmem:s13], [sflag:$0x2] =	stream.linear.gather [hbm4b:s26+s3], $0x100, $0x38;
	[tilespmem:$0x1BAC0] =	vst v63  }
0x3b: {  	s26 =	smov.u32 s25  }
0x3c: {  	p0 =	sne.s32 s25, $0x980;
	s25 =	sadd.s32 $0x40, s25;
	_ =	swait.ge [sflag:s19], $0x4000  }
0x3d: {  	[sflag:s19] =	ssyncset.done $0x0  }
0x3e: {  	[sflag:s19] =	ssyncadd.s32 $0xFFFFC000  }
0x3f: {  	_ =	swait.ge [sflag:s20], $0x100  }
0x40: {  	[sflag:s20] =	ssyncset.done $0x0  }
0x41: {  	[sflag:s20] =	ssyncadd.s32 $0xFFFFFF00  }
0x42: {  	[tilespmem:s21], [sflag:$0x4] =	stream.indirect.gather [hbm4b:s4+s17], $0x80, s13, s17, $0xb8;
	[tilespmem:$0x1BAC0] =	vst v63  }
0x43: {  	_ = 	snop  }
0x44: {  	[spmem:s2] =	stream.indirect.scatter.add.f32 [tilespmem:s18], [sflag:$0x5], $0x80, s17, s17, $0xb8;
	[tilespmem:$0x1BAC0] =	vst v63  }
0x45: {  	_ =	swait.ge [sflag:s15], $0x4000  }
0x46: {  	[sflag:s15] =	ssyncset.done $0x0  }
0x47: {  	s28 =	sadd.s32 s26, s12;
	[sflag:s15] =	ssyncadd.s32 $0xFFFFC000  }
0x48: {  	[tilespmem:s3], [sflag:$0x1] =	stream.linear.gather [hbm4b:s28+s3], $0x100, $0x38;
	[tilespmem:$0x1BAC0] =	vst v63  }
0x49: {  	_ =	swait.ge [sflag:s22], $0x4000  }
0x4a: {  	[sflag:s22] =	ssyncset.done $0x0  }
0x4b: {  	[sflag:s22] =	ssyncadd.s32 $0xFFFFC000  }
0x4c: {  	_ =	swait.ge [sflag:s16], $0x100  }
0x4d: {  	[sflag:s16] =	ssyncset.done $0x0  }
0x4e: {  	[sflag:s16] =	ssyncadd.s32 $0xFFFFFF00  }
0x4f: {  	[tilespmem:s18], [sflag:$0x3] =	stream.indirect.gather [hbm4b:s4+s17], $0x80, s3, s17, $0xb8;
	[tilespmem:$0x1BAC0] =	vst v63  }
.Ltmp0:
0x50: {  	(pc) =	sbr.rel @p0 .LBB2_2-.Ltmp0, $4  }
0x51: {  	[spmem:s2] =	stream.indirect.scatter.add.f32 [tilespmem:s21], [sflag:$0x5], $0x80, s23, s17, $0xb8;
	[tilespmem:$0x1BAC0] =	vst v63  }
0x52: {  	_ =	swait.ge [sflag:s15], $0x4000  }
0x53: {  	[sflag:s15] =	ssyncset.done $0x0  }
0x54: {  	s26 =	sadd.s32 s26, s11;
	[sflag:s15] =	ssyncadd.s32 $0xFFFFC000  }
0x55: {  	[tilespmem:s13], [sflag:$0x2] =	stream.linear.gather [hbm4b:s26+s3], $0x100, $0x38;
	[tilespmem:$0x1BAC0] =	vst v63  }
0x56: {  	_ =	swait.ge [sflag:s19], $0x4000  }
0x57: {  	[sflag:s19] =	ssyncset.done $0x0  }
0x58: {  	[sflag:s19] =	ssyncadd.s32 $0xFFFFC000  }
0x59: {  	[spmem:s2] =	stream.indirect.scatter.add.f32 [tilespmem:s18], [sflag:$0x5], $0x80, s17, s17, $0xb8;
	[tilespmem:$0x1BAC0] =	vst v63  }
0x5a: {  	_ =	swait.ge [sflag:s15], $0x4000  }
0x5b: {  	[sflag:s15] =	ssyncset.done $0x0  }
0x5c: {  	[sflag:s15] =	ssyncadd.s32 $0xFFFFC000  }
0x5d: {  	_ =	swait.ge [sflag:s20], $0x100  }
0x5e: {  	s24 =	sadd.s32 $0x1, s24;
	[sflag:s20] =	ssyncset.done $0x0  }
0x5f: {  	p0 =	sne.s32 s24, s10;
	[sflag:s20] =	ssyncadd.s32 $0xFFFFFF00  }
.Ltmp1:
0x60: {  	[bflag:$0x0] =	sbarrier.arrive $0xFFFF;
	(pc) =	sbr.rel @p0 .LBB2_1-.Ltmp1, $4  }
0x61: {  	[hbm:s9], [sflag:s8] =	dma.local [spmem:s14], $0x2880  }
0x62: {  	_ =	swait.ge [sflag:s15], $0x2880  }
0x63: {  	[sflag:s15] =	ssyncset.done $0x0  }
0x64: {  	[sflag:s15] =	ssyncadd.s32 $0xFFFFD780  }
0x65: {  	_ =	sfence.sel $0x180000  }
0x66: {  	[bflag:$0x0] =	sbarrier.arrive $0xFFFF  }
0x67: {  	p0 =	sne.s32 s1, $0x0;
	_ =	strace $0x9000004D  }
0x68: {  	s0 =	sadd.s32 @!p0 $0x100000, s0;
	[bflag:$0x2] =	sbarrier.arrive $0xFFFF  }
0x69: {  	[sflag:s0] =	ssyncadd.tile.s32 @!p0 $0x1;
	_ =	shalt  }
.Lfunc_end2:
_tile_overlayer_lowered:
.L_overlay_start_2:
0x6a: {  	(tag) =	ssettag $0x2  }
0x6b: {  	s0 =	rddreg [dreg:$0x0];
	s2 =	stileid.u32  }
0x6c: {  	s1 =	rddreg [dreg:$0x1];
	p0 =	sne.s32 s2, $0x0  }
0x6d: {  	s3 =	rddreg [dreg:$0x2];
	[bflag:$0x3] =	sbarrier.arrive $0xFFFF;
	s2 =	simm.s32 @!p0 $0x1C05  }
0x6e: {  	[timem:s3], [sflag:s2] =	dma.local @!p0 [hbm:s0], s1  }
0x6f: {  	s0 =	simm.s32 @!p0 $0x5  }
0x70: {  	_ =	swait.ge @!p0 [sflag:s0], s1  }
0x71: {  	s1 =	ssub.s32 @!p0 $0x0, s1;
	[sflag:s0] =	ssyncset.done @!p0 $0x0  }
0x72: {  	[sflag:s0] =	ssyncadd.s32 @!p0 s1  }
0x73: {  	[bflag:$0x3] =	sbarrier.arrive $0xFFFF  }
0x74: {  	_ =	shalt  }

// kernel: kernel.30.cloned.1.call-start
scs
__scs_entry_jumppad:
0x0: {  	(pc) =	sbr.rel $0x88, $3  }
0x1: {  	(tag) =	ssettag $0x0;
	lr =	simm.s32 $0x1  }
0x2: {  	[smem:$0x3F88] =	sst lr;
	_ =	strace $0xD0000000  }
0x3: {  	_ = 	snop  }
0x4: {  	_ = 	snop  }
0x5: {  	_ = 	snop  }
0x6: {  	_ = 	snop  }
0x7: {  	_ = 	snop  }
__scs_overlays_trampoline_lowered:
0x8: {  	[smem:$0x3F97] =	sst s0  }
0x9: {  	[smem:$0x3F98] =	sst s1  }
0xa: {  	[smem:$0x3F99] =	sst s2  }
0xb: {  	[smem:$0x3F9A] =	sst s3  }
0xc: {  	[smem:$0x3F9B] =	sst s4  }
0xd: {  	[smem:$0x3F9C] =	sst s5  }
0xe: {  	[smem:$0x3F9D] =	sst s6  }
0xf: {  	[smem:$0x3F9E] =	sst s7  }
0x10: {  	[smem:$0x3F9F] =	sst s8  }
0x11: {  	[smem:$0x3FA0] =	sst s9;
	s0 =	simm.s32 @!p0 $0x0  }
0x12: {  	s1 =	sld [smem:$0x3F86];
	s0 =	simm.s32 @p0 $0x1  }
0x13: {  	[smem:$0x3FA1] =	sst s0;
	s0 =	simm.s32 @!p1 $0x0  }
0x14: {  	s2 =	sld [smem:$0x3F85];
	s0 =	simm.s32 @p1 $0x1  }
0x15: {  	[smem:$0x3FA2] =	sst s0;
	s0 =	simm.s32 @!p2 $0x0  }
0x16: {  	s3 =	sld [smem:$0x3FDB];
	s0 =	simm.s32 @p2 $0x1  }
0x17: {  	s4 =	simm.s32 $0x1BF5;
	[smem:$0x3FA4] =	sst s0  }
0x18: {  	s0 =	sld [smem:$0x3F87];
	_ =	swait.ge [sflag:s4], $0x0  }
0x19: {  	s7 =	sld [smem:$0x3F88]  }
0x1a: {  	s8 =	sadd.s32 $0xFFFFE003, lr  }
0x1b: {  	s9 =	sadd.s32 $0xFFFFFEF7, lr;
	s5 =	simm.s32 $0xFFFFFFFF;
	p2 =	slt.u32 s8, $0xFFFFF086  }
0x1c: {  	p1 =	slt.u32 s9, $0xF7A;
	s5 =	simm.s32 @!p2 $0x0  }
0x1d: {  	s5 =	simm.s32 @p1 $0x1;
	p0 =	seq.s32 s7, s2  }
0x1e: {  	s7 =	smul.u32 @!p0 $0xF7A, s2;
	p2 =	seq.s32 @!p0 s5, $0x0  }
0x1f: {  	s9 =	smul.u32 $0xF7A, s1;
	s8 =	simm.s32 @!p0 $0x1BF5;
	p2 =	por !p2, p0  }
0x20: {  	[sflag:s8] =	ssyncset.s32 @!p0 $0xFFFFF086;
	s6 =	sadd.s32 @!p0 s3, s7;
	s7 =	simm.s32 @!p0 $0x108  }
0x21: {  	s3 =	sadd.s32 s3, s9;
	s6 =	sadd.s32 @!p0 $0x88, s6;
	s7 =	simm.s32 @p2 $0x1082  }
0x22: {  	[simem:s7], [sflag:s8] =	dma.local @!p0 [hbm:s6], $0xF7A  }
0x23: {  	s9 =	sor.u32 $0xD0000000, s2;
	s6 =	simm.s32 $0x108;
	_ =	swait.ge @!p0 [sflag:s8], $0x0  }
0x24: {  	s3 =	sadd.s32 $0x88, s3;
	s6 =	simm.s32 @!p1 $0x1082;
	[sflag:s4] =	ssyncset.s32 $0xFFFFF086  }
0x25: {  	[simem:s6], [sflag:s4] =	dma.local [hbm:s3], $0xF7A  }
0x26: {  	[smem:$0x3F88] =	sst s1;
	(tag) =	ssettag s2;
	_ =	strace s9  }
0x27: {  	s1 =	sld [smem:$0x3F98]  }
0x28: {  	s2 =	sld [smem:$0x3F99]  }
0x29: {  	s4 =	sld [smem:$0x3F9B]  }
0x2a: {  	p0 =	seq.s32 s5, $0x0;
	s5 =	sld [smem:$0x3F9C]  }
0x2b: {  	s6 =	sld [smem:$0x3F9D]  }
0x2c: {  	s7 =	sld [smem:$0x3F9E]  }
0x2d: {  	s3 =	simm.s32 $0x108;
	s8 =	sld [smem:$0x3F9F]  }
0x2e: {  	s3 =	simm.s32 @!p0 $0x1082;
	s9 =	sld [smem:$0x3FA0]  }
0x2f: {  	lr =	sadd.s32 s0, s3;
	s0 =	sld [smem:$0x3F97]  }
0x30: {  	s3 =	sld [smem:$0x3F9A]  }
0x31: {  	[smem:$0x3FA3] =	sst s10  }
0x32: {  	s10 =	sld [smem:$0x3FA1];
	_ =	sdelay $0x3  }
0x33: {  	p0 =	seq.s32 s10, $0x1;
	s10 =	sld [smem:$0x3FA3];
	_ =	sdelay $0x3  }
0x34: {  	[smem:$0x3FA3] =	sst s10  }
0x35: {  	s10 =	sld [smem:$0x3FA2];
	_ =	sdelay $0x3  }
0x36: {  	p1 =	seq.s32 s10, $0x1;
	s10 =	sld [smem:$0x3FA3];
	_ =	sdelay $0x3  }
0x37: {  	[smem:$0x3FA3] =	sst s10  }
0x38: {  	s10 =	sld [smem:$0x3FA4]  }
0x39: {  	_ = 	snop;
	(pc) =	sbr.ind lr, $3  }
0x3a: {  	_ = 	snop  }
0x3b: {  	_ = 	snop  }
0x3c: {  	p2 =	seq.s32 s10, $0x1;
	s10 =	sld [smem:$0x3FA3]  }
0x3d: {  	_ =	shalt  }
0x3e: {  	_ =	shalt  }
0x3f: {  	_ =	shalt  }
0x40: {  	_ =	shalt  }
0x41: {  	_ =	shalt  }
0x42: {  	_ =	shalt  }
0x43: {  	_ =	shalt  }
0x44: {  	_ =	shalt  }
0x45: {  	_ =	shalt  }
0x46: {  	_ =	shalt  }
0x47: {  	_ =	shalt  }
0x48: {  	_ =	shalt  }
0x49: {  	_ =	shalt  }
0x4a: {  	_ =	shalt  }
0x4b: {  	_ =	shalt  }
0x4c: {  	_ =	shalt  }
0x4d: {  	_ =	shalt  }
0x4e: {  	_ =	shalt  }
0x4f: {  	_ =	shalt  }
0x50: {  	_ =	shalt  }
0x51: {  	_ =	shalt  }
0x52: {  	_ =	shalt  }
0x53: {  	_ =	shalt  }
0x54: {  	_ =	shalt  }
0x55: {  	_ =	shalt  }
0x56: {  	_ =	shalt  }
0x57: {  	_ =	shalt  }
0x58: {  	_ =	shalt  }
0x59: {  	_ =	shalt  }
0x5a: {  	_ =	shalt  }
0x5b: {  	_ =	shalt  }
0x5c: {  	_ =	shalt  }
0x5d: {  	_ =	shalt  }
0x5e: {  	_ =	shalt  }
0x5f: {  	_ =	shalt  }
0x60: {  	_ =	shalt  }
0x61: {  	_ =	shalt  }
0x62: {  	_ =	shalt  }
0x63: {  	_ =	shalt  }
0x64: {  	_ =	shalt  }
0x65: {  	_ =	shalt  }
0x66: {  	_ =	shalt  }
0x67: {  	_ =	shalt  }
0x68: {  	_ =	shalt  }
0x69: {  	_ =	shalt  }
0x6a: {  	_ =	shalt  }
0x6b: {  	_ =	shalt  }
0x6c: {  	_ =	shalt  }
0x6d: {  	_ =	shalt  }
0x6e: {  	_ =	shalt  }
0x6f: {  	_ =	shalt  }
0x70: {  	_ =	shalt  }
0x71: {  	_ =	shalt  }
0x72: {  	_ =	shalt  }
0x73: {  	_ =	shalt  }
0x74: {  	_ =	shalt  }
0x75: {  	_ =	shalt  }
0x76: {  	_ =	shalt  }
0x77: {  	_ =	shalt  }
0x78: {  	_ =	shalt  }
0x79: {  	_ =	shalt  }
0x7a: {  	_ =	shalt  }
0x7b: {  	_ =	shalt  }
0x7c: {  	_ =	shalt  }
0x7d: {  	_ =	shalt  }
0x7e: {  	_ =	shalt  }
0x7f: {  	_ =	shalt  }
0x80: {  	_ =	shalt  }
0x81: {  	_ =	shalt  }
0x82: {  	_ =	shalt  }
0x83: {  	_ =	shalt  }
0x84: {  	_ =	shalt  }
0x85: {  	_ =	shalt  }
0x86: {  	_ =	shalt  }
0x87: {  	_ =	shalt  }
.Lfunc_end0:
.L_simem_size_0:
called_computation.3_lowered:
.L_overlay_start_0:
0x88: {  	s2 =	sld [smem:$0x3FD9]  }
0x89: {  	s3 =	sld [smem:$0x3FFE];
	_ =	sdelay $0x1  }
0x8a: {  	s1 =	srdreg.scid  }
0x8b: {  	s0 =	sand.u32 $0x1, s1  }
0x8c: {  	s16 =	sshll.u32 s0, $0xA;
	s2 =	sadd.s32 s3, s2  }
0x8d: {  	s2 =	sadd.s32 s2, s16  }
0x8e: {  	[smem:$0x3FAF] =	sst s2  }
0x8f: {  	_ = 	snop  }
0x90: {  	(tm) =	ssettm $0x1  }
0x91: {  	s17 =	sld [smem:$0x3FFB];
	_ =	sdelay $0x3  }
0x92: {  	_ =	strace s17  }
0x93: {  	s2 =	sld [smem:$0x3FFC];
	_ =	sdelay $0x3  }
0x94: {  	_ =	strace s2  }
0x95: {  	s2 =	sld [smem:$0x3FFD];
	_ =	sdelay $0x3  }
0x96: {  	_ =	strace s2  }
0x97: {  	_ =	strace $0x8FFFFFFF  }
0x98: {  	s18 =	sld [smem:$0x3FDB];
	_ =	sdelay $0x1  }
0x99: {  	s19 =	simm.s32 $_scs_section_size  }
0x9a: {  	s4 =	simm.s32 $_size__tile_overlayer_lowered;
	s5 =	simm.s32 $_tile_overlayer_lowered  }
0x9b: {  	s22 =	simm.s32 $0x1BFF;
	s21 =	sshll.u32 s5, $0x1;
	s2 =	sadd.s32 s19, s18  }
0x9c: {  	s6 =	simm.s32 $0x0;
	s20 =	sshll.u32 s4, $0x1;
	s4 =	sadd.s32 s21, s2  }
0x9d: {  	[timem:s6], [sflag:s22] =	dma.local [hbm:s4], s20  }
0x9e: {  	_ =	swait.ge [sflag:s22], s20  }
0x9f: {  	s3 =	ssub.s32 $0x0, s20;
	[sflag:s22] =	ssyncset.done $0x0  }
0xa0: {  	[sflag:s22] =	ssyncadd.s32 s3;
	_ =	sdelay $0x1  }
0xa1: {  	s23 =	simm.s32 $0x1B8B  }
0xa2: {  	_ =	swait.ge [sflag:s23], $0x1  }
0xa3: {  	[sflag:s23] =	ssyncset.done $0x0  }
0xa4: {  	s25 =	simm.s32 $0x1B8E;
	s24 =	sld [smem:$0x3FFE];
	[sflag:s23] =	ssyncadd.s32 $0xFFFFFFFF  }
0xa5: {  	s26 =	simm.s32 $execute0_lowered;
	[smem:$0x3FD2] =	sst s25  }
0xa6: {  	s4 =	sshll.u32 s26, $0x1;
	_ =	strace $0x8000004F;
	[dreg:$0x1] =	wrdreg $0xFFFFFFFF  }
0xa7: {  	s28 =	simm.s32 $_size_execute0_lowered;
	s2 =	sadd.s32 s2, s4;
	[dreg:$0x0] =	wrdreg $0x0  }
0xa8: {  	s4 =	sshll.u32 s28, $0x1;
	[dreg:$0x2] =	wrdreg s2  }
0xa9: {  	[dreg:$0x3] =	wrdreg s4  }
0xaa: {  	[dreg:$0x4] =	wrdreg $0xC0  }
0xab: {  	_ =	task [dreg:s6], $0x5FFFF  }
0xac: {  	[dreg:$0x1] =	wrdreg $0xFFFFFFFF  }
0xad: {  	[dreg:$0x0] =	wrdreg $0x60  }
0xae: {  	[dreg:$0x2] =	wrdreg s24  }
0xaf: {  	[dreg:$0x3] =	wrdreg $0x82000  }
0xb0: {  	[dreg:$0x4] =	wrdreg $0x9  }
0xb1: {  	_ =	task.clear_ibuf [dreg:s6], $0x5FFFF;
	_ =	strace $0x9000004F  }
0xb2: {  	s29 =	simm.s32 $0x9;
	_ =	strace $0x80000051  }
0xb3: {  	_ =	swait.ge [sflag:s29], $0x1  }
0xb4: {  	[sflag:s29] =	ssyncadd.s32 $0xFFFFFFFF  }
0xb5: {  	_ =	strace $0x90000051  }
0xb6: {  	_ =	sfence  }
0xb7: {  	s30 =	sld [smem:$0x0];
	_ =	sdelay $0x2  }
0xb8: {  	s31 =	sshll.u32 s1, $0xD;
	s1 =	sshrl.u32 s1, $0x2  }
0xb9: {  	s3 =	sand.u32 $0x4000, s31;
	s1 =	sadd.s32 s1, s30  }
0xba: {  	s0 =	sor.u32 s3, s0;
	s1 =	sshll.u32 s1, $0x11  }
0xbb: {  	s0 =	sor.u32 s1, s0  }
0xbc: {  	s0 =	sadd.s32 $0x8F2B, s0  }
0xbd: {  	[sflag:s0] =	ssyncadd.remote.s32 $0x1  }
0xbe: {  	_ =	sfence.sel $0xFFFF  }
0xbf: {  	[dreg:$0x0] =	wrdreg $0xFFFFFFFF;
	(pc) =	sbr.abs _section_cstart, $3  }
0xc0: {  	[dreg:$0x1] =	wrdreg $0xFFFFFFFF  }
0xc1: {  	_ =	task.clear_ibuf [dreg:s6], $0x2FFFF;
	_ =	strace $0x9FFFFFFF  }
0xc2: {  	(tm) =	ssettm $0x7FFFFFFF  }
0xc3: {  	_ =	shalt  }
tec
execute0_lowered:
.L_overlay_start_1:
0x0: {  	(tag) =	ssettag $0x1  }
0x1: {  	s5 =	rddreg [dreg:$0x0]  }
0x2: {  	s2 =	rddreg [dreg:$0x1]  }
0x3: {  	s0 =	rddreg [dreg:$0x2];
	s3 =	simm.s32 $0x0;
	s1 =	stileid.u32  }
0x4: {  	s4 =	srdreg.scid;
	s17 =	simm.s32 $0x80;
	s18 =	simm.s32 $0x200  }
0x5: {  	s19 =	simm.s32 $0x3;
	s20 =	simm.s32 $0x2;
	s21 =	simm.s32 $0x4200  }
0x6: {  	[smem:$0x7FF] =	sst s3;
	s6 =	smul.u32 $0x13800, s1;
	s7 =	sand.u32 $0x1, s4  }
0x7: {  	s4 =	sadd.s32 $0x44400, s5;
	s12 =	sadd.s32 $0x9200, s5;
	s11 =	smul.u32 $0x4E000, s1  }
0x8: {  	s30 =	smul.u32 $0x5000, s1;
	s31 =	sshll.u32 s1, $0x6;
	_ =	strace $0x80000050  }
0x9: {  	s8 =	smul.u32 $0x138C00, s7;
	s9 =	sshll.u32 s7, $0x4;
	s25 =	ssub.s32 $0x2, s7  }
0xa: {  	s28 =	smul.u32 $0x50000, s7;
	s10 =	sshrl.u32 s6, $0x3;
	s22 =	sor.u32 s1, s9  }
0xb: {  	s13 =	sshrl.u32 s25, $0x1;
	s29 =	sshrl.u32 s11, $0x2;
	s6 =	sadd.s32 s6, s8  }
0xc: {  	s23 =	sadd.s32 s10, s5;
	s8 =	smul.u32 $0x5000, s22;
	s13 =	ssub.s32 s25, s13  }
0xd: {  	s14 =	sadd.s32 s29, s2;
	s11 =	sadd.s32 s30, s28;
	s22 =	simm.s32 $0x4  }
0xe: {  	s6 =	sshrl.u32 s6, $0x3;
	s7 =	sadd.s32 $0x1D200, s23;
	s15 =	sor.u32 $0x300, s11  }
0xf: {  	s11 =	sor.u32 $0x200, s11;
	s10 =	smax.u32 s13, $0x1;
	s13 =	simm.s32 $0x100  }
0x10: {  	s14 =	sshrl.u32 s14, $0x3;
	s23 =	simm.s32 $0x180;
	s24 =	sadd.s32 s6, s5  }
0x11: {  	s26 =	sshrl.u32 s8, $0x3;
	s8 =	sor.u32 $0x1C05, s31;
	s15 =	sshrl.u32 s15, $0x3  }
0x12: {  	s16 =	sshrl.u32 s11, $0x3;
	s5 =	sadd.s32 s12, s26;
	s9 =	sadd.s32 $0xB9A00, s24  }
0x13: {  	s11 =	sadd.s32 s15, s12;
	s12 =	sadd.s32 s16, s12;
	s15 =	simm.s32 $0x5  }
0x14: {  	s16 =	simm.s32 $0x1;
	s24 =	simm.s32 $0x0;
	s6 =	sadd.s32 $0x20, s5  }
.LBB2_1:
0x15: {  	[tilespmem:s3], [sflag:$0x1] =	stream.linear.gather [hbm4b:s5+s3], $0x100, $0x38;
	[tilespmem:$0x1BAC0] =	vst v63  }
0x16: {  	_ = 	snop  }
0x17: {  	[tilespmem:s13], [sflag:$0x2] =	stream.linear.gather [hbm4b:s6+s3], $0x100, $0x38;
	[tilespmem:$0x1BAC0] =	vst v63  }
0x18: {  	[spmem:s14], [sflag:s8] =	dma.local [hbm:s7], $0x2880  }
0x19: {  	_ =	swait.ge [sflag:s15], $0x2880  }
0x1a: {  	[sflag:s15] =	ssyncset.done $0x0  }
0x1b: {  	[sflag:s15] =	ssyncadd.s32 $0xFFFFD780  }
0x1c: {  	[bflag:$0x0] =	sbarrier.arrive $0xFFFF  }
0x1d: {  	_ =	swait.ge [sflag:s16], $0x100  }
0x1e: {  	[sflag:s16] =	ssyncset.done $0x0  }
0x1f: {  	[sflag:s16] =	ssyncadd.s32 $0xFFFFFF00  }
0x20: {  	[tilespmem:s18], [sflag:$0x3] =	stream.indirect.gather [hbm4b:s4+s17], $0x80, s3, s17, $0xb8;
	[tilespmem:$0x1BAC0] =	vst v63  }
0x21: {  	_ =	swait.ge [sflag:s19], $0x4000  }
0x22: {  	[sflag:s19] =	ssyncset.done $0x0  }
0x23: {  	[sflag:s19] =	ssyncadd.s32 $0xFFFFC000  }
0x24: {  	_ =	swait.ge [sflag:s20], $0x100  }
0x25: {  	[sflag:s20] =	ssyncset.done $0x0  }
0x26: {  	[sflag:s20] =	ssyncadd.s32 $0xFFFFFF00  }
0x27: {  	[tilespmem:s21], [sflag:$0x4] =	stream.indirect.gather [hbm4b:s4+s17], $0x80, s13, s17, $0xb8;
	[tilespmem:$0x1BAC0] =	vst v63  }
0x28: {  	_ = 	snop  }
0x29: {  	[spmem:s2] =	stream.indirect.scatter.add.f32 [tilespmem:s18], [sflag:$0x5], $0x80, s17, s17, $0xb8;
	[tilespmem:$0x1BAC0] =	vst v63  }
0x2a: {  	_ =	swait.ge [sflag:s15], $0x4000  }
0x2b: {  	[sflag:s15] =	ssyncset.done $0x0  }
0x2c: {  	s25 =	sadd.s32 $0x0, s12;
	[sflag:s15] =	ssyncadd.s32 $0xFFFFC000  }
0x2d: {  	[tilespmem:s3], [sflag:$0x1] =	stream.linear.gather [hbm4b:s25+s3], $0x100, $0x38;
	[tilespmem:$0x1BAC0] =	vst v63  }
0x2e: {  	_ =	swait.ge [sflag:s22], $0x4000  }
0x2f: {  	[sflag:s22] =	ssyncset.done $0x0  }
0x30: {  	[sflag:s22] =	ssyncadd.s32 $0xFFFFC000  }
0x31: {  	_ =	swait.ge [sflag:s16], $0x100  }
0x32: {  	[sflag:s16] =	ssyncset.done $0x0  }
0x33: {  	[sflag:s16] =	ssyncadd.s32 $0xFFFFFF00  }
0x34: {  	[tilespmem:s18], [sflag:$0x3] =	stream.indirect.gather [hbm4b:s4+s17], $0x80, s3, s17, $0xb8;
	[tilespmem:$0x1BAC0] =	vst v63  }
0x35: {  	_ = 	snop  }
0x36: {  	[spmem:s2] =	stream.indirect.scatter.add.f32 [tilespmem:s21], [sflag:$0x5], $0x80, s23, s17, $0xb8;
	[tilespmem:$0x1BAC0] =	vst v63  }
0x37: {  	_ =	swait.ge [sflag:s15], $0x4000  }
0x38: {  	[sflag:s15] =	ssyncset.done $0x0  }
0x39: {  	s26 =	sadd.s32 $0x0, s11;
	s25 =	simm.s32 $0x40;
	[sflag:s15] =	ssyncadd.s32 $0xFFFFC000  }
.LBB2_2:
0x3a: {  	[tilespmem:s13], [sflag:$0x2] =	stream.linear.gather [hbm4b:s26+s3], $0x100, $0x38;
	[tilespmem:$0x1BAC0] =	vst v63  }
0x3b: {  	s26 =	smov.u32 s25  }
0x3c: {  	p0 =	sne.s32 s25, $0x980;
	s25 =	sadd.s32 $0x40, s25;
	_ =	swait.ge [sflag:s19], $0x4000  }
0x3d: {  	[sflag:s19] =	ssyncset.done $0x0  }
0x3e: {  	[sflag:s19] =	ssyncadd.s32 $0xFFFFC000  }
0x3f: {  	_ =	swait.ge [sflag:s20], $0x100  }
0x40: {  	[sflag:s20] =	ssyncset.done $0x0  }
0x41: {  	[sflag:s20] =	ssyncadd.s32 $0xFFFFFF00  }
0x42: {  	[tilespmem:s21], [sflag:$0x4] =	stream.indirect.gather [hbm4b:s4+s17], $0x80, s13, s17, $0xb8;
	[tilespmem:$0x1BAC0] =	vst v63  }
0x43: {  	_ = 	snop  }
0x44: {  	[spmem:s2] =	stream.indirect.scatter.add.f32 [tilespmem:s18], [sflag:$0x5], $0x80, s17, s17, $0xb8;
	[tilespmem:$0x1BAC0] =	vst v63  }
0x45: {  	_ =	swait.ge [sflag:s15], $0x4000  }
0x46: {  	[sflag:s15] =	ssyncset.done $0x0  }
0x47: {  	s28 =	sadd.s32 s26, s12;
	[sflag:s15] =	ssyncadd.s32 $0xFFFFC000  }
0x48: {  	[tilespmem:s3], [sflag:$0x1] =	stream.linear.gather [hbm4b:s28+s3], $0x100, $0x38;
	[tilespmem:$0x1BAC0] =	vst v63  }
0x49: {  	_ =	swait.ge [sflag:s22], $0x4000  }
0x4a: {  	[sflag:s22] =	ssyncset.done $0x0  }
0x4b: {  	[sflag:s22] =	ssyncadd.s32 $0xFFFFC000  }
0x4c: {  	_ =	swait.ge [sflag:s16], $0x100  }
0x4d: {  	[sflag:s16] =	ssyncset.done $0x0  }
0x4e: {  	[sflag:s16] =	ssyncadd.s32 $0xFFFFFF00  }
0x4f: {  	[tilespmem:s18], [sflag:$0x3] =	stream.indirect.gather [hbm4b:s4+s17], $0x80, s3, s17, $0xb8;
	[tilespmem:$0x1BAC0] =	vst v63  }
.Ltmp0:
0x50: {  	(pc) =	sbr.rel @p0 .LBB2_2-.Ltmp0, $4  }
0x51: {  	[spmem:s2] =	stream.indirect.scatter.add.f32 [tilespmem:s21], [sflag:$0x5], $0x80, s23, s17, $0xb8;
	[tilespmem:$0x1BAC0] =	vst v63  }
0x52: {  	_ =	swait.ge [sflag:s15], $0x4000  }
0x53: {  	[sflag:s15] =	ssyncset.done $0x0  }
0x54: {  	s26 =	sadd.s32 s26, s11;
	[sflag:s15] =	ssyncadd.s32 $0xFFFFC000  }
0x55: {  	[tilespmem:s13], [sflag:$0x2] =	stream.linear.gather [hbm4b:s26+s3], $0x100, $0x38;
	[tilespmem:$0x1BAC0] =	vst v63  }
0x56: {  	_ =	swait.ge [sflag:s19], $0x4000  }
0x57: {  	[sflag:s19] =	ssyncset.done $0x0  }
0x58: {  	[sflag:s19] =	ssyncadd.s32 $0xFFFFC000  }
0x59: {  	[spmem:s2] =	stream.indirect.scatter.add.f32 [tilespmem:s18], [sflag:$0x5], $0x80, s17, s17, $0xb8;
	[tilespmem:$0x1BAC0] =	vst v63  }
0x5a: {  	_ =	swait.ge [sflag:s15], $0x4000  }
0x5b: {  	[sflag:s15] =	ssyncset.done $0x0  }
0x5c: {  	[sflag:s15] =	ssyncadd.s32 $0xFFFFC000  }
0x5d: {  	_ =	swait.ge [sflag:s20], $0x100  }
0x5e: {  	s24 =	sadd.s32 $0x1, s24;
	[sflag:s20] =	ssyncset.done $0x0  }
0x5f: {  	p0 =	sne.s32 s24, s10;
	[sflag:s20] =	ssyncadd.s32 $0xFFFFFF00  }
.Ltmp1:
0x60: {  	[bflag:$0x0] =	sbarrier.arrive $0xFFFF;
	(pc) =	sbr.rel @p0 .LBB2_1-.Ltmp1, $4  }
0x61: {  	[hbm:s9], [sflag:s8] =	dma.local [spmem:s14], $0x2880  }
0x62: {  	_ =	swait.ge [sflag:s15], $0x2880  }
0x63: {  	[sflag:s15] =	ssyncset.done $0x0  }
0x64: {  	[sflag:s15] =	ssyncadd.s32 $0xFFFFD780  }
0x65: {  	_ =	sfence.sel $0x180000  }
0x66: {  	[bflag:$0x0] =	sbarrier.arrive $0xFFFF  }
0x67: {  	p0 =	sne.s32 s1, $0x0;
	_ =	strace $0x90000050  }
0x68: {  	s0 =	sadd.s32 @!p0 $0x100000, s0;
	[bflag:$0x2] =	sbarrier.arrive $0xFFFF  }
0x69: {  	[sflag:s0] =	ssyncadd.tile.s32 @!p0 $0x1;
	_ =	shalt  }
.Lfunc_end2:
_tile_overlayer_lowered:
.L_overlay_start_2:
0x6a: {  	(tag) =	ssettag $0x2  }
0x6b: {  	s0 =	rddreg [dreg:$0x0];
	s2 =	stileid.u32  }
0x6c: {  	s1 =	rddreg [dreg:$0x1];
	p0 =	sne.s32 s2, $0x0  }
0x6d: {  	s3 =	rddreg [dreg:$0x2];
	[bflag:$0x3] =	sbarrier.arrive $0xFFFF;
	s2 =	simm.s32 @!p0 $0x1C05  }
0x6e: {  	[timem:s3], [sflag:s2] =	dma.local @!p0 [hbm:s0], s1  }
0x6f: {  	s0 =	simm.s32 @!p0 $0x5  }
0x70: {  	_ =	swait.ge @!p0 [sflag:s0], s1  }
0x71: {  	s1 =	ssub.s32 @!p0 $0x0, s1;
	[sflag:s0] =	ssyncset.done @!p0 $0x0  }
0x72: {  	[sflag:s0] =	ssyncadd.s32 @!p0 s1  }
0x73: {  	[bflag:$0x3] =	sbarrier.arrive $0xFFFF  }
0x74: {  	_ =	shalt  }

// kernel: kernel.33.cloned.1.call-start
scs
__scs_entry_jumppad:
0x0: {  	(pc) =	sbr.rel $0x88, $3  }
0x1: {  	(tag) =	ssettag $0x0;
	lr =	simm.s32 $0x1  }
0x2: {  	[smem:$0x3F88] =	sst lr;
	_ =	strace $0xD0000000  }
0x3: {  	_ = 	snop  }
0x4: {  	_ = 	snop  }
0x5: {  	_ = 	snop  }
0x6: {  	_ = 	snop  }
0x7: {  	_ = 	snop  }
__scs_overlays_trampoline_lowered:
0x8: {  	[smem:$0x3F97] =	sst s0  }
0x9: {  	[smem:$0x3F98] =	sst s1  }
0xa: {  	[smem:$0x3F99] =	sst s2  }
0xb: {  	[smem:$0x3F9A] =	sst s3  }
0xc: {  	[smem:$0x3F9B] =	sst s4  }
0xd: {  	[smem:$0x3F9C] =	sst s5  }
0xe: {  	[smem:$0x3F9D] =	sst s6  }
0xf: {  	[smem:$0x3F9E] =	sst s7  }
0x10: {  	[smem:$0x3F9F] =	sst s8  }
0x11: {  	[smem:$0x3FA0] =	sst s9;
	s0 =	simm.s32 @!p0 $0x0  }
0x12: {  	s1 =	sld [smem:$0x3F86];
	s0 =	simm.s32 @p0 $0x1  }
0x13: {  	[smem:$0x3FA1] =	sst s0;
	s0 =	simm.s32 @!p1 $0x0  }
0x14: {  	s2 =	sld [smem:$0x3F85];
	s0 =	simm.s32 @p1 $0x1  }
0x15: {  	[smem:$0x3FA2] =	sst s0;
	s0 =	simm.s32 @!p2 $0x0  }
0x16: {  	s3 =	sld [smem:$0x3FDB];
	s0 =	simm.s32 @p2 $0x1  }
0x17: {  	s4 =	simm.s32 $0x1BF5;
	[smem:$0x3FA4] =	sst s0  }
0x18: {  	s0 =	sld [smem:$0x3F87];
	_ =	swait.ge [sflag:s4], $0x0  }
0x19: {  	s7 =	sld [smem:$0x3F88]  }
0x1a: {  	s8 =	sadd.s32 $0xFFFFE003, lr  }
0x1b: {  	s9 =	sadd.s32 $0xFFFFFEF7, lr;
	s5 =	simm.s32 $0xFFFFFFFF;
	p2 =	slt.u32 s8, $0xFFFFF086  }
0x1c: {  	p1 =	slt.u32 s9, $0xF7A;
	s5 =	simm.s32 @!p2 $0x0  }
0x1d: {  	s5 =	simm.s32 @p1 $0x1;
	p0 =	seq.s32 s7, s2  }
0x1e: {  	s7 =	smul.u32 @!p0 $0xF7A, s2;
	p2 =	seq.s32 @!p0 s5, $0x0  }
0x1f: {  	s9 =	smul.u32 $0xF7A, s1;
	s8 =	simm.s32 @!p0 $0x1BF5;
	p2 =	por !p2, p0  }
0x20: {  	[sflag:s8] =	ssyncset.s32 @!p0 $0xFFFFF086;
	s6 =	sadd.s32 @!p0 s3, s7;
	s7 =	simm.s32 @!p0 $0x108  }
0x21: {  	s3 =	sadd.s32 s3, s9;
	s6 =	sadd.s32 @!p0 $0x88, s6;
	s7 =	simm.s32 @p2 $0x1082  }
0x22: {  	[simem:s7], [sflag:s8] =	dma.local @!p0 [hbm:s6], $0xF7A  }
0x23: {  	s9 =	sor.u32 $0xD0000000, s2;
	s6 =	simm.s32 $0x108;
	_ =	swait.ge @!p0 [sflag:s8], $0x0  }
0x24: {  	s3 =	sadd.s32 $0x88, s3;
	s6 =	simm.s32 @!p1 $0x1082;
	[sflag:s4] =	ssyncset.s32 $0xFFFFF086  }
0x25: {  	[simem:s6], [sflag:s4] =	dma.local [hbm:s3], $0xF7A  }
0x26: {  	[smem:$0x3F88] =	sst s1;
	(tag) =	ssettag s2;
	_ =	strace s9  }
0x27: {  	s1 =	sld [smem:$0x3F98]  }
0x28: {  	s2 =	sld [smem:$0x3F99]  }
0x29: {  	s4 =	sld [smem:$0x3F9B]  }
0x2a: {  	p0 =	seq.s32 s5, $0x0;
	s5 =	sld [smem:$0x3F9C]  }
0x2b: {  	s6 =	sld [smem:$0x3F9D]  }
0x2c: {  	s7 =	sld [smem:$0x3F9E]  }
0x2d: {  	s3 =	simm.s32 $0x108;
	s8 =	sld [smem:$0x3F9F]  }
0x2e: {  	s3 =	simm.s32 @!p0 $0x1082;
	s9 =	sld [smem:$0x3FA0]  }
0x2f: {  	lr =	sadd.s32 s0, s3;
	s0 =	sld [smem:$0x3F97]  }
0x30: {  	s3 =	sld [smem:$0x3F9A]  }
0x31: {  	[smem:$0x3FA3] =	sst s10  }
0x32: {  	s10 =	sld [smem:$0x3FA1];
	_ =	sdelay $0x3  }
0x33: {  	p0 =	seq.s32 s10, $0x1;
	s10 =	sld [smem:$0x3FA3];
	_ =	sdelay $0x3  }
0x34: {  	[smem:$0x3FA3] =	sst s10  }
0x35: {  	s10 =	sld [smem:$0x3FA2];
	_ =	sdelay $0x3  }
0x36: {  	p1 =	seq.s32 s10, $0x1;
	s10 =	sld [smem:$0x3FA3];
	_ =	sdelay $0x3  }
0x37: {  	[smem:$0x3FA3] =	sst s10  }
0x38: {  	s10 =	sld [smem:$0x3FA4]  }
0x39: {  	_ = 	snop;
	(pc) =	sbr.ind lr, $3  }
0x3a: {  	_ = 	snop  }
0x3b: {  	_ = 	snop  }
0x3c: {  	p2 =	seq.s32 s10, $0x1;
	s10 =	sld [smem:$0x3FA3]  }
0x3d: {  	_ =	shalt  }
0x3e: {  	_ =	shalt  }
0x3f: {  	_ =	shalt  }
0x40: {  	_ =	shalt  }
0x41: {  	_ =	shalt  }
0x42: {  	_ =	shalt  }
0x43: {  	_ =	shalt  }
0x44: {  	_ =	shalt  }
0x45: {  	_ =	shalt  }
0x46: {  	_ =	shalt  }
0x47: {  	_ =	shalt  }
0x48: {  	_ =	shalt  }
0x49: {  	_ =	shalt  }
0x4a: {  	_ =	shalt  }
0x4b: {  	_ =	shalt  }
0x4c: {  	_ =	shalt  }
0x4d: {  	_ =	shalt  }
0x4e: {  	_ =	shalt  }
0x4f: {  	_ =	shalt  }
0x50: {  	_ =	shalt  }
0x51: {  	_ =	shalt  }
0x52: {  	_ =	shalt  }
0x53: {  	_ =	shalt  }
0x54: {  	_ =	shalt  }
0x55: {  	_ =	shalt  }
0x56: {  	_ =	shalt  }
0x57: {  	_ =	shalt  }
0x58: {  	_ =	shalt  }
0x59: {  	_ =	shalt  }
0x5a: {  	_ =	shalt  }
0x5b: {  	_ =	shalt  }
0x5c: {  	_ =	shalt  }
0x5d: {  	_ =	shalt  }
0x5e: {  	_ =	shalt  }
0x5f: {  	_ =	shalt  }
0x60: {  	_ =	shalt  }
0x61: {  	_ =	shalt  }
0x62: {  	_ =	shalt  }
0x63: {  	_ =	shalt  }
0x64: {  	_ =	shalt  }
0x65: {  	_ =	shalt  }
0x66: {  	_ =	shalt  }
0x67: {  	_ =	shalt  }
0x68: {  	_ =	shalt  }
0x69: {  	_ =	shalt  }
0x6a: {  	_ =	shalt  }
0x6b: {  	_ =	shalt  }
0x6c: {  	_ =	shalt  }
0x6d: {  	_ =	shalt  }
0x6e: {  	_ =	shalt  }
0x6f: {  	_ =	shalt  }
0x70: {  	_ =	shalt  }
0x71: {  	_ =	shalt  }
0x72: {  	_ =	shalt  }
0x73: {  	_ =	shalt  }
0x74: {  	_ =	shalt  }
0x75: {  	_ =	shalt  }
0x76: {  	_ =	shalt  }
0x77: {  	_ =	shalt  }
0x78: {  	_ =	shalt  }
0x79: {  	_ =	shalt  }
0x7a: {  	_ =	shalt  }
0x7b: {  	_ =	shalt  }
0x7c: {  	_ =	shalt  }
0x7d: {  	_ =	shalt  }
0x7e: {  	_ =	shalt  }
0x7f: {  	_ =	shalt  }
0x80: {  	_ =	shalt  }
0x81: {  	_ =	shalt  }
0x82: {  	_ =	shalt  }
0x83: {  	_ =	shalt  }
0x84: {  	_ =	shalt  }
0x85: {  	_ =	shalt  }
0x86: {  	_ =	shalt  }
0x87: {  	_ =	shalt  }
.Lfunc_end0:
.L_simem_size_0:
called_computation.4_lowered:
.L_overlay_start_0:
0x88: {  	s2 =	sld [smem:$0x3FD9]  }
0x89: {  	s3 =	sld [smem:$0x3FFE];
	_ =	sdelay $0x1  }
0x8a: {  	s1 =	srdreg.scid  }
0x8b: {  	s0 =	sand.u32 $0x1, s1  }
0x8c: {  	s16 =	sshll.u32 s0, $0xA;
	s2 =	sadd.s32 s3, s2  }
0x8d: {  	s2 =	sadd.s32 s2, s16  }
0x8e: {  	[smem:$0x3FAF] =	sst s2  }
0x8f: {  	_ = 	snop  }
0x90: {  	(tm) =	ssettm $0x1  }
0x91: {  	s17 =	sld [smem:$0x3FFB];
	_ =	sdelay $0x3  }
0x92: {  	_ =	strace s17  }
0x93: {  	s2 =	sld [smem:$0x3FFC];
	_ =	sdelay $0x3  }
0x94: {  	_ =	strace s2  }
0x95: {  	s2 =	sld [smem:$0x3FFD];
	_ =	sdelay $0x3  }
0x96: {  	_ =	strace s2  }
0x97: {  	_ =	strace $0x8FFFFFFF  }
0x98: {  	s18 =	sld [smem:$0x3FDB];
	_ =	sdelay $0x1  }
0x99: {  	s19 =	simm.s32 $_scs_section_size  }
0x9a: {  	s4 =	simm.s32 $_size__tile_overlayer_lowered;
	s5 =	simm.s32 $_tile_overlayer_lowered  }
0x9b: {  	s22 =	simm.s32 $0x1BFF;
	s21 =	sshll.u32 s5, $0x1;
	s2 =	sadd.s32 s19, s18  }
0x9c: {  	s6 =	simm.s32 $0x0;
	s20 =	sshll.u32 s4, $0x1;
	s4 =	sadd.s32 s21, s2  }
0x9d: {  	[timem:s6], [sflag:s22] =	dma.local [hbm:s4], s20  }
0x9e: {  	_ =	swait.ge [sflag:s22], s20  }
0x9f: {  	s3 =	ssub.s32 $0x0, s20;
	[sflag:s22] =	ssyncset.done $0x0  }
0xa0: {  	[sflag:s22] =	ssyncadd.s32 s3;
	_ =	sdelay $0x1  }
0xa1: {  	s23 =	simm.s32 $0x1B8B  }
0xa2: {  	_ =	swait.ge [sflag:s23], $0x1  }
0xa3: {  	[sflag:s23] =	ssyncset.done $0x0  }
0xa4: {  	s25 =	simm.s32 $0x1B8E;
	s24 =	sld [smem:$0x3FFE];
	[sflag:s23] =	ssyncadd.s32 $0xFFFFFFFF  }
0xa5: {  	s26 =	simm.s32 $execute0_lowered;
	[smem:$0x3FD2] =	sst s25  }
0xa6: {  	s4 =	sshll.u32 s26, $0x1;
	_ =	strace $0x80000052;
	[dreg:$0x1] =	wrdreg $0xFFFFFFFF  }
0xa7: {  	s28 =	simm.s32 $_size_execute0_lowered;
	s2 =	sadd.s32 s2, s4;
	[dreg:$0x0] =	wrdreg $0x0  }
0xa8: {  	s4 =	sshll.u32 s28, $0x1;
	[dreg:$0x2] =	wrdreg s2  }
0xa9: {  	[dreg:$0x3] =	wrdreg s4  }
0xaa: {  	[dreg:$0x4] =	wrdreg $0xC0  }
0xab: {  	_ =	task [dreg:s6], $0x5FFFF  }
0xac: {  	[dreg:$0x1] =	wrdreg $0xFFFFFFFF  }
0xad: {  	[dreg:$0x0] =	wrdreg $0x60  }
0xae: {  	[dreg:$0x2] =	wrdreg s24  }
0xaf: {  	[dreg:$0x3] =	wrdreg $0x82000  }
0xb0: {  	[dreg:$0x4] =	wrdreg $0x9  }
0xb1: {  	_ =	task.clear_ibuf [dreg:s6], $0x5FFFF;
	_ =	strace $0x90000052  }
0xb2: {  	s29 =	simm.s32 $0x9;
	_ =	strace $0x80000054  }
0xb3: {  	_ =	swait.ge [sflag:s29], $0x1  }
0xb4: {  	[sflag:s29] =	ssyncadd.s32 $0xFFFFFFFF  }
0xb5: {  	_ =	strace $0x90000054  }
0xb6: {  	_ =	sfence  }
0xb7: {  	s30 =	sld [smem:$0x0];
	_ =	sdelay $0x2  }
0xb8: {  	s31 =	sshll.u32 s1, $0xD;
	s1 =	sshrl.u32 s1, $0x2  }
0xb9: {  	s3 =	sand.u32 $0x4000, s31;
	s1 =	sadd.s32 s1, s30  }
0xba: {  	s0 =	sor.u32 s3, s0;
	s1 =	sshll.u32 s1, $0x11  }
0xbb: {  	s0 =	sor.u32 s1, s0  }
0xbc: {  	s0 =	sadd.s32 $0x8F2B, s0  }
0xbd: {  	[sflag:s0] =	ssyncadd.remote.s32 $0x1  }
0xbe: {  	_ =	sfence.sel $0xFFFF  }
0xbf: {  	[dreg:$0x0] =	wrdreg $0xFFFFFFFF;
	(pc) =	sbr.abs _section_cstart, $3  }
0xc0: {  	[dreg:$0x1] =	wrdreg $0xFFFFFFFF  }
0xc1: {  	_ =	task.clear_ibuf [dreg:s6], $0x2FFFF;
	_ =	strace $0x9FFFFFFF  }
0xc2: {  	(tm) =	ssettm $0x7FFFFFFF  }
0xc3: {  	_ =	shalt  }
tec
execute0_lowered:
.L_overlay_start_1:
0x0: {  	(tag) =	ssettag $0x1  }
0x1: {  	s5 =	rddreg [dreg:$0x0]  }
0x2: {  	s2 =	rddreg [dreg:$0x1]  }
0x3: {  	s0 =	rddreg [dreg:$0x2];
	s3 =	simm.s32 $0x0;
	s1 =	stileid.u32  }
0x4: {  	s4 =	srdreg.scid;
	s17 =	simm.s32 $0x80;
	s18 =	simm.s32 $0x200  }
0x5: {  	s19 =	simm.s32 $0x3;
	s20 =	simm.s32 $0x2;
	s21 =	simm.s32 $0x4200  }
0x6: {  	[smem:$0x7FF] =	sst s3;
	s6 =	smul.u32 $0x13800, s1;
	s7 =	sand.u32 $0x1, s4  }
0x7: {  	s4 =	sadd.s32 $0x44400, s5;
	s12 =	sadd.s32 $0x9200, s5;
	s11 =	smul.u32 $0x4E000, s1  }
0x8: {  	s30 =	smul.u32 $0x5000, s1;
	s31 =	sshll.u32 s1, $0x6;
	_ =	strace $0x80000053  }
0x9: {  	s8 =	smul.u32 $0x138C00, s7;
	s9 =	sshll.u32 s7, $0x4;
	s25 =	ssub.s32 $0x2, s7  }
0xa: {  	s28 =	smul.u32 $0x50000, s7;
	s10 =	sshrl.u32 s6, $0x3;
	s22 =	sor.u32 s1, s9  }
0xb: {  	s13 =	sshrl.u32 s25, $0x1;
	s29 =	sshrl.u32 s11, $0x2;
	s6 =	sadd.s32 s6, s8  }
0xc: {  	s23 =	sadd.s32 s10, s5;
	s8 =	smul.u32 $0x5000, s22;
	s13 =	ssub.s32 s25, s13  }
0xd: {  	s14 =	sadd.s32 s29, s2;
	s11 =	sadd.s32 s30, s28;
	s22 =	simm.s32 $0x4  }
0xe: {  	s6 =	sshrl.u32 s6, $0x3;
	s7 =	sadd.s32 $0x1D200, s23;
	s15 =	sor.u32 $0x300, s11  }
0xf: {  	s11 =	sor.u32 $0x200, s11;
	s10 =	smax.u32 s13, $0x1;
	s13 =	simm.s32 $0x100  }
0x10: {  	s14 =	sshrl.u32 s14, $0x3;
	s23 =	simm.s32 $0x180;
	s24 =	sadd.s32 s6, s5  }
0x11: {  	s26 =	sshrl.u32 s8, $0x3;
	s8 =	sor.u32 $0x1C05, s31;
	s15 =	sshrl.u32 s15, $0x3  }
0x12: {  	s16 =	sshrl.u32 s11, $0x3;
	s5 =	sadd.s32 s12, s26;
	s9 =	sadd.s32 $0xB9A00, s24  }
0x13: {  	s11 =	sadd.s32 s15, s12;
	s12 =	sadd.s32 s16, s12;
	s15 =	simm.s32 $0x5  }
0x14: {  	s16 =	simm.s32 $0x1;
	s24 =	simm.s32 $0x0;
	s6 =	sadd.s32 $0x20, s5  }
.LBB2_1:
0x15: {  	[tilespmem:s3], [sflag:$0x1] =	stream.linear.gather [hbm4b:s5+s3], $0x100, $0x38;
	[tilespmem:$0x1BAC0] =	vst v63  }
0x16: {  	_ = 	snop  }
0x17: {  	[tilespmem:s13], [sflag:$0x2] =	stream.linear.gather [hbm4b:s6+s3], $0x100, $0x38;
	[tilespmem:$0x1BAC0] =	vst v63  }
0x18: {  	[spmem:s14], [sflag:s8] =	dma.local [hbm:s7], $0x2880  }
0x19: {  	_ =	swait.ge [sflag:s15], $0x2880  }
0x1a: {  	[sflag:s15] =	ssyncset.done $0x0  }
0x1b: {  	[sflag:s15] =	ssyncadd.s32 $0xFFFFD780  }
0x1c: {  	[bflag:$0x0] =	sbarrier.arrive $0xFFFF  }
0x1d: {  	_ =	swait.ge [sflag:s16], $0x100  }
0x1e: {  	[sflag:s16] =	ssyncset.done $0x0  }
0x1f: {  	[sflag:s16] =	ssyncadd.s32 $0xFFFFFF00  }
0x20: {  	[tilespmem:s18], [sflag:$0x3] =	stream.indirect.gather [hbm4b:s4+s17], $0x80, s3, s17, $0xb8;
	[tilespmem:$0x1BAC0] =	vst v63  }
0x21: {  	_ =	swait.ge [sflag:s19], $0x4000  }
0x22: {  	[sflag:s19] =	ssyncset.done $0x0  }
0x23: {  	[sflag:s19] =	ssyncadd.s32 $0xFFFFC000  }
0x24: {  	_ =	swait.ge [sflag:s20], $0x100  }
0x25: {  	[sflag:s20] =	ssyncset.done $0x0  }
0x26: {  	[sflag:s20] =	ssyncadd.s32 $0xFFFFFF00  }
0x27: {  	[tilespmem:s21], [sflag:$0x4] =	stream.indirect.gather [hbm4b:s4+s17], $0x80, s13, s17, $0xb8;
	[tilespmem:$0x1BAC0] =	vst v63  }
0x28: {  	_ = 	snop  }
0x29: {  	[spmem:s2] =	stream.indirect.scatter.add.f32 [tilespmem:s18], [sflag:$0x5], $0x80, s17, s17, $0xb8;
	[tilespmem:$0x1BAC0] =	vst v63  }
0x2a: {  	_ =	swait.ge [sflag:s15], $0x4000  }
0x2b: {  	[sflag:s15] =	ssyncset.done $0x0  }
0x2c: {  	s25 =	sadd.s32 $0x0, s12;
	[sflag:s15] =	ssyncadd.s32 $0xFFFFC000  }
0x2d: {  	[tilespmem:s3], [sflag:$0x1] =	stream.linear.gather [hbm4b:s25+s3], $0x100, $0x38;
	[tilespmem:$0x1BAC0] =	vst v63  }
0x2e: {  	_ =	swait.ge [sflag:s22], $0x4000  }
0x2f: {  	[sflag:s22] =	ssyncset.done $0x0  }
0x30: {  	[sflag:s22] =	ssyncadd.s32 $0xFFFFC000  }
0x31: {  	_ =	swait.ge [sflag:s16], $0x100  }
0x32: {  	[sflag:s16] =	ssyncset.done $0x0  }
0x33: {  	[sflag:s16] =	ssyncadd.s32 $0xFFFFFF00  }
0x34: {  	[tilespmem:s18], [sflag:$0x3] =	stream.indirect.gather [hbm4b:s4+s17], $0x80, s3, s17, $0xb8;
	[tilespmem:$0x1BAC0] =	vst v63  }
0x35: {  	_ = 	snop  }
0x36: {  	[spmem:s2] =	stream.indirect.scatter.add.f32 [tilespmem:s21], [sflag:$0x5], $0x80, s23, s17, $0xb8;
	[tilespmem:$0x1BAC0] =	vst v63  }
0x37: {  	_ =	swait.ge [sflag:s15], $0x4000  }
0x38: {  	[sflag:s15] =	ssyncset.done $0x0  }
0x39: {  	s26 =	sadd.s32 $0x0, s11;
	s25 =	simm.s32 $0x40;
	[sflag:s15] =	ssyncadd.s32 $0xFFFFC000  }
.LBB2_2:
0x3a: {  	[tilespmem:s13], [sflag:$0x2] =	stream.linear.gather [hbm4b:s26+s3], $0x100, $0x38;
	[tilespmem:$0x1BAC0] =	vst v63  }
0x3b: {  	s26 =	smov.u32 s25  }
0x3c: {  	p0 =	sne.s32 s25, $0x980;
	s25 =	sadd.s32 $0x40, s25;
	_ =	swait.ge [sflag:s19], $0x4000  }
0x3d: {  	[sflag:s19] =	ssyncset.done $0x0  }
0x3e: {  	[sflag:s19] =	ssyncadd.s32 $0xFFFFC000  }
0x3f: {  	_ =	swait.ge [sflag:s20], $0x100  }
0x40: {  	[sflag:s20] =	ssyncset.done $0x0  }
0x41: {  	[sflag:s20] =	ssyncadd.s32 $0xFFFFFF00  }
0x42: {  	[tilespmem:s21], [sflag:$0x4] =	stream.indirect.gather [hbm4b:s4+s17], $0x80, s13, s17, $0xb8;
	[tilespmem:$0x1BAC0] =	vst v63  }
0x43: {  	_ = 	snop  }
0x44: {  	[spmem:s2] =	stream.indirect.scatter.add.f32 [tilespmem:s18], [sflag:$0x5], $0x80, s17, s17, $0xb8;
	[tilespmem:$0x1BAC0] =	vst v63  }
0x45: {  	_ =	swait.ge [sflag:s15], $0x4000  }
0x46: {  	[sflag:s15] =	ssyncset.done $0x0  }
0x47: {  	s28 =	sadd.s32 s26, s12;
	[sflag:s15] =	ssyncadd.s32 $0xFFFFC000  }
0x48: {  	[tilespmem:s3], [sflag:$0x1] =	stream.linear.gather [hbm4b:s28+s3], $0x100, $0x38;
	[tilespmem:$0x1BAC0] =	vst v63  }
0x49: {  	_ =	swait.ge [sflag:s22], $0x4000  }
0x4a: {  	[sflag:s22] =	ssyncset.done $0x0  }
0x4b: {  	[sflag:s22] =	ssyncadd.s32 $0xFFFFC000  }
0x4c: {  	_ =	swait.ge [sflag:s16], $0x100  }
0x4d: {  	[sflag:s16] =	ssyncset.done $0x0  }
0x4e: {  	[sflag:s16] =	ssyncadd.s32 $0xFFFFFF00  }
0x4f: {  	[tilespmem:s18], [sflag:$0x3] =	stream.indirect.gather [hbm4b:s4+s17], $0x80, s3, s17, $0xb8;
	[tilespmem:$0x1BAC0] =	vst v63  }
.Ltmp0:
0x50: {  	(pc) =	sbr.rel @p0 .LBB2_2-.Ltmp0, $4  }
0x51: {  	[spmem:s2] =	stream.indirect.scatter.add.f32 [tilespmem:s21], [sflag:$0x5], $0x80, s23, s17, $0xb8;
	[tilespmem:$0x1BAC0] =	vst v63  }
0x52: {  	_ =	swait.ge [sflag:s15], $0x4000  }
0x53: {  	[sflag:s15] =	ssyncset.done $0x0  }
0x54: {  	s26 =	sadd.s32 s26, s11;
	[sflag:s15] =	ssyncadd.s32 $0xFFFFC000  }
0x55: {  	[tilespmem:s13], [sflag:$0x2] =	stream.linear.gather [hbm4b:s26+s3], $0x100, $0x38;
	[tilespmem:$0x1BAC0] =	vst v63  }
0x56: {  	_ =	swait.ge [sflag:s19], $0x4000  }
0x57: {  	[sflag:s19] =	ssyncset.done $0x0  }
0x58: {  	[sflag:s19] =	ssyncadd.s32 $0xFFFFC000  }
0x59: {  	[spmem:s2] =	stream.indirect.scatter.add.f32 [tilespmem:s18], [sflag:$0x5], $0x80, s17, s17, $0xb8;
	[tilespmem:$0x1BAC0] =	vst v63  }
0x5a: {  	_ =	swait.ge [sflag:s15], $0x4000  }
0x5b: {  	[sflag:s15] =	ssyncset.done $0x0  }
0x5c: {  	[sflag:s15] =	ssyncadd.s32 $0xFFFFC000  }
0x5d: {  	_ =	swait.ge [sflag:s20], $0x100  }
0x5e: {  	s24 =	sadd.s32 $0x1, s24;
	[sflag:s20] =	ssyncset.done $0x0  }
0x5f: {  	p0 =	sne.s32 s24, s10;
	[sflag:s20] =	ssyncadd.s32 $0xFFFFFF00  }
.Ltmp1:
0x60: {  	[bflag:$0x0] =	sbarrier.arrive $0xFFFF;
	(pc) =	sbr.rel @p0 .LBB2_1-.Ltmp1, $4  }
0x61: {  	[hbm:s9], [sflag:s8] =	dma.local [spmem:s14], $0x2880  }
0x62: {  	_ =	swait.ge [sflag:s15], $0x2880  }
0x63: {  	[sflag:s15] =	ssyncset.done $0x0  }
0x64: {  	[sflag:s15] =	ssyncadd.s32 $0xFFFFD780  }
0x65: {  	_ =	sfence.sel $0x180000  }
0x66: {  	[bflag:$0x0] =	sbarrier.arrive $0xFFFF  }
0x67: {  	p0 =	sne.s32 s1, $0x0;
	_ =	strace $0x90000053  }
0x68: {  	s0 =	sadd.s32 @!p0 $0x100000, s0;
	[bflag:$0x2] =	sbarrier.arrive $0xFFFF  }
0x69: {  	[sflag:s0] =	ssyncadd.tile.s32 @!p0 $0x1;
	_ =	shalt  }
.Lfunc_end2:
_tile_overlayer_lowered:
.L_overlay_start_2:
0x6a: {  	(tag) =	ssettag $0x2  }
0x6b: {  	s0 =	rddreg [dreg:$0x0];
	s2 =	stileid.u32  }
0x6c: {  	s1 =	rddreg [dreg:$0x1];
	p0 =	sne.s32 s2, $0x0  }
0x6d: {  	s3 =	rddreg [dreg:$0x2];
	[bflag:$0x3] =	sbarrier.arrive $0xFFFF;
	s2 =	simm.s32 @!p0 $0x1C05  }
0x6e: {  	[timem:s3], [sflag:s2] =	dma.local @!p0 [hbm:s0], s1  }
0x6f: {  	s0 =	simm.s32 @!p0 $0x5  }
0x70: {  	_ =	swait.ge @!p0 [sflag:s0], s1  }
0x71: {  	s1 =	ssub.s32 @!p0 $0x0, s1;
	[sflag:s0] =	ssyncset.done @!p0 $0x0  }
0x72: {  	[sflag:s0] =	ssyncadd.s32 @!p0 s1  }
0x73: {  	[bflag:$0x3] =	sbarrier.arrive $0xFFFF  }
0x74: {  	_ =	shalt  }

// kernel: kernel.36.cloned.1.call-start
scs
__scs_entry_jumppad:
0x0: {  	(pc) =	sbr.rel $0x88, $3  }
0x1: {  	(tag) =	ssettag $0x0;
	lr =	simm.s32 $0x1  }
0x2: {  	[smem:$0x3F88] =	sst lr;
	_ =	strace $0xD0000000  }
0x3: {  	_ = 	snop  }
0x4: {  	_ = 	snop  }
0x5: {  	_ = 	snop  }
0x6: {  	_ = 	snop  }
0x7: {  	_ = 	snop  }
__scs_overlays_trampoline_lowered:
0x8: {  	[smem:$0x3F97] =	sst s0  }
0x9: {  	[smem:$0x3F98] =	sst s1  }
0xa: {  	[smem:$0x3F99] =	sst s2  }
0xb: {  	[smem:$0x3F9A] =	sst s3  }
0xc: {  	[smem:$0x3F9B] =	sst s4  }
0xd: {  	[smem:$0x3F9C] =	sst s5  }
0xe: {  	[smem:$0x3F9D] =	sst s6  }
0xf: {  	[smem:$0x3F9E] =	sst s7  }
0x10: {  	[smem:$0x3F9F] =	sst s8  }
0x11: {  	[smem:$0x3FA0] =	sst s9;
	s0 =	simm.s32 @!p0 $0x0  }
0x12: {  	s1 =	sld [smem:$0x3F86];
	s0 =	simm.s32 @p0 $0x1  }
0x13: {  	[smem:$0x3FA1] =	sst s0;
	s0 =	simm.s32 @!p1 $0x0  }
0x14: {  	s2 =	sld [smem:$0x3F85];
	s0 =	simm.s32 @p1 $0x1  }
0x15: {  	[smem:$0x3FA2] =	sst s0;
	s0 =	simm.s32 @!p2 $0x0  }
0x16: {  	s3 =	sld [smem:$0x3FDB];
	s0 =	simm.s32 @p2 $0x1  }
0x17: {  	s4 =	simm.s32 $0x1BF5;
	[smem:$0x3FA4] =	sst s0  }
0x18: {  	s0 =	sld [smem:$0x3F87];
	_ =	swait.ge [sflag:s4], $0x0  }
0x19: {  	s7 =	sld [smem:$0x3F88]  }
0x1a: {  	s8 =	sadd.s32 $0xFFFFE003, lr  }
0x1b: {  	s9 =	sadd.s32 $0xFFFFFEF7, lr;
	s5 =	simm.s32 $0xFFFFFFFF;
	p2 =	slt.u32 s8, $0xFFFFF086  }
0x1c: {  	p1 =	slt.u32 s9, $0xF7A;
	s5 =	simm.s32 @!p2 $0x0  }
0x1d: {  	s5 =	simm.s32 @p1 $0x1;
	p0 =	seq.s32 s7, s2  }
0x1e: {  	s7 =	smul.u32 @!p0 $0xF7A, s2;
	p2 =	seq.s32 @!p0 s5, $0x0  }
0x1f: {  	s9 =	smul.u32 $0xF7A, s1;
	s8 =	simm.s32 @!p0 $0x1BF5;
	p2 =	por !p2, p0  }
0x20: {  	[sflag:s8] =	ssyncset.s32 @!p0 $0xFFFFF086;
	s6 =	sadd.s32 @!p0 s3, s7;
	s7 =	simm.s32 @!p0 $0x108  }
0x21: {  	s3 =	sadd.s32 s3, s9;
	s6 =	sadd.s32 @!p0 $0x88, s6;
	s7 =	simm.s32 @p2 $0x1082  }
0x22: {  	[simem:s7], [sflag:s8] =	dma.local @!p0 [hbm:s6], $0xF7A  }
0x23: {  	s9 =	sor.u32 $0xD0000000, s2;
	s6 =	simm.s32 $0x108;
	_ =	swait.ge @!p0 [sflag:s8], $0x0  }
0x24: {  	s3 =	sadd.s32 $0x88, s3;
	s6 =	simm.s32 @!p1 $0x1082;
	[sflag:s4] =	ssyncset.s32 $0xFFFFF086  }
0x25: {  	[simem:s6], [sflag:s4] =	dma.local [hbm:s3], $0xF7A  }
0x26: {  	[smem:$0x3F88] =	sst s1;
	(tag) =	ssettag s2;
	_ =	strace s9  }
0x27: {  	s1 =	sld [smem:$0x3F98]  }
0x28: {  	s2 =	sld [smem:$0x3F99]  }
0x29: {  	s4 =	sld [smem:$0x3F9B]  }
0x2a: {  	p0 =	seq.s32 s5, $0x0;
	s5 =	sld [smem:$0x3F9C]  }
0x2b: {  	s6 =	sld [smem:$0x3F9D]  }
0x2c: {  	s7 =	sld [smem:$0x3F9E]  }
0x2d: {  	s3 =	simm.s32 $0x108;
	s8 =	sld [smem:$0x3F9F]  }
0x2e: {  	s3 =	simm.s32 @!p0 $0x1082;
	s9 =	sld [smem:$0x3FA0]  }
0x2f: {  	lr =	sadd.s32 s0, s3;
	s0 =	sld [smem:$0x3F97]  }
0x30: {  	s3 =	sld [smem:$0x3F9A]  }
0x31: {  	[smem:$0x3FA3] =	sst s10  }
0x32: {  	s10 =	sld [smem:$0x3FA1];
	_ =	sdelay $0x3  }
0x33: {  	p0 =	seq.s32 s10, $0x1;
	s10 =	sld [smem:$0x3FA3];
	_ =	sdelay $0x3  }
0x34: {  	[smem:$0x3FA3] =	sst s10  }
0x35: {  	s10 =	sld [smem:$0x3FA2];
	_ =	sdelay $0x3  }
0x36: {  	p1 =	seq.s32 s10, $0x1;
	s10 =	sld [smem:$0x3FA3];
	_ =	sdelay $0x3  }
0x37: {  	[smem:$0x3FA3] =	sst s10  }
0x38: {  	s10 =	sld [smem:$0x3FA4]  }
0x39: {  	_ = 	snop;
	(pc) =	sbr.ind lr, $3  }
0x3a: {  	_ = 	snop  }
0x3b: {  	_ = 	snop  }
0x3c: {  	p2 =	seq.s32 s10, $0x1;
	s10 =	sld [smem:$0x3FA3]  }
0x3d: {  	_ =	shalt  }
0x3e: {  	_ =	shalt  }
0x3f: {  	_ =	shalt  }
0x40: {  	_ =	shalt  }
0x41: {  	_ =	shalt  }
0x42: {  	_ =	shalt  }
0x43: {  	_ =	shalt  }
0x44: {  	_ =	shalt  }
0x45: {  	_ =	shalt  }
0x46: {  	_ =	shalt  }
0x47: {  	_ =	shalt  }
0x48: {  	_ =	shalt  }
0x49: {  	_ =	shalt  }
0x4a: {  	_ =	shalt  }
0x4b: {  	_ =	shalt  }
0x4c: {  	_ =	shalt  }
0x4d: {  	_ =	shalt  }
0x4e: {  	_ =	shalt  }
0x4f: {  	_ =	shalt  }
0x50: {  	_ =	shalt  }
0x51: {  	_ =	shalt  }
0x52: {  	_ =	shalt  }
0x53: {  	_ =	shalt  }
0x54: {  	_ =	shalt  }
0x55: {  	_ =	shalt  }
0x56: {  	_ =	shalt  }
0x57: {  	_ =	shalt  }
0x58: {  	_ =	shalt  }
0x59: {  	_ =	shalt  }
0x5a: {  	_ =	shalt  }
0x5b: {  	_ =	shalt  }
0x5c: {  	_ =	shalt  }
0x5d: {  	_ =	shalt  }
0x5e: {  	_ =	shalt  }
0x5f: {  	_ =	shalt  }
0x60: {  	_ =	shalt  }
0x61: {  	_ =	shalt  }
0x62: {  	_ =	shalt  }
0x63: {  	_ =	shalt  }
0x64: {  	_ =	shalt  }
0x65: {  	_ =	shalt  }
0x66: {  	_ =	shalt  }
0x67: {  	_ =	shalt  }
0x68: {  	_ =	shalt  }
0x69: {  	_ =	shalt  }
0x6a: {  	_ =	shalt  }
0x6b: {  	_ =	shalt  }
0x6c: {  	_ =	shalt  }
0x6d: {  	_ =	shalt  }
0x6e: {  	_ =	shalt  }
0x6f: {  	_ =	shalt  }
0x70: {  	_ =	shalt  }
0x71: {  	_ =	shalt  }
0x72: {  	_ =	shalt  }
0x73: {  	_ =	shalt  }
0x74: {  	_ =	shalt  }
0x75: {  	_ =	shalt  }
0x76: {  	_ =	shalt  }
0x77: {  	_ =	shalt  }
0x78: {  	_ =	shalt  }
0x79: {  	_ =	shalt  }
0x7a: {  	_ =	shalt  }
0x7b: {  	_ =	shalt  }
0x7c: {  	_ =	shalt  }
0x7d: {  	_ =	shalt  }
0x7e: {  	_ =	shalt  }
0x7f: {  	_ =	shalt  }
0x80: {  	_ =	shalt  }
0x81: {  	_ =	shalt  }
0x82: {  	_ =	shalt  }
0x83: {  	_ =	shalt  }
0x84: {  	_ =	shalt  }
0x85: {  	_ =	shalt  }
0x86: {  	_ =	shalt  }
0x87: {  	_ =	shalt  }
.Lfunc_end0:
.L_simem_size_0:
called_computation.5_lowered:
.L_overlay_start_0:
0x88: {  	s2 =	sld [smem:$0x3FD9]  }
0x89: {  	s3 =	sld [smem:$0x3FFE];
	_ =	sdelay $0x1  }
0x8a: {  	s1 =	srdreg.scid  }
0x8b: {  	s0 =	sand.u32 $0x1, s1  }
0x8c: {  	s16 =	sshll.u32 s0, $0xA;
	s2 =	sadd.s32 s3, s2  }
0x8d: {  	s2 =	sadd.s32 s2, s16  }
0x8e: {  	[smem:$0x3FAF] =	sst s2  }
0x8f: {  	_ = 	snop  }
0x90: {  	(tm) =	ssettm $0x1  }
0x91: {  	s17 =	sld [smem:$0x3FFB];
	_ =	sdelay $0x3  }
0x92: {  	_ =	strace s17  }
0x93: {  	s2 =	sld [smem:$0x3FFC];
	_ =	sdelay $0x3  }
0x94: {  	_ =	strace s2  }
0x95: {  	s2 =	sld [smem:$0x3FFD];
	_ =	sdelay $0x3  }
0x96: {  	_ =	strace s2  }
0x97: {  	_ =	strace $0x8FFFFFFF  }
0x98: {  	s18 =	sld [smem:$0x3FDB];
	_ =	sdelay $0x1  }
0x99: {  	s19 =	simm.s32 $_scs_section_size  }
0x9a: {  	s4 =	simm.s32 $_size__tile_overlayer_lowered;
	s5 =	simm.s32 $_tile_overlayer_lowered  }
0x9b: {  	s22 =	simm.s32 $0x1BFF;
	s21 =	sshll.u32 s5, $0x1;
	s2 =	sadd.s32 s19, s18  }
0x9c: {  	s6 =	simm.s32 $0x0;
	s20 =	sshll.u32 s4, $0x1;
	s4 =	sadd.s32 s21, s2  }
0x9d: {  	[timem:s6], [sflag:s22] =	dma.local [hbm:s4], s20  }
0x9e: {  	_ =	swait.ge [sflag:s22], s20  }
0x9f: {  	s3 =	ssub.s32 $0x0, s20;
	[sflag:s22] =	ssyncset.done $0x0  }
0xa0: {  	[sflag:s22] =	ssyncadd.s32 s3;
	_ =	sdelay $0x1  }
0xa1: {  	s23 =	simm.s32 $0x1B8B  }
0xa2: {  	_ =	swait.ge [sflag:s23], $0x1  }
0xa3: {  	[sflag:s23] =	ssyncset.done $0x0  }
0xa4: {  	s25 =	simm.s32 $0x1B8E;
	s24 =	sld [smem:$0x3FFE];
	[sflag:s23] =	ssyncadd.s32 $0xFFFFFFFF  }
0xa5: {  	s26 =	simm.s32 $execute0_lowered;
	[smem:$0x3FD2] =	sst s25  }
0xa6: {  	s4 =	sshll.u32 s26, $0x1;
	_ =	strace $0x80000055;
	[dreg:$0x1] =	wrdreg $0xFFFFFFFF  }
0xa7: {  	s28 =	simm.s32 $_size_execute0_lowered;
	s2 =	sadd.s32 s2, s4;
	[dreg:$0x0] =	wrdreg $0x0  }
0xa8: {  	s4 =	sshll.u32 s28, $0x1;
	[dreg:$0x2] =	wrdreg s2  }
0xa9: {  	[dreg:$0x3] =	wrdreg s4  }
0xaa: {  	[dreg:$0x4] =	wrdreg $0xC0  }
0xab: {  	_ =	task [dreg:s6], $0x5FFFF  }
0xac: {  	[dreg:$0x1] =	wrdreg $0xFFFFFFFF  }
0xad: {  	[dreg:$0x0] =	wrdreg $0x60  }
0xae: {  	[dreg:$0x2] =	wrdreg s24  }
0xaf: {  	[dreg:$0x3] =	wrdreg $0x82000  }
0xb0: {  	[dreg:$0x4] =	wrdreg $0x9  }
0xb1: {  	_ =	task.clear_ibuf [dreg:s6], $0x5FFFF;
	_ =	strace $0x90000055  }
0xb2: {  	s29 =	simm.s32 $0x9;
	_ =	strace $0x80000057  }
0xb3: {  	_ =	swait.ge [sflag:s29], $0x1  }
0xb4: {  	[sflag:s29] =	ssyncadd.s32 $0xFFFFFFFF  }
0xb5: {  	_ =	strace $0x90000057  }
0xb6: {  	_ =	sfence  }
0xb7: {  	s30 =	sld [smem:$0x0];
	_ =	sdelay $0x2  }
0xb8: {  	s31 =	sshll.u32 s1, $0xD;
	s1 =	sshrl.u32 s1, $0x2  }
0xb9: {  	s3 =	sand.u32 $0x4000, s31;
	s1 =	sadd.s32 s1, s30  }
0xba: {  	s0 =	sor.u32 s3, s0;
	s1 =	sshll.u32 s1, $0x11  }
0xbb: {  	s0 =	sor.u32 s1, s0  }
0xbc: {  	s0 =	sadd.s32 $0x8F2B, s0  }
0xbd: {  	[sflag:s0] =	ssyncadd.remote.s32 $0x1  }
0xbe: {  	_ =	sfence.sel $0xFFFF  }
0xbf: {  	[dreg:$0x0] =	wrdreg $0xFFFFFFFF;
	(pc) =	sbr.abs _section_cstart, $3  }
0xc0: {  	[dreg:$0x1] =	wrdreg $0xFFFFFFFF  }
0xc1: {  	_ =	task.clear_ibuf [dreg:s6], $0x2FFFF;
	_ =	strace $0x9FFFFFFF  }
0xc2: {  	(tm) =	ssettm $0x7FFFFFFF  }
0xc3: {  	_ =	shalt  }
tec
execute0_lowered:
.L_overlay_start_1:
0x0: {  	(tag) =	ssettag $0x1  }
0x1: {  	s5 =	rddreg [dreg:$0x0]  }
0x2: {  	s2 =	rddreg [dreg:$0x1]  }
0x3: {  	s0 =	rddreg [dreg:$0x2];
	s3 =	simm.s32 $0x0;
	s1 =	stileid.u32  }
0x4: {  	s4 =	srdreg.scid;
	s17 =	simm.s32 $0x80;
	s18 =	simm.s32 $0x200  }
0x5: {  	s19 =	simm.s32 $0x3;
	s20 =	simm.s32 $0x2;
	s21 =	simm.s32 $0x4200  }
0x6: {  	[smem:$0x7FF] =	sst s3;
	s6 =	smul.u32 $0x13800, s1;
	s7 =	sand.u32 $0x1, s4  }
0x7: {  	s4 =	sadd.s32 $0x44400, s5;
	s12 =	sadd.s32 $0x9200, s5;
	s11 =	smul.u32 $0x4E000, s1  }
0x8: {  	s30 =	smul.u32 $0x5000, s1;
	s31 =	sshll.u32 s1, $0x6;
	_ =	strace $0x80000056  }
0x9: {  	s8 =	smul.u32 $0x138C00, s7;
	s9 =	sshll.u32 s7, $0x4;
	s25 =	ssub.s32 $0x2, s7  }
0xa: {  	s28 =	smul.u32 $0x50000, s7;
	s10 =	sshrl.u32 s6, $0x3;
	s22 =	sor.u32 s1, s9  }
0xb: {  	s13 =	sshrl.u32 s25, $0x1;
	s29 =	sshrl.u32 s11, $0x2;
	s6 =	sadd.s32 s6, s8  }
0xc: {  	s23 =	sadd.s32 s10, s5;
	s8 =	smul.u32 $0x5000, s22;
	s13 =	ssub.s32 s25, s13  }
0xd: {  	s14 =	sadd.s32 s29, s2;
	s11 =	sadd.s32 s30, s28;
	s22 =	simm.s32 $0x4  }
0xe: {  	s6 =	sshrl.u32 s6, $0x3;
	s7 =	sadd.s32 $0x1D200, s23;
	s15 =	sor.u32 $0x300, s11  }
0xf: {  	s11 =	sor.u32 $0x200, s11;
	s10 =	smax.u32 s13, $0x1;
	s13 =	simm.s32 $0x100  }
0x10: {  	s14 =	sshrl.u32 s14, $0x3;
	s23 =	simm.s32 $0x180;
	s24 =	sadd.s32 s6, s5  }
0x11: {  	s26 =	sshrl.u32 s8, $0x3;
	s8 =	sor.u32 $0x1C05, s31;
	s15 =	sshrl.u32 s15, $0x3  }
0x12: {  	s16 =	sshrl.u32 s11, $0x3;
	s5 =	sadd.s32 s12, s26;
	s9 =	sadd.s32 $0xB9A00, s24  }
0x13: {  	s11 =	sadd.s32 s15, s12;
	s12 =	sadd.s32 s16, s12;
	s15 =	simm.s32 $0x5  }
0x14: {  	s16 =	simm.s32 $0x1;
	s24 =	simm.s32 $0x0;
	s6 =	sadd.s32 $0x20, s5  }
.LBB2_1:
0x15: {  	[tilespmem:s3], [sflag:$0x1] =	stream.linear.gather [hbm4b:s5+s3], $0x100, $0x38;
	[tilespmem:$0x1BAC0] =	vst v63  }
0x16: {  	_ = 	snop  }
0x17: {  	[tilespmem:s13], [sflag:$0x2] =	stream.linear.gather [hbm4b:s6+s3], $0x100, $0x38;
	[tilespmem:$0x1BAC0] =	vst v63  }
0x18: {  	[spmem:s14], [sflag:s8] =	dma.local [hbm:s7], $0x2880  }
0x19: {  	_ =	swait.ge [sflag:s15], $0x2880  }
0x1a: {  	[sflag:s15] =	ssyncset.done $0x0  }
0x1b: {  	[sflag:s15] =	ssyncadd.s32 $0xFFFFD780  }
0x1c: {  	[bflag:$0x0] =	sbarrier.arrive $0xFFFF  }
0x1d: {  	_ =	swait.ge [sflag:s16], $0x100  }
0x1e: {  	[sflag:s16] =	ssyncset.done $0x0  }
0x1f: {  	[sflag:s16] =	ssyncadd.s32 $0xFFFFFF00  }
0x20: {  	[tilespmem:s18], [sflag:$0x3] =	stream.indirect.gather [hbm4b:s4+s17], $0x80, s3, s17, $0xb8;
	[tilespmem:$0x1BAC0] =	vst v63  }
0x21: {  	_ =	swait.ge [sflag:s19], $0x4000  }
0x22: {  	[sflag:s19] =	ssyncset.done $0x0  }
0x23: {  	[sflag:s19] =	ssyncadd.s32 $0xFFFFC000  }
0x24: {  	_ =	swait.ge [sflag:s20], $0x100  }
0x25: {  	[sflag:s20] =	ssyncset.done $0x0  }
0x26: {  	[sflag:s20] =	ssyncadd.s32 $0xFFFFFF00  }
0x27: {  	[tilespmem:s21], [sflag:$0x4] =	stream.indirect.gather [hbm4b:s4+s17], $0x80, s13, s17, $0xb8;
	[tilespmem:$0x1BAC0] =	vst v63  }
0x28: {  	_ = 	snop  }
0x29: {  	[spmem:s2] =	stream.indirect.scatter.add.f32 [tilespmem:s18], [sflag:$0x5], $0x80, s17, s17, $0xb8;
	[tilespmem:$0x1BAC0] =	vst v63  }
0x2a: {  	_ =	swait.ge [sflag:s15], $0x4000  }
0x2b: {  	[sflag:s15] =	ssyncset.done $0x0  }
0x2c: {  	s25 =	sadd.s32 $0x0, s12;
	[sflag:s15] =	ssyncadd.s32 $0xFFFFC000  }
0x2d: {  	[tilespmem:s3], [sflag:$0x1] =	stream.linear.gather [hbm4b:s25+s3], $0x100, $0x38;
	[tilespmem:$0x1BAC0] =	vst v63  }
0x2e: {  	_ =	swait.ge [sflag:s22], $0x4000  }
0x2f: {  	[sflag:s22] =	ssyncset.done $0x0  }
0x30: {  	[sflag:s22] =	ssyncadd.s32 $0xFFFFC000  }
0x31: {  	_ =	swait.ge [sflag:s16], $0x100  }
0x32: {  	[sflag:s16] =	ssyncset.done $0x0  }
0x33: {  	[sflag:s16] =	ssyncadd.s32 $0xFFFFFF00  }
0x34: {  	[tilespmem:s18], [sflag:$0x3] =	stream.indirect.gather [hbm4b:s4+s17], $0x80, s3, s17, $0xb8;
	[tilespmem:$0x1BAC0] =	vst v63  }
0x35: {  	_ = 	snop  }
0x36: {  	[spmem:s2] =	stream.indirect.scatter.add.f32 [tilespmem:s21], [sflag:$0x5], $0x80, s23, s17, $0xb8;
	[tilespmem:$0x1BAC0] =	vst v63  }
0x37: {  	_ =	swait.ge [sflag:s15], $0x4000  }
0x38: {  	[sflag:s15] =	ssyncset.done $0x0  }
0x39: {  	s26 =	sadd.s32 $0x0, s11;
	s25 =	simm.s32 $0x40;
	[sflag:s15] =	ssyncadd.s32 $0xFFFFC000  }
.LBB2_2:
0x3a: {  	[tilespmem:s13], [sflag:$0x2] =	stream.linear.gather [hbm4b:s26+s3], $0x100, $0x38;
	[tilespmem:$0x1BAC0] =	vst v63  }
0x3b: {  	s26 =	smov.u32 s25  }
0x3c: {  	p0 =	sne.s32 s25, $0x980;
	s25 =	sadd.s32 $0x40, s25;
	_ =	swait.ge [sflag:s19], $0x4000  }
0x3d: {  	[sflag:s19] =	ssyncset.done $0x0  }
0x3e: {  	[sflag:s19] =	ssyncadd.s32 $0xFFFFC000  }
0x3f: {  	_ =	swait.ge [sflag:s20], $0x100  }
0x40: {  	[sflag:s20] =	ssyncset.done $0x0  }
0x41: {  	[sflag:s20] =	ssyncadd.s32 $0xFFFFFF00  }
0x42: {  	[tilespmem:s21], [sflag:$0x4] =	stream.indirect.gather [hbm4b:s4+s17], $0x80, s13, s17, $0xb8;
	[tilespmem:$0x1BAC0] =	vst v63  }
0x43: {  	_ = 	snop  }
0x44: {  	[spmem:s2] =	stream.indirect.scatter.add.f32 [tilespmem:s18], [sflag:$0x5], $0x80, s17, s17, $0xb8;
	[tilespmem:$0x1BAC0] =	vst v63  }
0x45: {  	_ =	swait.ge [sflag:s15], $0x4000  }
0x46: {  	[sflag:s15] =	ssyncset.done $0x0  }
0x47: {  	s28 =	sadd.s32 s26, s12;
	[sflag:s15] =	ssyncadd.s32 $0xFFFFC000  }
0x48: {  	[tilespmem:s3], [sflag:$0x1] =	stream.linear.gather [hbm4b:s28+s3], $0x100, $0x38;
	[tilespmem:$0x1BAC0] =	vst v63  }
0x49: {  	_ =	swait.ge [sflag:s22], $0x4000  }
0x4a: {  	[sflag:s22] =	ssyncset.done $0x0  }
0x4b: {  	[sflag:s22] =	ssyncadd.s32 $0xFFFFC000  }
0x4c: {  	_ =	swait.ge [sflag:s16], $0x100  }
0x4d: {  	[sflag:s16] =	ssyncset.done $0x0  }
0x4e: {  	[sflag:s16] =	ssyncadd.s32 $0xFFFFFF00  }
0x4f: {  	[tilespmem:s18], [sflag:$0x3] =	stream.indirect.gather [hbm4b:s4+s17], $0x80, s3, s17, $0xb8;
	[tilespmem:$0x1BAC0] =	vst v63  }
.Ltmp0:
0x50: {  	(pc) =	sbr.rel @p0 .LBB2_2-.Ltmp0, $4  }
0x51: {  	[spmem:s2] =	stream.indirect.scatter.add.f32 [tilespmem:s21], [sflag:$0x5], $0x80, s23, s17, $0xb8;
	[tilespmem:$0x1BAC0] =	vst v63  }
0x52: {  	_ =	swait.ge [sflag:s15], $0x4000  }
0x53: {  	[sflag:s15] =	ssyncset.done $0x0  }
0x54: {  	s26 =	sadd.s32 s26, s11;
	[sflag:s15] =	ssyncadd.s32 $0xFFFFC000  }
0x55: {  	[tilespmem:s13], [sflag:$0x2] =	stream.linear.gather [hbm4b:s26+s3], $0x100, $0x38;
	[tilespmem:$0x1BAC0] =	vst v63  }
0x56: {  	_ =	swait.ge [sflag:s19], $0x4000  }
0x57: {  	[sflag:s19] =	ssyncset.done $0x0  }
0x58: {  	[sflag:s19] =	ssyncadd.s32 $0xFFFFC000  }
0x59: {  	[spmem:s2] =	stream.indirect.scatter.add.f32 [tilespmem:s18], [sflag:$0x5], $0x80, s17, s17, $0xb8;
	[tilespmem:$0x1BAC0] =	vst v63  }
0x5a: {  	_ =	swait.ge [sflag:s15], $0x4000  }
0x5b: {  	[sflag:s15] =	ssyncset.done $0x0  }
0x5c: {  	[sflag:s15] =	ssyncadd.s32 $0xFFFFC000  }
0x5d: {  	_ =	swait.ge [sflag:s20], $0x100  }
0x5e: {  	s24 =	sadd.s32 $0x1, s24;
	[sflag:s20] =	ssyncset.done $0x0  }
0x5f: {  	p0 =	sne.s32 s24, s10;
	[sflag:s20] =	ssyncadd.s32 $0xFFFFFF00  }
.Ltmp1:
0x60: {  	[bflag:$0x0] =	sbarrier.arrive $0xFFFF;
	(pc) =	sbr.rel @p0 .LBB2_1-.Ltmp1, $4  }
0x61: {  	[hbm:s9], [sflag:s8] =	dma.local [spmem:s14], $0x2880  }
0x62: {  	_ =	swait.ge [sflag:s15], $0x2880  }
0x63: {  	[sflag:s15] =	ssyncset.done $0x0  }
0x64: {  	[sflag:s15] =	ssyncadd.s32 $0xFFFFD780  }
0x65: {  	_ =	sfence.sel $0x180000  }
0x66: {  	[bflag:$0x0] =	sbarrier.arrive $0xFFFF  }
0x67: {  	p0 =	sne.s32 s1, $0x0;
	_ =	strace $0x90000056  }
0x68: {  	s0 =	sadd.s32 @!p0 $0x100000, s0;
	[bflag:$0x2] =	sbarrier.arrive $0xFFFF  }
0x69: {  	[sflag:s0] =	ssyncadd.tile.s32 @!p0 $0x1;
	_ =	shalt  }
.Lfunc_end2:
_tile_overlayer_lowered:
.L_overlay_start_2:
0x6a: {  	(tag) =	ssettag $0x2  }
0x6b: {  	s0 =	rddreg [dreg:$0x0];
	s2 =	stileid.u32  }
0x6c: {  	s1 =	rddreg [dreg:$0x1];
	p0 =	sne.s32 s2, $0x0  }
0x6d: {  	s3 =	rddreg [dreg:$0x2];
	[bflag:$0x3] =	sbarrier.arrive $0xFFFF;
	s2 =	simm.s32 @!p0 $0x1C05  }
0x6e: {  	[timem:s3], [sflag:s2] =	dma.local @!p0 [hbm:s0], s1  }
0x6f: {  	s0 =	simm.s32 @!p0 $0x5  }
0x70: {  	_ =	swait.ge @!p0 [sflag:s0], s1  }
0x71: {  	s1 =	ssub.s32 @!p0 $0x0, s1;
	[sflag:s0] =	ssyncset.done @!p0 $0x0  }
0x72: {  	[sflag:s0] =	ssyncadd.s32 @!p0 s1  }
0x73: {  	[bflag:$0x3] =	sbarrier.arrive $0xFFFF  }
0x74: {  	_ =	shalt  }

// kernel: kernel.39.cloned.1.call-start
scs
__scs_entry_jumppad:
0x0: {  	(pc) =	sbr.rel $0x88, $3  }
0x1: {  	(tag) =	ssettag $0x0;
	lr =	simm.s32 $0x1  }
0x2: {  	[smem:$0x3F88] =	sst lr;
	_ =	strace $0xD0000000  }
0x3: {  	_ = 	snop  }
0x4: {  	_ = 	snop  }
0x5: {  	_ = 	snop  }
0x6: {  	_ = 	snop  }
0x7: {  	_ = 	snop  }
__scs_overlays_trampoline_lowered:
0x8: {  	[smem:$0x3F97] =	sst s0  }
0x9: {  	[smem:$0x3F98] =	sst s1  }
0xa: {  	[smem:$0x3F99] =	sst s2  }
0xb: {  	[smem:$0x3F9A] =	sst s3  }
0xc: {  	[smem:$0x3F9B] =	sst s4  }
0xd: {  	[smem:$0x3F9C] =	sst s5  }
0xe: {  	[smem:$0x3F9D] =	sst s6  }
0xf: {  	[smem:$0x3F9E] =	sst s7  }
0x10: {  	[smem:$0x3F9F] =	sst s8  }
0x11: {  	[smem:$0x3FA0] =	sst s9;
	s0 =	simm.s32 @!p0 $0x0  }
0x12: {  	s1 =	sld [smem:$0x3F86];
	s0 =	simm.s32 @p0 $0x1  }
0x13: {  	[smem:$0x3FA1] =	sst s0;
	s0 =	simm.s32 @!p1 $0x0  }
0x14: {  	s2 =	sld [smem:$0x3F85];
	s0 =	simm.s32 @p1 $0x1  }
0x15: {  	[smem:$0x3FA2] =	sst s0;
	s0 =	simm.s32 @!p2 $0x0  }
0x16: {  	s3 =	sld [smem:$0x3FDB];
	s0 =	simm.s32 @p2 $0x1  }
0x17: {  	s4 =	simm.s32 $0x1BF5;
	[smem:$0x3FA4] =	sst s0  }
0x18: {  	s0 =	sld [smem:$0x3F87];
	_ =	swait.ge [sflag:s4], $0x0  }
0x19: {  	s7 =	sld [smem:$0x3F88]  }
0x1a: {  	s8 =	sadd.s32 $0xFFFFE003, lr  }
0x1b: {  	s9 =	sadd.s32 $0xFFFFFEF7, lr;
	s5 =	simm.s32 $0xFFFFFFFF;
	p2 =	slt.u32 s8, $0xFFFFF086  }
0x1c: {  	p1 =	slt.u32 s9, $0xF7A;
	s5 =	simm.s32 @!p2 $0x0  }
0x1d: {  	s5 =	simm.s32 @p1 $0x1;
	p0 =	seq.s32 s7, s2  }
0x1e: {  	s7 =	smul.u32 @!p0 $0xF7A, s2;
	p2 =	seq.s32 @!p0 s5, $0x0  }
0x1f: {  	s9 =	smul.u32 $0xF7A, s1;
	s8 =	simm.s32 @!p0 $0x1BF5;
	p2 =	por !p2, p0  }
0x20: {  	[sflag:s8] =	ssyncset.s32 @!p0 $0xFFFFF086;
	s6 =	sadd.s32 @!p0 s3, s7;
	s7 =	simm.s32 @!p0 $0x108  }
0x21: {  	s3 =	sadd.s32 s3, s9;
	s6 =	sadd.s32 @!p0 $0x88, s6;
	s7 =	simm.s32 @p2 $0x1082  }
0x22: {  	[simem:s7], [sflag:s8] =	dma.local @!p0 [hbm:s6], $0xF7A  }
0x23: {  	s9 =	sor.u32 $0xD0000000, s2;
	s6 =	simm.s32 $0x108;
	_ =	swait.ge @!p0 [sflag:s8], $0x0  }
0x24: {  	s3 =	sadd.s32 $0x88, s3;
	s6 =	simm.s32 @!p1 $0x1082;
	[sflag:s4] =	ssyncset.s32 $0xFFFFF086  }
0x25: {  	[simem:s6], [sflag:s4] =	dma.local [hbm:s3], $0xF7A  }
0x26: {  	[smem:$0x3F88] =	sst s1;
	(tag) =	ssettag s2;
	_ =	strace s9  }
0x27: {  	s1 =	sld [smem:$0x3F98]  }
0x28: {  	s2 =	sld [smem:$0x3F99]  }
0x29: {  	s4 =	sld [smem:$0x3F9B]  }
0x2a: {  	p0 =	seq.s32 s5, $0x0;
	s5 =	sld [smem:$0x3F9C]  }
0x2b: {  	s6 =	sld [smem:$0x3F9D]  }
0x2c: {  	s7 =	sld [smem:$0x3F9E]  }
0x2d: {  	s3 =	simm.s32 $0x108;
	s8 =	sld [smem:$0x3F9F]  }
0x2e: {  	s3 =	simm.s32 @!p0 $0x1082;
	s9 =	sld [smem:$0x3FA0]  }
0x2f: {  	lr =	sadd.s32 s0, s3;
	s0 =	sld [smem:$0x3F97]  }
0x30: {  	s3 =	sld [smem:$0x3F9A]  }
0x31: {  	[smem:$0x3FA3] =	sst s10  }
0x32: {  	s10 =	sld [smem:$0x3FA1];
	_ =	sdelay $0x3  }
0x33: {  	p0 =	seq.s32 s10, $0x1;
	s10 =	sld [smem:$0x3FA3];
	_ =	sdelay $0x3  }
0x34: {  	[smem:$0x3FA3] =	sst s10  }
0x35: {  	s10 =	sld [smem:$0x3FA2];
	_ =	sdelay $0x3  }
0x36: {  	p1 =	seq.s32 s10, $0x1;
	s10 =	sld [smem:$0x3FA3];
	_ =	sdelay $0x3  }
0x37: {  	[smem:$0x3FA3] =	sst s10  }
0x38: {  	s10 =	sld [smem:$0x3FA4]  }
0x39: {  	_ = 	snop;
	(pc) =	sbr.ind lr, $3  }
0x3a: {  	_ = 	snop  }
0x3b: {  	_ = 	snop  }
0x3c: {  	p2 =	seq.s32 s10, $0x1;
	s10 =	sld [smem:$0x3FA3]  }
0x3d: {  	_ =	shalt  }
0x3e: {  	_ =	shalt  }
0x3f: {  	_ =	shalt  }
0x40: {  	_ =	shalt  }
0x41: {  	_ =	shalt  }
0x42: {  	_ =	shalt  }
0x43: {  	_ =	shalt  }
0x44: {  	_ =	shalt  }
0x45: {  	_ =	shalt  }
0x46: {  	_ =	shalt  }
0x47: {  	_ =	shalt  }
0x48: {  	_ =	shalt  }
0x49: {  	_ =	shalt  }
0x4a: {  	_ =	shalt  }
0x4b: {  	_ =	shalt  }
0x4c: {  	_ =	shalt  }
0x4d: {  	_ =	shalt  }
0x4e: {  	_ =	shalt  }
0x4f: {  	_ =	shalt  }
0x50: {  	_ =	shalt  }
0x51: {  	_ =	shalt  }
0x52: {  	_ =	shalt  }
0x53: {  	_ =	shalt  }
0x54: {  	_ =	shalt  }
0x55: {  	_ =	shalt  }
0x56: {  	_ =	shalt  }
0x57: {  	_ =	shalt  }
0x58: {  	_ =	shalt  }
0x59: {  	_ =	shalt  }
0x5a: {  	_ =	shalt  }
0x5b: {  	_ =	shalt  }
0x5c: {  	_ =	shalt  }
0x5d: {  	_ =	shalt  }
0x5e: {  	_ =	shalt  }
0x5f: {  	_ =	shalt  }
0x60: {  	_ =	shalt  }
0x61: {  	_ =	shalt  }
0x62: {  	_ =	shalt  }
0x63: {  	_ =	shalt  }
0x64: {  	_ =	shalt  }
0x65: {  	_ =	shalt  }
0x66: {  	_ =	shalt  }
0x67: {  	_ =	shalt  }
0x68: {  	_ =	shalt  }
0x69: {  	_ =	shalt  }
0x6a: {  	_ =	shalt  }
0x6b: {  	_ =	shalt  }
0x6c: {  	_ =	shalt  }
0x6d: {  	_ =	shalt  }
0x6e: {  	_ =	shalt  }
0x6f: {  	_ =	shalt  }
0x70: {  	_ =	shalt  }
0x71: {  	_ =	shalt  }
0x72: {  	_ =	shalt  }
0x73: {  	_ =	shalt  }
0x74: {  	_ =	shalt  }
0x75: {  	_ =	shalt  }
0x76: {  	_ =	shalt  }
0x77: {  	_ =	shalt  }
0x78: {  	_ =	shalt  }
0x79: {  	_ =	shalt  }
0x7a: {  	_ =	shalt  }
0x7b: {  	_ =	shalt  }
0x7c: {  	_ =	shalt  }
0x7d: {  	_ =	shalt  }
0x7e: {  	_ =	shalt  }
0x7f: {  	_ =	shalt  }
0x80: {  	_ =	shalt  }
0x81: {  	_ =	shalt  }
0x82: {  	_ =	shalt  }
0x83: {  	_ =	shalt  }
0x84: {  	_ =	shalt  }
0x85: {  	_ =	shalt  }
0x86: {  	_ =	shalt  }
0x87: {  	_ =	shalt  }
.Lfunc_end0:
.L_simem_size_0:
called_computation.6_lowered:
.L_overlay_start_0:
0x88: {  	s2 =	sld [smem:$0x3FD9]  }
0x89: {  	s3 =	sld [smem:$0x3FFE];
	_ =	sdelay $0x1  }
0x8a: {  	s1 =	srdreg.scid  }
0x8b: {  	s0 =	sand.u32 $0x1, s1  }
0x8c: {  	s16 =	sshll.u32 s0, $0xA;
	s2 =	sadd.s32 s3, s2  }
0x8d: {  	s2 =	sadd.s32 s2, s16  }
0x8e: {  	[smem:$0x3FAF] =	sst s2  }
0x8f: {  	_ = 	snop  }
0x90: {  	(tm) =	ssettm $0x1  }
0x91: {  	s17 =	sld [smem:$0x3FFB];
	_ =	sdelay $0x3  }
0x92: {  	_ =	strace s17  }
0x93: {  	s2 =	sld [smem:$0x3FFC];
	_ =	sdelay $0x3  }
0x94: {  	_ =	strace s2  }
0x95: {  	s2 =	sld [smem:$0x3FFD];
	_ =	sdelay $0x3  }
0x96: {  	_ =	strace s2  }
0x97: {  	_ =	strace $0x8FFFFFFF  }
0x98: {  	s18 =	sld [smem:$0x3FDB];
	_ =	sdelay $0x1  }
0x99: {  	s19 =	simm.s32 $_scs_section_size  }
0x9a: {  	s4 =	simm.s32 $_size__tile_overlayer_lowered;
	s5 =	simm.s32 $_tile_overlayer_lowered  }
0x9b: {  	s22 =	simm.s32 $0x1BFF;
	s21 =	sshll.u32 s5, $0x1;
	s2 =	sadd.s32 s19, s18  }
0x9c: {  	s6 =	simm.s32 $0x0;
	s20 =	sshll.u32 s4, $0x1;
	s4 =	sadd.s32 s21, s2  }
0x9d: {  	[timem:s6], [sflag:s22] =	dma.local [hbm:s4], s20  }
0x9e: {  	_ =	swait.ge [sflag:s22], s20  }
0x9f: {  	s3 =	ssub.s32 $0x0, s20;
	[sflag:s22] =	ssyncset.done $0x0  }
0xa0: {  	[sflag:s22] =	ssyncadd.s32 s3;
	_ =	sdelay $0x1  }
0xa1: {  	s23 =	simm.s32 $0x1B8B  }
0xa2: {  	_ =	swait.ge [sflag:s23], $0x1  }
0xa3: {  	[sflag:s23] =	ssyncset.done $0x0  }
0xa4: {  	s25 =	simm.s32 $0x1B8E;
	s24 =	sld [smem:$0x3FFE];
	[sflag:s23] =	ssyncadd.s32 $0xFFFFFFFF  }
0xa5: {  	s26 =	simm.s32 $execute0_lowered;
	[smem:$0x3FD2] =	sst s25  }
0xa6: {  	s4 =	sshll.u32 s26, $0x1;
	_ =	strace $0x80000058;
	[dreg:$0x1] =	wrdreg $0xFFFFFFFF  }
0xa7: {  	s28 =	simm.s32 $_size_execute0_lowered;
	s2 =	sadd.s32 s2, s4;
	[dreg:$0x0] =	wrdreg $0x0  }
0xa8: {  	s4 =	sshll.u32 s28, $0x1;
	[dreg:$0x2] =	wrdreg s2  }
0xa9: {  	[dreg:$0x3] =	wrdreg s4  }
0xaa: {  	[dreg:$0x4] =	wrdreg $0xC0  }
0xab: {  	_ =	task [dreg:s6], $0x5FFFF  }
0xac: {  	[dreg:$0x1] =	wrdreg $0xFFFFFFFF  }
0xad: {  	[dreg:$0x0] =	wrdreg $0x60  }
0xae: {  	[dreg:$0x2] =	wrdreg s24  }
0xaf: {  	[dreg:$0x3] =	wrdreg $0x82000  }
0xb0: {  	[dreg:$0x4] =	wrdreg $0x9  }
0xb1: {  	_ =	task.clear_ibuf [dreg:s6], $0x5FFFF;
	_ =	strace $0x90000058  }
0xb2: {  	s29 =	simm.s32 $0x9;
	_ =	strace $0x8000005A  }
0xb3: {  	_ =	swait.ge [sflag:s29], $0x1  }
0xb4: {  	[sflag:s29] =	ssyncadd.s32 $0xFFFFFFFF  }
0xb5: {  	_ =	strace $0x9000005A  }
0xb6: {  	_ =	sfence  }
0xb7: {  	s30 =	sld [smem:$0x0];
	_ =	sdelay $0x2  }
0xb8: {  	s31 =	sshll.u32 s1, $0xD;
	s1 =	sshrl.u32 s1, $0x2  }
0xb9: {  	s3 =	sand.u32 $0x4000, s31;
	s1 =	sadd.s32 s1, s30  }
0xba: {  	s0 =	sor.u32 s3, s0;
	s1 =	sshll.u32 s1, $0x11  }
0xbb: {  	s0 =	sor.u32 s1, s0  }
0xbc: {  	s0 =	sadd.s32 $0x8F2B, s0  }
0xbd: {  	[sflag:s0] =	ssyncadd.remote.s32 $0x1  }
0xbe: {  	_ =	sfence.sel $0xFFFF  }
0xbf: {  	[dreg:$0x0] =	wrdreg $0xFFFFFFFF;
	(pc) =	sbr.abs _section_cstart, $3  }
0xc0: {  	[dreg:$0x1] =	wrdreg $0xFFFFFFFF  }
0xc1: {  	_ =	task.clear_ibuf [dreg:s6], $0x2FFFF;
	_ =	strace $0x9FFFFFFF  }
0xc2: {  	(tm) =	ssettm $0x7FFFFFFF  }
0xc3: {  	_ =	shalt  }
tec
execute0_lowered:
.L_overlay_start_1:
0x0: {  	(tag) =	ssettag $0x1  }
0x1: {  	s5 =	rddreg [dreg:$0x0]  }
0x2: {  	s2 =	rddreg [dreg:$0x1]  }
0x3: {  	s0 =	rddreg [dreg:$0x2];
	s3 =	simm.s32 $0x0;
	s1 =	stileid.u32  }
0x4: {  	s4 =	srdreg.scid;
	s17 =	simm.s32 $0x80;
	s18 =	simm.s32 $0x200  }
0x5: {  	s19 =	simm.s32 $0x3;
	s20 =	simm.s32 $0x2;
	s21 =	simm.s32 $0x4200  }
0x6: {  	[smem:$0x7FF] =	sst s3;
	s6 =	smul.u32 $0x13800, s1;
	s7 =	sand.u32 $0x1, s4  }
0x7: {  	s4 =	sadd.s32 $0x44400, s5;
	s12 =	sadd.s32 $0x9200, s5;
	s11 =	smul.u32 $0x4E000, s1  }
0x8: {  	s30 =	smul.u32 $0x5000, s1;
	s31 =	sshll.u32 s1, $0x6;
	_ =	strace $0x80000059  }
0x9: {  	s8 =	smul.u32 $0x138C00, s7;
	s9 =	sshll.u32 s7, $0x4;
	s25 =	ssub.s32 $0x2, s7  }
0xa: {  	s28 =	smul.u32 $0x50000, s7;
	s10 =	sshrl.u32 s6, $0x3;
	s22 =	sor.u32 s1, s9  }
0xb: {  	s13 =	sshrl.u32 s25, $0x1;
	s29 =	sshrl.u32 s11, $0x2;
	s6 =	sadd.s32 s6, s8  }
0xc: {  	s23 =	sadd.s32 s10, s5;
	s8 =	smul.u32 $0x5000, s22;
	s13 =	ssub.s32 s25, s13  }
0xd: {  	s14 =	sadd.s32 s29, s2;
	s11 =	sadd.s32 s30, s28;
	s22 =	simm.s32 $0x4  }
0xe: {  	s6 =	sshrl.u32 s6, $0x3;
	s7 =	sadd.s32 $0x1D200, s23;
	s15 =	sor.u32 $0x300, s11  }
0xf: {  	s11 =	sor.u32 $0x200, s11;
	s10 =	smax.u32 s13, $0x1;
	s13 =	simm.s32 $0x100  }
0x10: {  	s14 =	sshrl.u32 s14, $0x3;
	s23 =	simm.s32 $0x180;
	s24 =	sadd.s32 s6, s5  }
0x11: {  	s26 =	sshrl.u32 s8, $0x3;
	s8 =	sor.u32 $0x1C05, s31;
	s15 =	sshrl.u32 s15, $0x3  }
0x12: {  	s16 =	sshrl.u32 s11, $0x3;
	s5 =	sadd.s32 s12, s26;
	s9 =	sadd.s32 $0xB9A00, s24  }
0x13: {  	s11 =	sadd.s32 s15, s12;
	s12 =	sadd.s32 s16, s12;
	s15 =	simm.s32 $0x5  }
0x14: {  	s16 =	simm.s32 $0x1;
	s24 =	simm.s32 $0x0;
	s6 =	sadd.s32 $0x20, s5  }
.LBB2_1:
0x15: {  	[tilespmem:s3], [sflag:$0x1] =	stream.linear.gather [hbm4b:s5+s3], $0x100, $0x38;
	[tilespmem:$0x1BAC0] =	vst v63  }
0x16: {  	_ = 	snop  }
0x17: {  	[tilespmem:s13], [sflag:$0x2] =	stream.linear.gather [hbm4b:s6+s3], $0x100, $0x38;
	[tilespmem:$0x1BAC0] =	vst v63  }
0x18: {  	[spmem:s14], [sflag:s8] =	dma.local [hbm:s7], $0x2880  }
0x19: {  	_ =	swait.ge [sflag:s15], $0x2880  }
0x1a: {  	[sflag:s15] =	ssyncset.done $0x0  }
0x1b: {  	[sflag:s15] =	ssyncadd.s32 $0xFFFFD780  }
0x1c: {  	[bflag:$0x0] =	sbarrier.arrive $0xFFFF  }
0x1d: {  	_ =	swait.ge [sflag:s16], $0x100  }
0x1e: {  	[sflag:s16] =	ssyncset.done $0x0  }
0x1f: {  	[sflag:s16] =	ssyncadd.s32 $0xFFFFFF00  }
0x20: {  	[tilespmem:s18], [sflag:$0x3] =	stream.indirect.gather [hbm4b:s4+s17], $0x80, s3, s17, $0xb8;
	[tilespmem:$0x1BAC0] =	vst v63  }
0x21: {  	_ =	swait.ge [sflag:s19], $0x4000  }
0x22: {  	[sflag:s19] =	ssyncset.done $0x0  }
0x23: {  	[sflag:s19] =	ssyncadd.s32 $0xFFFFC000  }
0x24: {  	_ =	swait.ge [sflag:s20], $0x100  }
0x25: {  	[sflag:s20] =	ssyncset.done $0x0  }
0x26: {  	[sflag:s20] =	ssyncadd.s32 $0xFFFFFF00  }
0x27: {  	[tilespmem:s21], [sflag:$0x4] =	stream.indirect.gather [hbm4b:s4+s17], $0x80, s13, s17, $0xb8;
	[tilespmem:$0x1BAC0] =	vst v63  }
0x28: {  	_ = 	snop  }
0x29: {  	[spmem:s2] =	stream.indirect.scatter.add.f32 [tilespmem:s18], [sflag:$0x5], $0x80, s17, s17, $0xb8;
	[tilespmem:$0x1BAC0] =	vst v63  }
0x2a: {  	_ =	swait.ge [sflag:s15], $0x4000  }
0x2b: {  	[sflag:s15] =	ssyncset.done $0x0  }
0x2c: {  	s25 =	sadd.s32 $0x0, s12;
	[sflag:s15] =	ssyncadd.s32 $0xFFFFC000  }
0x2d: {  	[tilespmem:s3], [sflag:$0x1] =	stream.linear.gather [hbm4b:s25+s3], $0x100, $0x38;
	[tilespmem:$0x1BAC0] =	vst v63  }
0x2e: {  	_ =	swait.ge [sflag:s22], $0x4000  }
0x2f: {  	[sflag:s22] =	ssyncset.done $0x0  }
0x30: {  	[sflag:s22] =	ssyncadd.s32 $0xFFFFC000  }
0x31: {  	_ =	swait.ge [sflag:s16], $0x100  }
0x32: {  	[sflag:s16] =	ssyncset.done $0x0  }
0x33: {  	[sflag:s16] =	ssyncadd.s32 $0xFFFFFF00  }
0x34: {  	[tilespmem:s18], [sflag:$0x3] =	stream.indirect.gather [hbm4b:s4+s17], $0x80, s3, s17, $0xb8;
	[tilespmem:$0x1BAC0] =	vst v63  }
0x35: {  	_ = 	snop  }
0x36: {  	[spmem:s2] =	stream.indirect.scatter.add.f32 [tilespmem:s21], [sflag:$0x5], $0x80, s23, s17, $0xb8;
	[tilespmem:$0x1BAC0] =	vst v63  }
0x37: {  	_ =	swait.ge [sflag:s15], $0x4000  }
0x38: {  	[sflag:s15] =	ssyncset.done $0x0  }
0x39: {  	s26 =	sadd.s32 $0x0, s11;
	s25 =	simm.s32 $0x40;
	[sflag:s15] =	ssyncadd.s32 $0xFFFFC000  }
.LBB2_2:
0x3a: {  	[tilespmem:s13], [sflag:$0x2] =	stream.linear.gather [hbm4b:s26+s3], $0x100, $0x38;
	[tilespmem:$0x1BAC0] =	vst v63  }
0x3b: {  	s26 =	smov.u32 s25  }
0x3c: {  	p0 =	sne.s32 s25, $0x980;
	s25 =	sadd.s32 $0x40, s25;
	_ =	swait.ge [sflag:s19], $0x4000  }
0x3d: {  	[sflag:s19] =	ssyncset.done $0x0  }
0x3e: {  	[sflag:s19] =	ssyncadd.s32 $0xFFFFC000  }
0x3f: {  	_ =	swait.ge [sflag:s20], $0x100  }
0x40: {  	[sflag:s20] =	ssyncset.done $0x0  }
0x41: {  	[sflag:s20] =	ssyncadd.s32 $0xFFFFFF00  }
0x42: {  	[tilespmem:s21], [sflag:$0x4] =	stream.indirect.gather [hbm4b:s4+s17], $0x80, s13, s17, $0xb8;
	[tilespmem:$0x1BAC0] =	vst v63  }
0x43: {  	_ = 	snop  }
0x44: {  	[spmem:s2] =	stream.indirect.scatter.add.f32 [tilespmem:s18], [sflag:$0x5], $0x80, s17, s17, $0xb8;
	[tilespmem:$0x1BAC0] =	vst v63  }
0x45: {  	_ =	swait.ge [sflag:s15], $0x4000  }
0x46: {  	[sflag:s15] =	ssyncset.done $0x0  }
0x47: {  	s28 =	sadd.s32 s26, s12;
	[sflag:s15] =	ssyncadd.s32 $0xFFFFC000  }
0x48: {  	[tilespmem:s3], [sflag:$0x1] =	stream.linear.gather [hbm4b:s28+s3], $0x100, $0x38;
	[tilespmem:$0x1BAC0] =	vst v63  }
0x49: {  	_ =	swait.ge [sflag:s22], $0x4000  }
0x4a: {  	[sflag:s22] =	ssyncset.done $0x0  }
0x4b: {  	[sflag:s22] =	ssyncadd.s32 $0xFFFFC000  }
0x4c: {  	_ =	swait.ge [sflag:s16], $0x100  }
0x4d: {  	[sflag:s16] =	ssyncset.done $0x0  }
0x4e: {  	[sflag:s16] =	ssyncadd.s32 $0xFFFFFF00  }
0x4f: {  	[tilespmem:s18], [sflag:$0x3] =	stream.indirect.gather [hbm4b:s4+s17], $0x80, s3, s17, $0xb8;
	[tilespmem:$0x1BAC0] =	vst v63  }
.Ltmp0:
0x50: {  	(pc) =	sbr.rel @p0 .LBB2_2-.Ltmp0, $4  }
0x51: {  	[spmem:s2] =	stream.indirect.scatter.add.f32 [tilespmem:s21], [sflag:$0x5], $0x80, s23, s17, $0xb8;
	[tilespmem:$0x1BAC0] =	vst v63  }
0x52: {  	_ =	swait.ge [sflag:s15], $0x4000  }
0x53: {  	[sflag:s15] =	ssyncset.done $0x0  }
0x54: {  	s26 =	sadd.s32 s26, s11;
	[sflag:s15] =	ssyncadd.s32 $0xFFFFC000  }
0x55: {  	[tilespmem:s13], [sflag:$0x2] =	stream.linear.gather [hbm4b:s26+s3], $0x100, $0x38;
	[tilespmem:$0x1BAC0] =	vst v63  }
0x56: {  	_ =	swait.ge [sflag:s19], $0x4000  }
0x57: {  	[sflag:s19] =	ssyncset.done $0x0  }
0x58: {  	[sflag:s19] =	ssyncadd.s32 $0xFFFFC000  }
0x59: {  	[spmem:s2] =	stream.indirect.scatter.add.f32 [tilespmem:s18], [sflag:$0x5], $0x80, s17, s17, $0xb8;
	[tilespmem:$0x1BAC0] =	vst v63  }
0x5a: {  	_ =	swait.ge [sflag:s15], $0x4000  }
0x5b: {  	[sflag:s15] =	ssyncset.done $0x0  }
0x5c: {  	[sflag:s15] =	ssyncadd.s32 $0xFFFFC000  }
0x5d: {  	_ =	swait.ge [sflag:s20], $0x100  }
0x5e: {  	s24 =	sadd.s32 $0x1, s24;
	[sflag:s20] =	ssyncset.done $0x0  }
0x5f: {  	p0 =	sne.s32 s24, s10;
	[sflag:s20] =	ssyncadd.s32 $0xFFFFFF00  }
.Ltmp1:
0x60: {  	[bflag:$0x0] =	sbarrier.arrive $0xFFFF;
	(pc) =	sbr.rel @p0 .LBB2_1-.Ltmp1, $4  }
0x61: {  	[hbm:s9], [sflag:s8] =	dma.local [spmem:s14], $0x2880  }
0x62: {  	_ =	swait.ge [sflag:s15], $0x2880  }
0x63: {  	[sflag:s15] =	ssyncset.done $0x0  }
0x64: {  	[sflag:s15] =	ssyncadd.s32 $0xFFFFD780  }
0x65: {  	_ =	sfence.sel $0x180000  }
0x66: {  	[bflag:$0x0] =	sbarrier.arrive $0xFFFF  }
0x67: {  	p0 =	sne.s32 s1, $0x0;
	_ =	strace $0x90000059  }
0x68: {  	s0 =	sadd.s32 @!p0 $0x100000, s0;
	[bflag:$0x2] =	sbarrier.arrive $0xFFFF  }
0x69: {  	[sflag:s0] =	ssyncadd.tile.s32 @!p0 $0x1;
	_ =	shalt  }
.Lfunc_end2:
_tile_overlayer_lowered:
.L_overlay_start_2:
0x6a: {  	(tag) =	ssettag $0x2  }
0x6b: {  	s0 =	rddreg [dreg:$0x0];
	s2 =	stileid.u32  }
0x6c: {  	s1 =	rddreg [dreg:$0x1];
	p0 =	sne.s32 s2, $0x0  }
0x6d: {  	s3 =	rddreg [dreg:$0x2];
	[bflag:$0x3] =	sbarrier.arrive $0xFFFF;
	s2 =	simm.s32 @!p0 $0x1C05  }
0x6e: {  	[timem:s3], [sflag:s2] =	dma.local @!p0 [hbm:s0], s1  }
0x6f: {  	s0 =	simm.s32 @!p0 $0x5  }
0x70: {  	_ =	swait.ge @!p0 [sflag:s0], s1  }
0x71: {  	s1 =	ssub.s32 @!p0 $0x0, s1;
	[sflag:s0] =	ssyncset.done @!p0 $0x0  }
0x72: {  	[sflag:s0] =	ssyncadd.s32 @!p0 s1  }
0x73: {  	[bflag:$0x3] =	sbarrier.arrive $0xFFFF  }
0x74: {  	_ =	shalt  }

// kernel: kernel.42.cloned.1.call-start
scs
__scs_entry_jumppad:
0x0: {  	(pc) =	sbr.rel $0x88, $3  }
0x1: {  	(tag) =	ssettag $0x0;
	lr =	simm.s32 $0x1  }
0x2: {  	[smem:$0x3F88] =	sst lr;
	_ =	strace $0xD0000000  }
0x3: {  	_ = 	snop  }
0x4: {  	_ = 	snop  }
0x5: {  	_ = 	snop  }
0x6: {  	_ = 	snop  }
0x7: {  	_ = 	snop  }
__scs_overlays_trampoline_lowered:
0x8: {  	[smem:$0x3F97] =	sst s0  }
0x9: {  	[smem:$0x3F98] =	sst s1  }
0xa: {  	[smem:$0x3F99] =	sst s2  }
0xb: {  	[smem:$0x3F9A] =	sst s3  }
0xc: {  	[smem:$0x3F9B] =	sst s4  }
0xd: {  	[smem:$0x3F9C] =	sst s5  }
0xe: {  	[smem:$0x3F9D] =	sst s6  }
0xf: {  	[smem:$0x3F9E] =	sst s7  }
0x10: {  	[smem:$0x3F9F] =	sst s8  }
0x11: {  	[smem:$0x3FA0] =	sst s9;
	s0 =	simm.s32 @!p0 $0x0  }
0x12: {  	s1 =	sld [smem:$0x3F86];
	s0 =	simm.s32 @p0 $0x1  }
0x13: {  	[smem:$0x3FA1] =	sst s0;
	s0 =	simm.s32 @!p1 $0x0  }
0x14: {  	s2 =	sld [smem:$0x3F85];
	s0 =	simm.s32 @p1 $0x1  }
0x15: {  	[smem:$0x3FA2] =	sst s0;
	s0 =	simm.s32 @!p2 $0x0  }
0x16: {  	s3 =	sld [smem:$0x3FDB];
	s0 =	simm.s32 @p2 $0x1  }
0x17: {  	s4 =	simm.s32 $0x1BF5;
	[smem:$0x3FA4] =	sst s0  }
0x18: {  	s0 =	sld [smem:$0x3F87];
	_ =	swait.ge [sflag:s4], $0x0  }
0x19: {  	s7 =	sld [smem:$0x3F88]  }
0x1a: {  	s8 =	sadd.s32 $0xFFFFE003, lr  }
0x1b: {  	s9 =	sadd.s32 $0xFFFFFEF7, lr;
	s5 =	simm.s32 $0xFFFFFFFF;
	p2 =	slt.u32 s8, $0xFFFFF086  }
0x1c: {  	p1 =	slt.u32 s9, $0xF7A;
	s5 =	simm.s32 @!p2 $0x0  }
0x1d: {  	s5 =	simm.s32 @p1 $0x1;
	p0 =	seq.s32 s7, s2  }
0x1e: {  	s7 =	smul.u32 @!p0 $0xF7A, s2;
	p2 =	seq.s32 @!p0 s5, $0x0  }
0x1f: {  	s9 =	smul.u32 $0xF7A, s1;
	s8 =	simm.s32 @!p0 $0x1BF5;
	p2 =	por !p2, p0  }
0x20: {  	[sflag:s8] =	ssyncset.s32 @!p0 $0xFFFFF086;
	s6 =	sadd.s32 @!p0 s3, s7;
	s7 =	simm.s32 @!p0 $0x108  }
0x21: {  	s3 =	sadd.s32 s3, s9;
	s6 =	sadd.s32 @!p0 $0x88, s6;
	s7 =	simm.s32 @p2 $0x1082  }
0x22: {  	[simem:s7], [sflag:s8] =	dma.local @!p0 [hbm:s6], $0xF7A  }
0x23: {  	s9 =	sor.u32 $0xD0000000, s2;
	s6 =	simm.s32 $0x108;
	_ =	swait.ge @!p0 [sflag:s8], $0x0  }
0x24: {  	s3 =	sadd.s32 $0x88, s3;
	s6 =	simm.s32 @!p1 $0x1082;
	[sflag:s4] =	ssyncset.s32 $0xFFFFF086  }
0x25: {  	[simem:s6], [sflag:s4] =	dma.local [hbm:s3], $0xF7A  }
0x26: {  	[smem:$0x3F88] =	sst s1;
	(tag) =	ssettag s2;
	_ =	strace s9  }
0x27: {  	s1 =	sld [smem:$0x3F98]  }
0x28: {  	s2 =	sld [smem:$0x3F99]  }
0x29: {  	s4 =	sld [smem:$0x3F9B]  }
0x2a: {  	p0 =	seq.s32 s5, $0x0;
	s5 =	sld [smem:$0x3F9C]  }
0x2b: {  	s6 =	sld [smem:$0x3F9D]  }
0x2c: {  	s7 =	sld [smem:$0x3F9E]  }
0x2d: {  	s3 =	simm.s32 $0x108;
	s8 =	sld [smem:$0x3F9F]  }
0x2e: {  	s3 =	simm.s32 @!p0 $0x1082;
	s9 =	sld [smem:$0x3FA0]  }
0x2f: {  	lr =	sadd.s32 s0, s3;
	s0 =	sld [smem:$0x3F97]  }
0x30: {  	s3 =	sld [smem:$0x3F9A]  }
0x31: {  	[smem:$0x3FA3] =	sst s10  }
0x32: {  	s10 =	sld [smem:$0x3FA1];
	_ =	sdelay $0x3  }
0x33: {  	p0 =	seq.s32 s10, $0x1;
	s10 =	sld [smem:$0x3FA3];
	_ =	sdelay $0x3  }
0x34: {  	[smem:$0x3FA3] =	sst s10  }
0x35: {  	s10 =	sld [smem:$0x3FA2];
	_ =	sdelay $0x3  }
0x36: {  	p1 =	seq.s32 s10, $0x1;
	s10 =	sld [smem:$0x3FA3];
	_ =	sdelay $0x3  }
0x37: {  	[smem:$0x3FA3] =	sst s10  }
0x38: {  	s10 =	sld [smem:$0x3FA4]  }
0x39: {  	_ = 	snop;
	(pc) =	sbr.ind lr, $3  }
0x3a: {  	_ = 	snop  }
0x3b: {  	_ = 	snop  }
0x3c: {  	p2 =	seq.s32 s10, $0x1;
	s10 =	sld [smem:$0x3FA3]  }
0x3d: {  	_ =	shalt  }
0x3e: {  	_ =	shalt  }
0x3f: {  	_ =	shalt  }
0x40: {  	_ =	shalt  }
0x41: {  	_ =	shalt  }
0x42: {  	_ =	shalt  }
0x43: {  	_ =	shalt  }
0x44: {  	_ =	shalt  }
0x45: {  	_ =	shalt  }
0x46: {  	_ =	shalt  }
0x47: {  	_ =	shalt  }
0x48: {  	_ =	shalt  }
0x49: {  	_ =	shalt  }
0x4a: {  	_ =	shalt  }
0x4b: {  	_ =	shalt  }
0x4c: {  	_ =	shalt  }
0x4d: {  	_ =	shalt  }
0x4e: {  	_ =	shalt  }
0x4f: {  	_ =	shalt  }
0x50: {  	_ =	shalt  }
0x51: {  	_ =	shalt  }
0x52: {  	_ =	shalt  }
0x53: {  	_ =	shalt  }
0x54: {  	_ =	shalt  }
0x55: {  	_ =	shalt  }
0x56: {  	_ =	shalt  }
0x57: {  	_ =	shalt  }
0x58: {  	_ =	shalt  }
0x59: {  	_ =	shalt  }
0x5a: {  	_ =	shalt  }
0x5b: {  	_ =	shalt  }
0x5c: {  	_ =	shalt  }
0x5d: {  	_ =	shalt  }
0x5e: {  	_ =	shalt  }
0x5f: {  	_ =	shalt  }
0x60: {  	_ =	shalt  }
0x61: {  	_ =	shalt  }
0x62: {  	_ =	shalt  }
0x63: {  	_ =	shalt  }
0x64: {  	_ =	shalt  }
0x65: {  	_ =	shalt  }
0x66: {  	_ =	shalt  }
0x67: {  	_ =	shalt  }
0x68: {  	_ =	shalt  }
0x69: {  	_ =	shalt  }
0x6a: {  	_ =	shalt  }
0x6b: {  	_ =	shalt  }
0x6c: {  	_ =	shalt  }
0x6d: {  	_ =	shalt  }
0x6e: {  	_ =	shalt  }
0x6f: {  	_ =	shalt  }
0x70: {  	_ =	shalt  }
0x71: {  	_ =	shalt  }
0x72: {  	_ =	shalt  }
0x73: {  	_ =	shalt  }
0x74: {  	_ =	shalt  }
0x75: {  	_ =	shalt  }
0x76: {  	_ =	shalt  }
0x77: {  	_ =	shalt  }
0x78: {  	_ =	shalt  }
0x79: {  	_ =	shalt  }
0x7a: {  	_ =	shalt  }
0x7b: {  	_ =	shalt  }
0x7c: {  	_ =	shalt  }
0x7d: {  	_ =	shalt  }
0x7e: {  	_ =	shalt  }
0x7f: {  	_ =	shalt  }
0x80: {  	_ =	shalt  }
0x81: {  	_ =	shalt  }
0x82: {  	_ =	shalt  }
0x83: {  	_ =	shalt  }
0x84: {  	_ =	shalt  }
0x85: {  	_ =	shalt  }
0x86: {  	_ =	shalt  }
0x87: {  	_ =	shalt  }
.Lfunc_end0:
.L_simem_size_0:
called_computation.7_lowered:
.L_overlay_start_0:
0x88: {  	s2 =	sld [smem:$0x3FD9]  }
0x89: {  	s3 =	sld [smem:$0x3FFE];
	_ =	sdelay $0x1  }
0x8a: {  	s1 =	srdreg.scid  }
0x8b: {  	s0 =	sand.u32 $0x1, s1  }
0x8c: {  	s16 =	sshll.u32 s0, $0xA;
	s2 =	sadd.s32 s3, s2  }
0x8d: {  	s2 =	sadd.s32 s2, s16  }
0x8e: {  	[smem:$0x3FAF] =	sst s2  }
0x8f: {  	_ = 	snop  }
0x90: {  	(tm) =	ssettm $0x1  }
0x91: {  	s17 =	sld [smem:$0x3FFB];
	_ =	sdelay $0x3  }
0x92: {  	_ =	strace s17  }
0x93: {  	s2 =	sld [smem:$0x3FFC];
	_ =	sdelay $0x3  }
0x94: {  	_ =	strace s2  }
0x95: {  	s2 =	sld [smem:$0x3FFD];
	_ =	sdelay $0x3  }
0x96: {  	_ =	strace s2  }
0x97: {  	_ =	strace $0x8FFFFFFF  }
0x98: {  	s18 =	sld [smem:$0x3FDB];
	_ =	sdelay $0x1  }
0x99: {  	s19 =	simm.s32 $_scs_section_size  }
0x9a: {  	s4 =	simm.s32 $_size__tile_overlayer_lowered;
	s5 =	simm.s32 $_tile_overlayer_lowered  }
0x9b: {  	s22 =	simm.s32 $0x1BFF;
	s21 =	sshll.u32 s5, $0x1;
	s2 =	sadd.s32 s19, s18  }
0x9c: {  	s6 =	simm.s32 $0x0;
	s20 =	sshll.u32 s4, $0x1;
	s4 =	sadd.s32 s21, s2  }
0x9d: {  	[timem:s6], [sflag:s22] =	dma.local [hbm:s4], s20  }
0x9e: {  	_ =	swait.ge [sflag:s22], s20  }
0x9f: {  	s3 =	ssub.s32 $0x0, s20;
	[sflag:s22] =	ssyncset.done $0x0  }
0xa0: {  	[sflag:s22] =	ssyncadd.s32 s3;
	_ =	sdelay $0x1  }
0xa1: {  	s23 =	simm.s32 $0x1B8B  }
0xa2: {  	_ =	swait.ge [sflag:s23], $0x1  }
0xa3: {  	[sflag:s23] =	ssyncset.done $0x0  }
0xa4: {  	s25 =	simm.s32 $0x1B8E;
	s24 =	sld [smem:$0x3FFE];
	[sflag:s23] =	ssyncadd.s32 $0xFFFFFFFF  }
0xa5: {  	s26 =	simm.s32 $execute0_lowered;
	[smem:$0x3FD2] =	sst s25  }
0xa6: {  	s4 =	sshll.u32 s26, $0x1;
	_ =	strace $0x8000005B;
	[dreg:$0x1] =	wrdreg $0xFFFFFFFF  }
0xa7: {  	s28 =	simm.s32 $_size_execute0_lowered;
	s2 =	sadd.s32 s2, s4;
	[dreg:$0x0] =	wrdreg $0x0  }
0xa8: {  	s4 =	sshll.u32 s28, $0x1;
	[dreg:$0x2] =	wrdreg s2  }
0xa9: {  	[dreg:$0x3] =	wrdreg s4  }
0xaa: {  	[dreg:$0x4] =	wrdreg $0xC0  }
0xab: {  	_ =	task [dreg:s6], $0x5FFFF  }
0xac: {  	[dreg:$0x1] =	wrdreg $0xFFFFFFFF  }
0xad: {  	[dreg:$0x0] =	wrdreg $0x60  }
0xae: {  	[dreg:$0x2] =	wrdreg s24  }
0xaf: {  	[dreg:$0x3] =	wrdreg $0x82000  }
0xb0: {  	[dreg:$0x4] =	wrdreg $0x9  }
0xb1: {  	_ =	task.clear_ibuf [dreg:s6], $0x5FFFF;
	_ =	strace $0x9000005B  }
0xb2: {  	s29 =	simm.s32 $0x9;
	_ =	strace $0x8000005D  }
0xb3: {  	_ =	swait.ge [sflag:s29], $0x1  }
0xb4: {  	[sflag:s29] =	ssyncadd.s32 $0xFFFFFFFF  }
0xb5: {  	_ =	strace $0x9000005D  }
0xb6: {  	_ =	sfence  }
0xb7: {  	s30 =	sld [smem:$0x0];
	_ =	sdelay $0x2  }
0xb8: {  	s31 =	sshll.u32 s1, $0xD;
	s1 =	sshrl.u32 s1, $0x2  }
0xb9: {  	s3 =	sand.u32 $0x4000, s31;
	s1 =	sadd.s32 s1, s30  }
0xba: {  	s0 =	sor.u32 s3, s0;
	s1 =	sshll.u32 s1, $0x11  }
0xbb: {  	s0 =	sor.u32 s1, s0  }
0xbc: {  	s0 =	sadd.s32 $0x8F2B, s0  }
0xbd: {  	[sflag:s0] =	ssyncadd.remote.s32 $0x1  }
0xbe: {  	_ =	sfence.sel $0xFFFF  }
0xbf: {  	[dreg:$0x0] =	wrdreg $0xFFFFFFFF;
	(pc) =	sbr.abs _section_cstart, $3  }
0xc0: {  	[dreg:$0x1] =	wrdreg $0xFFFFFFFF  }
0xc1: {  	_ =	task.clear_ibuf [dreg:s6], $0x2FFFF;
	_ =	strace $0x9FFFFFFF  }
0xc2: {  	(tm) =	ssettm $0x7FFFFFFF  }
0xc3: {  	_ =	shalt  }
tec
execute0_lowered:
.L_overlay_start_1:
0x0: {  	(tag) =	ssettag $0x1  }
0x1: {  	s5 =	rddreg [dreg:$0x0]  }
0x2: {  	s2 =	rddreg [dreg:$0x1]  }
0x3: {  	s0 =	rddreg [dreg:$0x2];
	s3 =	simm.s32 $0x0;
	s1 =	stileid.u32  }
0x4: {  	s4 =	srdreg.scid;
	s17 =	simm.s32 $0x80;
	s18 =	simm.s32 $0x200  }
0x5: {  	s19 =	simm.s32 $0x3;
	s20 =	simm.s32 $0x2;
	s21 =	simm.s32 $0x4200  }
0x6: {  	[smem:$0x7FF] =	sst s3;
	s6 =	smul.u32 $0x13800, s1;
	s7 =	sand.u32 $0x1, s4  }
0x7: {  	s4 =	sadd.s32 $0x44400, s5;
	s12 =	sadd.s32 $0x9200, s5;
	s11 =	smul.u32 $0x4E000, s1  }
0x8: {  	s30 =	smul.u32 $0x5000, s1;
	s31 =	sshll.u32 s1, $0x6;
	_ =	strace $0x8000005C  }
0x9: {  	s8 =	smul.u32 $0x138C00, s7;
	s9 =	sshll.u32 s7, $0x4;
	s25 =	ssub.s32 $0x2, s7  }
0xa: {  	s28 =	smul.u32 $0x50000, s7;
	s10 =	sshrl.u32 s6, $0x3;
	s22 =	sor.u32 s1, s9  }
0xb: {  	s13 =	sshrl.u32 s25, $0x1;
	s29 =	sshrl.u32 s11, $0x2;
	s6 =	sadd.s32 s6, s8  }
0xc: {  	s23 =	sadd.s32 s10, s5;
	s8 =	smul.u32 $0x5000, s22;
	s13 =	ssub.s32 s25, s13  }
0xd: {  	s14 =	sadd.s32 s29, s2;
	s11 =	sadd.s32 s30, s28;
	s22 =	simm.s32 $0x4  }
0xe: {  	s6 =	sshrl.u32 s6, $0x3;
	s7 =	sadd.s32 $0x1D200, s23;
	s15 =	sor.u32 $0x300, s11  }
0xf: {  	s11 =	sor.u32 $0x200, s11;
	s10 =	smax.u32 s13, $0x1;
	s13 =	simm.s32 $0x100  }
0x10: {  	s14 =	sshrl.u32 s14, $0x3;
	s23 =	simm.s32 $0x180;
	s24 =	sadd.s32 s6, s5  }
0x11: {  	s26 =	sshrl.u32 s8, $0x3;
	s8 =	sor.u32 $0x1C05, s31;
	s15 =	sshrl.u32 s15, $0x3  }
0x12: {  	s16 =	sshrl.u32 s11, $0x3;
	s5 =	sadd.s32 s12, s26;
	s9 =	sadd.s32 $0xB9A00, s24  }
0x13: {  	s11 =	sadd.s32 s15, s12;
	s12 =	sadd.s32 s16, s12;
	s15 =	simm.s32 $0x5  }
0x14: {  	s16 =	simm.s32 $0x1;
	s24 =	simm.s32 $0x0;
	s6 =	sadd.s32 $0x20, s5  }
.LBB2_1:
0x15: {  	[tilespmem:s3], [sflag:$0x1] =	stream.linear.gather [hbm4b:s5+s3], $0x100, $0x38;
	[tilespmem:$0x1BAC0] =	vst v63  }
0x16: {  	_ = 	snop  }
0x17: {  	[tilespmem:s13], [sflag:$0x2] =	stream.linear.gather [hbm4b:s6+s3], $0x100, $0x38;
	[tilespmem:$0x1BAC0] =	vst v63  }
0x18: {  	[spmem:s14], [sflag:s8] =	dma.local [hbm:s7], $0x2880  }
0x19: {  	_ =	swait.ge [sflag:s15], $0x2880  }
0x1a: {  	[sflag:s15] =	ssyncset.done $0x0  }
0x1b: {  	[sflag:s15] =	ssyncadd.s32 $0xFFFFD780  }
0x1c: {  	[bflag:$0x0] =	sbarrier.arrive $0xFFFF  }
0x1d: {  	_ =	swait.ge [sflag:s16], $0x100  }
0x1e: {  	[sflag:s16] =	ssyncset.done $0x0  }
0x1f: {  	[sflag:s16] =	ssyncadd.s32 $0xFFFFFF00  }
0x20: {  	[tilespmem:s18], [sflag:$0x3] =	stream.indirect.gather [hbm4b:s4+s17], $0x80, s3, s17, $0xb8;
	[tilespmem:$0x1BAC0] =	vst v63  }
0x21: {  	_ =	swait.ge [sflag:s19], $0x4000  }
0x22: {  	[sflag:s19] =	ssyncset.done $0x0  }
0x23: {  	[sflag:s19] =	ssyncadd.s32 $0xFFFFC000  }
0x24: {  	_ =	swait.ge [sflag:s20], $0x100  }
0x25: {  	[sflag:s20] =	ssyncset.done $0x0  }
0x26: {  	[sflag:s20] =	ssyncadd.s32 $0xFFFFFF00  }
0x27: {  	[tilespmem:s21], [sflag:$0x4] =	stream.indirect.gather [hbm4b:s4+s17], $0x80, s13, s17, $0xb8;
	[tilespmem:$0x1BAC0] =	vst v63  }
0x28: {  	_ = 	snop  }
0x29: {  	[spmem:s2] =	stream.indirect.scatter.add.f32 [tilespmem:s18], [sflag:$0x5], $0x80, s17, s17, $0xb8;
	[tilespmem:$0x1BAC0] =	vst v63  }
0x2a: {  	_ =	swait.ge [sflag:s15], $0x4000  }
0x2b: {  	[sflag:s15] =	ssyncset.done $0x0  }
0x2c: {  	s25 =	sadd.s32 $0x0, s12;
	[sflag:s15] =	ssyncadd.s32 $0xFFFFC000  }
0x2d: {  	[tilespmem:s3], [sflag:$0x1] =	stream.linear.gather [hbm4b:s25+s3], $0x100, $0x38;
	[tilespmem:$0x1BAC0] =	vst v63  }
0x2e: {  	_ =	swait.ge [sflag:s22], $0x4000  }
0x2f: {  	[sflag:s22] =	ssyncset.done $0x0  }
0x30: {  	[sflag:s22] =	ssyncadd.s32 $0xFFFFC000  }
0x31: {  	_ =	swait.ge [sflag:s16], $0x100  }
0x32: {  	[sflag:s16] =	ssyncset.done $0x0  }
0x33: {  	[sflag:s16] =	ssyncadd.s32 $0xFFFFFF00  }
0x34: {  	[tilespmem:s18], [sflag:$0x3] =	stream.indirect.gather [hbm4b:s4+s17], $0x80, s3, s17, $0xb8;
	[tilespmem:$0x1BAC0] =	vst v63  }
0x35: {  	_ = 	snop  }
0x36: {  	[spmem:s2] =	stream.indirect.scatter.add.f32 [tilespmem:s21], [sflag:$0x5], $0x80, s23, s17, $0xb8;
	[tilespmem:$0x1BAC0] =	vst v63  }
0x37: {  	_ =	swait.ge [sflag:s15], $0x4000  }
0x38: {  	[sflag:s15] =	ssyncset.done $0x0  }
0x39: {  	s26 =	sadd.s32 $0x0, s11;
	s25 =	simm.s32 $0x40;
	[sflag:s15] =	ssyncadd.s32 $0xFFFFC000  }
.LBB2_2:
0x3a: {  	[tilespmem:s13], [sflag:$0x2] =	stream.linear.gather [hbm4b:s26+s3], $0x100, $0x38;
	[tilespmem:$0x1BAC0] =	vst v63  }
0x3b: {  	s26 =	smov.u32 s25  }
0x3c: {  	p0 =	sne.s32 s25, $0x980;
	s25 =	sadd.s32 $0x40, s25;
	_ =	swait.ge [sflag:s19], $0x4000  }
0x3d: {  	[sflag:s19] =	ssyncset.done $0x0  }
0x3e: {  	[sflag:s19] =	ssyncadd.s32 $0xFFFFC000  }
0x3f: {  	_ =	swait.ge [sflag:s20], $0x100  }
0x40: {  	[sflag:s20] =	ssyncset.done $0x0  }
0x41: {  	[sflag:s20] =	ssyncadd.s32 $0xFFFFFF00  }
0x42: {  	[tilespmem:s21], [sflag:$0x4] =	stream.indirect.gather [hbm4b:s4+s17], $0x80, s13, s17, $0xb8;
	[tilespmem:$0x1BAC0] =	vst v63  }
0x43: {  	_ = 	snop  }
0x44: {  	[spmem:s2] =	stream.indirect.scatter.add.f32 [tilespmem:s18], [sflag:$0x5], $0x80, s17, s17, $0xb8;
	[tilespmem:$0x1BAC0] =	vst v63  }
0x45: {  	_ =	swait.ge [sflag:s15], $0x4000  }
0x46: {  	[sflag:s15] =	ssyncset.done $0x0  }
0x47: {  	s28 =	sadd.s32 s26, s12;
	[sflag:s15] =	ssyncadd.s32 $0xFFFFC000  }
0x48: {  	[tilespmem:s3], [sflag:$0x1] =	stream.linear.gather [hbm4b:s28+s3], $0x100, $0x38;
	[tilespmem:$0x1BAC0] =	vst v63  }
0x49: {  	_ =	swait.ge [sflag:s22], $0x4000  }
0x4a: {  	[sflag:s22] =	ssyncset.done $0x0  }
0x4b: {  	[sflag:s22] =	ssyncadd.s32 $0xFFFFC000  }
0x4c: {  	_ =	swait.ge [sflag:s16], $0x100  }
0x4d: {  	[sflag:s16] =	ssyncset.done $0x0  }
0x4e: {  	[sflag:s16] =	ssyncadd.s32 $0xFFFFFF00  }
0x4f: {  	[tilespmem:s18], [sflag:$0x3] =	stream.indirect.gather [hbm4b:s4+s17], $0x80, s3, s17, $0xb8;
	[tilespmem:$0x1BAC0] =	vst v63  }
.Ltmp0:
0x50: {  	(pc) =	sbr.rel @p0 .LBB2_2-.Ltmp0, $4  }
0x51: {  	[spmem:s2] =	stream.indirect.scatter.add.f32 [tilespmem:s21], [sflag:$0x5], $0x80, s23, s17, $0xb8;
	[tilespmem:$0x1BAC0] =	vst v63  }
0x52: {  	_ =	swait.ge [sflag:s15], $0x4000  }
0x53: {  	[sflag:s15] =	ssyncset.done $0x0  }
0x54: {  	s26 =	sadd.s32 s26, s11;
	[sflag:s15] =	ssyncadd.s32 $0xFFFFC000  }
0x55: {  	[tilespmem:s13], [sflag:$0x2] =	stream.linear.gather [hbm4b:s26+s3], $0x100, $0x38;
	[tilespmem:$0x1BAC0] =	vst v63  }
0x56: {  	_ =	swait.ge [sflag:s19], $0x4000  }
0x57: {  	[sflag:s19] =	ssyncset.done $0x0  }
0x58: {  	[sflag:s19] =	ssyncadd.s32 $0xFFFFC000  }
0x59: {  	[spmem:s2] =	stream.indirect.scatter.add.f32 [tilespmem:s18], [sflag:$0x5], $0x80, s17, s17, $0xb8;
	[tilespmem:$0x1BAC0] =	vst v63  }
0x5a: {  	_ =	swait.ge [sflag:s15], $0x4000  }
0x5b: {  	[sflag:s15] =	ssyncset.done $0x0  }
0x5c: {  	[sflag:s15] =	ssyncadd.s32 $0xFFFFC000  }
0x5d: {  	_ =	swait.ge [sflag:s20], $0x100  }
0x5e: {  	s24 =	sadd.s32 $0x1, s24;
	[sflag:s20] =	ssyncset.done $0x0  }
0x5f: {  	p0 =	sne.s32 s24, s10;
	[sflag:s20] =	ssyncadd.s32 $0xFFFFFF00  }
.Ltmp1:
0x60: {  	[bflag:$0x0] =	sbarrier.arrive $0xFFFF;
	(pc) =	sbr.rel @p0 .LBB2_1-.Ltmp1, $4  }
0x61: {  	[hbm:s9], [sflag:s8] =	dma.local [spmem:s14], $0x2880  }
0x62: {  	_ =	swait.ge [sflag:s15], $0x2880  }
0x63: {  	[sflag:s15] =	ssyncset.done $0x0  }
0x64: {  	[sflag:s15] =	ssyncadd.s32 $0xFFFFD780  }
0x65: {  	_ =	sfence.sel $0x180000  }
0x66: {  	[bflag:$0x0] =	sbarrier.arrive $0xFFFF  }
0x67: {  	p0 =	sne.s32 s1, $0x0;
	_ =	strace $0x9000005C  }
0x68: {  	s0 =	sadd.s32 @!p0 $0x100000, s0;
	[bflag:$0x2] =	sbarrier.arrive $0xFFFF  }
0x69: {  	[sflag:s0] =	ssyncadd.tile.s32 @!p0 $0x1;
	_ =	shalt  }
.Lfunc_end2:
_tile_overlayer_lowered:
.L_overlay_start_2:
0x6a: {  	(tag) =	ssettag $0x2  }
0x6b: {  	s0 =	rddreg [dreg:$0x0];
	s2 =	stileid.u32  }
0x6c: {  	s1 =	rddreg [dreg:$0x1];
	p0 =	sne.s32 s2, $0x0  }
0x6d: {  	s3 =	rddreg [dreg:$0x2];
	[bflag:$0x3] =	sbarrier.arrive $0xFFFF;
	s2 =	simm.s32 @!p0 $0x1C05  }
0x6e: {  	[timem:s3], [sflag:s2] =	dma.local @!p0 [hbm:s0], s1  }
0x6f: {  	s0 =	simm.s32 @!p0 $0x5  }
0x70: {  	_ =	swait.ge @!p0 [sflag:s0], s1  }
0x71: {  	s1 =	ssub.s32 @!p0 $0x0, s1;
	[sflag:s0] =	ssyncset.done @!p0 $0x0  }
0x72: {  	[sflag:s0] =	ssyncadd.s32 @!p0 s1  }
0x73: {  	[bflag:$0x3] =	sbarrier.arrive $0xFFFF  }
0x74: {  	_ =	shalt  }

// kernel: kernel.45.cloned.1.call-start
scs
__scs_entry_jumppad:
0x0: {  	(pc) =	sbr.rel $0x88, $3  }
0x1: {  	(tag) =	ssettag $0x0;
	lr =	simm.s32 $0x1  }
0x2: {  	[smem:$0x3F88] =	sst lr;
	_ =	strace $0xD0000000  }
0x3: {  	_ = 	snop  }
0x4: {  	_ = 	snop  }
0x5: {  	_ = 	snop  }
0x6: {  	_ = 	snop  }
0x7: {  	_ = 	snop  }
__scs_overlays_trampoline_lowered:
0x8: {  	[smem:$0x3F97] =	sst s0  }
0x9: {  	[smem:$0x3F98] =	sst s1  }
0xa: {  	[smem:$0x3F99] =	sst s2  }
0xb: {  	[smem:$0x3F9A] =	sst s3  }
0xc: {  	[smem:$0x3F9B] =	sst s4  }
0xd: {  	[smem:$0x3F9C] =	sst s5  }
0xe: {  	[smem:$0x3F9D] =	sst s6  }
0xf: {  	[smem:$0x3F9E] =	sst s7  }
0x10: {  	[smem:$0x3F9F] =	sst s8  }
0x11: {  	[smem:$0x3FA0] =	sst s9;
	s0 =	simm.s32 @!p0 $0x0  }
0x12: {  	s1 =	sld [smem:$0x3F86];
	s0 =	simm.s32 @p0 $0x1  }
0x13: {  	[smem:$0x3FA1] =	sst s0;
	s0 =	simm.s32 @!p1 $0x0  }
0x14: {  	s2 =	sld [smem:$0x3F85];
	s0 =	simm.s32 @p1 $0x1  }
0x15: {  	[smem:$0x3FA2] =	sst s0;
	s0 =	simm.s32 @!p2 $0x0  }
0x16: {  	s3 =	sld [smem:$0x3FDB];
	s0 =	simm.s32 @p2 $0x1  }
0x17: {  	s4 =	simm.s32 $0x1BF5;
	[smem:$0x3FA4] =	sst s0  }
0x18: {  	s0 =	sld [smem:$0x3F87];
	_ =	swait.ge [sflag:s4], $0x0  }
0x19: {  	s7 =	sld [smem:$0x3F88]  }
0x1a: {  	s8 =	sadd.s32 $0xFFFFE003, lr  }
0x1b: {  	s9 =	sadd.s32 $0xFFFFFEF7, lr;
	s5 =	simm.s32 $0xFFFFFFFF;
	p2 =	slt.u32 s8, $0xFFFFF086  }
0x1c: {  	p1 =	slt.u32 s9, $0xF7A;
	s5 =	simm.s32 @!p2 $0x0  }
0x1d: {  	s5 =	simm.s32 @p1 $0x1;
	p0 =	seq.s32 s7, s2  }
0x1e: {  	s7 =	smul.u32 @!p0 $0xF7A, s2;
	p2 =	seq.s32 @!p0 s5, $0x0  }
0x1f: {  	s9 =	smul.u32 $0xF7A, s1;
	s8 =	simm.s32 @!p0 $0x1BF5;
	p2 =	por !p2, p0  }
0x20: {  	[sflag:s8] =	ssyncset.s32 @!p0 $0xFFFFF086;
	s6 =	sadd.s32 @!p0 s3, s7;
	s7 =	simm.s32 @!p0 $0x108  }
0x21: {  	s3 =	sadd.s32 s3, s9;
	s6 =	sadd.s32 @!p0 $0x88, s6;
	s7 =	simm.s32 @p2 $0x1082  }
0x22: {  	[simem:s7], [sflag:s8] =	dma.local @!p0 [hbm:s6], $0xF7A  }
0x23: {  	s9 =	sor.u32 $0xD0000000, s2;
	s6 =	simm.s32 $0x108;
	_ =	swait.ge @!p0 [sflag:s8], $0x0  }
0x24: {  	s3 =	sadd.s32 $0x88, s3;
	s6 =	simm.s32 @!p1 $0x1082;
	[sflag:s4] =	ssyncset.s32 $0xFFFFF086  }
0x25: {  	[simem:s6], [sflag:s4] =	dma.local [hbm:s3], $0xF7A  }
0x26: {  	[smem:$0x3F88] =	sst s1;
	(tag) =	ssettag s2;
	_ =	strace s9  }
0x27: {  	s1 =	sld [smem:$0x3F98]  }
0x28: {  	s2 =	sld [smem:$0x3F99]  }
0x29: {  	s4 =	sld [smem:$0x3F9B]  }
0x2a: {  	p0 =	seq.s32 s5, $0x0;
	s5 =	sld [smem:$0x3F9C]  }
0x2b: {  	s6 =	sld [smem:$0x3F9D]  }
0x2c: {  	s7 =	sld [smem:$0x3F9E]  }
0x2d: {  	s3 =	simm.s32 $0x108;
	s8 =	sld [smem:$0x3F9F]  }
0x2e: {  	s3 =	simm.s32 @!p0 $0x1082;
	s9 =	sld [smem:$0x3FA0]  }
0x2f: {  	lr =	sadd.s32 s0, s3;
	s0 =	sld [smem:$0x3F97]  }
0x30: {  	s3 =	sld [smem:$0x3F9A]  }
0x31: {  	[smem:$0x3FA3] =	sst s10  }
0x32: {  	s10 =	sld [smem:$0x3FA1];
	_ =	sdelay $0x3  }
0x33: {  	p0 =	seq.s32 s10, $0x1;
	s10 =	sld [smem:$0x3FA3];
	_ =	sdelay $0x3  }
0x34: {  	[smem:$0x3FA3] =	sst s10  }
0x35: {  	s10 =	sld [smem:$0x3FA2];
	_ =	sdelay $0x3  }
0x36: {  	p1 =	seq.s32 s10, $0x1;
	s10 =	sld [smem:$0x3FA3];
	_ =	sdelay $0x3  }
0x37: {  	[smem:$0x3FA3] =	sst s10  }
0x38: {  	s10 =	sld [smem:$0x3FA4]  }
0x39: {  	_ = 	snop;
	(pc) =	sbr.ind lr, $3  }
0x3a: {  	_ = 	snop  }
0x3b: {  	_ = 	snop  }
0x3c: {  	p2 =	seq.s32 s10, $0x1;
	s10 =	sld [smem:$0x3FA3]  }
0x3d: {  	_ =	shalt  }
0x3e: {  	_ =	shalt  }
0x3f: {  	_ =	shalt  }
0x40: {  	_ =	shalt  }
0x41: {  	_ =	shalt  }
0x42: {  	_ =	shalt  }
0x43: {  	_ =	shalt  }
0x44: {  	_ =	shalt  }
0x45: {  	_ =	shalt  }
0x46: {  	_ =	shalt  }
0x47: {  	_ =	shalt  }
0x48: {  	_ =	shalt  }
0x49: {  	_ =	shalt  }
0x4a: {  	_ =	shalt  }
0x4b: {  	_ =	shalt  }
0x4c: {  	_ =	shalt  }
0x4d: {  	_ =	shalt  }
0x4e: {  	_ =	shalt  }
0x4f: {  	_ =	shalt  }
0x50: {  	_ =	shalt  }
0x51: {  	_ =	shalt  }
0x52: {  	_ =	shalt  }
0x53: {  	_ =	shalt  }
0x54: {  	_ =	shalt  }
0x55: {  	_ =	shalt  }
0x56: {  	_ =	shalt  }
0x57: {  	_ =	shalt  }
0x58: {  	_ =	shalt  }
0x59: {  	_ =	shalt  }
0x5a: {  	_ =	shalt  }
0x5b: {  	_ =	shalt  }
0x5c: {  	_ =	shalt  }
0x5d: {  	_ =	shalt  }
0x5e: {  	_ =	shalt  }
0x5f: {  	_ =	shalt  }
0x60: {  	_ =	shalt  }
0x61: {  	_ =	shalt  }
0x62: {  	_ =	shalt  }
0x63: {  	_ =	shalt  }
0x64: {  	_ =	shalt  }
0x65: {  	_ =	shalt  }
0x66: {  	_ =	shalt  }
0x67: {  	_ =	shalt  }
0x68: {  	_ =	shalt  }
0x69: {  	_ =	shalt  }
0x6a: {  	_ =	shalt  }
0x6b: {  	_ =	shalt  }
0x6c: {  	_ =	shalt  }
0x6d: {  	_ =	shalt  }
0x6e: {  	_ =	shalt  }
0x6f: {  	_ =	shalt  }
0x70: {  	_ =	shalt  }
0x71: {  	_ =	shalt  }
0x72: {  	_ =	shalt  }
0x73: {  	_ =	shalt  }
0x74: {  	_ =	shalt  }
0x75: {  	_ =	shalt  }
0x76: {  	_ =	shalt  }
0x77: {  	_ =	shalt  }
0x78: {  	_ =	shalt  }
0x79: {  	_ =	shalt  }
0x7a: {  	_ =	shalt  }
0x7b: {  	_ =	shalt  }
0x7c: {  	_ =	shalt  }
0x7d: {  	_ =	shalt  }
0x7e: {  	_ =	shalt  }
0x7f: {  	_ =	shalt  }
0x80: {  	_ =	shalt  }
0x81: {  	_ =	shalt  }
0x82: {  	_ =	shalt  }
0x83: {  	_ =	shalt  }
0x84: {  	_ =	shalt  }
0x85: {  	_ =	shalt  }
0x86: {  	_ =	shalt  }
0x87: {  	_ =	shalt  }
.Lfunc_end0:
.L_simem_size_0:
called_computation.8_lowered:
.L_overlay_start_0:
0x88: {  	s2 =	sld [smem:$0x3FD9]  }
0x89: {  	s3 =	sld [smem:$0x3FFE];
	_ =	sdelay $0x1  }
0x8a: {  	s1 =	srdreg.scid  }
0x8b: {  	s0 =	sand.u32 $0x1, s1  }
0x8c: {  	s16 =	sshll.u32 s0, $0xA;
	s2 =	sadd.s32 s3, s2  }
0x8d: {  	s2 =	sadd.s32 s2, s16  }
0x8e: {  	[smem:$0x3FAF] =	sst s2  }
0x8f: {  	_ = 	snop  }
0x90: {  	(tm) =	ssettm $0x1  }
0x91: {  	s17 =	sld [smem:$0x3FFB];
	_ =	sdelay $0x3  }
0x92: {  	_ =	strace s17  }
0x93: {  	s2 =	sld [smem:$0x3FFC];
	_ =	sdelay $0x3  }
0x94: {  	_ =	strace s2  }
0x95: {  	s2 =	sld [smem:$0x3FFD];
	_ =	sdelay $0x3  }
0x96: {  	_ =	strace s2  }
0x97: {  	_ =	strace $0x8FFFFFFF  }
0x98: {  	s18 =	sld [smem:$0x3FDB];
	_ =	sdelay $0x1  }
0x99: {  	s19 =	simm.s32 $_scs_section_size  }
0x9a: {  	s4 =	simm.s32 $_size__tile_overlayer_lowered;
	s5 =	simm.s32 $_tile_overlayer_lowered  }
0x9b: {  	s22 =	simm.s32 $0x1BFF;
	s21 =	sshll.u32 s5, $0x1;
	s2 =	sadd.s32 s19, s18  }
0x9c: {  	s6 =	simm.s32 $0x0;
	s20 =	sshll.u32 s4, $0x1;
	s4 =	sadd.s32 s21, s2  }
0x9d: {  	[timem:s6], [sflag:s22] =	dma.local [hbm:s4], s20  }
0x9e: {  	_ =	swait.ge [sflag:s22], s20  }
0x9f: {  	s3 =	ssub.s32 $0x0, s20;
	[sflag:s22] =	ssyncset.done $0x0  }
0xa0: {  	[sflag:s22] =	ssyncadd.s32 s3;
	_ =	sdelay $0x1  }
0xa1: {  	s23 =	simm.s32 $0x1B8B  }
0xa2: {  	_ =	swait.ge [sflag:s23], $0x1  }
0xa3: {  	[sflag:s23] =	ssyncset.done $0x0  }
0xa4: {  	s25 =	simm.s32 $0x1B8E;
	s24 =	sld [smem:$0x3FFE];
	[sflag:s23] =	ssyncadd.s32 $0xFFFFFFFF  }
0xa5: {  	s26 =	simm.s32 $execute0_lowered;
	[smem:$0x3FD2] =	sst s25  }
0xa6: {  	s4 =	sshll.u32 s26, $0x1;
	_ =	strace $0x8000005E;
	[dreg:$0x1] =	wrdreg $0xFFFFFFFF  }
0xa7: {  	s28 =	simm.s32 $_size_execute0_lowered;
	s2 =	sadd.s32 s2, s4;
	[dreg:$0x0] =	wrdreg $0x0  }
0xa8: {  	s4 =	sshll.u32 s28, $0x1;
	[dreg:$0x2] =	wrdreg s2  }
0xa9: {  	[dreg:$0x3] =	wrdreg s4  }
0xaa: {  	[dreg:$0x4] =	wrdreg $0xC0  }
0xab: {  	_ =	task [dreg:s6], $0x5FFFF  }
0xac: {  	[dreg:$0x1] =	wrdreg $0xFFFFFFFF  }
0xad: {  	[dreg:$0x0] =	wrdreg $0x60  }
0xae: {  	[dreg:$0x2] =	wrdreg s24  }
0xaf: {  	[dreg:$0x3] =	wrdreg $0x82000  }
0xb0: {  	[dreg:$0x4] =	wrdreg $0x9  }
0xb1: {  	_ =	task.clear_ibuf [dreg:s6], $0x5FFFF;
	_ =	strace $0x9000005E  }
0xb2: {  	s29 =	simm.s32 $0x9;
	_ =	strace $0x80000060  }
0xb3: {  	_ =	swait.ge [sflag:s29], $0x1  }
0xb4: {  	[sflag:s29] =	ssyncadd.s32 $0xFFFFFFFF  }
0xb5: {  	_ =	strace $0x90000060  }
0xb6: {  	_ =	sfence  }
0xb7: {  	s30 =	sld [smem:$0x0];
	_ =	sdelay $0x2  }
0xb8: {  	s31 =	sshll.u32 s1, $0xD;
	s1 =	sshrl.u32 s1, $0x2  }
0xb9: {  	s3 =	sand.u32 $0x4000, s31;
	s1 =	sadd.s32 s1, s30  }
0xba: {  	s0 =	sor.u32 s3, s0;
	s1 =	sshll.u32 s1, $0x11  }
0xbb: {  	s0 =	sor.u32 s1, s0  }
0xbc: {  	s0 =	sadd.s32 $0x8F2B, s0  }
0xbd: {  	[sflag:s0] =	ssyncadd.remote.s32 $0x1  }
0xbe: {  	_ =	sfence.sel $0xFFFF  }
0xbf: {  	[dreg:$0x0] =	wrdreg $0xFFFFFFFF;
	(pc) =	sbr.abs _section_cstart, $3  }
0xc0: {  	[dreg:$0x1] =	wrdreg $0xFFFFFFFF  }
0xc1: {  	_ =	task.clear_ibuf [dreg:s6], $0x2FFFF;
	_ =	strace $0x9FFFFFFF  }
0xc2: {  	(tm) =	ssettm $0x7FFFFFFF  }
0xc3: {  	_ =	shalt  }
tec
execute0_lowered:
.L_overlay_start_1:
0x0: {  	(tag) =	ssettag $0x1  }
0x1: {  	s5 =	rddreg [dreg:$0x0]  }
0x2: {  	s2 =	rddreg [dreg:$0x1]  }
0x3: {  	s0 =	rddreg [dreg:$0x2];
	s3 =	simm.s32 $0x0;
	s1 =	stileid.u32  }
0x4: {  	s4 =	srdreg.scid;
	s17 =	simm.s32 $0x80;
	s18 =	simm.s32 $0x200  }
0x5: {  	s19 =	simm.s32 $0x3;
	s20 =	simm.s32 $0x2;
	s21 =	simm.s32 $0x4200  }
0x6: {  	[smem:$0x7FF] =	sst s3;
	s6 =	smul.u32 $0x13800, s1;
	s7 =	sand.u32 $0x1, s4  }
0x7: {  	s4 =	sadd.s32 $0x44400, s5;
	s12 =	sadd.s32 $0x9200, s5;
	s11 =	smul.u32 $0x4E000, s1  }
0x8: {  	s30 =	smul.u32 $0x5000, s1;
	s31 =	sshll.u32 s1, $0x6;
	_ =	strace $0x8000005F  }
0x9: {  	s8 =	smul.u32 $0x138C00, s7;
	s9 =	sshll.u32 s7, $0x4;
	s25 =	ssub.s32 $0x2, s7  }
0xa: {  	s28 =	smul.u32 $0x50000, s7;
	s10 =	sshrl.u32 s6, $0x3;
	s22 =	sor.u32 s1, s9  }
0xb: {  	s13 =	sshrl.u32 s25, $0x1;
	s29 =	sshrl.u32 s11, $0x2;
	s6 =	sadd.s32 s6, s8  }
0xc: {  	s23 =	sadd.s32 s10, s5;
	s8 =	smul.u32 $0x5000, s22;
	s13 =	ssub.s32 s25, s13  }
0xd: {  	s14 =	sadd.s32 s29, s2;
	s11 =	sadd.s32 s30, s28;
	s22 =	simm.s32 $0x4  }
0xe: {  	s6 =	sshrl.u32 s6, $0x3;
	s7 =	sadd.s32 $0x1D200, s23;
	s15 =	sor.u32 $0x300, s11  }
0xf: {  	s11 =	sor.u32 $0x200, s11;
	s10 =	smax.u32 s13, $0x1;
	s13 =	simm.s32 $0x100  }
0x10: {  	s14 =	sshrl.u32 s14, $0x3;
	s23 =	simm.s32 $0x180;
	s24 =	sadd.s32 s6, s5  }
0x11: {  	s26 =	sshrl.u32 s8, $0x3;
	s8 =	sor.u32 $0x1C05, s31;
	s15 =	sshrl.u32 s15, $0x3  }
0x12: {  	s16 =	sshrl.u32 s11, $0x3;
	s5 =	sadd.s32 s12, s26;
	s9 =	sadd.s32 $0xB9A00, s24  }
0x13: {  	s11 =	sadd.s32 s15, s12;
	s12 =	sadd.s32 s16, s12;
	s15 =	simm.s32 $0x5  }
0x14: {  	s16 =	simm.s32 $0x1;
	s24 =	simm.s32 $0x0;
	s6 =	sadd.s32 $0x20, s5  }
.LBB2_1:
0x15: {  	[tilespmem:s3], [sflag:$0x1] =	stream.linear.gather [hbm4b:s5+s3], $0x100, $0x38;
	[tilespmem:$0x1BAC0] =	vst v63  }
0x16: {  	_ = 	snop  }
0x17: {  	[tilespmem:s13], [sflag:$0x2] =	stream.linear.gather [hbm4b:s6+s3], $0x100, $0x38;
	[tilespmem:$0x1BAC0] =	vst v63  }
0x18: {  	[spmem:s14], [sflag:s8] =	dma.local [hbm:s7], $0x2880  }
0x19: {  	_ =	swait.ge [sflag:s15], $0x2880  }
0x1a: {  	[sflag:s15] =	ssyncset.done $0x0  }
0x1b: {  	[sflag:s15] =	ssyncadd.s32 $0xFFFFD780  }
0x1c: {  	[bflag:$0x0] =	sbarrier.arrive $0xFFFF  }
0x1d: {  	_ =	swait.ge [sflag:s16], $0x100  }
0x1e: {  	[sflag:s16] =	ssyncset.done $0x0  }
0x1f: {  	[sflag:s16] =	ssyncadd.s32 $0xFFFFFF00  }
0x20: {  	[tilespmem:s18], [sflag:$0x3] =	stream.indirect.gather [hbm4b:s4+s17], $0x80, s3, s17, $0xb8;
	[tilespmem:$0x1BAC0] =	vst v63  }
0x21: {  	_ =	swait.ge [sflag:s19], $0x4000  }
0x22: {  	[sflag:s19] =	ssyncset.done $0x0  }
0x23: {  	[sflag:s19] =	ssyncadd.s32 $0xFFFFC000  }
0x24: {  	_ =	swait.ge [sflag:s20], $0x100  }
0x25: {  	[sflag:s20] =	ssyncset.done $0x0  }
0x26: {  	[sflag:s20] =	ssyncadd.s32 $0xFFFFFF00  }
0x27: {  	[tilespmem:s21], [sflag:$0x4] =	stream.indirect.gather [hbm4b:s4+s17], $0x80, s13, s17, $0xb8;
	[tilespmem:$0x1BAC0] =	vst v63  }
0x28: {  	_ = 	snop  }
0x29: {  	[spmem:s2] =	stream.indirect.scatter.add.f32 [tilespmem:s18], [sflag:$0x5], $0x80, s17, s17, $0xb8;
	[tilespmem:$0x1BAC0] =	vst v63  }
0x2a: {  	_ =	swait.ge [sflag:s15], $0x4000  }
0x2b: {  	[sflag:s15] =	ssyncset.done $0x0  }
0x2c: {  	s25 =	sadd.s32 $0x0, s12;
	[sflag:s15] =	ssyncadd.s32 $0xFFFFC000  }
0x2d: {  	[tilespmem:s3], [sflag:$0x1] =	stream.linear.gather [hbm4b:s25+s3], $0x100, $0x38;
	[tilespmem:$0x1BAC0] =	vst v63  }
0x2e: {  	_ =	swait.ge [sflag:s22], $0x4000  }
0x2f: {  	[sflag:s22] =	ssyncset.done $0x0  }
0x30: {  	[sflag:s22] =	ssyncadd.s32 $0xFFFFC000  }
0x31: {  	_ =	swait.ge [sflag:s16], $0x100  }
0x32: {  	[sflag:s16] =	ssyncset.done $0x0  }
0x33: {  	[sflag:s16] =	ssyncadd.s32 $0xFFFFFF00  }
0x34: {  	[tilespmem:s18], [sflag:$0x3] =	stream.indirect.gather [hbm4b:s4+s17], $0x80, s3, s17, $0xb8;
	[tilespmem:$0x1BAC0] =	vst v63  }
0x35: {  	_ = 	snop  }
0x36: {  	[spmem:s2] =	stream.indirect.scatter.add.f32 [tilespmem:s21], [sflag:$0x5], $0x80, s23, s17, $0xb8;
	[tilespmem:$0x1BAC0] =	vst v63  }
0x37: {  	_ =	swait.ge [sflag:s15], $0x4000  }
0x38: {  	[sflag:s15] =	ssyncset.done $0x0  }
0x39: {  	s26 =	sadd.s32 $0x0, s11;
	s25 =	simm.s32 $0x40;
	[sflag:s15] =	ssyncadd.s32 $0xFFFFC000  }
.LBB2_2:
0x3a: {  	[tilespmem:s13], [sflag:$0x2] =	stream.linear.gather [hbm4b:s26+s3], $0x100, $0x38;
	[tilespmem:$0x1BAC0] =	vst v63  }
0x3b: {  	s26 =	smov.u32 s25  }
0x3c: {  	p0 =	sne.s32 s25, $0x980;
	s25 =	sadd.s32 $0x40, s25;
	_ =	swait.ge [sflag:s19], $0x4000  }
0x3d: {  	[sflag:s19] =	ssyncset.done $0x0  }
0x3e: {  	[sflag:s19] =	ssyncadd.s32 $0xFFFFC000  }
0x3f: {  	_ =	swait.ge [sflag:s20], $0x100  }
0x40: {  	[sflag:s20] =	ssyncset.done $0x0  }
0x41: {  	[sflag:s20] =	ssyncadd.s32 $0xFFFFFF00  }
0x42: {  	[tilespmem:s21], [sflag:$0x4] =	stream.indirect.gather [hbm4b:s4+s17], $0x80, s13, s17, $0xb8;
	[tilespmem:$0x1BAC0] =	vst v63  }
0x43: {  	_ = 	snop  }
0x44: {  	[spmem:s2] =	stream.indirect.scatter.add.f32 [tilespmem:s18], [sflag:$0x5], $0x80, s17, s17, $0xb8;
	[tilespmem:$0x1BAC0] =	vst v63  }
0x45: {  	_ =	swait.ge [sflag:s15], $0x4000  }
0x46: {  	[sflag:s15] =	ssyncset.done $0x0  }
0x47: {  	s28 =	sadd.s32 s26, s12;
	[sflag:s15] =	ssyncadd.s32 $0xFFFFC000  }
0x48: {  	[tilespmem:s3], [sflag:$0x1] =	stream.linear.gather [hbm4b:s28+s3], $0x100, $0x38;
	[tilespmem:$0x1BAC0] =	vst v63  }
0x49: {  	_ =	swait.ge [sflag:s22], $0x4000  }
0x4a: {  	[sflag:s22] =	ssyncset.done $0x0  }
0x4b: {  	[sflag:s22] =	ssyncadd.s32 $0xFFFFC000  }
0x4c: {  	_ =	swait.ge [sflag:s16], $0x100  }
0x4d: {  	[sflag:s16] =	ssyncset.done $0x0  }
0x4e: {  	[sflag:s16] =	ssyncadd.s32 $0xFFFFFF00  }
0x4f: {  	[tilespmem:s18], [sflag:$0x3] =	stream.indirect.gather [hbm4b:s4+s17], $0x80, s3, s17, $0xb8;
	[tilespmem:$0x1BAC0] =	vst v63  }
.Ltmp0:
0x50: {  	(pc) =	sbr.rel @p0 .LBB2_2-.Ltmp0, $4  }
0x51: {  	[spmem:s2] =	stream.indirect.scatter.add.f32 [tilespmem:s21], [sflag:$0x5], $0x80, s23, s17, $0xb8;
	[tilespmem:$0x1BAC0] =	vst v63  }
0x52: {  	_ =	swait.ge [sflag:s15], $0x4000  }
0x53: {  	[sflag:s15] =	ssyncset.done $0x0  }
0x54: {  	s26 =	sadd.s32 s26, s11;
	[sflag:s15] =	ssyncadd.s32 $0xFFFFC000  }
0x55: {  	[tilespmem:s13], [sflag:$0x2] =	stream.linear.gather [hbm4b:s26+s3], $0x100, $0x38;
	[tilespmem:$0x1BAC0] =	vst v63  }
0x56: {  	_ =	swait.ge [sflag:s19], $0x4000  }
0x57: {  	[sflag:s19] =	ssyncset.done $0x0  }
0x58: {  	[sflag:s19] =	ssyncadd.s32 $0xFFFFC000  }
0x59: {  	[spmem:s2] =	stream.indirect.scatter.add.f32 [tilespmem:s18], [sflag:$0x5], $0x80, s17, s17, $0xb8;
	[tilespmem:$0x1BAC0] =	vst v63  }
0x5a: {  	_ =	swait.ge [sflag:s15], $0x4000  }
0x5b: {  	[sflag:s15] =	ssyncset.done $0x0  }
0x5c: {  	[sflag:s15] =	ssyncadd.s32 $0xFFFFC000  }
0x5d: {  	_ =	swait.ge [sflag:s20], $0x100  }
0x5e: {  	s24 =	sadd.s32 $0x1, s24;
	[sflag:s20] =	ssyncset.done $0x0  }
0x5f: {  	p0 =	sne.s32 s24, s10;
	[sflag:s20] =	ssyncadd.s32 $0xFFFFFF00  }
.Ltmp1:
0x60: {  	[bflag:$0x0] =	sbarrier.arrive $0xFFFF;
	(pc) =	sbr.rel @p0 .LBB2_1-.Ltmp1, $4  }
0x61: {  	[hbm:s9], [sflag:s8] =	dma.local [spmem:s14], $0x2880  }
0x62: {  	_ =	swait.ge [sflag:s15], $0x2880  }
0x63: {  	[sflag:s15] =	ssyncset.done $0x0  }
0x64: {  	[sflag:s15] =	ssyncadd.s32 $0xFFFFD780  }
0x65: {  	_ =	sfence.sel $0x180000  }
0x66: {  	[bflag:$0x0] =	sbarrier.arrive $0xFFFF  }
0x67: {  	p0 =	sne.s32 s1, $0x0;
	_ =	strace $0x9000005F  }
0x68: {  	s0 =	sadd.s32 @!p0 $0x100000, s0;
	[bflag:$0x2] =	sbarrier.arrive $0xFFFF  }
0x69: {  	[sflag:s0] =	ssyncadd.tile.s32 @!p0 $0x1;
	_ =	shalt  }
.Lfunc_end2:
_tile_overlayer_lowered:
.L_overlay_start_2:
0x6a: {  	(tag) =	ssettag $0x2  }
0x6b: {  	s0 =	rddreg [dreg:$0x0];
	s2 =	stileid.u32  }
0x6c: {  	s1 =	rddreg [dreg:$0x1];
	p0 =	sne.s32 s2, $0x0  }
0x6d: {  	s3 =	rddreg [dreg:$0x2];
	[bflag:$0x3] =	sbarrier.arrive $0xFFFF;
	s2 =	simm.s32 @!p0 $0x1C05  }
0x6e: {  	[timem:s3], [sflag:s2] =	dma.local @!p0 [hbm:s0], s1  }
0x6f: {  	s0 =	simm.s32 @!p0 $0x5  }
0x70: {  	_ =	swait.ge @!p0 [sflag:s0], s1  }
0x71: {  	s1 =	ssub.s32 @!p0 $0x0, s1;
	[sflag:s0] =	ssyncset.done @!p0 $0x0  }
0x72: {  	[sflag:s0] =	ssyncadd.s32 @!p0 s1  }
0x73: {  	[bflag:$0x3] =	sbarrier.arrive $0xFFFF  }
0x74: {  	_ =	shalt  }

</sc_bundles>
